<compile_context>
chip_gen: v7x
topology: tpu7x:2x2x1
jax: 0.10.2.dev20260603
libtpu: 0.0.44.dev20260713+nightly
codegen_flags: <defaults>
</compile_context>

<pallas_src>
import functools

import jax
import jax.numpy as jnp
from jax import lax
from jax.experimental import pallas as pl
from jax.experimental.pallas import tpu as pltpu
from jax.experimental.pallas import tpu_sc as plsc

NC, NS = 2, 16
NW = NC * NS
BB = 16384
DD = 64
BPW = BB // NW
CHC = 128
NCHK = BPW // CHC
NPB = 7813
PTAIL = (NPB - 1) * 128

WS = 0.7
WR = 0.3
EPS = 0.5
REG = 0.001



NBUF = 8

def _sc_body(rows_hbm, cols_hbm, pt_hbm, q2_hbm, z2_hbm, ptail_hbm,
             drat_out, drel_out, ssq_out,
             rows_v, cols_v, qidx, tailbuf, blk, qraw, zraw, p_v,
             drat_v, drel_v, ssq_v, sem, *bsems):
    wid = lax.axis_index("s") * NC + lax.axis_index("c")
    base = wid * BPW
    lane = lax.iota(jnp.int32, 16)
    pltpu.sync_copy(rows_hbm.at[pl.ds(base, BPW)], rows_v)
    pltpu.sync_copy(cols_hbm.at[pl.ds(base, BPW)], cols_v)
    pltpu.sync_copy(ptail_hbm, tailbuf)

    def qidx_body(v, carry):
        s = pl.multiple_of(v * 16, 16)
        cv = cols_v[pl.ds(s, 16)]
        k = v // (CHC // 16)
        m = v % (CHC // 16)
        qidx[k, pl.ds(m * 16, 16)] = lax.shift_right_logical(cv, 1)
        return carry

    lax.fori_loop(0, BPW // 16, qidx_body, 0)

    def issue_blk(rvec, h, slot):
        r = rvec[h]
        t = jnp.minimum(lax.shift_right_logical(r, 7), jnp.int32(NPB - 2))
        pltpu.async_copy(pt_hbm.at[:, pl.ds(t * 128, 128)], blk.at[slot],
                         bsems[slot])

    def extract_blk(rvec, h, slot, jcol):
        pltpu.make_async_copy(pt_hbm.at[:, pl.ds(0, 128)], blk.at[slot],
                              bsems[slot]).wait()
        r = rvec[h]
        is_tail = r >= PTAIL
        lm = jnp.where(is_tail, jnp.int32(0), jnp.bitwise_and(r, 127))
        lt = jnp.where(is_tail, r - PTAIL, jnp.int32(0))
        col = jnp.broadcast_to(jcol + h, (16,)).astype(jnp.int32)
        tmask = jnp.broadcast_to(is_tail, (16,))
        for gg in range(DD // 16):
            fidx = lane + (gg * 16)
            vals = plsc.load_gather(
                blk.at[slot], [fidx, jnp.broadcast_to(lm, (16,))])
            tvals = plsc.load_gather(
                tailbuf, [fidx, jnp.broadcast_to(lt, (16,))])
            plsc.store_scatter(p_v, [fidx, col],
                               jnp.where(tmask, tvals, vals))

    rvec0 = rows_v[pl.ds(0, 16)]
    for h in range(NBUF):
        issue_blk(rvec0, h, h)

    def chunk_body(k, ssq_in):
        qcp = pltpu.async_copy(q2_hbm.at[qidx.at[k]], qraw, sem)
        zcp = pltpu.async_copy(z2_hbm.at[qidx.at[k]], zraw, sem)

        def grp_body(gv, carry):
            s16 = pl.multiple_of(k * CHC + gv * 16, 16)
            rvec = rows_v[pl.ds(s16, 16)]
            s16n = jnp.minimum(s16 + 16, jnp.int32(BPW - 16))
            rvecn = rows_v[pl.ds(s16n, 16)]
            jcol = gv * 16
            for h in range(NBUF):
                extract_blk(rvec, h, h, jcol)
                issue_blk(rvec, h + NBUF, h)
            for h in range(NBUF):
                extract_blk(rvec, h + NBUF, h, jcol)
                issue_blk(rvecn, h, h)
            return carry

        lax.fori_loop(0, CHC // 16, grp_body, 0)
        qcp.wait()
        zcp.wait()

        def dot_body(gv, ssq):
            s = pl.multiple_of(gv * 16, 16)
            gl = pl.multiple_of(k * CHC + gv * 16, 16)
            cv = cols_v[pl.ds(gl, 16)]
            half_off = jnp.bitwise_and(cv, 1) * DD
            item = lane + s
            acc_rat = jnp.zeros((16,), jnp.float32)
            acc_rel = jnp.zeros((16,), jnp.float32)
            for f in range(DD):
                p = p_v[f, pl.ds(s, 16)]
                q = plsc.load_gather(qraw, [item, half_off + f])
                z = plsc.load_gather(zraw, [item, half_off + f])
                acc_rat = acc_rat + p * q
                acc_rel = acc_rel + p * z
                ssq = ssq + p * p + q * q + z * z
            drat_v[pl.ds(gl, 16)] = acc_rat
            drel_v[pl.ds(gl, 16)] = acc_rel
            return ssq

        return lax.fori_loop(0, CHC // 16, dot_body, ssq_in)

    ssq_total = lax.fori_loop(0, NCHK, chunk_body,
                              jnp.zeros((16,), jnp.float32))

    for h in range(NBUF):
        pltpu.make_async_copy(pt_hbm.at[:, pl.ds(0, 128)], blk.at[h],
                              bsems[h]).wait()

    ssq_v[...] = ssq_total
    pltpu.sync_copy(drat_v, drat_out.at[pl.ds(base, BPW)])
    pltpu.sync_copy(drel_v, drel_out.at[pl.ds(base, BPW)])
    pltpu.sync_copy(ssq_v, ssq_out.at[wid])


@functools.cache
def _sc_kernel():
    mesh = plsc.VectorSubcoreMesh(
        core_axis_name="c", subcore_axis_name="s", num_cores=NC, num_subcores=NS
    )
    return pl.kernel(
        _sc_body,
        out_type=[
            jax.ShapeDtypeStruct((BB,), jnp.float32),
            jax.ShapeDtypeStruct((BB,), jnp.float32),
            jax.ShapeDtypeStruct((NW, 16), jnp.float32),
        ],
        mesh=mesh,
        scratch_types=[
            pltpu.VMEM((BPW,), jnp.int32),
            pltpu.VMEM((BPW,), jnp.int32),
            pltpu.VMEM((NCHK, CHC), jnp.int32),
            pltpu.VMEM((DD, 128), jnp.float32),
            pltpu.VMEM((NBUF, DD, 128), jnp.float32),
            pltpu.VMEM((CHC, 128), jnp.float32),
            pltpu.VMEM((CHC, 128), jnp.float32),
            pltpu.VMEM((DD, CHC), jnp.float32),
            pltpu.VMEM((BPW,), jnp.float32),
            pltpu.VMEM((BPW,), jnp.float32),
            pltpu.VMEM((16,), jnp.float32),
            pltpu.SemaphoreType.DMA,
        ] + [pltpu.SemaphoreType.DMA] * NBUF,
        compiler_params=pltpu.CompilerParams(use_tc_tiling_on_sc=True,
                                             needs_layout_passes=False),
    )


def _loss_body(drat_ref, drel_ref, ssq_ref, rat_ref, rel_ref, sen_ref,
               senh_ref, out_ref):
    drat = drat_ref[...]
    drel = drel_ref[...]
    relv = rel_ref[...] - 0.0001
    senh = senh_ref[...] - 0.0001
    pos = relv != 0.0
    neg = (relv - 1.0) != 0.0

    s_rat = 1.0 / (1.0 + jnp.exp(-drat))
    s_rel = 1.0 / (1.0 + jnp.exp(-drel))

    loss_rel = (jnp.sum(jnp.where(pos, jnp.log(s_rel), 0.0))
                + jnp.sum(jnp.where(neg, jnp.log(1.0 - s_rel), 0.0)))

    sen_rel_val = jnp.where(senh >= EPS, 1.0, 0.0)
    flag = sen_rel_val + relv
    rel_rel = jnp.where(flag == 2.0, 1.0, 0.0)
    sen_w = sen_rel_val + (WS - 1.0) * rel_rel
    rat_w = relv + (-WS) * rel_rel

    loss_rat = jnp.sum((s_rat - rat_ref[...]) ** 2 * rat_w)
    loss_sen = jnp.sum((s_rat - sen_ref[...]) ** 2 * sen_w)
    ssq = jnp.sum(ssq_ref[...])

    part = loss_sen + loss_rat - WR * loss_rel + REG * ssq
    out_ref[...] = jnp.full((1, 1), part, dtype=jnp.float32)


def _tc_loss(drat, drel, ssq, ratval, relval, senval, senh):
    return pl.pallas_call(
        _loss_body,
        out_shape=jax.ShapeDtypeStruct((1, 1), jnp.float32),
    )(drat, drel, ssq, ratval, relval, senval, senh)


def kernel(rows, cols, ratval, relval, senval, senhelval, P, Q, Z):
    ptail = jnp.pad(P[PTAIL:, :], ((0, 0), (0, 128 - DD)))
    drat, drel, ssq = _sc_kernel()(
        rows, cols, P.T, Q.reshape(50000, 128), Z.reshape(50000, 128), ptail)
    loss = _tc_loss(
        drat.reshape(128, 128), drel.reshape(128, 128), ssq,
        ratval.reshape(128, 128), relval.reshape(128, 128),
        senval.reshape(128, 128), senhelval.reshape(128, 128),
    )
    return loss[0, 0]

# --- scband reference (transcript-rebuilt; emitter-appended) ---
"""Pipeline reference for scband-base-module-49718541418519 (READ-ONLY COPY).

The authoritative reference and input builder live on the scoring server;
editing this copy changes nothing except your own understanding.
"""

import jax, jax.numpy as jnp
import numpy as np

N_USERS = 1000000
N_ITEMS = 100000
D = 64
B = 16384
WS = 0.7
WR = 0.3
EPS = 0.5
REG_USER = 0.001
REG_ITEM_RAT = 0.001
REG_ITEM_REL = 0.001


def get_weight(sen_hel_val, rel_val, eps, ws):
    sen_rel_val = jnp.where(sen_hel_val >= eps, 1.0, 0.0)
    flag = sen_rel_val + rel_val
    rel_rel_flag = jnp.where(flag == 2.0, 1.0, 0.0)
    unrel_unrel_flag = jnp.where(flag == 0.0, 1.0, 0.0)
    n = sen_rel_val.shape[0]
    sen_rel_rel_weight = (ws - 1.0) * jnp.ones((n,)) * rel_rel_flag
    sen_unrel_unrel_weight = 0.0 * jnp.ones((n,)) * unrel_unrel_flag
    sen_weight = sen_rel_val + sen_rel_rel_weight + sen_unrel_unrel_weight
    rat_rel_rel_weight = (-ws) * jnp.ones((n,)) * rel_rel_flag
    rat_unrel_unrel_weight = sen_unrel_unrel_weight
    rat_weight = rel_val + rat_rel_rel_weight + rat_unrel_unrel_weight
    return sen_weight, rat_weight


def regularization(x, reg):
    # not defined in the original snippet; standard L2 regularization assumed
    return reg * jnp.sum(x ** 2)


def setup_inputs(seed: int = 0) -> dict:
    key = jax.random.key(seed)
    ks = jax.random.split(key, 9)
    rows = jax.random.randint(ks[0], (B,), 0, N_USERS)
    cols = jax.random.randint(ks[1], (B,), 0, N_ITEMS)
    ratval = jax.random.uniform(ks[2], (B,), dtype=jnp.float32)
    relval = jax.random.randint(ks[3], (B,), 0, 2).astype(jnp.float32)
    senval = jax.random.uniform(ks[4], (B,), dtype=jnp.float32)
    senhelval = jax.random.uniform(ks[5], (B,), dtype=jnp.float32)
    P = jax.random.normal(ks[6], (N_USERS, D), dtype=jnp.float32) * 0.01
    Q = jax.random.normal(ks[7], (N_ITEMS, D), dtype=jnp.float32) * 0.01
    Z = jax.random.normal(ks[8], (N_ITEMS, D), dtype=jnp.float32) * 0.01
    return {"rows": rows, "cols": cols, "ratval": ratval, "relval": relval,
            "senval": senval, "senhelval": senhelval, "P": P, "Q": Q, "Z": Z}


def reference(rows, cols, ratval, relval, senval, senhelval, P, Q, Z):
    relv = relval - 0.0001
    senh = senhelval - 0.0001
    pos_mask = (relv != 0.0)
    neg_mask = ((relv - 1.0) != 0.0)
    ues_rel_all = jnp.take(P, rows, axis=0)
    uis_rel_all = jnp.take(Z, cols, axis=0)
    ues = jnp.take(P, rows, axis=0)
    uis_rat = jnp.take(Q, cols, axis=0)
    uis_rel = jnp.take(Z, cols, axis=0)
    ues_reg = regularization(ues, REG_USER)
    uis_rat_reg = regularization(uis_rat, REG_ITEM_RAT)
    uis_rel_reg = regularization(uis_rel, REG_ITEM_REL)
    preds_rat = jnp.sum(ues * uis_rat, axis=1, keepdims=True)
    preds_rat_siged = jax.nn.sigmoid(preds_rat)
    preds_rel_siged = jax.nn.sigmoid(jnp.sum(ues_rel_all * uis_rel_all, axis=1, keepdims=True))
    loss_rel_pos = jnp.sum(jnp.where(pos_mask[:, None], jnp.log(preds_rel_siged), 0.0))
    loss_rel_neg = jnp.sum(jnp.where(neg_mask[:, None], jnp.log(1.0 - preds_rel_siged), 0.0))
    loss_rel = loss_rel_pos + loss_rel_neg
    sen_weight, rat_weight = get_weight(senh, relv, EPS, WS)
    loss_rat = jnp.sum((preds_rat_siged.reshape(-1) - ratval) ** 2 * rat_weight)
    loss_sen = jnp.sum((preds_rat_siged.reshape(-1) - senval) ** 2 * sen_weight)
    loss = loss_sen + loss_rat - WR * loss_rel + ues_reg + uis_rat_reg + uis_rel_reg
    return loss

if __name__ == "__main__":
    import jax
    _d = setup_inputs()
    print(jax.jit(kernel)(*tuple(_d.values())))

</pallas_src>

<mosaic_0001>
#map = affine_map<(d0, d1) -> (0)>
#map1 = affine_map<(d0, d1) -> (0, 0)>
module attributes {stable_mosaic.version = 14 : i64} {
  func.func @_sc_body(%arg0: i32, %arg1: i32, %arg2: memref<16384xi32, #tpu.memory_space<hbm>>, %arg3: memref<16384xi32, #tpu.memory_space<hbm>>, %arg4: memref<64x1000000xf32, #tpu.memory_space<hbm>>, %arg5: memref<50000x128xf32, #tpu.memory_space<hbm>>, %arg6: memref<50000x128xf32, #tpu.memory_space<hbm>>, %arg7: memref<64x128xf32, #tpu.memory_space<hbm>>, %arg8: memref<16384xf32, #tpu.memory_space<hbm>>, %arg9: memref<16384xf32, #tpu.memory_space<hbm>>, %arg10: memref<32x16xf32, #tpu.memory_space<hbm>>, %arg11: memref<512xi32, #tpu.memory_space<vmem>>, %arg12: memref<512xi32, #tpu.memory_space<vmem>>, %arg13: memref<4x128xi32, #tpu.memory_space<vmem>>, %arg14: memref<64x128xf32, #tpu.memory_space<vmem>>, %arg15: memref<8x64x128xf32, #tpu.memory_space<vmem>>, %arg16: memref<128x128xf32, #tpu.memory_space<vmem>>, %arg17: memref<128x128xf32, #tpu.memory_space<vmem>>, %arg18: memref<64x128xf32, #tpu.memory_space<vmem>>, %arg19: memref<512xf32, #tpu.memory_space<vmem>>, %arg20: memref<512xf32, #tpu.memory_space<vmem>>, %arg21: memref<16xf32, #tpu.memory_space<vmem>>, %arg22: memref<!tpu.dma_semaphore, #tpu.memory_space<semaphore_mem>>, %arg23: memref<!tpu.dma_semaphore, #tpu.memory_space<semaphore_mem>>, %arg24: memref<!tpu.dma_semaphore, #tpu.memory_space<semaphore_mem>>, %arg25: memref<!tpu.dma_semaphore, #tpu.memory_space<semaphore_mem>>, %arg26: memref<!tpu.dma_semaphore, #tpu.memory_space<semaphore_mem>>, %arg27: memref<!tpu.dma_semaphore, #tpu.memory_space<semaphore_mem>>, %arg28: memref<!tpu.dma_semaphore, #tpu.memory_space<semaphore_mem>>, %arg29: memref<!tpu.dma_semaphore, #tpu.memory_space<semaphore_mem>>, %arg30: memref<!tpu.dma_semaphore, #tpu.memory_space<semaphore_mem>>) attributes {dimension_semantics = [#tpu.dimension_semantics<core_parallel>, #tpu.dimension_semantics<subcore_parallel>], iteration_bounds = array<i64: 2, 16>, scalar_prefetch = 0 : i64, scratch_operands = 20 : i64, tpu.core_type = #tpu.core_type<sc_vector_subcore>, window_params = [{transform_indices = #map}, {transform_indices = #map}, {transform_indices = #map1}, {transform_indices = #map1}, {transform_indices = #map1}, {transform_indices = #map1}, {transform_indices = #map}, {transform_indices = #map}, {transform_indices = #map1}]} {
    %mul3A = arith.constant 2 : i32
    %mul3A_0 = arith.muli %arg1, %mul3A : i32
    %add3A = arith.addi %mul3A_0, %arg0 : i32
    %mul3A_1 = arith.constant 512 : i32
    %mul3A_2 = arith.muli %add3A, %mul3A_1 : i32
    %iota3A = tpu.iota {dimensions = array<i32: 0>} : vector<16xi32>
    "tpu.region"() ({
      %run_scoped3A = tpu.sem_alloc : memref<!tpu.dma_semaphore, #tpu.memory_space<semaphore_mem>>
      %dma_start3A_299 = tpu.memref_slice %arg2[%mul3A_2] : memref<16384xi32, #tpu.memory_space<hbm>> -> memref<512xi32, #tpu.memory_space<hbm>>
      %dma_start3A_300 = tpu.memref_slice %arg2[%mul3A_2] : memref<16384xi32, #tpu.memory_space<hbm>> -> memref<512xi32, #tpu.memory_space<hbm>>
      tpu.enqueue_dma source(%dma_start3A_300 : memref<512xi32, #tpu.memory_space<hbm>>) target(%arg11 : memref<512xi32, #tpu.memory_space<vmem>>) target_semaphore(%run_scoped3A : memref<!tpu.dma_semaphore, #tpu.memory_space<semaphore_mem>>)
      %dma_wait3A_301 = tpu.memref_slice %arg2[%mul3A_2] : memref<16384xi32, #tpu.memory_space<hbm>> -> memref<512xi32, #tpu.memory_space<hbm>>
      %dma_wait3A_302 = tpu.memref_slice %arg2[%mul3A_2] : memref<16384xi32, #tpu.memory_space<hbm>> -> memref<512xi32, #tpu.memory_space<hbm>>
      tpu.wait_dma2 semaphore(%run_scoped3A : memref<!tpu.dma_semaphore, #tpu.memory_space<semaphore_mem>>) src(%dma_wait3A_302 : memref<512xi32, #tpu.memory_space<hbm>>) dst(%arg11 : memref<512xi32, #tpu.memory_space<vmem>>)
      tpu.yield
    }) : () -> ()
    "tpu.region"() ({
      %run_scoped3A = tpu.sem_alloc : memref<!tpu.dma_semaphore, #tpu.memory_space<semaphore_mem>>
      %dma_start3A_299 = tpu.memref_slice %arg3[%mul3A_2] : memref<16384xi32, #tpu.memory_space<hbm>> -> memref<512xi32, #tpu.memory_space<hbm>>
      %dma_start3A_300 = tpu.memref_slice %arg3[%mul3A_2] : memref<16384xi32, #tpu.memory_space<hbm>> -> memref<512xi32, #tpu.memory_space<hbm>>
      tpu.enqueue_dma source(%dma_start3A_300 : memref<512xi32, #tpu.memory_space<hbm>>) target(%arg12 : memref<512xi32, #tpu.memory_space<vmem>>) target_semaphore(%run_scoped3A : memref<!tpu.dma_semaphore, #tpu.memory_space<semaphore_mem>>)
      %dma_wait3A_301 = tpu.memref_slice %arg3[%mul3A_2] : memref<16384xi32, #tpu.memory_space<hbm>> -> memref<512xi32, #tpu.memory_space<hbm>>
      %dma_wait3A_302 = tpu.memref_slice %arg3[%mul3A_2] : memref<16384xi32, #tpu.memory_space<hbm>> -> memref<512xi32, #tpu.memory_space<hbm>>
      tpu.wait_dma2 semaphore(%run_scoped3A : memref<!tpu.dma_semaphore, #tpu.memory_space<semaphore_mem>>) src(%dma_wait3A_302 : memref<512xi32, #tpu.memory_space<hbm>>) dst(%arg12 : memref<512xi32, #tpu.memory_space<vmem>>)
      tpu.yield
    }) : () -> ()
    "tpu.region"() ({
      %run_scoped3A = tpu.sem_alloc : memref<!tpu.dma_semaphore, #tpu.memory_space<semaphore_mem>>
      tpu.enqueue_dma source(%arg7 : memref<64x128xf32, #tpu.memory_space<hbm>>) target(%arg14 : memref<64x128xf32, #tpu.memory_space<vmem>>) target_semaphore(%run_scoped3A : memref<!tpu.dma_semaphore, #tpu.memory_space<semaphore_mem>>)
      tpu.wait_dma2 semaphore(%run_scoped3A : memref<!tpu.dma_semaphore, #tpu.memory_space<semaphore_mem>>) src(%arg7 : memref<64x128xf32, #tpu.memory_space<hbm>>) dst(%arg14 : memref<64x128xf32, #tpu.memory_space<vmem>>)
      tpu.yield
    }) : () -> ()
    %scan3A = arith.constant 0 : i32
    %scan3A_3 = arith.constant 0 : i32
    %scan3A_4 = arith.constant 32 : i32
    %scan3A_5 = arith.addi %scan3A_3, %scan3A_4 : i32
    %scan3A_6 = arith.constant 1 : i32
    scf.for %scan3A_299 = %scan3A_3 to %scan3A_5 step %scan3A_6  : i32 {
      %mul3A_300 = arith.constant 16 : i32
      %mul3A_301 = arith.muli %scan3A_299, %mul3A_300 : i32
      %multiple_of3A = tpu.assume_multiple %mul3A_301, 16 : i32
      %get3A_302 = arith.index_cast %multiple_of3A : i32 to index
      %get3A_303 = tpu.vector_load %arg12[%get3A_302] {strides = array<i32>} : memref<512xi32, #tpu.memory_space<vmem>>, vector<16xi32>,
      %jit3A = arith.constant 8 : i32
      %div3A = arith.divsi %scan3A_299, %jit3A : i32
      %sign3A = arith.constant 0 : i32
      %sign3A_304 = arith.cmpi sgt, %scan3A_299, %sign3A : i32
      %sign3A_305 = arith.extui %sign3A_304 : i1 to i32
      %sign3A_306 = arith.constant 0 : i32
      %sign3A_307 = arith.cmpi slt, %scan3A_299, %sign3A_306 : i32
      %sign3A_308 = arith.extui %sign3A_307 : i1 to i32
      %sign3A_309 = arith.subi %sign3A_305, %sign3A_308 : i32
      %sign3A_310 = arith.constant 0 : i32
      %sign3A_311 = arith.cmpi sgt, %jit3A, %sign3A_310 : i32
      %sign3A_312 = arith.extui %sign3A_311 : i1 to i32
      %sign3A_313 = arith.constant 0 : i32
      %sign3A_314 = arith.cmpi slt, %jit3A, %sign3A_313 : i32
      %sign3A_315 = arith.extui %sign3A_314 : i1 to i32
      %sign3A_316 = arith.subi %sign3A_312, %sign3A_315 : i32
      %ne3A = arith.cmpi ne, %sign3A_309, %sign3A_316 : i32
      %rem3A = arith.remsi %scan3A_299, %jit3A : i32
      %ne3A_317 = arith.constant 0 : i32
      %ne3A_318 = arith.cmpi ne, %rem3A, %ne3A_317 : i32
      %and3A = arith.andi %ne3A, %ne3A_318 : i1
      %sub3A = arith.constant 1 : i32
      %sub3A_319 = arith.subi %div3A, %sub3A : i32
      %select_n3A = arith.select %and3A, %sub3A_319, %div3A : i32
      %jit3A_320 = arith.constant 8 : i32
      %eq3A = arith.constant 0 : i32
      %eq3A_321 = arith.cmpi eq, %jit3A_320, %eq3A : i32
      %jit3A_322 = arith.constant 1 : i32
      %select_n3A_323 = arith.select %eq3A_321, %jit3A_322, %jit3A_320 : i32
      %rem3A_324 = arith.remsi %scan3A_299, %select_n3A_323 : i32
      %ne3A_325 = arith.constant 0 : i32
      %ne3A_326 = arith.cmpi ne, %rem3A_324, %ne3A_325 : i32
      %lt3A = arith.constant 0 : i32
      %lt3A_327 = arith.cmpi slt, %rem3A_324, %lt3A : i32
      %lt3A_328 = arith.constant 0 : i32
      %lt3A_329 = arith.cmpi slt, %select_n3A_323, %lt3A_328 : i32
      %ne3A_330 = arith.xori %lt3A_327, %lt3A_329 : i1
      %and3A_331 = arith.andi %ne3A_330, %ne3A_326 : i1
      %add3A_332 = arith.addi %rem3A_324, %select_n3A_323 : i32
      %select_n3A_333 = arith.select %and3A_331, %add3A_332, %rem3A_324 : i32
      %shift_right_logical3A_334 = arith.constant 1 : i32
      %shift_right_logical3A_335 = vector.broadcast %shift_right_logical3A_334 : i32 to vector<16xi32>
      %shift_right_logical3A_336 = arith.shrui %get3A_303, %shift_right_logical3A_335 : vector<16xi32>
      %mul3A_337 = arith.constant 16 : i32
      %mul3A_338 = arith.muli %select_n3A_333, %mul3A_337 : i32
      %swap3A_339 = arith.index_cast %select_n3A : i32 to index
      %swap3A_340 = arith.index_cast %mul3A_338 : i32 to index
      %swap3A_341 = tpu.vector_load %arg13[%swap3A_339, %swap3A_340] {strides = array<i32>} : memref<4x128xi32, #tpu.memory_space<vmem>>, vector<16xi32>,
      tpu.vector_store %arg13[%swap3A_339, %swap3A_340], %shift_right_logical3A_336 {strides = array<i32>} : memref<4x128xi32, #tpu.memory_space<vmem>>, vector<16xi32>,
    }
    %scan3A_7 = arith.constant 32 : i32
    %get3A = arith.constant 0 : index
    %get3A_8 = tpu.vector_load %arg11[%get3A] {strides = array<i32>} : memref<512xi32, #tpu.memory_space<vmem>>, vector<16xi32>,
    %slice3A = vector.extract_strided_slice %get3A_8 {offsets = [0], sizes = [1], strides = [1]} : vector<16xi32> to vector<1xi32>
    %squeeze3A = vector.extract %slice3A[0] : i32 from vector<1xi32>
    %shift_right_logical3A = arith.constant 7 : i32
    %shift_right_logical3A_9 = arith.shrui %squeeze3A, %shift_right_logical3A : i32
    %min3A = arith.constant 7811 : i32
    %min3A_10 = arith.minsi %shift_right_logical3A_9, %min3A : i32
    %mul3A_11 = arith.constant 128 : i32
    %mul3A_12 = arith.muli %min3A_10, %mul3A_11 : i32
    %dma_start3A = arith.constant 0 : i32
    %dma_start3A_13 = arith.constant 0 : i32
    %dma_start3A_14 = arith.constant 0 : i32
    %dma_start3A_15 = tpu.memref_slice %arg15[%dma_start3A, %dma_start3A_13, %dma_start3A_14] : memref<8x64x128xf32, #tpu.memory_space<vmem>> -> memref<1x64x128xf32, #tpu.memory_space<vmem>>
    %dma_start3A_16 = tpu.memref_squeeze %dma_start3A_15 : memref<1x64x128xf32, #tpu.memory_space<vmem>> -> memref<64x128xf32, #tpu.memory_space<vmem>>
    %dma_start3A_17 = arith.constant 0 : i32
    %dma_start3A_18 = tpu.memref_slice %arg4[%dma_start3A_17, %mul3A_12] : memref<64x1000000xf32, #tpu.memory_space<hbm>> -> memref<64x128xf32, #tpu.memory_space<hbm>>
    %dma_start3A_19 = arith.constant 0 : i32
    %dma_start3A_20 = arith.constant 0 : i32
    %dma_start3A_21 = tpu.memref_slice %arg15[%dma_start3A, %dma_start3A_19, %dma_start3A_20] : memref<8x64x128xf32, #tpu.memory_space<vmem>> -> memref<1x64x128xf32, #tpu.memory_space<vmem>>
    %dma_start3A_22 = tpu.memref_squeeze %dma_start3A_21 : memref<1x64x128xf32, #tpu.memory_space<vmem>> -> memref<64x128xf32, #tpu.memory_space<vmem>>
    %dma_start3A_23 = arith.constant 0 : i32
    %dma_start3A_24 = tpu.memref_slice %arg4[%dma_start3A_23, %mul3A_12] : memref<64x1000000xf32, #tpu.memory_space<hbm>> -> memref<64x128xf32, #tpu.memory_space<hbm>>
    tpu.enqueue_dma source(%dma_start3A_24 : memref<64x128xf32, #tpu.memory_space<hbm>>) target(%dma_start3A_22 : memref<64x128xf32, #tpu.memory_space<vmem>>) target_semaphore(%arg23 : memref<!tpu.dma_semaphore, #tpu.memory_space<semaphore_mem>>)
    %slice3A_25 = vector.extract_strided_slice %get3A_8 {offsets = [1], sizes = [1], strides = [1]} : vector<16xi32> to vector<1xi32>
    %squeeze3A_26 = vector.extract %slice3A_25[0] : i32 from vector<1xi32>
    %shift_right_logical3A_27 = arith.constant 7 : i32
    %shift_right_logical3A_28 = arith.shrui %squeeze3A_26, %shift_right_logical3A_27 : i32
    %min3A_29 = arith.constant 7811 : i32
    %min3A_30 = arith.minsi %shift_right_logical3A_28, %min3A_29 : i32
    %mul3A_31 = arith.constant 128 : i32
    %mul3A_32 = arith.muli %min3A_30, %mul3A_31 : i32
    %dma_start3A_33 = arith.constant 1 : i32
    %dma_start3A_34 = arith.constant 0 : i32
    %dma_start3A_35 = arith.constant 0 : i32
    %dma_start3A_36 = tpu.memref_slice %arg15[%dma_start3A_33, %dma_start3A_34, %dma_start3A_35] : memref<8x64x128xf32, #tpu.memory_space<vmem>> -> memref<1x64x128xf32, #tpu.memory_space<vmem>>
    %dma_start3A_37 = tpu.memref_squeeze %dma_start3A_36 : memref<1x64x128xf32, #tpu.memory_space<vmem>> -> memref<64x128xf32, #tpu.memory_space<vmem>>
    %dma_start3A_38 = arith.constant 0 : i32
    %dma_start3A_39 = tpu.memref_slice %arg4[%dma_start3A_38, %mul3A_32] : memref<64x1000000xf32, #tpu.memory_space<hbm>> -> memref<64x128xf32, #tpu.memory_space<hbm>>
    %dma_start3A_40 = arith.constant 0 : i32
    %dma_start3A_41 = arith.constant 0 : i32
    %dma_start3A_42 = tpu.memref_slice %arg15[%dma_start3A_33, %dma_start3A_40, %dma_start3A_41] : memref<8x64x128xf32, #tpu.memory_space<vmem>> -> memref<1x64x128xf32, #tpu.memory_space<vmem>>
    %dma_start3A_43 = tpu.memref_squeeze %dma_start3A_42 : memref<1x64x128xf32, #tpu.memory_space<vmem>> -> memref<64x128xf32, #tpu.memory_space<vmem>>
    %dma_start3A_44 = arith.constant 0 : i32
    %dma_start3A_45 = tpu.memref_slice %arg4[%dma_start3A_44, %mul3A_32] : memref<64x1000000xf32, #tpu.memory_space<hbm>> -> memref<64x128xf32, #tpu.memory_space<hbm>>
    tpu.enqueue_dma source(%dma_start3A_45 : memref<64x128xf32, #tpu.memory_space<hbm>>) target(%dma_start3A_43 : memref<64x128xf32, #tpu.memory_space<vmem>>) target_semaphore(%arg24 : memref<!tpu.dma_semaphore, #tpu.memory_space<semaphore_mem>>)
    %slice3A_46 = vector.extract_strided_slice %get3A_8 {offsets = [2], sizes = [1], strides = [1]} : vector<16xi32> to vector<1xi32>
    %squeeze3A_47 = vector.extract %slice3A_46[0] : i32 from vector<1xi32>
    %shift_right_logical3A_48 = arith.constant 7 : i32
    %shift_right_logical3A_49 = arith.shrui %squeeze3A_47, %shift_right_logical3A_48 : i32
    %min3A_50 = arith.constant 7811 : i32
    %min3A_51 = arith.minsi %shift_right_logical3A_49, %min3A_50 : i32
    %mul3A_52 = arith.constant 128 : i32
    %mul3A_53 = arith.muli %min3A_51, %mul3A_52 : i32
    %dma_start3A_54 = arith.constant 2 : i32
    %dma_start3A_55 = arith.constant 0 : i32
    %dma_start3A_56 = arith.constant 0 : i32
    %dma_start3A_57 = tpu.memref_slice %arg15[%dma_start3A_54, %dma_start3A_55, %dma_start3A_56] : memref<8x64x128xf32, #tpu.memory_space<vmem>> -> memref<1x64x128xf32, #tpu.memory_space<vmem>>
    %dma_start3A_58 = tpu.memref_squeeze %dma_start3A_57 : memref<1x64x128xf32, #tpu.memory_space<vmem>> -> memref<64x128xf32, #tpu.memory_space<vmem>>
    %dma_start3A_59 = arith.constant 0 : i32
    %dma_start3A_60 = tpu.memref_slice %arg4[%dma_start3A_59, %mul3A_53] : memref<64x1000000xf32, #tpu.memory_space<hbm>> -> memref<64x128xf32, #tpu.memory_space<hbm>>
    %dma_start3A_61 = arith.constant 0 : i32
    %dma_start3A_62 = arith.constant 0 : i32
    %dma_start3A_63 = tpu.memref_slice %arg15[%dma_start3A_54, %dma_start3A_61, %dma_start3A_62] : memref<8x64x128xf32, #tpu.memory_space<vmem>> -> memref<1x64x128xf32, #tpu.memory_space<vmem>>
    %dma_start3A_64 = tpu.memref_squeeze %dma_start3A_63 : memref<1x64x128xf32, #tpu.memory_space<vmem>> -> memref<64x128xf32, #tpu.memory_space<vmem>>
    %dma_start3A_65 = arith.constant 0 : i32
    %dma_start3A_66 = tpu.memref_slice %arg4[%dma_start3A_65, %mul3A_53] : memref<64x1000000xf32, #tpu.memory_space<hbm>> -> memref<64x128xf32, #tpu.memory_space<hbm>>
    tpu.enqueue_dma source(%dma_start3A_66 : memref<64x128xf32, #tpu.memory_space<hbm>>) target(%dma_start3A_64 : memref<64x128xf32, #tpu.memory_space<vmem>>) target_semaphore(%arg25 : memref<!tpu.dma_semaphore, #tpu.memory_space<semaphore_mem>>)
    %slice3A_67 = vector.extract_strided_slice %get3A_8 {offsets = [3], sizes = [1], strides = [1]} : vector<16xi32> to vector<1xi32>
    %squeeze3A_68 = vector.extract %slice3A_67[0] : i32 from vector<1xi32>
    %shift_right_logical3A_69 = arith.constant 7 : i32
    %shift_right_logical3A_70 = arith.shrui %squeeze3A_68, %shift_right_logical3A_69 : i32
    %min3A_71 = arith.constant 7811 : i32
    %min3A_72 = arith.minsi %shift_right_logical3A_70, %min3A_71 : i32
    %mul3A_73 = arith.constant 128 : i32
    %mul3A_74 = arith.muli %min3A_72, %mul3A_73 : i32
    %dma_start3A_75 = arith.constant 3 : i32
    %dma_start3A_76 = arith.constant 0 : i32
    %dma_start3A_77 = arith.constant 0 : i32
    %dma_start3A_78 = tpu.memref_slice %arg15[%dma_start3A_75, %dma_start3A_76, %dma_start3A_77] : memref<8x64x128xf32, #tpu.memory_space<vmem>> -> memref<1x64x128xf32, #tpu.memory_space<vmem>>
    %dma_start3A_79 = tpu.memref_squeeze %dma_start3A_78 : memref<1x64x128xf32, #tpu.memory_space<vmem>> -> memref<64x128xf32, #tpu.memory_space<vmem>>
    %dma_start3A_80 = arith.constant 0 : i32
    %dma_start3A_81 = tpu.memref_slice %arg4[%dma_start3A_80, %mul3A_74] : memref<64x1000000xf32, #tpu.memory_space<hbm>> -> memref<64x128xf32, #tpu.memory_space<hbm>>
    %dma_start3A_82 = arith.constant 0 : i32
    %dma_start3A_83 = arith.constant 0 : i32
    %dma_start3A_84 = tpu.memref_slice %arg15[%dma_start3A_75, %dma_start3A_82, %dma_start3A_83] : memref<8x64x128xf32, #tpu.memory_space<vmem>> -> memref<1x64x128xf32, #tpu.memory_space<vmem>>
    %dma_start3A_85 = tpu.memref_squeeze %dma_start3A_84 : memref<1x64x128xf32, #tpu.memory_space<vmem>> -> memref<64x128xf32, #tpu.memory_space<vmem>>
    %dma_start3A_86 = arith.constant 0 : i32
    %dma_start3A_87 = tpu.memref_slice %arg4[%dma_start3A_86, %mul3A_74] : memref<64x1000000xf32, #tpu.memory_space<hbm>> -> memref<64x128xf32, #tpu.memory_space<hbm>>
    tpu.enqueue_dma source(%dma_start3A_87 : memref<64x128xf32, #tpu.memory_space<hbm>>) target(%dma_start3A_85 : memref<64x128xf32, #tpu.memory_space<vmem>>) target_semaphore(%arg26 : memref<!tpu.dma_semaphore, #tpu.memory_space<semaphore_mem>>)
    %slice3A_88 = vector.extract_strided_slice %get3A_8 {offsets = [4], sizes = [1], strides = [1]} : vector<16xi32> to vector<1xi32>
    %squeeze3A_89 = vector.extract %slice3A_88[0] : i32 from vector<1xi32>
    %shift_right_logical3A_90 = arith.constant 7 : i32
    %shift_right_logical3A_91 = arith.shrui %squeeze3A_89, %shift_right_logical3A_90 : i32
    %min3A_92 = arith.constant 7811 : i32
    %min3A_93 = arith.minsi %shift_right_logical3A_91, %min3A_92 : i32
    %mul3A_94 = arith.constant 128 : i32
    %mul3A_95 = arith.muli %min3A_93, %mul3A_94 : i32
    %dma_start3A_96 = arith.constant 4 : i32
    %dma_start3A_97 = arith.constant 0 : i32
    %dma_start3A_98 = arith.constant 0 : i32
    %dma_start3A_99 = tpu.memref_slice %arg15[%dma_start3A_96, %dma_start3A_97, %dma_start3A_98] : memref<8x64x128xf32, #tpu.memory_space<vmem>> -> memref<1x64x128xf32, #tpu.memory_space<vmem>>
    %dma_start3A_100 = tpu.memref_squeeze %dma_start3A_99 : memref<1x64x128xf32, #tpu.memory_space<vmem>> -> memref<64x128xf32, #tpu.memory_space<vmem>>
    %dma_start3A_101 = arith.constant 0 : i32
    %dma_start3A_102 = tpu.memref_slice %arg4[%dma_start3A_101, %mul3A_95] : memref<64x1000000xf32, #tpu.memory_space<hbm>> -> memref<64x128xf32, #tpu.memory_space<hbm>>
    %dma_start3A_103 = arith.constant 0 : i32
    %dma_start3A_104 = arith.constant 0 : i32
    %dma_start3A_105 = tpu.memref_slice %arg15[%dma_start3A_96, %dma_start3A_103, %dma_start3A_104] : memref<8x64x128xf32, #tpu.memory_space<vmem>> -> memref<1x64x128xf32, #tpu.memory_space<vmem>>
    %dma_start3A_106 = tpu.memref_squeeze %dma_start3A_105 : memref<1x64x128xf32, #tpu.memory_space<vmem>> -> memref<64x128xf32, #tpu.memory_space<vmem>>
    %dma_start3A_107 = arith.constant 0 : i32
    %dma_start3A_108 = tpu.memref_slice %arg4[%dma_start3A_107, %mul3A_95] : memref<64x1000000xf32, #tpu.memory_space<hbm>> -> memref<64x128xf32, #tpu.memory_space<hbm>>
    tpu.enqueue_dma source(%dma_start3A_108 : memref<64x128xf32, #tpu.memory_space<hbm>>) target(%dma_start3A_106 : memref<64x128xf32, #tpu.memory_space<vmem>>) target_semaphore(%arg27 : memref<!tpu.dma_semaphore, #tpu.memory_space<semaphore_mem>>)
    %slice3A_109 = vector.extract_strided_slice %get3A_8 {offsets = [5], sizes = [1], strides = [1]} : vector<16xi32> to vector<1xi32>
    %squeeze3A_110 = vector.extract %slice3A_109[0] : i32 from vector<1xi32>
    %shift_right_logical3A_111 = arith.constant 7 : i32
    %shift_right_logical3A_112 = arith.shrui %squeeze3A_110, %shift_right_logical3A_111 : i32
    %min3A_113 = arith.constant 7811 : i32
    %min3A_114 = arith.minsi %shift_right_logical3A_112, %min3A_113 : i32
    %mul3A_115 = arith.constant 128 : i32
    %mul3A_116 = arith.muli %min3A_114, %mul3A_115 : i32
    %dma_start3A_117 = arith.constant 5 : i32
    %dma_start3A_118 = arith.constant 0 : i32
    %dma_start3A_119 = arith.constant 0 : i32
    %dma_start3A_120 = tpu.memref_slice %arg15[%dma_start3A_117, %dma_start3A_118, %dma_start3A_119] : memref<8x64x128xf32, #tpu.memory_space<vmem>> -> memref<1x64x128xf32, #tpu.memory_space<vmem>>
    %dma_start3A_121 = tpu.memref_squeeze %dma_start3A_120 : memref<1x64x128xf32, #tpu.memory_space<vmem>> -> memref<64x128xf32, #tpu.memory_space<vmem>>
    %dma_start3A_122 = arith.constant 0 : i32
    %dma_start3A_123 = tpu.memref_slice %arg4[%dma_start3A_122, %mul3A_116] : memref<64x1000000xf32, #tpu.memory_space<hbm>> -> memref<64x128xf32, #tpu.memory_space<hbm>>
    %dma_start3A_124 = arith.constant 0 : i32
    %dma_start3A_125 = arith.constant 0 : i32
    %dma_start3A_126 = tpu.memref_slice %arg15[%dma_start3A_117, %dma_start3A_124, %dma_start3A_125] : memref<8x64x128xf32, #tpu.memory_space<vmem>> -> memref<1x64x128xf32, #tpu.memory_space<vmem>>
    %dma_start3A_127 = tpu.memref_squeeze %dma_start3A_126 : memref<1x64x128xf32, #tpu.memory_space<vmem>> -> memref<64x128xf32, #tpu.memory_space<vmem>>
    %dma_start3A_128 = arith.constant 0 : i32
    %dma_start3A_129 = tpu.memref_slice %arg4[%dma_start3A_128, %mul3A_116] : memref<64x1000000xf32, #tpu.memory_space<hbm>> -> memref<64x128xf32, #tpu.memory_space<hbm>>
    tpu.enqueue_dma source(%dma_start3A_129 : memref<64x128xf32, #tpu.memory_space<hbm>>) target(%dma_start3A_127 : memref<64x128xf32, #tpu.memory_space<vmem>>) target_semaphore(%arg28 : memref<!tpu.dma_semaphore, #tpu.memory_space<semaphore_mem>>)
    %slice3A_130 = vector.extract_strided_slice %get3A_8 {offsets = [6], sizes = [1], strides = [1]} : vector<16xi32> to vector<1xi32>
    %squeeze3A_131 = vector.extract %slice3A_130[0] : i32 from vector<1xi32>
    %shift_right_logical3A_132 = arith.constant 7 : i32
    %shift_right_logical3A_133 = arith.shrui %squeeze3A_131, %shift_right_logical3A_132 : i32
    %min3A_134 = arith.constant 7811 : i32
    %min3A_135 = arith.minsi %shift_right_logical3A_133, %min3A_134 : i32
    %mul3A_136 = arith.constant 128 : i32
    %mul3A_137 = arith.muli %min3A_135, %mul3A_136 : i32
    %dma_start3A_138 = arith.constant 6 : i32
    %dma_start3A_139 = arith.constant 0 : i32
    %dma_start3A_140 = arith.constant 0 : i32
    %dma_start3A_141 = tpu.memref_slice %arg15[%dma_start3A_138, %dma_start3A_139, %dma_start3A_140] : memref<8x64x128xf32, #tpu.memory_space<vmem>> -> memref<1x64x128xf32, #tpu.memory_space<vmem>>
    %dma_start3A_142 = tpu.memref_squeeze %dma_start3A_141 : memref<1x64x128xf32, #tpu.memory_space<vmem>> -> memref<64x128xf32, #tpu.memory_space<vmem>>
    %dma_start3A_143 = arith.constant 0 : i32
    %dma_start3A_144 = tpu.memref_slice %arg4[%dma_start3A_143, %mul3A_137] : memref<64x1000000xf32, #tpu.memory_space<hbm>> -> memref<64x128xf32, #tpu.memory_space<hbm>>
    %dma_start3A_145 = arith.constant 0 : i32
    %dma_start3A_146 = arith.constant 0 : i32
    %dma_start3A_147 = tpu.memref_slice %arg15[%dma_start3A_138, %dma_start3A_145, %dma_start3A_146] : memref<8x64x128xf32, #tpu.memory_space<vmem>> -> memref<1x64x128xf32, #tpu.memory_space<vmem>>
    %dma_start3A_148 = tpu.memref_squeeze %dma_start3A_147 : memref<1x64x128xf32, #tpu.memory_space<vmem>> -> memref<64x128xf32, #tpu.memory_space<vmem>>
    %dma_start3A_149 = arith.constant 0 : i32
    %dma_start3A_150 = tpu.memref_slice %arg4[%dma_start3A_149, %mul3A_137] : memref<64x1000000xf32, #tpu.memory_space<hbm>> -> memref<64x128xf32, #tpu.memory_space<hbm>>
    tpu.enqueue_dma source(%dma_start3A_150 : memref<64x128xf32, #tpu.memory_space<hbm>>) target(%dma_start3A_148 : memref<64x128xf32, #tpu.memory_space<vmem>>) target_semaphore(%arg29 : memref<!tpu.dma_semaphore, #tpu.memory_space<semaphore_mem>>)
    %slice3A_151 = vector.extract_strided_slice %get3A_8 {offsets = [7], sizes = [1], strides = [1]} : vector<16xi32> to vector<1xi32>
    %squeeze3A_152 = vector.extract %slice3A_151[0] : i32 from vector<1xi32>
    %shift_right_logical3A_153 = arith.constant 7 : i32
    %shift_right_logical3A_154 = arith.shrui %squeeze3A_152, %shift_right_logical3A_153 : i32
    %min3A_155 = arith.constant 7811 : i32
    %min3A_156 = arith.minsi %shift_right_logical3A_154, %min3A_155 : i32
    %mul3A_157 = arith.constant 128 : i32
    %mul3A_158 = arith.muli %min3A_156, %mul3A_157 : i32
    %dma_start3A_159 = arith.constant 7 : i32
    %dma_start3A_160 = arith.constant 0 : i32
    %dma_start3A_161 = arith.constant 0 : i32
    %dma_start3A_162 = tpu.memref_slice %arg15[%dma_start3A_159, %dma_start3A_160, %dma_start3A_161] : memref<8x64x128xf32, #tpu.memory_space<vmem>> -> memref<1x64x128xf32, #tpu.memory_space<vmem>>
    %dma_start3A_163 = tpu.memref_squeeze %dma_start3A_162 : memref<1x64x128xf32, #tpu.memory_space<vmem>> -> memref<64x128xf32, #tpu.memory_space<vmem>>
    %dma_start3A_164 = arith.constant 0 : i32
    %dma_start3A_165 = tpu.memref_slice %arg4[%dma_start3A_164, %mul3A_158] : memref<64x1000000xf32, #tpu.memory_space<hbm>> -> memref<64x128xf32, #tpu.memory_space<hbm>>
    %dma_start3A_166 = arith.constant 0 : i32
    %dma_start3A_167 = arith.constant 0 : i32
    %dma_start3A_168 = tpu.memref_slice %arg15[%dma_start3A_159, %dma_start3A_166, %dma_start3A_167] : memref<8x64x128xf32, #tpu.memory_space<vmem>> -> memref<1x64x128xf32, #tpu.memory_space<vmem>>
    %dma_start3A_169 = tpu.memref_squeeze %dma_start3A_168 : memref<1x64x128xf32, #tpu.memory_space<vmem>> -> memref<64x128xf32, #tpu.memory_space<vmem>>
    %dma_start3A_170 = arith.constant 0 : i32
    %dma_start3A_171 = tpu.memref_slice %arg4[%dma_start3A_170, %mul3A_158] : memref<64x1000000xf32, #tpu.memory_space<hbm>> -> memref<64x128xf32, #tpu.memory_space<hbm>>
    tpu.enqueue_dma source(%dma_start3A_171 : memref<64x128xf32, #tpu.memory_space<hbm>>) target(%dma_start3A_169 : memref<64x128xf32, #tpu.memory_space<vmem>>) target_semaphore(%arg30 : memref<!tpu.dma_semaphore, #tpu.memory_space<semaphore_mem>>)
    %broadcast_in_dim3A = arith.constant 0.000000e+00 : f32
    %broadcast_in_dim3A_172 = vector.broadcast %broadcast_in_dim3A : f32 to vector<16xf32>
    %scan3A_173 = arith.constant 0 : i32
    %scan3A_174 = arith.constant 4 : i32
    %scan3A_175 = arith.addi %scan3A_173, %scan3A_174 : i32
    %scan3A_176 = arith.constant 1 : i32
    %scan3A_177 = scf.for %scan3A_299 = %scan3A_173 to %scan3A_175 step %scan3A_176 iter_args(%scan3A_300 = %broadcast_in_dim3A_172) -> (vector<16xf32>)  : i32 {
      %dma_start3A_301 = arith.constant 0 : i32
      %dma_start3A_302 = tpu.memref_slice %arg13[%scan3A_299, %dma_start3A_301] : memref<4x128xi32, #tpu.memory_space<vmem>> -> memref<1x128xi32, #tpu.memory_space<vmem>>
      %dma_start3A_303 = tpu.memref_squeeze %dma_start3A_302 : memref<1x128xi32, #tpu.memory_space<vmem>> -> memref<128xi32, #tpu.memory_space<vmem>>
      %dma_start3A_304 = arith.constant 0 : i32
      %dma_start3A_305 = arith.constant 0 : i32
      %dma_start3A_306 = tpu.memref_slice %arg5[%dma_start3A_304, %dma_start3A_305] : memref<50000x128xf32, #tpu.memory_space<hbm>> -> memref<50000x128xf32, #tpu.memory_space<hbm>>
      tpu.enqueue_indirect_dma source(%dma_start3A_306 : memref<50000x128xf32, #tpu.memory_space<hbm>>) target(%arg16 : memref<128x128xf32, #tpu.memory_space<vmem>>) offsets(%dma_start3A_303 : memref<128xi32, #tpu.memory_space<vmem>>) semaphore(%arg22 : memref<!tpu.dma_semaphore, #tpu.memory_space<semaphore_mem>>)
      %dma_start3A_307 = arith.constant 0 : i32
      %dma_start3A_308 = tpu.memref_slice %arg13[%scan3A_299, %dma_start3A_307] : memref<4x128xi32, #tpu.memory_space<vmem>> -> memref<1x128xi32, #tpu.memory_space<vmem>>
      %dma_start3A_309 = tpu.memref_squeeze %dma_start3A_308 : memref<1x128xi32, #tpu.memory_space<vmem>> -> memref<128xi32, #tpu.memory_space<vmem>>
      %dma_start3A_310 = arith.constant 0 : i32
      %dma_start3A_311 = arith.constant 0 : i32
      %dma_start3A_312 = tpu.memref_slice %arg6[%dma_start3A_310, %dma_start3A_311] : memref<50000x128xf32, #tpu.memory_space<hbm>> -> memref<50000x128xf32, #tpu.memory_space<hbm>>
      tpu.enqueue_indirect_dma source(%dma_start3A_312 : memref<50000x128xf32, #tpu.memory_space<hbm>>) target(%arg17 : memref<128x128xf32, #tpu.memory_space<vmem>>) offsets(%dma_start3A_309 : memref<128xi32, #tpu.memory_space<vmem>>) semaphore(%arg22 : memref<!tpu.dma_semaphore, #tpu.memory_space<semaphore_mem>>)
      %scan3A_313 = arith.constant 0 : i32
      %scan3A_314 = arith.constant 0 : i32
      %scan3A_315 = arith.constant 8 : i32
      %scan3A_316 = arith.addi %scan3A_314, %scan3A_315 : i32
      %scan3A_317 = arith.constant 1 : i32
      scf.for %scan3A_337 = %scan3A_314 to %scan3A_316 step %scan3A_317  : i32 {
        %mul3A_338 = arith.constant 128 : i32
        %mul3A_339 = arith.muli %scan3A_299, %mul3A_338 : i32
        %mul3A_340 = arith.constant 16 : i32
        %mul3A_341 = arith.muli %scan3A_337, %mul3A_340 : i32
        %add3A_342 = arith.addi %mul3A_339, %mul3A_341 : i32
        %multiple_of3A = tpu.assume_multiple %add3A_342, 16 : i32
        %get3A_343 = arith.index_cast %multiple_of3A : i32 to index
        %get3A_344 = tpu.vector_load %arg11[%get3A_343] {strides = array<i32>} : memref<512xi32, #tpu.memory_space<vmem>>, vector<16xi32>,
        %add3A_345 = arith.constant 16 : i32
        %add3A_346 = arith.addi %multiple_of3A, %add3A_345 : i32
        %min3A_347 = arith.constant 496 : i32
        %min3A_348 = arith.minsi %add3A_346, %min3A_347 : i32
        %get3A_349 = arith.index_cast %min3A_348 : i32 to index
        %get3A_350 = tpu.vector_load %arg11[%get3A_349] {strides = array<i32>} : memref<512xi32, #tpu.memory_space<vmem>>, vector<16xi32>,
        %mul3A_351 = arith.constant 16 : i32
        %mul3A_352 = arith.muli %scan3A_337, %mul3A_351 : i32
        %dma_wait3A_353 = arith.constant 0 : i32
        %dma_wait3A_354 = arith.constant 0 : i32
        %dma_wait3A_355 = arith.constant 0 : i32
        %dma_wait3A_356 = tpu.memref_slice %arg15[%dma_wait3A_353, %dma_wait3A_354, %dma_wait3A_355] : memref<8x64x128xf32, #tpu.memory_space<vmem>> -> memref<1x64x128xf32, #tpu.memory_space<vmem>>
        %dma_wait3A_357 = tpu.memref_squeeze %dma_wait3A_356 : memref<1x64x128xf32, #tpu.memory_space<vmem>> -> memref<64x128xf32, #tpu.memory_space<vmem>>
        %dma_wait3A_358 = arith.constant 0 : i32
        %dma_wait3A_359 = arith.constant 0 : i32
        %dma_wait3A_360 = tpu.memref_slice %arg4[%dma_wait3A_358, %dma_wait3A_359] : memref<64x1000000xf32, #tpu.memory_space<hbm>> -> memref<64x128xf32, #tpu.memory_space<hbm>>
        %dma_wait3A_361 = arith.constant 0 : i32
        %dma_wait3A_362 = arith.constant 0 : i32
        %dma_wait3A_363 = tpu.memref_slice %arg15[%dma_wait3A_353, %dma_wait3A_361, %dma_wait3A_362] : memref<8x64x128xf32, #tpu.memory_space<vmem>> -> memref<1x64x128xf32, #tpu.memory_space<vmem>>
        %dma_wait3A_364 = tpu.memref_squeeze %dma_wait3A_363 : memref<1x64x128xf32, #tpu.memory_space<vmem>> -> memref<64x128xf32, #tpu.memory_space<vmem>>
        %dma_wait3A_365 = arith.constant 0 : i32
        %dma_wait3A_366 = arith.constant 0 : i32
        %dma_wait3A_367 = tpu.memref_slice %arg4[%dma_wait3A_365, %dma_wait3A_366] : memref<64x1000000xf32, #tpu.memory_space<hbm>> -> memref<64x128xf32, #tpu.memory_space<hbm>>
        tpu.wait_dma2 semaphore(%arg23 : memref<!tpu.dma_semaphore, #tpu.memory_space<semaphore_mem>>) src(%dma_wait3A_367 : memref<64x128xf32, #tpu.memory_space<hbm>>) dst(%dma_wait3A_364 : memref<64x128xf32, #tpu.memory_space<vmem>>)
        %slice3A_368 = vector.extract_strided_slice %get3A_344 {offsets = [0], sizes = [1], strides = [1]} : vector<16xi32> to vector<1xi32>
        %squeeze3A_369 = vector.extract %slice3A_368[0] : i32 from vector<1xi32>
        %ge3A = arith.constant 999936 : i32
        %ge3A_370 = arith.cmpi sge, %squeeze3A_369, %ge3A : i32
        %and3A = arith.constant 127 : i32
        %and3A_371 = arith.andi %squeeze3A_369, %and3A : i32
        %jit3A = arith.constant 0 : i32
        %select_n3A = arith.select %ge3A_370, %jit3A, %and3A_371 : i32
        %sub3A = arith.constant 999936 : i32
        %sub3A_372 = arith.subi %squeeze3A_369, %sub3A : i32
        %jit3A_373 = arith.constant 0 : i32
        %select_n3A_374 = arith.select %ge3A_370, %sub3A_372, %jit3A_373 : i32
        %add3A_375 = arith.constant 0 : i32
        %add3A_376 = arith.addi %mul3A_352, %add3A_375 : i32
        %broadcast_in_dim3A_377 = vector.broadcast %add3A_376 : i32 to vector<16xi32>
        %broadcast_in_dim3A_378 = vector.broadcast %ge3A_370 : i1 to vector<16xi1>
        %add3A_379 = arith.constant 0 : i32
        %add3A_380 = vector.broadcast %add3A_379 : i32 to vector<16xi32>
        %add3A_381 = arith.addi %iota3A, %add3A_380 : vector<16xi32>
        %broadcast_in_dim3A_382 = vector.broadcast %select_n3A : i32 to vector<16xi32>
        %gather3A = arith.constant 0 : i32
        %gather3A_383 = arith.constant 0 : i32
        %gather3A_384 = arith.constant 0 : i32
        %gather3A_385 = tpu.memref_slice %arg15[%gather3A, %gather3A_383, %gather3A_384] : memref<8x64x128xf32, #tpu.memory_space<vmem>> -> memref<1x64x128xf32, #tpu.memory_space<vmem>>
        %gather3A_386 = tpu.memref_squeeze %gather3A_385 : memref<1x64x128xf32, #tpu.memory_space<vmem>> -> memref<64x128xf32, #tpu.memory_space<vmem>>
        %gather3A_387 = tpu.vector_load_idx %gather3A_386[%add3A_381, %broadcast_in_dim3A_382] : memref<64x128xf32, #tpu.memory_space<vmem>>[vector<16xi32>, vector<16xi32>], vector<16xf32>,
        %broadcast_in_dim3A_388 = vector.broadcast %select_n3A_374 : i32 to vector<16xi32>
        %gather3A_389 = tpu.vector_load_idx %arg14[%add3A_381, %broadcast_in_dim3A_388] : memref<64x128xf32, #tpu.memory_space<vmem>>[vector<16xi32>, vector<16xi32>], vector<16xf32>,
        %select_n3A_390 = arith.select %broadcast_in_dim3A_378, %gather3A_389, %gather3A_387 : vector<16xi1>, vector<16xf32>
        tpu.vector_store_idx %arg18[%add3A_381, %broadcast_in_dim3A_377], %select_n3A_390 : memref<64x128xf32, #tpu.memory_space<vmem>>[vector<16xi32>, vector<16xi32>], vector<16xf32>,
        %add3A_391 = arith.constant 16 : i32
        %add3A_392 = vector.broadcast %add3A_391 : i32 to vector<16xi32>
        %add3A_393 = arith.addi %iota3A, %add3A_392 : vector<16xi32>
        %broadcast_in_dim3A_394 = vector.broadcast %select_n3A : i32 to vector<16xi32>
        %gather3A_395 = arith.constant 0 : i32
        %gather3A_396 = arith.constant 0 : i32
        %gather3A_397 = arith.constant 0 : i32
        %gather3A_398 = tpu.memref_slice %arg15[%gather3A_395, %gather3A_396, %gather3A_397] : memref<8x64x128xf32, #tpu.memory_space<vmem>> -> memref<1x64x128xf32, #tpu.memory_space<vmem>>
        %gather3A_399 = tpu.memref_squeeze %gather3A_398 : memref<1x64x128xf32, #tpu.memory_space<vmem>> -> memref<64x128xf32, #tpu.memory_space<vmem>>
        %gather3A_400 = tpu.vector_load_idx %gather3A_399[%add3A_393, %broadcast_in_dim3A_394] : memref<64x128xf32, #tpu.memory_space<vmem>>[vector<16xi32>, vector<16xi32>], vector<16xf32>,
        %broadcast_in_dim3A_401 = vector.broadcast %select_n3A_374 : i32 to vector<16xi32>
        %gather3A_402 = tpu.vector_load_idx %arg14[%add3A_393, %broadcast_in_dim3A_401] : memref<64x128xf32, #tpu.memory_space<vmem>>[vector<16xi32>, vector<16xi32>], vector<16xf32>,
        %select_n3A_403 = arith.select %broadcast_in_dim3A_378, %gather3A_402, %gather3A_400 : vector<16xi1>, vector<16xf32>
        tpu.vector_store_idx %arg18[%add3A_393, %broadcast_in_dim3A_377], %select_n3A_403 : memref<64x128xf32, #tpu.memory_space<vmem>>[vector<16xi32>, vector<16xi32>], vector<16xf32>,
        %add3A_404 = arith.constant 32 : i32
        %add3A_405 = vector.broadcast %add3A_404 : i32 to vector<16xi32>
        %add3A_406 = arith.addi %iota3A, %add3A_405 : vector<16xi32>
        %broadcast_in_dim3A_407 = vector.broadcast %select_n3A : i32 to vector<16xi32>
        %gather3A_408 = arith.constant 0 : i32
        %gather3A_409 = arith.constant 0 : i32
        %gather3A_410 = arith.constant 0 : i32
        %gather3A_411 = tpu.memref_slice %arg15[%gather3A_408, %gather3A_409, %gather3A_410] : memref<8x64x128xf32, #tpu.memory_space<vmem>> -> memref<1x64x128xf32, #tpu.memory_space<vmem>>
        %gather3A_412 = tpu.memref_squeeze %gather3A_411 : memref<1x64x128xf32, #tpu.memory_space<vmem>> -> memref<64x128xf32, #tpu.memory_space<vmem>>
        %gather3A_413 = tpu.vector_load_idx %gather3A_412[%add3A_406, %broadcast_in_dim3A_407] : memref<64x128xf32, #tpu.memory_space<vmem>>[vector<16xi32>, vector<16xi32>], vector<16xf32>,
        %broadcast_in_dim3A_414 = vector.broadcast %select_n3A_374 : i32 to vector<16xi32>
        %gather3A_415 = tpu.vector_load_idx %arg14[%add3A_406, %broadcast_in_dim3A_414] : memref<64x128xf32, #tpu.memory_space<vmem>>[vector<16xi32>, vector<16xi32>], vector<16xf32>,
        %select_n3A_416 = arith.select %broadcast_in_dim3A_378, %gather3A_415, %gather3A_413 : vector<16xi1>, vector<16xf32>
        tpu.vector_store_idx %arg18[%add3A_406, %broadcast_in_dim3A_377], %select_n3A_416 : memref<64x128xf32, #tpu.memory_space<vmem>>[vector<16xi32>, vector<16xi32>], vector<16xf32>,
        %add3A_417 = arith.constant 48 : i32
        %add3A_418 = vector.broadcast %add3A_417 : i32 to vector<16xi32>
        %add3A_419 = arith.addi %iota3A, %add3A_418 : vector<16xi32>
        %broadcast_in_dim3A_420 = vector.broadcast %select_n3A : i32 to vector<16xi32>
        %gather3A_421 = arith.constant 0 : i32
        %gather3A_422 = arith.constant 0 : i32
        %gather3A_423 = arith.constant 0 : i32
        %gather3A_424 = tpu.memref_slice %arg15[%gather3A_421, %gather3A_422, %gather3A_423] : memref<8x64x128xf32, #tpu.memory_space<vmem>> -> memref<1x64x128xf32, #tpu.memory_space<vmem>>
        %gather3A_425 = tpu.memref_squeeze %gather3A_424 : memref<1x64x128xf32, #tpu.memory_space<vmem>> -> memref<64x128xf32, #tpu.memory_space<vmem>>
        %gather3A_426 = tpu.vector_load_idx %gather3A_425[%add3A_419, %broadcast_in_dim3A_420] : memref<64x128xf32, #tpu.memory_space<vmem>>[vector<16xi32>, vector<16xi32>], vector<16xf32>,
        %broadcast_in_dim3A_427 = vector.broadcast %select_n3A_374 : i32 to vector<16xi32>
        %gather3A_428 = tpu.vector_load_idx %arg14[%add3A_419, %broadcast_in_dim3A_427] : memref<64x128xf32, #tpu.memory_space<vmem>>[vector<16xi32>, vector<16xi32>], vector<16xf32>,
        %select_n3A_429 = arith.select %broadcast_in_dim3A_378, %gather3A_428, %gather3A_426 : vector<16xi1>, vector<16xf32>
        tpu.vector_store_idx %arg18[%add3A_419, %broadcast_in_dim3A_377], %select_n3A_429 : memref<64x128xf32, #tpu.memory_space<vmem>>[vector<16xi32>, vector<16xi32>], vector<16xf32>,
        %slice3A_430 = vector.extract_strided_slice %get3A_344 {offsets = [8], sizes = [1], strides = [1]} : vector<16xi32> to vector<1xi32>
        %squeeze3A_431 = vector.extract %slice3A_430[0] : i32 from vector<1xi32>
        %shift_right_logical3A_432 = arith.constant 7 : i32
        %shift_right_logical3A_433 = arith.shrui %squeeze3A_431, %shift_right_logical3A_432 : i32
        %min3A_434 = arith.constant 7811 : i32
        %min3A_435 = arith.minsi %shift_right_logical3A_433, %min3A_434 : i32
        %mul3A_436 = arith.constant 128 : i32
        %mul3A_437 = arith.muli %min3A_435, %mul3A_436 : i32
        %dma_start3A_438 = arith.constant 0 : i32
        %dma_start3A_439 = arith.constant 0 : i32
        %dma_start3A_440 = arith.constant 0 : i32
        %dma_start3A_441 = tpu.memref_slice %arg15[%dma_start3A_438, %dma_start3A_439, %dma_start3A_440] : memref<8x64x128xf32, #tpu.memory_space<vmem>> -> memref<1x64x128xf32, #tpu.memory_space<vmem>>
        %dma_start3A_442 = tpu.memref_squeeze %dma_start3A_441 : memref<1x64x128xf32, #tpu.memory_space<vmem>> -> memref<64x128xf32, #tpu.memory_space<vmem>>
        %dma_start3A_443 = arith.constant 0 : i32
        %dma_start3A_444 = tpu.memref_slice %arg4[%dma_start3A_443, %mul3A_437] : memref<64x1000000xf32, #tpu.memory_space<hbm>> -> memref<64x128xf32, #tpu.memory_space<hbm>>
        %dma_start3A_445 = arith.constant 0 : i32
        %dma_start3A_446 = arith.constant 0 : i32
        %dma_start3A_447 = tpu.memref_slice %arg15[%dma_start3A_438, %dma_start3A_445, %dma_start3A_446] : memref<8x64x128xf32, #tpu.memory_space<vmem>> -> memref<1x64x128xf32, #tpu.memory_space<vmem>>
        %dma_start3A_448 = tpu.memref_squeeze %dma_start3A_447 : memref<1x64x128xf32, #tpu.memory_space<vmem>> -> memref<64x128xf32, #tpu.memory_space<vmem>>
        %dma_start3A_449 = arith.constant 0 : i32
        %dma_start3A_450 = tpu.memref_slice %arg4[%dma_start3A_449, %mul3A_437] : memref<64x1000000xf32, #tpu.memory_space<hbm>> -> memref<64x128xf32, #tpu.memory_space<hbm>>
        tpu.enqueue_dma source(%dma_start3A_450 : memref<64x128xf32, #tpu.memory_space<hbm>>) target(%dma_start3A_448 : memref<64x128xf32, #tpu.memory_space<vmem>>) target_semaphore(%arg23 : memref<!tpu.dma_semaphore, #tpu.memory_space<semaphore_mem>>)
        %dma_wait3A_451 = arith.constant 1 : i32
        %dma_wait3A_452 = arith.constant 0 : i32
        %dma_wait3A_453 = arith.constant 0 : i32
        %dma_wait3A_454 = tpu.memref_slice %arg15[%dma_wait3A_451, %dma_wait3A_452, %dma_wait3A_453] : memref<8x64x128xf32, #tpu.memory_space<vmem>> -> memref<1x64x128xf32, #tpu.memory_space<vmem>>
        %dma_wait3A_455 = tpu.memref_squeeze %dma_wait3A_454 : memref<1x64x128xf32, #tpu.memory_space<vmem>> -> memref<64x128xf32, #tpu.memory_space<vmem>>
        %dma_wait3A_456 = arith.constant 0 : i32
        %dma_wait3A_457 = arith.constant 0 : i32
        %dma_wait3A_458 = tpu.memref_slice %arg4[%dma_wait3A_456, %dma_wait3A_457] : memref<64x1000000xf32, #tpu.memory_space<hbm>> -> memref<64x128xf32, #tpu.memory_space<hbm>>
        %dma_wait3A_459 = arith.constant 0 : i32
        %dma_wait3A_460 = arith.constant 0 : i32
        %dma_wait3A_461 = tpu.memref_slice %arg15[%dma_wait3A_451, %dma_wait3A_459, %dma_wait3A_460] : memref<8x64x128xf32, #tpu.memory_space<vmem>> -> memref<1x64x128xf32, #tpu.memory_space<vmem>>
        %dma_wait3A_462 = tpu.memref_squeeze %dma_wait3A_461 : memref<1x64x128xf32, #tpu.memory_space<vmem>> -> memref<64x128xf32, #tpu.memory_space<vmem>>
        %dma_wait3A_463 = arith.constant 0 : i32
        %dma_wait3A_464 = arith.constant 0 : i32
        %dma_wait3A_465 = tpu.memref_slice %arg4[%dma_wait3A_463, %dma_wait3A_464] : memref<64x1000000xf32, #tpu.memory_space<hbm>> -> memref<64x128xf32, #tpu.memory_space<hbm>>
        tpu.wait_dma2 semaphore(%arg24 : memref<!tpu.dma_semaphore, #tpu.memory_space<semaphore_mem>>) src(%dma_wait3A_465 : memref<64x128xf32, #tpu.memory_space<hbm>>) dst(%dma_wait3A_462 : memref<64x128xf32, #tpu.memory_space<vmem>>)
        %slice3A_466 = vector.extract_strided_slice %get3A_344 {offsets = [1], sizes = [1], strides = [1]} : vector<16xi32> to vector<1xi32>
        %squeeze3A_467 = vector.extract %slice3A_466[0] : i32 from vector<1xi32>
        %ge3A_468 = arith.constant 999936 : i32
        %ge3A_469 = arith.cmpi sge, %squeeze3A_467, %ge3A_468 : i32
        %and3A_470 = arith.constant 127 : i32
        %and3A_471 = arith.andi %squeeze3A_467, %and3A_470 : i32
        %jit3A_472 = arith.constant 0 : i32
        %select_n3A_473 = arith.select %ge3A_469, %jit3A_472, %and3A_471 : i32
        %sub3A_474 = arith.constant 999936 : i32
        %sub3A_475 = arith.subi %squeeze3A_467, %sub3A_474 : i32
        %jit3A_476 = arith.constant 0 : i32
        %select_n3A_477 = arith.select %ge3A_469, %sub3A_475, %jit3A_476 : i32
        %add3A_478 = arith.constant 1 : i32
        %add3A_479 = arith.addi %mul3A_352, %add3A_478 : i32
        %broadcast_in_dim3A_480 = vector.broadcast %add3A_479 : i32 to vector<16xi32>
        %broadcast_in_dim3A_481 = vector.broadcast %ge3A_469 : i1 to vector<16xi1>
        %add3A_482 = arith.constant 0 : i32
        %add3A_483 = vector.broadcast %add3A_482 : i32 to vector<16xi32>
        %add3A_484 = arith.addi %iota3A, %add3A_483 : vector<16xi32>
        %broadcast_in_dim3A_485 = vector.broadcast %select_n3A_473 : i32 to vector<16xi32>
        %gather3A_486 = arith.constant 1 : i32
        %gather3A_487 = arith.constant 0 : i32
        %gather3A_488 = arith.constant 0 : i32
        %gather3A_489 = tpu.memref_slice %arg15[%gather3A_486, %gather3A_487, %gather3A_488] : memref<8x64x128xf32, #tpu.memory_space<vmem>> -> memref<1x64x128xf32, #tpu.memory_space<vmem>>
        %gather3A_490 = tpu.memref_squeeze %gather3A_489 : memref<1x64x128xf32, #tpu.memory_space<vmem>> -> memref<64x128xf32, #tpu.memory_space<vmem>>
        %gather3A_491 = tpu.vector_load_idx %gather3A_490[%add3A_484, %broadcast_in_dim3A_485] : memref<64x128xf32, #tpu.memory_space<vmem>>[vector<16xi32>, vector<16xi32>], vector<16xf32>,
        %broadcast_in_dim3A_492 = vector.broadcast %select_n3A_477 : i32 to vector<16xi32>
        %gather3A_493 = tpu.vector_load_idx %arg14[%add3A_484, %broadcast_in_dim3A_492] : memref<64x128xf32, #tpu.memory_space<vmem>>[vector<16xi32>, vector<16xi32>], vector<16xf32>,
        %select_n3A_494 = arith.select %broadcast_in_dim3A_481, %gather3A_493, %gather3A_491 : vector<16xi1>, vector<16xf32>
        tpu.vector_store_idx %arg18[%add3A_484, %broadcast_in_dim3A_480], %select_n3A_494 : memref<64x128xf32, #tpu.memory_space<vmem>>[vector<16xi32>, vector<16xi32>], vector<16xf32>,
        %add3A_495 = arith.constant 16 : i32
        %add3A_496 = vector.broadcast %add3A_495 : i32 to vector<16xi32>
        %add3A_497 = arith.addi %iota3A, %add3A_496 : vector<16xi32>
        %broadcast_in_dim3A_498 = vector.broadcast %select_n3A_473 : i32 to vector<16xi32>
        %gather3A_499 = arith.constant 1 : i32
        %gather3A_500 = arith.constant 0 : i32
        %gather3A_501 = arith.constant 0 : i32
        %gather3A_502 = tpu.memref_slice %arg15[%gather3A_499, %gather3A_500, %gather3A_501] : memref<8x64x128xf32, #tpu.memory_space<vmem>> -> memref<1x64x128xf32, #tpu.memory_space<vmem>>
        %gather3A_503 = tpu.memref_squeeze %gather3A_502 : memref<1x64x128xf32, #tpu.memory_space<vmem>> -> memref<64x128xf32, #tpu.memory_space<vmem>>
        %gather3A_504 = tpu.vector_load_idx %gather3A_503[%add3A_497, %broadcast_in_dim3A_498] : memref<64x128xf32, #tpu.memory_space<vmem>>[vector<16xi32>, vector<16xi32>], vector<16xf32>,
        %broadcast_in_dim3A_505 = vector.broadcast %select_n3A_477 : i32 to vector<16xi32>
        %gather3A_506 = tpu.vector_load_idx %arg14[%add3A_497, %broadcast_in_dim3A_505] : memref<64x128xf32, #tpu.memory_space<vmem>>[vector<16xi32>, vector<16xi32>], vector<16xf32>,
        %select_n3A_507 = arith.select %broadcast_in_dim3A_481, %gather3A_506, %gather3A_504 : vector<16xi1>, vector<16xf32>
        tpu.vector_store_idx %arg18[%add3A_497, %broadcast_in_dim3A_480], %select_n3A_507 : memref<64x128xf32, #tpu.memory_space<vmem>>[vector<16xi32>, vector<16xi32>], vector<16xf32>,
        %add3A_508 = arith.constant 32 : i32
        %add3A_509 = vector.broadcast %add3A_508 : i32 to vector<16xi32>
        %add3A_510 = arith.addi %iota3A, %add3A_509 : vector<16xi32>
        %broadcast_in_dim3A_511 = vector.broadcast %select_n3A_473 : i32 to vector<16xi32>
        %gather3A_512 = arith.constant 1 : i32
        %gather3A_513 = arith.constant 0 : i32
        %gather3A_514 = arith.constant 0 : i32
        %gather3A_515 = tpu.memref_slice %arg15[%gather3A_512, %gather3A_513, %gather3A_514] : memref<8x64x128xf32, #tpu.memory_space<vmem>> -> memref<1x64x128xf32, #tpu.memory_space<vmem>>
        %gather3A_516 = tpu.memref_squeeze %gather3A_515 : memref<1x64x128xf32, #tpu.memory_space<vmem>> -> memref<64x128xf32, #tpu.memory_space<vmem>>
        %gather3A_517 = tpu.vector_load_idx %gather3A_516[%add3A_510, %broadcast_in_dim3A_511] : memref<64x128xf32, #tpu.memory_space<vmem>>[vector<16xi32>, vector<16xi32>], vector<16xf32>,
        %broadcast_in_dim3A_518 = vector.broadcast %select_n3A_477 : i32 to vector<16xi32>
        %gather3A_519 = tpu.vector_load_idx %arg14[%add3A_510, %broadcast_in_dim3A_518] : memref<64x128xf32, #tpu.memory_space<vmem>>[vector<16xi32>, vector<16xi32>], vector<16xf32>,
        %select_n3A_520 = arith.select %broadcast_in_dim3A_481, %gather3A_519, %gather3A_517 : vector<16xi1>, vector<16xf32>
        tpu.vector_store_idx %arg18[%add3A_510, %broadcast_in_dim3A_480], %select_n3A_520 : memref<64x128xf32, #tpu.memory_space<vmem>>[vector<16xi32>, vector<16xi32>], vector<16xf32>,
        %add3A_521 = arith.constant 48 : i32
        %add3A_522 = vector.broadcast %add3A_521 : i32 to vector<16xi32>
        %add3A_523 = arith.addi %iota3A, %add3A_522 : vector<16xi32>
        %broadcast_in_dim3A_524 = vector.broadcast %select_n3A_473 : i32 to vector<16xi32>
        %gather3A_525 = arith.constant 1 : i32
        %gather3A_526 = arith.constant 0 : i32
        %gather3A_527 = arith.constant 0 : i32
        %gather3A_528 = tpu.memref_slice %arg15[%gather3A_525, %gather3A_526, %gather3A_527] : memref<8x64x128xf32, #tpu.memory_space<vmem>> -> memref<1x64x128xf32, #tpu.memory_space<vmem>>
        %gather3A_529 = tpu.memref_squeeze %gather3A_528 : memref<1x64x128xf32, #tpu.memory_space<vmem>> -> memref<64x128xf32, #tpu.memory_space<vmem>>
        %gather3A_530 = tpu.vector_load_idx %gather3A_529[%add3A_523, %broadcast_in_dim3A_524] : memref<64x128xf32, #tpu.memory_space<vmem>>[vector<16xi32>, vector<16xi32>], vector<16xf32>,
        %broadcast_in_dim3A_531 = vector.broadcast %select_n3A_477 : i32 to vector<16xi32>
        %gather3A_532 = tpu.vector_load_idx %arg14[%add3A_523, %broadcast_in_dim3A_531] : memref<64x128xf32, #tpu.memory_space<vmem>>[vector<16xi32>, vector<16xi32>], vector<16xf32>,
        %select_n3A_533 = arith.select %broadcast_in_dim3A_481, %gather3A_532, %gather3A_530 : vector<16xi1>, vector<16xf32>
        tpu.vector_store_idx %arg18[%add3A_523, %broadcast_in_dim3A_480], %select_n3A_533 : memref<64x128xf32, #tpu.memory_space<vmem>>[vector<16xi32>, vector<16xi32>], vector<16xf32>,
        %slice3A_534 = vector.extract_strided_slice %get3A_344 {offsets = [9], sizes = [1], strides = [1]} : vector<16xi32> to vector<1xi32>
        %squeeze3A_535 = vector.extract %slice3A_534[0] : i32 from vector<1xi32>
        %shift_right_logical3A_536 = arith.constant 7 : i32
        %shift_right_logical3A_537 = arith.shrui %squeeze3A_535, %shift_right_logical3A_536 : i32
        %min3A_538 = arith.constant 7811 : i32
        %min3A_539 = arith.minsi %shift_right_logical3A_537, %min3A_538 : i32
        %mul3A_540 = arith.constant 128 : i32
        %mul3A_541 = arith.muli %min3A_539, %mul3A_540 : i32
        %dma_start3A_542 = arith.constant 1 : i32
        %dma_start3A_543 = arith.constant 0 : i32
        %dma_start3A_544 = arith.constant 0 : i32
        %dma_start3A_545 = tpu.memref_slice %arg15[%dma_start3A_542, %dma_start3A_543, %dma_start3A_544] : memref<8x64x128xf32, #tpu.memory_space<vmem>> -> memref<1x64x128xf32, #tpu.memory_space<vmem>>
        %dma_start3A_546 = tpu.memref_squeeze %dma_start3A_545 : memref<1x64x128xf32, #tpu.memory_space<vmem>> -> memref<64x128xf32, #tpu.memory_space<vmem>>
        %dma_start3A_547 = arith.constant 0 : i32
        %dma_start3A_548 = tpu.memref_slice %arg4[%dma_start3A_547, %mul3A_541] : memref<64x1000000xf32, #tpu.memory_space<hbm>> -> memref<64x128xf32, #tpu.memory_space<hbm>>
        %dma_start3A_549 = arith.constant 0 : i32
        %dma_start3A_550 = arith.constant 0 : i32
        %dma_start3A_551 = tpu.memref_slice %arg15[%dma_start3A_542, %dma_start3A_549, %dma_start3A_550] : memref<8x64x128xf32, #tpu.memory_space<vmem>> -> memref<1x64x128xf32, #tpu.memory_space<vmem>>
        %dma_start3A_552 = tpu.memref_squeeze %dma_start3A_551 : memref<1x64x128xf32, #tpu.memory_space<vmem>> -> memref<64x128xf32, #tpu.memory_space<vmem>>
        %dma_start3A_553 = arith.constant 0 : i32
        %dma_start3A_554 = tpu.memref_slice %arg4[%dma_start3A_553, %mul3A_541] : memref<64x1000000xf32, #tpu.memory_space<hbm>> -> memref<64x128xf32, #tpu.memory_space<hbm>>
        tpu.enqueue_dma source(%dma_start3A_554 : memref<64x128xf32, #tpu.memory_space<hbm>>) target(%dma_start3A_552 : memref<64x128xf32, #tpu.memory_space<vmem>>) target_semaphore(%arg24 : memref<!tpu.dma_semaphore, #tpu.memory_space<semaphore_mem>>)
        %dma_wait3A_555 = arith.constant 2 : i32
        %dma_wait3A_556 = arith.constant 0 : i32
        %dma_wait3A_557 = arith.constant 0 : i32
        %dma_wait3A_558 = tpu.memref_slice %arg15[%dma_wait3A_555, %dma_wait3A_556, %dma_wait3A_557] : memref<8x64x128xf32, #tpu.memory_space<vmem>> -> memref<1x64x128xf32, #tpu.memory_space<vmem>>
        %dma_wait3A_559 = tpu.memref_squeeze %dma_wait3A_558 : memref<1x64x128xf32, #tpu.memory_space<vmem>> -> memref<64x128xf32, #tpu.memory_space<vmem>>
        %dma_wait3A_560 = arith.constant 0 : i32
        %dma_wait3A_561 = arith.constant 0 : i32
        %dma_wait3A_562 = tpu.memref_slice %arg4[%dma_wait3A_560, %dma_wait3A_561] : memref<64x1000000xf32, #tpu.memory_space<hbm>> -> memref<64x128xf32, #tpu.memory_space<hbm>>
        %dma_wait3A_563 = arith.constant 0 : i32
        %dma_wait3A_564 = arith.constant 0 : i32
        %dma_wait3A_565 = tpu.memref_slice %arg15[%dma_wait3A_555, %dma_wait3A_563, %dma_wait3A_564] : memref<8x64x128xf32, #tpu.memory_space<vmem>> -> memref<1x64x128xf32, #tpu.memory_space<vmem>>
        %dma_wait3A_566 = tpu.memref_squeeze %dma_wait3A_565 : memref<1x64x128xf32, #tpu.memory_space<vmem>> -> memref<64x128xf32, #tpu.memory_space<vmem>>
        %dma_wait3A_567 = arith.constant 0 : i32
        %dma_wait3A_568 = arith.constant 0 : i32
        %dma_wait3A_569 = tpu.memref_slice %arg4[%dma_wait3A_567, %dma_wait3A_568] : memref<64x1000000xf32, #tpu.memory_space<hbm>> -> memref<64x128xf32, #tpu.memory_space<hbm>>
        tpu.wait_dma2 semaphore(%arg25 : memref<!tpu.dma_semaphore, #tpu.memory_space<semaphore_mem>>) src(%dma_wait3A_569 : memref<64x128xf32, #tpu.memory_space<hbm>>) dst(%dma_wait3A_566 : memref<64x128xf32, #tpu.memory_space<vmem>>)
        %slice3A_570 = vector.extract_strided_slice %get3A_344 {offsets = [2], sizes = [1], strides = [1]} : vector<16xi32> to vector<1xi32>
        %squeeze3A_571 = vector.extract %slice3A_570[0] : i32 from vector<1xi32>
        %ge3A_572 = arith.constant 999936 : i32
        %ge3A_573 = arith.cmpi sge, %squeeze3A_571, %ge3A_572 : i32
        %and3A_574 = arith.constant 127 : i32
        %and3A_575 = arith.andi %squeeze3A_571, %and3A_574 : i32
        %jit3A_576 = arith.constant 0 : i32
        %select_n3A_577 = arith.select %ge3A_573, %jit3A_576, %and3A_575 : i32
        %sub3A_578 = arith.constant 999936 : i32
        %sub3A_579 = arith.subi %squeeze3A_571, %sub3A_578 : i32
        %jit3A_580 = arith.constant 0 : i32
        %select_n3A_581 = arith.select %ge3A_573, %sub3A_579, %jit3A_580 : i32
        %add3A_582 = arith.constant 2 : i32
        %add3A_583 = arith.addi %mul3A_352, %add3A_582 : i32
        %broadcast_in_dim3A_584 = vector.broadcast %add3A_583 : i32 to vector<16xi32>
        %broadcast_in_dim3A_585 = vector.broadcast %ge3A_573 : i1 to vector<16xi1>
        %add3A_586 = arith.constant 0 : i32
        %add3A_587 = vector.broadcast %add3A_586 : i32 to vector<16xi32>
        %add3A_588 = arith.addi %iota3A, %add3A_587 : vector<16xi32>
        %broadcast_in_dim3A_589 = vector.broadcast %select_n3A_577 : i32 to vector<16xi32>
        %gather3A_590 = arith.constant 2 : i32
        %gather3A_591 = arith.constant 0 : i32
        %gather3A_592 = arith.constant 0 : i32
        %gather3A_593 = tpu.memref_slice %arg15[%gather3A_590, %gather3A_591, %gather3A_592] : memref<8x64x128xf32, #tpu.memory_space<vmem>> -> memref<1x64x128xf32, #tpu.memory_space<vmem>>
        %gather3A_594 = tpu.memref_squeeze %gather3A_593 : memref<1x64x128xf32, #tpu.memory_space<vmem>> -> memref<64x128xf32, #tpu.memory_space<vmem>>
        %gather3A_595 = tpu.vector_load_idx %gather3A_594[%add3A_588, %broadcast_in_dim3A_589] : memref<64x128xf32, #tpu.memory_space<vmem>>[vector<16xi32>, vector<16xi32>], vector<16xf32>,
        %broadcast_in_dim3A_596 = vector.broadcast %select_n3A_581 : i32 to vector<16xi32>
        %gather3A_597 = tpu.vector_load_idx %arg14[%add3A_588, %broadcast_in_dim3A_596] : memref<64x128xf32, #tpu.memory_space<vmem>>[vector<16xi32>, vector<16xi32>], vector<16xf32>,
        %select_n3A_598 = arith.select %broadcast_in_dim3A_585, %gather3A_597, %gather3A_595 : vector<16xi1>, vector<16xf32>
        tpu.vector_store_idx %arg18[%add3A_588, %broadcast_in_dim3A_584], %select_n3A_598 : memref<64x128xf32, #tpu.memory_space<vmem>>[vector<16xi32>, vector<16xi32>], vector<16xf32>,
        %add3A_599 = arith.constant 16 : i32
        %add3A_600 = vector.broadcast %add3A_599 : i32 to vector<16xi32>
        %add3A_601 = arith.addi %iota3A, %add3A_600 : vector<16xi32>
        %broadcast_in_dim3A_602 = vector.broadcast %select_n3A_577 : i32 to vector<16xi32>
        %gather3A_603 = arith.constant 2 : i32
        %gather3A_604 = arith.constant 0 : i32
        %gather3A_605 = arith.constant 0 : i32
        %gather3A_606 = tpu.memref_slice %arg15[%gather3A_603, %gather3A_604, %gather3A_605] : memref<8x64x128xf32, #tpu.memory_space<vmem>> -> memref<1x64x128xf32, #tpu.memory_space<vmem>>
        %gather3A_607 = tpu.memref_squeeze %gather3A_606 : memref<1x64x128xf32, #tpu.memory_space<vmem>> -> memref<64x128xf32, #tpu.memory_space<vmem>>
        %gather3A_608 = tpu.vector_load_idx %gather3A_607[%add3A_601, %broadcast_in_dim3A_602] : memref<64x128xf32, #tpu.memory_space<vmem>>[vector<16xi32>, vector<16xi32>], vector<16xf32>,
        %broadcast_in_dim3A_609 = vector.broadcast %select_n3A_581 : i32 to vector<16xi32>
        %gather3A_610 = tpu.vector_load_idx %arg14[%add3A_601, %broadcast_in_dim3A_609] : memref<64x128xf32, #tpu.memory_space<vmem>>[vector<16xi32>, vector<16xi32>], vector<16xf32>,
        %select_n3A_611 = arith.select %broadcast_in_dim3A_585, %gather3A_610, %gather3A_608 : vector<16xi1>, vector<16xf32>
        tpu.vector_store_idx %arg18[%add3A_601, %broadcast_in_dim3A_584], %select_n3A_611 : memref<64x128xf32, #tpu.memory_space<vmem>>[vector<16xi32>, vector<16xi32>], vector<16xf32>,
        %add3A_612 = arith.constant 32 : i32
        %add3A_613 = vector.broadcast %add3A_612 : i32 to vector<16xi32>
        %add3A_614 = arith.addi %iota3A, %add3A_613 : vector<16xi32>
        %broadcast_in_dim3A_615 = vector.broadcast %select_n3A_577 : i32 to vector<16xi32>
        %gather3A_616 = arith.constant 2 : i32
        %gather3A_617 = arith.constant 0 : i32
        %gather3A_618 = arith.constant 0 : i32
        %gather3A_619 = tpu.memref_slice %arg15[%gather3A_616, %gather3A_617, %gather3A_618] : memref<8x64x128xf32, #tpu.memory_space<vmem>> -> memref<1x64x128xf32, #tpu.memory_space<vmem>>
        %gather3A_620 = tpu.memref_squeeze %gather3A_619 : memref<1x64x128xf32, #tpu.memory_space<vmem>> -> memref<64x128xf32, #tpu.memory_space<vmem>>
        %gather3A_621 = tpu.vector_load_idx %gather3A_620[%add3A_614, %broadcast_in_dim3A_615] : memref<64x128xf32, #tpu.memory_space<vmem>>[vector<16xi32>, vector<16xi32>], vector<16xf32>,
        %broadcast_in_dim3A_622 = vector.broadcast %select_n3A_581 : i32 to vector<16xi32>
        %gather3A_623 = tpu.vector_load_idx %arg14[%add3A_614, %broadcast_in_dim3A_622] : memref<64x128xf32, #tpu.memory_space<vmem>>[vector<16xi32>, vector<16xi32>], vector<16xf32>,
        %select_n3A_624 = arith.select %broadcast_in_dim3A_585, %gather3A_623, %gather3A_621 : vector<16xi1>, vector<16xf32>
        tpu.vector_store_idx %arg18[%add3A_614, %broadcast_in_dim3A_584], %select_n3A_624 : memref<64x128xf32, #tpu.memory_space<vmem>>[vector<16xi32>, vector<16xi32>], vector<16xf32>,
        %add3A_625 = arith.constant 48 : i32
        %add3A_626 = vector.broadcast %add3A_625 : i32 to vector<16xi32>
        %add3A_627 = arith.addi %iota3A, %add3A_626 : vector<16xi32>
        %broadcast_in_dim3A_628 = vector.broadcast %select_n3A_577 : i32 to vector<16xi32>
        %gather3A_629 = arith.constant 2 : i32
        %gather3A_630 = arith.constant 0 : i32
        %gather3A_631 = arith.constant 0 : i32
        %gather3A_632 = tpu.memref_slice %arg15[%gather3A_629, %gather3A_630, %gather3A_631] : memref<8x64x128xf32, #tpu.memory_space<vmem>> -> memref<1x64x128xf32, #tpu.memory_space<vmem>>
        %gather3A_633 = tpu.memref_squeeze %gather3A_632 : memref<1x64x128xf32, #tpu.memory_space<vmem>> -> memref<64x128xf32, #tpu.memory_space<vmem>>
        %gather3A_634 = tpu.vector_load_idx %gather3A_633[%add3A_627, %broadcast_in_dim3A_628] : memref<64x128xf32, #tpu.memory_space<vmem>>[vector<16xi32>, vector<16xi32>], vector<16xf32>,
        %broadcast_in_dim3A_635 = vector.broadcast %select_n3A_581 : i32 to vector<16xi32>
        %gather3A_636 = tpu.vector_load_idx %arg14[%add3A_627, %broadcast_in_dim3A_635] : memref<64x128xf32, #tpu.memory_space<vmem>>[vector<16xi32>, vector<16xi32>], vector<16xf32>,
        %select_n3A_637 = arith.select %broadcast_in_dim3A_585, %gather3A_636, %gather3A_634 : vector<16xi1>, vector<16xf32>
        tpu.vector_store_idx %arg18[%add3A_627, %broadcast_in_dim3A_584], %select_n3A_637 : memref<64x128xf32, #tpu.memory_space<vmem>>[vector<16xi32>, vector<16xi32>], vector<16xf32>,
        %slice3A_638 = vector.extract_strided_slice %get3A_344 {offsets = [10], sizes = [1], strides = [1]} : vector<16xi32> to vector<1xi32>
        %squeeze3A_639 = vector.extract %slice3A_638[0] : i32 from vector<1xi32>
        %shift_right_logical3A_640 = arith.constant 7 : i32
        %shift_right_logical3A_641 = arith.shrui %squeeze3A_639, %shift_right_logical3A_640 : i32
        %min3A_642 = arith.constant 7811 : i32
        %min3A_643 = arith.minsi %shift_right_logical3A_641, %min3A_642 : i32
        %mul3A_644 = arith.constant 128 : i32
        %mul3A_645 = arith.muli %min3A_643, %mul3A_644 : i32
        %dma_start3A_646 = arith.constant 2 : i32
        %dma_start3A_647 = arith.constant 0 : i32
        %dma_start3A_648 = arith.constant 0 : i32
        %dma_start3A_649 = tpu.memref_slice %arg15[%dma_start3A_646, %dma_start3A_647, %dma_start3A_648] : memref<8x64x128xf32, #tpu.memory_space<vmem>> -> memref<1x64x128xf32, #tpu.memory_space<vmem>>
        %dma_start3A_650 = tpu.memref_squeeze %dma_start3A_649 : memref<1x64x128xf32, #tpu.memory_space<vmem>> -> memref<64x128xf32, #tpu.memory_space<vmem>>
        %dma_start3A_651 = arith.constant 0 : i32
        %dma_start3A_652 = tpu.memref_slice %arg4[%dma_start3A_651, %mul3A_645] : memref<64x1000000xf32, #tpu.memory_space<hbm>> -> memref<64x128xf32, #tpu.memory_space<hbm>>
        %dma_start3A_653 = arith.constant 0 : i32
        %dma_start3A_654 = arith.constant 0 : i32
        %dma_start3A_655 = tpu.memref_slice %arg15[%dma_start3A_646, %dma_start3A_653, %dma_start3A_654] : memref<8x64x128xf32, #tpu.memory_space<vmem>> -> memref<1x64x128xf32, #tpu.memory_space<vmem>>
        %dma_start3A_656 = tpu.memref_squeeze %dma_start3A_655 : memref<1x64x128xf32, #tpu.memory_space<vmem>> -> memref<64x128xf32, #tpu.memory_space<vmem>>
        %dma_start3A_657 = arith.constant 0 : i32
        %dma_start3A_658 = tpu.memref_slice %arg4[%dma_start3A_657, %mul3A_645] : memref<64x1000000xf32, #tpu.memory_space<hbm>> -> memref<64x128xf32, #tpu.memory_space<hbm>>
        tpu.enqueue_dma source(%dma_start3A_658 : memref<64x128xf32, #tpu.memory_space<hbm>>) target(%dma_start3A_656 : memref<64x128xf32, #tpu.memory_space<vmem>>) target_semaphore(%arg25 : memref<!tpu.dma_semaphore, #tpu.memory_space<semaphore_mem>>)
        %dma_wait3A_659 = arith.constant 3 : i32
        %dma_wait3A_660 = arith.constant 0 : i32
        %dma_wait3A_661 = arith.constant 0 : i32
        %dma_wait3A_662 = tpu.memref_slice %arg15[%dma_wait3A_659, %dma_wait3A_660, %dma_wait3A_661] : memref<8x64x128xf32, #tpu.memory_space<vmem>> -> memref<1x64x128xf32, #tpu.memory_space<vmem>>
        %dma_wait3A_663 = tpu.memref_squeeze %dma_wait3A_662 : memref<1x64x128xf32, #tpu.memory_space<vmem>> -> memref<64x128xf32, #tpu.memory_space<vmem>>
        %dma_wait3A_664 = arith.constant 0 : i32
        %dma_wait3A_665 = arith.constant 0 : i32
        %dma_wait3A_666 = tpu.memref_slice %arg4[%dma_wait3A_664, %dma_wait3A_665] : memref<64x1000000xf32, #tpu.memory_space<hbm>> -> memref<64x128xf32, #tpu.memory_space<hbm>>
        %dma_wait3A_667 = arith.constant 0 : i32
        %dma_wait3A_668 = arith.constant 0 : i32
        %dma_wait3A_669 = tpu.memref_slice %arg15[%dma_wait3A_659, %dma_wait3A_667, %dma_wait3A_668] : memref<8x64x128xf32, #tpu.memory_space<vmem>> -> memref<1x64x128xf32, #tpu.memory_space<vmem>>
        %dma_wait3A_670 = tpu.memref_squeeze %dma_wait3A_669 : memref<1x64x128xf32, #tpu.memory_space<vmem>> -> memref<64x128xf32, #tpu.memory_space<vmem>>
        %dma_wait3A_671 = arith.constant 0 : i32
        %dma_wait3A_672 = arith.constant 0 : i32
        %dma_wait3A_673 = tpu.memref_slice %arg4[%dma_wait3A_671, %dma_wait3A_672] : memref<64x1000000xf32, #tpu.memory_space<hbm>> -> memref<64x128xf32, #tpu.memory_space<hbm>>
        tpu.wait_dma2 semaphore(%arg26 : memref<!tpu.dma_semaphore, #tpu.memory_space<semaphore_mem>>) src(%dma_wait3A_673 : memref<64x128xf32, #tpu.memory_space<hbm>>) dst(%dma_wait3A_670 : memref<64x128xf32, #tpu.memory_space<vmem>>)
        %slice3A_674 = vector.extract_strided_slice %get3A_344 {offsets = [3], sizes = [1], strides = [1]} : vector<16xi32> to vector<1xi32>
        %squeeze3A_675 = vector.extract %slice3A_674[0] : i32 from vector<1xi32>
        %ge3A_676 = arith.constant 999936 : i32
        %ge3A_677 = arith.cmpi sge, %squeeze3A_675, %ge3A_676 : i32
        %and3A_678 = arith.constant 127 : i32
        %and3A_679 = arith.andi %squeeze3A_675, %and3A_678 : i32
        %jit3A_680 = arith.constant 0 : i32
        %select_n3A_681 = arith.select %ge3A_677, %jit3A_680, %and3A_679 : i32
        %sub3A_682 = arith.constant 999936 : i32
        %sub3A_683 = arith.subi %squeeze3A_675, %sub3A_682 : i32
        %jit3A_684 = arith.constant 0 : i32
        %select_n3A_685 = arith.select %ge3A_677, %sub3A_683, %jit3A_684 : i32
        %add3A_686 = arith.constant 3 : i32
        %add3A_687 = arith.addi %mul3A_352, %add3A_686 : i32
        %broadcast_in_dim3A_688 = vector.broadcast %add3A_687 : i32 to vector<16xi32>
        %broadcast_in_dim3A_689 = vector.broadcast %ge3A_677 : i1 to vector<16xi1>
        %add3A_690 = arith.constant 0 : i32
        %add3A_691 = vector.broadcast %add3A_690 : i32 to vector<16xi32>
        %add3A_692 = arith.addi %iota3A, %add3A_691 : vector<16xi32>
        %broadcast_in_dim3A_693 = vector.broadcast %select_n3A_681 : i32 to vector<16xi32>
        %gather3A_694 = arith.constant 3 : i32
        %gather3A_695 = arith.constant 0 : i32
        %gather3A_696 = arith.constant 0 : i32
        %gather3A_697 = tpu.memref_slice %arg15[%gather3A_694, %gather3A_695, %gather3A_696] : memref<8x64x128xf32, #tpu.memory_space<vmem>> -> memref<1x64x128xf32, #tpu.memory_space<vmem>>
        %gather3A_698 = tpu.memref_squeeze %gather3A_697 : memref<1x64x128xf32, #tpu.memory_space<vmem>> -> memref<64x128xf32, #tpu.memory_space<vmem>>
        %gather3A_699 = tpu.vector_load_idx %gather3A_698[%add3A_692, %broadcast_in_dim3A_693] : memref<64x128xf32, #tpu.memory_space<vmem>>[vector<16xi32>, vector<16xi32>], vector<16xf32>,
        %broadcast_in_dim3A_700 = vector.broadcast %select_n3A_685 : i32 to vector<16xi32>
        %gather3A_701 = tpu.vector_load_idx %arg14[%add3A_692, %broadcast_in_dim3A_700] : memref<64x128xf32, #tpu.memory_space<vmem>>[vector<16xi32>, vector<16xi32>], vector<16xf32>,
        %select_n3A_702 = arith.select %broadcast_in_dim3A_689, %gather3A_701, %gather3A_699 : vector<16xi1>, vector<16xf32>
        tpu.vector_store_idx %arg18[%add3A_692, %broadcast_in_dim3A_688], %select_n3A_702 : memref<64x128xf32, #tpu.memory_space<vmem>>[vector<16xi32>, vector<16xi32>], vector<16xf32>,
        %add3A_703 = arith.constant 16 : i32
        %add3A_704 = vector.broadcast %add3A_703 : i32 to vector<16xi32>
        %add3A_705 = arith.addi %iota3A, %add3A_704 : vector<16xi32>
        %broadcast_in_dim3A_706 = vector.broadcast %select_n3A_681 : i32 to vector<16xi32>
        %gather3A_707 = arith.constant 3 : i32
        %gather3A_708 = arith.constant 0 : i32
        %gather3A_709 = arith.constant 0 : i32
        %gather3A_710 = tpu.memref_slice %arg15[%gather3A_707, %gather3A_708, %gather3A_709] : memref<8x64x128xf32, #tpu.memory_space<vmem>> -> memref<1x64x128xf32, #tpu.memory_space<vmem>>
        %gather3A_711 = tpu.memref_squeeze %gather3A_710 : memref<1x64x128xf32, #tpu.memory_space<vmem>> -> memref<64x128xf32, #tpu.memory_space<vmem>>
        %gather3A_712 = tpu.vector_load_idx %gather3A_711[%add3A_705, %broadcast_in_dim3A_706] : memref<64x128xf32, #tpu.memory_space<vmem>>[vector<16xi32>, vector<16xi32>], vector<16xf32>,
        %broadcast_in_dim3A_713 = vector.broadcast %select_n3A_685 : i32 to vector<16xi32>
        %gather3A_714 = tpu.vector_load_idx %arg14[%add3A_705, %broadcast_in_dim3A_713] : memref<64x128xf32, #tpu.memory_space<vmem>>[vector<16xi32>, vector<16xi32>], vector<16xf32>,
        %select_n3A_715 = arith.select %broadcast_in_dim3A_689, %gather3A_714, %gather3A_712 : vector<16xi1>, vector<16xf32>
        tpu.vector_store_idx %arg18[%add3A_705, %broadcast_in_dim3A_688], %select_n3A_715 : memref<64x128xf32, #tpu.memory_space<vmem>>[vector<16xi32>, vector<16xi32>], vector<16xf32>,
        %add3A_716 = arith.constant 32 : i32
        %add3A_717 = vector.broadcast %add3A_716 : i32 to vector<16xi32>
        %add3A_718 = arith.addi %iota3A, %add3A_717 : vector<16xi32>
        %broadcast_in_dim3A_719 = vector.broadcast %select_n3A_681 : i32 to vector<16xi32>
        %gather3A_720 = arith.constant 3 : i32
        %gather3A_721 = arith.constant 0 : i32
        %gather3A_722 = arith.constant 0 : i32
        %gather3A_723 = tpu.memref_slice %arg15[%gather3A_720, %gather3A_721, %gather3A_722] : memref<8x64x128xf32, #tpu.memory_space<vmem>> -> memref<1x64x128xf32, #tpu.memory_space<vmem>>
        %gather3A_724 = tpu.memref_squeeze %gather3A_723 : memref<1x64x128xf32, #tpu.memory_space<vmem>> -> memref<64x128xf32, #tpu.memory_space<vmem>>
        %gather3A_725 = tpu.vector_load_idx %gather3A_724[%add3A_718, %broadcast_in_dim3A_719] : memref<64x128xf32, #tpu.memory_space<vmem>>[vector<16xi32>, vector<16xi32>], vector<16xf32>,
        %broadcast_in_dim3A_726 = vector.broadcast %select_n3A_685 : i32 to vector<16xi32>
        %gather3A_727 = tpu.vector_load_idx %arg14[%add3A_718, %broadcast_in_dim3A_726] : memref<64x128xf32, #tpu.memory_space<vmem>>[vector<16xi32>, vector<16xi32>], vector<16xf32>,
        %select_n3A_728 = arith.select %broadcast_in_dim3A_689, %gather3A_727, %gather3A_725 : vector<16xi1>, vector<16xf32>
        tpu.vector_store_idx %arg18[%add3A_718, %broadcast_in_dim3A_688], %select_n3A_728 : memref<64x128xf32, #tpu.memory_space<vmem>>[vector<16xi32>, vector<16xi32>], vector<16xf32>,
        %add3A_729 = arith.constant 48 : i32
        %add3A_730 = vector.broadcast %add3A_729 : i32 to vector<16xi32>
        %add3A_731 = arith.addi %iota3A, %add3A_730 : vector<16xi32>
        %broadcast_in_dim3A_732 = vector.broadcast %select_n3A_681 : i32 to vector<16xi32>
        %gather3A_733 = arith.constant 3 : i32
        %gather3A_734 = arith.constant 0 : i32
        %gather3A_735 = arith.constant 0 : i32
        %gather3A_736 = tpu.memref_slice %arg15[%gather3A_733, %gather3A_734, %gather3A_735] : memref<8x64x128xf32, #tpu.memory_space<vmem>> -> memref<1x64x128xf32, #tpu.memory_space<vmem>>
        %gather3A_737 = tpu.memref_squeeze %gather3A_736 : memref<1x64x128xf32, #tpu.memory_space<vmem>> -> memref<64x128xf32, #tpu.memory_space<vmem>>
        %gather3A_738 = tpu.vector_load_idx %gather3A_737[%add3A_731, %broadcast_in_dim3A_732] : memref<64x128xf32, #tpu.memory_space<vmem>>[vector<16xi32>, vector<16xi32>], vector<16xf32>,
        %broadcast_in_dim3A_739 = vector.broadcast %select_n3A_685 : i32 to vector<16xi32>
        %gather3A_740 = tpu.vector_load_idx %arg14[%add3A_731, %broadcast_in_dim3A_739] : memref<64x128xf32, #tpu.memory_space<vmem>>[vector<16xi32>, vector<16xi32>], vector<16xf32>,
        %select_n3A_741 = arith.select %broadcast_in_dim3A_689, %gather3A_740, %gather3A_738 : vector<16xi1>, vector<16xf32>
        tpu.vector_store_idx %arg18[%add3A_731, %broadcast_in_dim3A_688], %select_n3A_741 : memref<64x128xf32, #tpu.memory_space<vmem>>[vector<16xi32>, vector<16xi32>], vector<16xf32>,
        %slice3A_742 = vector.extract_strided_slice %get3A_344 {offsets = [11], sizes = [1], strides = [1]} : vector<16xi32> to vector<1xi32>
        %squeeze3A_743 = vector.extract %slice3A_742[0] : i32 from vector<1xi32>
        %shift_right_logical3A_744 = arith.constant 7 : i32
        %shift_right_logical3A_745 = arith.shrui %squeeze3A_743, %shift_right_logical3A_744 : i32
        %min3A_746 = arith.constant 7811 : i32
        %min3A_747 = arith.minsi %shift_right_logical3A_745, %min3A_746 : i32
        %mul3A_748 = arith.constant 128 : i32
        %mul3A_749 = arith.muli %min3A_747, %mul3A_748 : i32
        %dma_start3A_750 = arith.constant 3 : i32
        %dma_start3A_751 = arith.constant 0 : i32
        %dma_start3A_752 = arith.constant 0 : i32
        %dma_start3A_753 = tpu.memref_slice %arg15[%dma_start3A_750, %dma_start3A_751, %dma_start3A_752] : memref<8x64x128xf32, #tpu.memory_space<vmem>> -> memref<1x64x128xf32, #tpu.memory_space<vmem>>
        %dma_start3A_754 = tpu.memref_squeeze %dma_start3A_753 : memref<1x64x128xf32, #tpu.memory_space<vmem>> -> memref<64x128xf32, #tpu.memory_space<vmem>>
        %dma_start3A_755 = arith.constant 0 : i32
        %dma_start3A_756 = tpu.memref_slice %arg4[%dma_start3A_755, %mul3A_749] : memref<64x1000000xf32, #tpu.memory_space<hbm>> -> memref<64x128xf32, #tpu.memory_space<hbm>>
        %dma_start3A_757 = arith.constant 0 : i32
        %dma_start3A_758 = arith.constant 0 : i32
        %dma_start3A_759 = tpu.memref_slice %arg15[%dma_start3A_750, %dma_start3A_757, %dma_start3A_758] : memref<8x64x128xf32, #tpu.memory_space<vmem>> -> memref<1x64x128xf32, #tpu.memory_space<vmem>>
        %dma_start3A_760 = tpu.memref_squeeze %dma_start3A_759 : memref<1x64x128xf32, #tpu.memory_space<vmem>> -> memref<64x128xf32, #tpu.memory_space<vmem>>
        %dma_start3A_761 = arith.constant 0 : i32
        %dma_start3A_762 = tpu.memref_slice %arg4[%dma_start3A_761, %mul3A_749] : memref<64x1000000xf32, #tpu.memory_space<hbm>> -> memref<64x128xf32, #tpu.memory_space<hbm>>
        tpu.enqueue_dma source(%dma_start3A_762 : memref<64x128xf32, #tpu.memory_space<hbm>>) target(%dma_start3A_760 : memref<64x128xf32, #tpu.memory_space<vmem>>) target_semaphore(%arg26 : memref<!tpu.dma_semaphore, #tpu.memory_space<semaphore_mem>>)
        %dma_wait3A_763 = arith.constant 4 : i32
        %dma_wait3A_764 = arith.constant 0 : i32
        %dma_wait3A_765 = arith.constant 0 : i32
        %dma_wait3A_766 = tpu.memref_slice %arg15[%dma_wait3A_763, %dma_wait3A_764, %dma_wait3A_765] : memref<8x64x128xf32, #tpu.memory_space<vmem>> -> memref<1x64x128xf32, #tpu.memory_space<vmem>>
        %dma_wait3A_767 = tpu.memref_squeeze %dma_wait3A_766 : memref<1x64x128xf32, #tpu.memory_space<vmem>> -> memref<64x128xf32, #tpu.memory_space<vmem>>
        %dma_wait3A_768 = arith.constant 0 : i32
        %dma_wait3A_769 = arith.constant 0 : i32
        %dma_wait3A_770 = tpu.memref_slice %arg4[%dma_wait3A_768, %dma_wait3A_769] : memref<64x1000000xf32, #tpu.memory_space<hbm>> -> memref<64x128xf32, #tpu.memory_space<hbm>>
        %dma_wait3A_771 = arith.constant 0 : i32
        %dma_wait3A_772 = arith.constant 0 : i32
        %dma_wait3A_773 = tpu.memref_slice %arg15[%dma_wait3A_763, %dma_wait3A_771, %dma_wait3A_772] : memref<8x64x128xf32, #tpu.memory_space<vmem>> -> memref<1x64x128xf32, #tpu.memory_space<vmem>>
        %dma_wait3A_774 = tpu.memref_squeeze %dma_wait3A_773 : memref<1x64x128xf32, #tpu.memory_space<vmem>> -> memref<64x128xf32, #tpu.memory_space<vmem>>
        %dma_wait3A_775 = arith.constant 0 : i32
        %dma_wait3A_776 = arith.constant 0 : i32
        %dma_wait3A_777 = tpu.memref_slice %arg4[%dma_wait3A_775, %dma_wait3A_776] : memref<64x1000000xf32, #tpu.memory_space<hbm>> -> memref<64x128xf32, #tpu.memory_space<hbm>>
        tpu.wait_dma2 semaphore(%arg27 : memref<!tpu.dma_semaphore, #tpu.memory_space<semaphore_mem>>) src(%dma_wait3A_777 : memref<64x128xf32, #tpu.memory_space<hbm>>) dst(%dma_wait3A_774 : memref<64x128xf32, #tpu.memory_space<vmem>>)
        %slice3A_778 = vector.extract_strided_slice %get3A_344 {offsets = [4], sizes = [1], strides = [1]} : vector<16xi32> to vector<1xi32>
        %squeeze3A_779 = vector.extract %slice3A_778[0] : i32 from vector<1xi32>
        %ge3A_780 = arith.constant 999936 : i32
        %ge3A_781 = arith.cmpi sge, %squeeze3A_779, %ge3A_780 : i32
        %and3A_782 = arith.constant 127 : i32
        %and3A_783 = arith.andi %squeeze3A_779, %and3A_782 : i32
        %jit3A_784 = arith.constant 0 : i32
        %select_n3A_785 = arith.select %ge3A_781, %jit3A_784, %and3A_783 : i32
        %sub3A_786 = arith.constant 999936 : i32
        %sub3A_787 = arith.subi %squeeze3A_779, %sub3A_786 : i32
        %jit3A_788 = arith.constant 0 : i32
        %select_n3A_789 = arith.select %ge3A_781, %sub3A_787, %jit3A_788 : i32
        %add3A_790 = arith.constant 4 : i32
        %add3A_791 = arith.addi %mul3A_352, %add3A_790 : i32
        %broadcast_in_dim3A_792 = vector.broadcast %add3A_791 : i32 to vector<16xi32>
        %broadcast_in_dim3A_793 = vector.broadcast %ge3A_781 : i1 to vector<16xi1>
        %add3A_794 = arith.constant 0 : i32
        %add3A_795 = vector.broadcast %add3A_794 : i32 to vector<16xi32>
        %add3A_796 = arith.addi %iota3A, %add3A_795 : vector<16xi32>
        %broadcast_in_dim3A_797 = vector.broadcast %select_n3A_785 : i32 to vector<16xi32>
        %gather3A_798 = arith.constant 4 : i32
        %gather3A_799 = arith.constant 0 : i32
        %gather3A_800 = arith.constant 0 : i32
        %gather3A_801 = tpu.memref_slice %arg15[%gather3A_798, %gather3A_799, %gather3A_800] : memref<8x64x128xf32, #tpu.memory_space<vmem>> -> memref<1x64x128xf32, #tpu.memory_space<vmem>>
        %gather3A_802 = tpu.memref_squeeze %gather3A_801 : memref<1x64x128xf32, #tpu.memory_space<vmem>> -> memref<64x128xf32, #tpu.memory_space<vmem>>
        %gather3A_803 = tpu.vector_load_idx %gather3A_802[%add3A_796, %broadcast_in_dim3A_797] : memref<64x128xf32, #tpu.memory_space<vmem>>[vector<16xi32>, vector<16xi32>], vector<16xf32>,
        %broadcast_in_dim3A_804 = vector.broadcast %select_n3A_789 : i32 to vector<16xi32>
        %gather3A_805 = tpu.vector_load_idx %arg14[%add3A_796, %broadcast_in_dim3A_804] : memref<64x128xf32, #tpu.memory_space<vmem>>[vector<16xi32>, vector<16xi32>], vector<16xf32>,
        %select_n3A_806 = arith.select %broadcast_in_dim3A_793, %gather3A_805, %gather3A_803 : vector<16xi1>, vector<16xf32>
        tpu.vector_store_idx %arg18[%add3A_796, %broadcast_in_dim3A_792], %select_n3A_806 : memref<64x128xf32, #tpu.memory_space<vmem>>[vector<16xi32>, vector<16xi32>], vector<16xf32>,
        %add3A_807 = arith.constant 16 : i32
        %add3A_808 = vector.broadcast %add3A_807 : i32 to vector<16xi32>
        %add3A_809 = arith.addi %iota3A, %add3A_808 : vector<16xi32>
        %broadcast_in_dim3A_810 = vector.broadcast %select_n3A_785 : i32 to vector<16xi32>
        %gather3A_811 = arith.constant 4 : i32
        %gather3A_812 = arith.constant 0 : i32
        %gather3A_813 = arith.constant 0 : i32
        %gather3A_814 = tpu.memref_slice %arg15[%gather3A_811, %gather3A_812, %gather3A_813] : memref<8x64x128xf32, #tpu.memory_space<vmem>> -> memref<1x64x128xf32, #tpu.memory_space<vmem>>
        %gather3A_815 = tpu.memref_squeeze %gather3A_814 : memref<1x64x128xf32, #tpu.memory_space<vmem>> -> memref<64x128xf32, #tpu.memory_space<vmem>>
        %gather3A_816 = tpu.vector_load_idx %gather3A_815[%add3A_809, %broadcast_in_dim3A_810] : memref<64x128xf32, #tpu.memory_space<vmem>>[vector<16xi32>, vector<16xi32>], vector<16xf32>,
        %broadcast_in_dim3A_817 = vector.broadcast %select_n3A_789 : i32 to vector<16xi32>
        %gather3A_818 = tpu.vector_load_idx %arg14[%add3A_809, %broadcast_in_dim3A_817] : memref<64x128xf32, #tpu.memory_space<vmem>>[vector<16xi32>, vector<16xi32>], vector<16xf32>,
        %select_n3A_819 = arith.select %broadcast_in_dim3A_793, %gather3A_818, %gather3A_816 : vector<16xi1>, vector<16xf32>
        tpu.vector_store_idx %arg18[%add3A_809, %broadcast_in_dim3A_792], %select_n3A_819 : memref<64x128xf32, #tpu.memory_space<vmem>>[vector<16xi32>, vector<16xi32>], vector<16xf32>,
        %add3A_820 = arith.constant 32 : i32
        %add3A_821 = vector.broadcast %add3A_820 : i32 to vector<16xi32>
        %add3A_822 = arith.addi %iota3A, %add3A_821 : vector<16xi32>
        %broadcast_in_dim3A_823 = vector.broadcast %select_n3A_785 : i32 to vector<16xi32>
        %gather3A_824 = arith.constant 4 : i32
        %gather3A_825 = arith.constant 0 : i32
        %gather3A_826 = arith.constant 0 : i32
        %gather3A_827 = tpu.memref_slice %arg15[%gather3A_824, %gather3A_825, %gather3A_826] : memref<8x64x128xf32, #tpu.memory_space<vmem>> -> memref<1x64x128xf32, #tpu.memory_space<vmem>>
        %gather3A_828 = tpu.memref_squeeze %gather3A_827 : memref<1x64x128xf32, #tpu.memory_space<vmem>> -> memref<64x128xf32, #tpu.memory_space<vmem>>
        %gather3A_829 = tpu.vector_load_idx %gather3A_828[%add3A_822, %broadcast_in_dim3A_823] : memref<64x128xf32, #tpu.memory_space<vmem>>[vector<16xi32>, vector<16xi32>], vector<16xf32>,
        %broadcast_in_dim3A_830 = vector.broadcast %select_n3A_789 : i32 to vector<16xi32>
        %gather3A_831 = tpu.vector_load_idx %arg14[%add3A_822, %broadcast_in_dim3A_830] : memref<64x128xf32, #tpu.memory_space<vmem>>[vector<16xi32>, vector<16xi32>], vector<16xf32>,
        %select_n3A_832 = arith.select %broadcast_in_dim3A_793, %gather3A_831, %gather3A_829 : vector<16xi1>, vector<16xf32>
        tpu.vector_store_idx %arg18[%add3A_822, %broadcast_in_dim3A_792], %select_n3A_832 : memref<64x128xf32, #tpu.memory_space<vmem>>[vector<16xi32>, vector<16xi32>], vector<16xf32>,
        %add3A_833 = arith.constant 48 : i32
        %add3A_834 = vector.broadcast %add3A_833 : i32 to vector<16xi32>
        %add3A_835 = arith.addi %iota3A, %add3A_834 : vector<16xi32>
        %broadcast_in_dim3A_836 = vector.broadcast %select_n3A_785 : i32 to vector<16xi32>
        %gather3A_837 = arith.constant 4 : i32
        %gather3A_838 = arith.constant 0 : i32
        %gather3A_839 = arith.constant 0 : i32
        %gather3A_840 = tpu.memref_slice %arg15[%gather3A_837, %gather3A_838, %gather3A_839] : memref<8x64x128xf32, #tpu.memory_space<vmem>> -> memref<1x64x128xf32, #tpu.memory_space<vmem>>
        %gather3A_841 = tpu.memref_squeeze %gather3A_840 : memref<1x64x128xf32, #tpu.memory_space<vmem>> -> memref<64x128xf32, #tpu.memory_space<vmem>>
        %gather3A_842 = tpu.vector_load_idx %gather3A_841[%add3A_835, %broadcast_in_dim3A_836] : memref<64x128xf32, #tpu.memory_space<vmem>>[vector<16xi32>, vector<16xi32>], vector<16xf32>,
        %broadcast_in_dim3A_843 = vector.broadcast %select_n3A_789 : i32 to vector<16xi32>
        %gather3A_844 = tpu.vector_load_idx %arg14[%add3A_835, %broadcast_in_dim3A_843] : memref<64x128xf32, #tpu.memory_space<vmem>>[vector<16xi32>, vector<16xi32>], vector<16xf32>,
        %select_n3A_845 = arith.select %broadcast_in_dim3A_793, %gather3A_844, %gather3A_842 : vector<16xi1>, vector<16xf32>
        tpu.vector_store_idx %arg18[%add3A_835, %broadcast_in_dim3A_792], %select_n3A_845 : memref<64x128xf32, #tpu.memory_space<vmem>>[vector<16xi32>, vector<16xi32>], vector<16xf32>,
        %slice3A_846 = vector.extract_strided_slice %get3A_344 {offsets = [12], sizes = [1], strides = [1]} : vector<16xi32> to vector<1xi32>
        %squeeze3A_847 = vector.extract %slice3A_846[0] : i32 from vector<1xi32>
        %shift_right_logical3A_848 = arith.constant 7 : i32
        %shift_right_logical3A_849 = arith.shrui %squeeze3A_847, %shift_right_logical3A_848 : i32
        %min3A_850 = arith.constant 7811 : i32
        %min3A_851 = arith.minsi %shift_right_logical3A_849, %min3A_850 : i32
        %mul3A_852 = arith.constant 128 : i32
        %mul3A_853 = arith.muli %min3A_851, %mul3A_852 : i32
        %dma_start3A_854 = arith.constant 4 : i32
        %dma_start3A_855 = arith.constant 0 : i32
        %dma_start3A_856 = arith.constant 0 : i32
        %dma_start3A_857 = tpu.memref_slice %arg15[%dma_start3A_854, %dma_start3A_855, %dma_start3A_856] : memref<8x64x128xf32, #tpu.memory_space<vmem>> -> memref<1x64x128xf32, #tpu.memory_space<vmem>>
        %dma_start3A_858 = tpu.memref_squeeze %dma_start3A_857 : memref<1x64x128xf32, #tpu.memory_space<vmem>> -> memref<64x128xf32, #tpu.memory_space<vmem>>
        %dma_start3A_859 = arith.constant 0 : i32
        %dma_start3A_860 = tpu.memref_slice %arg4[%dma_start3A_859, %mul3A_853] : memref<64x1000000xf32, #tpu.memory_space<hbm>> -> memref<64x128xf32, #tpu.memory_space<hbm>>
        %dma_start3A_861 = arith.constant 0 : i32
        %dma_start3A_862 = arith.constant 0 : i32
        %dma_start3A_863 = tpu.memref_slice %arg15[%dma_start3A_854, %dma_start3A_861, %dma_start3A_862] : memref<8x64x128xf32, #tpu.memory_space<vmem>> -> memref<1x64x128xf32, #tpu.memory_space<vmem>>
        %dma_start3A_864 = tpu.memref_squeeze %dma_start3A_863 : memref<1x64x128xf32, #tpu.memory_space<vmem>> -> memref<64x128xf32, #tpu.memory_space<vmem>>
        %dma_start3A_865 = arith.constant 0 : i32
        %dma_start3A_866 = tpu.memref_slice %arg4[%dma_start3A_865, %mul3A_853] : memref<64x1000000xf32, #tpu.memory_space<hbm>> -> memref<64x128xf32, #tpu.memory_space<hbm>>
        tpu.enqueue_dma source(%dma_start3A_866 : memref<64x128xf32, #tpu.memory_space<hbm>>) target(%dma_start3A_864 : memref<64x128xf32, #tpu.memory_space<vmem>>) target_semaphore(%arg27 : memref<!tpu.dma_semaphore, #tpu.memory_space<semaphore_mem>>)
        %dma_wait3A_867 = arith.constant 5 : i32
        %dma_wait3A_868 = arith.constant 0 : i32
        %dma_wait3A_869 = arith.constant 0 : i32
        %dma_wait3A_870 = tpu.memref_slice %arg15[%dma_wait3A_867, %dma_wait3A_868, %dma_wait3A_869] : memref<8x64x128xf32, #tpu.memory_space<vmem>> -> memref<1x64x128xf32, #tpu.memory_space<vmem>>
        %dma_wait3A_871 = tpu.memref_squeeze %dma_wait3A_870 : memref<1x64x128xf32, #tpu.memory_space<vmem>> -> memref<64x128xf32, #tpu.memory_space<vmem>>
        %dma_wait3A_872 = arith.constant 0 : i32
        %dma_wait3A_873 = arith.constant 0 : i32
        %dma_wait3A_874 = tpu.memref_slice %arg4[%dma_wait3A_872, %dma_wait3A_873] : memref<64x1000000xf32, #tpu.memory_space<hbm>> -> memref<64x128xf32, #tpu.memory_space<hbm>>
        %dma_wait3A_875 = arith.constant 0 : i32
        %dma_wait3A_876 = arith.constant 0 : i32
        %dma_wait3A_877 = tpu.memref_slice %arg15[%dma_wait3A_867, %dma_wait3A_875, %dma_wait3A_876] : memref<8x64x128xf32, #tpu.memory_space<vmem>> -> memref<1x64x128xf32, #tpu.memory_space<vmem>>
        %dma_wait3A_878 = tpu.memref_squeeze %dma_wait3A_877 : memref<1x64x128xf32, #tpu.memory_space<vmem>> -> memref<64x128xf32, #tpu.memory_space<vmem>>
        %dma_wait3A_879 = arith.constant 0 : i32
        %dma_wait3A_880 = arith.constant 0 : i32
        %dma_wait3A_881 = tpu.memref_slice %arg4[%dma_wait3A_879, %dma_wait3A_880] : memref<64x1000000xf32, #tpu.memory_space<hbm>> -> memref<64x128xf32, #tpu.memory_space<hbm>>
        tpu.wait_dma2 semaphore(%arg28 : memref<!tpu.dma_semaphore, #tpu.memory_space<semaphore_mem>>) src(%dma_wait3A_881 : memref<64x128xf32, #tpu.memory_space<hbm>>) dst(%dma_wait3A_878 : memref<64x128xf32, #tpu.memory_space<vmem>>)
        %slice3A_882 = vector.extract_strided_slice %get3A_344 {offsets = [5], sizes = [1], strides = [1]} : vector<16xi32> to vector<1xi32>
        %squeeze3A_883 = vector.extract %slice3A_882[0] : i32 from vector<1xi32>
        %ge3A_884 = arith.constant 999936 : i32
        %ge3A_885 = arith.cmpi sge, %squeeze3A_883, %ge3A_884 : i32
        %and3A_886 = arith.constant 127 : i32
        %and3A_887 = arith.andi %squeeze3A_883, %and3A_886 : i32
        %jit3A_888 = arith.constant 0 : i32
        %select_n3A_889 = arith.select %ge3A_885, %jit3A_888, %and3A_887 : i32
        %sub3A_890 = arith.constant 999936 : i32
        %sub3A_891 = arith.subi %squeeze3A_883, %sub3A_890 : i32
        %jit3A_892 = arith.constant 0 : i32
        %select_n3A_893 = arith.select %ge3A_885, %sub3A_891, %jit3A_892 : i32
        %add3A_894 = arith.constant 5 : i32
        %add3A_895 = arith.addi %mul3A_352, %add3A_894 : i32
        %broadcast_in_dim3A_896 = vector.broadcast %add3A_895 : i32 to vector<16xi32>
        %broadcast_in_dim3A_897 = vector.broadcast %ge3A_885 : i1 to vector<16xi1>
        %add3A_898 = arith.constant 0 : i32
        %add3A_899 = vector.broadcast %add3A_898 : i32 to vector<16xi32>
        %add3A_900 = arith.addi %iota3A, %add3A_899 : vector<16xi32>
        %broadcast_in_dim3A_901 = vector.broadcast %select_n3A_889 : i32 to vector<16xi32>
        %gather3A_902 = arith.constant 5 : i32
        %gather3A_903 = arith.constant 0 : i32
        %gather3A_904 = arith.constant 0 : i32
        %gather3A_905 = tpu.memref_slice %arg15[%gather3A_902, %gather3A_903, %gather3A_904] : memref<8x64x128xf32, #tpu.memory_space<vmem>> -> memref<1x64x128xf32, #tpu.memory_space<vmem>>
        %gather3A_906 = tpu.memref_squeeze %gather3A_905 : memref<1x64x128xf32, #tpu.memory_space<vmem>> -> memref<64x128xf32, #tpu.memory_space<vmem>>
        %gather3A_907 = tpu.vector_load_idx %gather3A_906[%add3A_900, %broadcast_in_dim3A_901] : memref<64x128xf32, #tpu.memory_space<vmem>>[vector<16xi32>, vector<16xi32>], vector<16xf32>,
        %broadcast_in_dim3A_908 = vector.broadcast %select_n3A_893 : i32 to vector<16xi32>
        %gather3A_909 = tpu.vector_load_idx %arg14[%add3A_900, %broadcast_in_dim3A_908] : memref<64x128xf32, #tpu.memory_space<vmem>>[vector<16xi32>, vector<16xi32>], vector<16xf32>,
        %select_n3A_910 = arith.select %broadcast_in_dim3A_897, %gather3A_909, %gather3A_907 : vector<16xi1>, vector<16xf32>
        tpu.vector_store_idx %arg18[%add3A_900, %broadcast_in_dim3A_896], %select_n3A_910 : memref<64x128xf32, #tpu.memory_space<vmem>>[vector<16xi32>, vector<16xi32>], vector<16xf32>,
        %add3A_911 = arith.constant 16 : i32
        %add3A_912 = vector.broadcast %add3A_911 : i32 to vector<16xi32>
        %add3A_913 = arith.addi %iota3A, %add3A_912 : vector<16xi32>
        %broadcast_in_dim3A_914 = vector.broadcast %select_n3A_889 : i32 to vector<16xi32>
        %gather3A_915 = arith.constant 5 : i32
        %gather3A_916 = arith.constant 0 : i32
        %gather3A_917 = arith.constant 0 : i32
        %gather3A_918 = tpu.memref_slice %arg15[%gather3A_915, %gather3A_916, %gather3A_917] : memref<8x64x128xf32, #tpu.memory_space<vmem>> -> memref<1x64x128xf32, #tpu.memory_space<vmem>>
        %gather3A_919 = tpu.memref_squeeze %gather3A_918 : memref<1x64x128xf32, #tpu.memory_space<vmem>> -> memref<64x128xf32, #tpu.memory_space<vmem>>
        %gather3A_920 = tpu.vector_load_idx %gather3A_919[%add3A_913, %broadcast_in_dim3A_914] : memref<64x128xf32, #tpu.memory_space<vmem>>[vector<16xi32>, vector<16xi32>], vector<16xf32>,
        %broadcast_in_dim3A_921 = vector.broadcast %select_n3A_893 : i32 to vector<16xi32>
        %gather3A_922 = tpu.vector_load_idx %arg14[%add3A_913, %broadcast_in_dim3A_921] : memref<64x128xf32, #tpu.memory_space<vmem>>[vector<16xi32>, vector<16xi32>], vector<16xf32>,
        %select_n3A_923 = arith.select %broadcast_in_dim3A_897, %gather3A_922, %gather3A_920 : vector<16xi1>, vector<16xf32>
        tpu.vector_store_idx %arg18[%add3A_913, %broadcast_in_dim3A_896], %select_n3A_923 : memref<64x128xf32, #tpu.memory_space<vmem>>[vector<16xi32>, vector<16xi32>], vector<16xf32>,
        %add3A_924 = arith.constant 32 : i32
        %add3A_925 = vector.broadcast %add3A_924 : i32 to vector<16xi32>
        %add3A_926 = arith.addi %iota3A, %add3A_925 : vector<16xi32>
        %broadcast_in_dim3A_927 = vector.broadcast %select_n3A_889 : i32 to vector<16xi32>
        %gather3A_928 = arith.constant 5 : i32
        %gather3A_929 = arith.constant 0 : i32
        %gather3A_930 = arith.constant 0 : i32
        %gather3A_931 = tpu.memref_slice %arg15[%gather3A_928, %gather3A_929, %gather3A_930] : memref<8x64x128xf32, #tpu.memory_space<vmem>> -> memref<1x64x128xf32, #tpu.memory_space<vmem>>
        %gather3A_932 = tpu.memref_squeeze %gather3A_931 : memref<1x64x128xf32, #tpu.memory_space<vmem>> -> memref<64x128xf32, #tpu.memory_space<vmem>>
        %gather3A_933 = tpu.vector_load_idx %gather3A_932[%add3A_926, %broadcast_in_dim3A_927] : memref<64x128xf32, #tpu.memory_space<vmem>>[vector<16xi32>, vector<16xi32>], vector<16xf32>,
        %broadcast_in_dim3A_934 = vector.broadcast %select_n3A_893 : i32 to vector<16xi32>
        %gather3A_935 = tpu.vector_load_idx %arg14[%add3A_926, %broadcast_in_dim3A_934] : memref<64x128xf32, #tpu.memory_space<vmem>>[vector<16xi32>, vector<16xi32>], vector<16xf32>,
        %select_n3A_936 = arith.select %broadcast_in_dim3A_897, %gather3A_935, %gather3A_933 : vector<16xi1>, vector<16xf32>
        tpu.vector_store_idx %arg18[%add3A_926, %broadcast_in_dim3A_896], %select_n3A_936 : memref<64x128xf32, #tpu.memory_space<vmem>>[vector<16xi32>, vector<16xi32>], vector<16xf32>,
        %add3A_937 = arith.constant 48 : i32
        %add3A_938 = vector.broadcast %add3A_937 : i32 to vector<16xi32>
        %add3A_939 = arith.addi %iota3A, %add3A_938 : vector<16xi32>
        %broadcast_in_dim3A_940 = vector.broadcast %select_n3A_889 : i32 to vector<16xi32>
        %gather3A_941 = arith.constant 5 : i32
        %gather3A_942 = arith.constant 0 : i32
        %gather3A_943 = arith.constant 0 : i32
        %gather3A_944 = tpu.memref_slice %arg15[%gather3A_941, %gather3A_942, %gather3A_943] : memref<8x64x128xf32, #tpu.memory_space<vmem>> -> memref<1x64x128xf32, #tpu.memory_space<vmem>>
        %gather3A_945 = tpu.memref_squeeze %gather3A_944 : memref<1x64x128xf32, #tpu.memory_space<vmem>> -> memref<64x128xf32, #tpu.memory_space<vmem>>
        %gather3A_946 = tpu.vector_load_idx %gather3A_945[%add3A_939, %broadcast_in_dim3A_940] : memref<64x128xf32, #tpu.memory_space<vmem>>[vector<16xi32>, vector<16xi32>], vector<16xf32>,
        %broadcast_in_dim3A_947 = vector.broadcast %select_n3A_893 : i32 to vector<16xi32>
        %gather3A_948 = tpu.vector_load_idx %arg14[%add3A_939, %broadcast_in_dim3A_947] : memref<64x128xf32, #tpu.memory_space<vmem>>[vector<16xi32>, vector<16xi32>], vector<16xf32>,
        %select_n3A_949 = arith.select %broadcast_in_dim3A_897, %gather3A_948, %gather3A_946 : vector<16xi1>, vector<16xf32>
        tpu.vector_store_idx %arg18[%add3A_939, %broadcast_in_dim3A_896], %select_n3A_949 : memref<64x128xf32, #tpu.memory_space<vmem>>[vector<16xi32>, vector<16xi32>], vector<16xf32>,
        %slice3A_950 = vector.extract_strided_slice %get3A_344 {offsets = [13], sizes = [1], strides = [1]} : vector<16xi32> to vector<1xi32>
        %squeeze3A_951 = vector.extract %slice3A_950[0] : i32 from vector<1xi32>
        %shift_right_logical3A_952 = arith.constant 7 : i32
        %shift_right_logical3A_953 = arith.shrui %squeeze3A_951, %shift_right_logical3A_952 : i32
        %min3A_954 = arith.constant 7811 : i32
        %min3A_955 = arith.minsi %shift_right_logical3A_953, %min3A_954 : i32
        %mul3A_956 = arith.constant 128 : i32
        %mul3A_957 = arith.muli %min3A_955, %mul3A_956 : i32
        %dma_start3A_958 = arith.constant 5 : i32
        %dma_start3A_959 = arith.constant 0 : i32
        %dma_start3A_960 = arith.constant 0 : i32
        %dma_start3A_961 = tpu.memref_slice %arg15[%dma_start3A_958, %dma_start3A_959, %dma_start3A_960] : memref<8x64x128xf32, #tpu.memory_space<vmem>> -> memref<1x64x128xf32, #tpu.memory_space<vmem>>
        %dma_start3A_962 = tpu.memref_squeeze %dma_start3A_961 : memref<1x64x128xf32, #tpu.memory_space<vmem>> -> memref<64x128xf32, #tpu.memory_space<vmem>>
        %dma_start3A_963 = arith.constant 0 : i32
        %dma_start3A_964 = tpu.memref_slice %arg4[%dma_start3A_963, %mul3A_957] : memref<64x1000000xf32, #tpu.memory_space<hbm>> -> memref<64x128xf32, #tpu.memory_space<hbm>>
        %dma_start3A_965 = arith.constant 0 : i32
        %dma_start3A_966 = arith.constant 0 : i32
        %dma_start3A_967 = tpu.memref_slice %arg15[%dma_start3A_958, %dma_start3A_965, %dma_start3A_966] : memref<8x64x128xf32, #tpu.memory_space<vmem>> -> memref<1x64x128xf32, #tpu.memory_space<vmem>>
        %dma_start3A_968 = tpu.memref_squeeze %dma_start3A_967 : memref<1x64x128xf32, #tpu.memory_space<vmem>> -> memref<64x128xf32, #tpu.memory_space<vmem>>
        %dma_start3A_969 = arith.constant 0 : i32
        %dma_start3A_970 = tpu.memref_slice %arg4[%dma_start3A_969, %mul3A_957] : memref<64x1000000xf32, #tpu.memory_space<hbm>> -> memref<64x128xf32, #tpu.memory_space<hbm>>
        tpu.enqueue_dma source(%dma_start3A_970 : memref<64x128xf32, #tpu.memory_space<hbm>>) target(%dma_start3A_968 : memref<64x128xf32, #tpu.memory_space<vmem>>) target_semaphore(%arg28 : memref<!tpu.dma_semaphore, #tpu.memory_space<semaphore_mem>>)
        %dma_wait3A_971 = arith.constant 6 : i32
        %dma_wait3A_972 = arith.constant 0 : i32
        %dma_wait3A_973 = arith.constant 0 : i32
        %dma_wait3A_974 = tpu.memref_slice %arg15[%dma_wait3A_971, %dma_wait3A_972, %dma_wait3A_973] : memref<8x64x128xf32, #tpu.memory_space<vmem>> -> memref<1x64x128xf32, #tpu.memory_space<vmem>>
        %dma_wait3A_975 = tpu.memref_squeeze %dma_wait3A_974 : memref<1x64x128xf32, #tpu.memory_space<vmem>> -> memref<64x128xf32, #tpu.memory_space<vmem>>
        %dma_wait3A_976 = arith.constant 0 : i32
        %dma_wait3A_977 = arith.constant 0 : i32
        %dma_wait3A_978 = tpu.memref_slice %arg4[%dma_wait3A_976, %dma_wait3A_977] : memref<64x1000000xf32, #tpu.memory_space<hbm>> -> memref<64x128xf32, #tpu.memory_space<hbm>>
        %dma_wait3A_979 = arith.constant 0 : i32
        %dma_wait3A_980 = arith.constant 0 : i32
        %dma_wait3A_981 = tpu.memref_slice %arg15[%dma_wait3A_971, %dma_wait3A_979, %dma_wait3A_980] : memref<8x64x128xf32, #tpu.memory_space<vmem>> -> memref<1x64x128xf32, #tpu.memory_space<vmem>>
        %dma_wait3A_982 = tpu.memref_squeeze %dma_wait3A_981 : memref<1x64x128xf32, #tpu.memory_space<vmem>> -> memref<64x128xf32, #tpu.memory_space<vmem>>
        %dma_wait3A_983 = arith.constant 0 : i32
        %dma_wait3A_984 = arith.constant 0 : i32
        %dma_wait3A_985 = tpu.memref_slice %arg4[%dma_wait3A_983, %dma_wait3A_984] : memref<64x1000000xf32, #tpu.memory_space<hbm>> -> memref<64x128xf32, #tpu.memory_space<hbm>>
        tpu.wait_dma2 semaphore(%arg29 : memref<!tpu.dma_semaphore, #tpu.memory_space<semaphore_mem>>) src(%dma_wait3A_985 : memref<64x128xf32, #tpu.memory_space<hbm>>) dst(%dma_wait3A_982 : memref<64x128xf32, #tpu.memory_space<vmem>>)
        %slice3A_986 = vector.extract_strided_slice %get3A_344 {offsets = [6], sizes = [1], strides = [1]} : vector<16xi32> to vector<1xi32>
        %squeeze3A_987 = vector.extract %slice3A_986[0] : i32 from vector<1xi32>
        %ge3A_988 = arith.constant 999936 : i32
        %ge3A_989 = arith.cmpi sge, %squeeze3A_987, %ge3A_988 : i32
        %and3A_990 = arith.constant 127 : i32
        %and3A_991 = arith.andi %squeeze3A_987, %and3A_990 : i32
        %jit3A_992 = arith.constant 0 : i32
        %select_n3A_993 = arith.select %ge3A_989, %jit3A_992, %and3A_991 : i32
        %sub3A_994 = arith.constant 999936 : i32
        %sub3A_995 = arith.subi %squeeze3A_987, %sub3A_994 : i32
        %jit3A_996 = arith.constant 0 : i32
        %select_n3A_997 = arith.select %ge3A_989, %sub3A_995, %jit3A_996 : i32
        %add3A_998 = arith.constant 6 : i32
        %add3A_999 = arith.addi %mul3A_352, %add3A_998 : i32
        %broadcast_in_dim3A_1000 = vector.broadcast %add3A_999 : i32 to vector<16xi32>
        %broadcast_in_dim3A_1001 = vector.broadcast %ge3A_989 : i1 to vector<16xi1>
        %add3A_1002 = arith.constant 0 : i32
        %add3A_1003 = vector.broadcast %add3A_1002 : i32 to vector<16xi32>
        %add3A_1004 = arith.addi %iota3A, %add3A_1003 : vector<16xi32>
        %broadcast_in_dim3A_1005 = vector.broadcast %select_n3A_993 : i32 to vector<16xi32>
        %gather3A_1006 = arith.constant 6 : i32
        %gather3A_1007 = arith.constant 0 : i32
        %gather3A_1008 = arith.constant 0 : i32
        %gather3A_1009 = tpu.memref_slice %arg15[%gather3A_1006, %gather3A_1007, %gather3A_1008] : memref<8x64x128xf32, #tpu.memory_space<vmem>> -> memref<1x64x128xf32, #tpu.memory_space<vmem>>
        %gather3A_1010 = tpu.memref_squeeze %gather3A_1009 : memref<1x64x128xf32, #tpu.memory_space<vmem>> -> memref<64x128xf32, #tpu.memory_space<vmem>>
        %gather3A_1011 = tpu.vector_load_idx %gather3A_1010[%add3A_1004, %broadcast_in_dim3A_1005] : memref<64x128xf32, #tpu.memory_space<vmem>>[vector<16xi32>, vector<16xi32>], vector<16xf32>,
        %broadcast_in_dim3A_1012 = vector.broadcast %select_n3A_997 : i32 to vector<16xi32>
        %gather3A_1013 = tpu.vector_load_idx %arg14[%add3A_1004, %broadcast_in_dim3A_1012] : memref<64x128xf32, #tpu.memory_space<vmem>>[vector<16xi32>, vector<16xi32>], vector<16xf32>,
        %select_n3A_1014 = arith.select %broadcast_in_dim3A_1001, %gather3A_1013, %gather3A_1011 : vector<16xi1>, vector<16xf32>
        tpu.vector_store_idx %arg18[%add3A_1004, %broadcast_in_dim3A_1000], %select_n3A_1014 : memref<64x128xf32, #tpu.memory_space<vmem>>[vector<16xi32>, vector<16xi32>], vector<16xf32>,
        %add3A_1015 = arith.constant 16 : i32
        %add3A_1016 = vector.broadcast %add3A_1015 : i32 to vector<16xi32>
        %add3A_1017 = arith.addi %iota3A, %add3A_1016 : vector<16xi32>
        %broadcast_in_dim3A_1018 = vector.broadcast %select_n3A_993 : i32 to vector<16xi32>
        %gather3A_1019 = arith.constant 6 : i32
        %gather3A_1020 = arith.constant 0 : i32
        %gather3A_1021 = arith.constant 0 : i32
        %gather3A_1022 = tpu.memref_slice %arg15[%gather3A_1019, %gather3A_1020, %gather3A_1021] : memref<8x64x128xf32, #tpu.memory_space<vmem>> -> memref<1x64x128xf32, #tpu.memory_space<vmem>>
        %gather3A_1023 = tpu.memref_squeeze %gather3A_1022 : memref<1x64x128xf32, #tpu.memory_space<vmem>> -> memref<64x128xf32, #tpu.memory_space<vmem>>
        %gather3A_1024 = tpu.vector_load_idx %gather3A_1023[%add3A_1017, %broadcast_in_dim3A_1018] : memref<64x128xf32, #tpu.memory_space<vmem>>[vector<16xi32>, vector<16xi32>], vector<16xf32>,
        %broadcast_in_dim3A_1025 = vector.broadcast %select_n3A_997 : i32 to vector<16xi32>
        %gather3A_1026 = tpu.vector_load_idx %arg14[%add3A_1017, %broadcast_in_dim3A_1025] : memref<64x128xf32, #tpu.memory_space<vmem>>[vector<16xi32>, vector<16xi32>], vector<16xf32>,
        %select_n3A_1027 = arith.select %broadcast_in_dim3A_1001, %gather3A_1026, %gather3A_1024 : vector<16xi1>, vector<16xf32>
        tpu.vector_store_idx %arg18[%add3A_1017, %broadcast_in_dim3A_1000], %select_n3A_1027 : memref<64x128xf32, #tpu.memory_space<vmem>>[vector<16xi32>, vector<16xi32>], vector<16xf32>,
        %add3A_1028 = arith.constant 32 : i32
        %add3A_1029 = vector.broadcast %add3A_1028 : i32 to vector<16xi32>
        %add3A_1030 = arith.addi %iota3A, %add3A_1029 : vector<16xi32>
        %broadcast_in_dim3A_1031 = vector.broadcast %select_n3A_993 : i32 to vector<16xi32>
        %gather3A_1032 = arith.constant 6 : i32
        %gather3A_1033 = arith.constant 0 : i32
        %gather3A_1034 = arith.constant 0 : i32
        %gather3A_1035 = tpu.memref_slice %arg15[%gather3A_1032, %gather3A_1033, %gather3A_1034] : memref<8x64x128xf32, #tpu.memory_space<vmem>> -> memref<1x64x128xf32, #tpu.memory_space<vmem>>
        %gather3A_1036 = tpu.memref_squeeze %gather3A_1035 : memref<1x64x128xf32, #tpu.memory_space<vmem>> -> memref<64x128xf32, #tpu.memory_space<vmem>>
        %gather3A_1037 = tpu.vector_load_idx %gather3A_1036[%add3A_1030, %broadcast_in_dim3A_1031] : memref<64x128xf32, #tpu.memory_space<vmem>>[vector<16xi32>, vector<16xi32>], vector<16xf32>,
        %broadcast_in_dim3A_1038 = vector.broadcast %select_n3A_997 : i32 to vector<16xi32>
        %gather3A_1039 = tpu.vector_load_idx %arg14[%add3A_1030, %broadcast_in_dim3A_1038] : memref<64x128xf32, #tpu.memory_space<vmem>>[vector<16xi32>, vector<16xi32>], vector<16xf32>,
        %select_n3A_1040 = arith.select %broadcast_in_dim3A_1001, %gather3A_1039, %gather3A_1037 : vector<16xi1>, vector<16xf32>
        tpu.vector_store_idx %arg18[%add3A_1030, %broadcast_in_dim3A_1000], %select_n3A_1040 : memref<64x128xf32, #tpu.memory_space<vmem>>[vector<16xi32>, vector<16xi32>], vector<16xf32>,
        %add3A_1041 = arith.constant 48 : i32
        %add3A_1042 = vector.broadcast %add3A_1041 : i32 to vector<16xi32>
        %add3A_1043 = arith.addi %iota3A, %add3A_1042 : vector<16xi32>
        %broadcast_in_dim3A_1044 = vector.broadcast %select_n3A_993 : i32 to vector<16xi32>
        %gather3A_1045 = arith.constant 6 : i32
        %gather3A_1046 = arith.constant 0 : i32
        %gather3A_1047 = arith.constant 0 : i32
        %gather3A_1048 = tpu.memref_slice %arg15[%gather3A_1045, %gather3A_1046, %gather3A_1047] : memref<8x64x128xf32, #tpu.memory_space<vmem>> -> memref<1x64x128xf32, #tpu.memory_space<vmem>>
        %gather3A_1049 = tpu.memref_squeeze %gather3A_1048 : memref<1x64x128xf32, #tpu.memory_space<vmem>> -> memref<64x128xf32, #tpu.memory_space<vmem>>
        %gather3A_1050 = tpu.vector_load_idx %gather3A_1049[%add3A_1043, %broadcast_in_dim3A_1044] : memref<64x128xf32, #tpu.memory_space<vmem>>[vector<16xi32>, vector<16xi32>], vector<16xf32>,
        %broadcast_in_dim3A_1051 = vector.broadcast %select_n3A_997 : i32 to vector<16xi32>
        %gather3A_1052 = tpu.vector_load_idx %arg14[%add3A_1043, %broadcast_in_dim3A_1051] : memref<64x128xf32, #tpu.memory_space<vmem>>[vector<16xi32>, vector<16xi32>], vector<16xf32>,
        %select_n3A_1053 = arith.select %broadcast_in_dim3A_1001, %gather3A_1052, %gather3A_1050 : vector<16xi1>, vector<16xf32>
        tpu.vector_store_idx %arg18[%add3A_1043, %broadcast_in_dim3A_1000], %select_n3A_1053 : memref<64x128xf32, #tpu.memory_space<vmem>>[vector<16xi32>, vector<16xi32>], vector<16xf32>,
        %slice3A_1054 = vector.extract_strided_slice %get3A_344 {offsets = [14], sizes = [1], strides = [1]} : vector<16xi32> to vector<1xi32>
        %squeeze3A_1055 = vector.extract %slice3A_1054[0] : i32 from vector<1xi32>
        %shift_right_logical3A_1056 = arith.constant 7 : i32
        %shift_right_logical3A_1057 = arith.shrui %squeeze3A_1055, %shift_right_logical3A_1056 : i32
        %min3A_1058 = arith.constant 7811 : i32
        %min3A_1059 = arith.minsi %shift_right_logical3A_1057, %min3A_1058 : i32
        %mul3A_1060 = arith.constant 128 : i32
        %mul3A_1061 = arith.muli %min3A_1059, %mul3A_1060 : i32
        %dma_start3A_1062 = arith.constant 6 : i32
        %dma_start3A_1063 = arith.constant 0 : i32
        %dma_start3A_1064 = arith.constant 0 : i32
        %dma_start3A_1065 = tpu.memref_slice %arg15[%dma_start3A_1062, %dma_start3A_1063, %dma_start3A_1064] : memref<8x64x128xf32, #tpu.memory_space<vmem>> -> memref<1x64x128xf32, #tpu.memory_space<vmem>>
        %dma_start3A_1066 = tpu.memref_squeeze %dma_start3A_1065 : memref<1x64x128xf32, #tpu.memory_space<vmem>> -> memref<64x128xf32, #tpu.memory_space<vmem>>
        %dma_start3A_1067 = arith.constant 0 : i32
        %dma_start3A_1068 = tpu.memref_slice %arg4[%dma_start3A_1067, %mul3A_1061] : memref<64x1000000xf32, #tpu.memory_space<hbm>> -> memref<64x128xf32, #tpu.memory_space<hbm>>
        %dma_start3A_1069 = arith.constant 0 : i32
        %dma_start3A_1070 = arith.constant 0 : i32
        %dma_start3A_1071 = tpu.memref_slice %arg15[%dma_start3A_1062, %dma_start3A_1069, %dma_start3A_1070] : memref<8x64x128xf32, #tpu.memory_space<vmem>> -> memref<1x64x128xf32, #tpu.memory_space<vmem>>
        %dma_start3A_1072 = tpu.memref_squeeze %dma_start3A_1071 : memref<1x64x128xf32, #tpu.memory_space<vmem>> -> memref<64x128xf32, #tpu.memory_space<vmem>>
        %dma_start3A_1073 = arith.constant 0 : i32
        %dma_start3A_1074 = tpu.memref_slice %arg4[%dma_start3A_1073, %mul3A_1061] : memref<64x1000000xf32, #tpu.memory_space<hbm>> -> memref<64x128xf32, #tpu.memory_space<hbm>>
        tpu.enqueue_dma source(%dma_start3A_1074 : memref<64x128xf32, #tpu.memory_space<hbm>>) target(%dma_start3A_1072 : memref<64x128xf32, #tpu.memory_space<vmem>>) target_semaphore(%arg29 : memref<!tpu.dma_semaphore, #tpu.memory_space<semaphore_mem>>)
        %dma_wait3A_1075 = arith.constant 7 : i32
        %dma_wait3A_1076 = arith.constant 0 : i32
        %dma_wait3A_1077 = arith.constant 0 : i32
        %dma_wait3A_1078 = tpu.memref_slice %arg15[%dma_wait3A_1075, %dma_wait3A_1076, %dma_wait3A_1077] : memref<8x64x128xf32, #tpu.memory_space<vmem>> -> memref<1x64x128xf32, #tpu.memory_space<vmem>>
        %dma_wait3A_1079 = tpu.memref_squeeze %dma_wait3A_1078 : memref<1x64x128xf32, #tpu.memory_space<vmem>> -> memref<64x128xf32, #tpu.memory_space<vmem>>
        %dma_wait3A_1080 = arith.constant 0 : i32
        %dma_wait3A_1081 = arith.constant 0 : i32
        %dma_wait3A_1082 = tpu.memref_slice %arg4[%dma_wait3A_1080, %dma_wait3A_1081] : memref<64x1000000xf32, #tpu.memory_space<hbm>> -> memref<64x128xf32, #tpu.memory_space<hbm>>
        %dma_wait3A_1083 = arith.constant 0 : i32
        %dma_wait3A_1084 = arith.constant 0 : i32
        %dma_wait3A_1085 = tpu.memref_slice %arg15[%dma_wait3A_1075, %dma_wait3A_1083, %dma_wait3A_1084] : memref<8x64x128xf32, #tpu.memory_space<vmem>> -> memref<1x64x128xf32, #tpu.memory_space<vmem>>
        %dma_wait3A_1086 = tpu.memref_squeeze %dma_wait3A_1085 : memref<1x64x128xf32, #tpu.memory_space<vmem>> -> memref<64x128xf32, #tpu.memory_space<vmem>>
        %dma_wait3A_1087 = arith.constant 0 : i32
        %dma_wait3A_1088 = arith.constant 0 : i32
        %dma_wait3A_1089 = tpu.memref_slice %arg4[%dma_wait3A_1087, %dma_wait3A_1088] : memref<64x1000000xf32, #tpu.memory_space<hbm>> -> memref<64x128xf32, #tpu.memory_space<hbm>>
        tpu.wait_dma2 semaphore(%arg30 : memref<!tpu.dma_semaphore, #tpu.memory_space<semaphore_mem>>) src(%dma_wait3A_1089 : memref<64x128xf32, #tpu.memory_space<hbm>>) dst(%dma_wait3A_1086 : memref<64x128xf32, #tpu.memory_space<vmem>>)
        %slice3A_1090 = vector.extract_strided_slice %get3A_344 {offsets = [7], sizes = [1], strides = [1]} : vector<16xi32> to vector<1xi32>
        %squeeze3A_1091 = vector.extract %slice3A_1090[0] : i32 from vector<1xi32>
        %ge3A_1092 = arith.constant 999936 : i32
        %ge3A_1093 = arith.cmpi sge, %squeeze3A_1091, %ge3A_1092 : i32
        %and3A_1094 = arith.constant 127 : i32
        %and3A_1095 = arith.andi %squeeze3A_1091, %and3A_1094 : i32
        %jit3A_1096 = arith.constant 0 : i32
        %select_n3A_1097 = arith.select %ge3A_1093, %jit3A_1096, %and3A_1095 : i32
        %sub3A_1098 = arith.constant 999936 : i32
        %sub3A_1099 = arith.subi %squeeze3A_1091, %sub3A_1098 : i32
        %jit3A_1100 = arith.constant 0 : i32
        %select_n3A_1101 = arith.select %ge3A_1093, %sub3A_1099, %jit3A_1100 : i32
        %add3A_1102 = arith.constant 7 : i32
        %add3A_1103 = arith.addi %mul3A_352, %add3A_1102 : i32
        %broadcast_in_dim3A_1104 = vector.broadcast %add3A_1103 : i32 to vector<16xi32>
        %broadcast_in_dim3A_1105 = vector.broadcast %ge3A_1093 : i1 to vector<16xi1>
        %add3A_1106 = arith.constant 0 : i32
        %add3A_1107 = vector.broadcast %add3A_1106 : i32 to vector<16xi32>
        %add3A_1108 = arith.addi %iota3A, %add3A_1107 : vector<16xi32>
        %broadcast_in_dim3A_1109 = vector.broadcast %select_n3A_1097 : i32 to vector<16xi32>
        %gather3A_1110 = arith.constant 7 : i32
        %gather3A_1111 = arith.constant 0 : i32
        %gather3A_1112 = arith.constant 0 : i32
        %gather3A_1113 = tpu.memref_slice %arg15[%gather3A_1110, %gather3A_1111, %gather3A_1112] : memref<8x64x128xf32, #tpu.memory_space<vmem>> -> memref<1x64x128xf32, #tpu.memory_space<vmem>>
        %gather3A_1114 = tpu.memref_squeeze %gather3A_1113 : memref<1x64x128xf32, #tpu.memory_space<vmem>> -> memref<64x128xf32, #tpu.memory_space<vmem>>
        %gather3A_1115 = tpu.vector_load_idx %gather3A_1114[%add3A_1108, %broadcast_in_dim3A_1109] : memref<64x128xf32, #tpu.memory_space<vmem>>[vector<16xi32>, vector<16xi32>], vector<16xf32>,
        %broadcast_in_dim3A_1116 = vector.broadcast %select_n3A_1101 : i32 to vector<16xi32>
        %gather3A_1117 = tpu.vector_load_idx %arg14[%add3A_1108, %broadcast_in_dim3A_1116] : memref<64x128xf32, #tpu.memory_space<vmem>>[vector<16xi32>, vector<16xi32>], vector<16xf32>,
        %select_n3A_1118 = arith.select %broadcast_in_dim3A_1105, %gather3A_1117, %gather3A_1115 : vector<16xi1>, vector<16xf32>
        tpu.vector_store_idx %arg18[%add3A_1108, %broadcast_in_dim3A_1104], %select_n3A_1118 : memref<64x128xf32, #tpu.memory_space<vmem>>[vector<16xi32>, vector<16xi32>], vector<16xf32>,
        %add3A_1119 = arith.constant 16 : i32
        %add3A_1120 = vector.broadcast %add3A_1119 : i32 to vector<16xi32>
        %add3A_1121 = arith.addi %iota3A, %add3A_1120 : vector<16xi32>
        %broadcast_in_dim3A_1122 = vector.broadcast %select_n3A_1097 : i32 to vector<16xi32>
        %gather3A_1123 = arith.constant 7 : i32
        %gather3A_1124 = arith.constant 0 : i32
        %gather3A_1125 = arith.constant 0 : i32
        %gather3A_1126 = tpu.memref_slice %arg15[%gather3A_1123, %gather3A_1124, %gather3A_1125] : memref<8x64x128xf32, #tpu.memory_space<vmem>> -> memref<1x64x128xf32, #tpu.memory_space<vmem>>
        %gather3A_1127 = tpu.memref_squeeze %gather3A_1126 : memref<1x64x128xf32, #tpu.memory_space<vmem>> -> memref<64x128xf32, #tpu.memory_space<vmem>>
        %gather3A_1128 = tpu.vector_load_idx %gather3A_1127[%add3A_1121, %broadcast_in_dim3A_1122] : memref<64x128xf32, #tpu.memory_space<vmem>>[vector<16xi32>, vector<16xi32>], vector<16xf32>,
        %broadcast_in_dim3A_1129 = vector.broadcast %select_n3A_1101 : i32 to vector<16xi32>
        %gather3A_1130 = tpu.vector_load_idx %arg14[%add3A_1121, %broadcast_in_dim3A_1129] : memref<64x128xf32, #tpu.memory_space<vmem>>[vector<16xi32>, vector<16xi32>], vector<16xf32>,
        %select_n3A_1131 = arith.select %broadcast_in_dim3A_1105, %gather3A_1130, %gather3A_1128 : vector<16xi1>, vector<16xf32>
        tpu.vector_store_idx %arg18[%add3A_1121, %broadcast_in_dim3A_1104], %select_n3A_1131 : memref<64x128xf32, #tpu.memory_space<vmem>>[vector<16xi32>, vector<16xi32>], vector<16xf32>,
        %add3A_1132 = arith.constant 32 : i32
        %add3A_1133 = vector.broadcast %add3A_1132 : i32 to vector<16xi32>
        %add3A_1134 = arith.addi %iota3A, %add3A_1133 : vector<16xi32>
        %broadcast_in_dim3A_1135 = vector.broadcast %select_n3A_1097 : i32 to vector<16xi32>
        %gather3A_1136 = arith.constant 7 : i32
        %gather3A_1137 = arith.constant 0 : i32
        %gather3A_1138 = arith.constant 0 : i32
        %gather3A_1139 = tpu.memref_slice %arg15[%gather3A_1136, %gather3A_1137, %gather3A_1138] : memref<8x64x128xf32, #tpu.memory_space<vmem>> -> memref<1x64x128xf32, #tpu.memory_space<vmem>>
        %gather3A_1140 = tpu.memref_squeeze %gather3A_1139 : memref<1x64x128xf32, #tpu.memory_space<vmem>> -> memref<64x128xf32, #tpu.memory_space<vmem>>
        %gather3A_1141 = tpu.vector_load_idx %gather3A_1140[%add3A_1134, %broadcast_in_dim3A_1135] : memref<64x128xf32, #tpu.memory_space<vmem>>[vector<16xi32>, vector<16xi32>], vector<16xf32>,
        %broadcast_in_dim3A_1142 = vector.broadcast %select_n3A_1101 : i32 to vector<16xi32>
        %gather3A_1143 = tpu.vector_load_idx %arg14[%add3A_1134, %broadcast_in_dim3A_1142] : memref<64x128xf32, #tpu.memory_space<vmem>>[vector<16xi32>, vector<16xi32>], vector<16xf32>,
        %select_n3A_1144 = arith.select %broadcast_in_dim3A_1105, %gather3A_1143, %gather3A_1141 : vector<16xi1>, vector<16xf32>
        tpu.vector_store_idx %arg18[%add3A_1134, %broadcast_in_dim3A_1104], %select_n3A_1144 : memref<64x128xf32, #tpu.memory_space<vmem>>[vector<16xi32>, vector<16xi32>], vector<16xf32>,
        %add3A_1145 = arith.constant 48 : i32
        %add3A_1146 = vector.broadcast %add3A_1145 : i32 to vector<16xi32>
        %add3A_1147 = arith.addi %iota3A, %add3A_1146 : vector<16xi32>
        %broadcast_in_dim3A_1148 = vector.broadcast %select_n3A_1097 : i32 to vector<16xi32>
        %gather3A_1149 = arith.constant 7 : i32
        %gather3A_1150 = arith.constant 0 : i32
        %gather3A_1151 = arith.constant 0 : i32
        %gather3A_1152 = tpu.memref_slice %arg15[%gather3A_1149, %gather3A_1150, %gather3A_1151] : memref<8x64x128xf32, #tpu.memory_space<vmem>> -> memref<1x64x128xf32, #tpu.memory_space<vmem>>
        %gather3A_1153 = tpu.memref_squeeze %gather3A_1152 : memref<1x64x128xf32, #tpu.memory_space<vmem>> -> memref<64x128xf32, #tpu.memory_space<vmem>>
        %gather3A_1154 = tpu.vector_load_idx %gather3A_1153[%add3A_1147, %broadcast_in_dim3A_1148] : memref<64x128xf32, #tpu.memory_space<vmem>>[vector<16xi32>, vector<16xi32>], vector<16xf32>,
        %broadcast_in_dim3A_1155 = vector.broadcast %select_n3A_1101 : i32 to vector<16xi32>
        %gather3A_1156 = tpu.vector_load_idx %arg14[%add3A_1147, %broadcast_in_dim3A_1155] : memref<64x128xf32, #tpu.memory_space<vmem>>[vector<16xi32>, vector<16xi32>], vector<16xf32>,
        %select_n3A_1157 = arith.select %broadcast_in_dim3A_1105, %gather3A_1156, %gather3A_1154 : vector<16xi1>, vector<16xf32>
        tpu.vector_store_idx %arg18[%add3A_1147, %broadcast_in_dim3A_1104], %select_n3A_1157 : memref<64x128xf32, #tpu.memory_space<vmem>>[vector<16xi32>, vector<16xi32>], vector<16xf32>,
        %slice3A_1158 = vector.extract_strided_slice %get3A_344 {offsets = [15], sizes = [1], strides = [1]} : vector<16xi32> to vector<1xi32>
        %squeeze3A_1159 = vector.extract %slice3A_1158[0] : i32 from vector<1xi32>
        %shift_right_logical3A_1160 = arith.constant 7 : i32
        %shift_right_logical3A_1161 = arith.shrui %squeeze3A_1159, %shift_right_logical3A_1160 : i32
        %min3A_1162 = arith.constant 7811 : i32
        %min3A_1163 = arith.minsi %shift_right_logical3A_1161, %min3A_1162 : i32
        %mul3A_1164 = arith.constant 128 : i32
        %mul3A_1165 = arith.muli %min3A_1163, %mul3A_1164 : i32
        %dma_start3A_1166 = arith.constant 7 : i32
        %dma_start3A_1167 = arith.constant 0 : i32
        %dma_start3A_1168 = arith.constant 0 : i32
        %dma_start3A_1169 = tpu.memref_slice %arg15[%dma_start3A_1166, %dma_start3A_1167, %dma_start3A_1168] : memref<8x64x128xf32, #tpu.memory_space<vmem>> -> memref<1x64x128xf32, #tpu.memory_space<vmem>>
        %dma_start3A_1170 = tpu.memref_squeeze %dma_start3A_1169 : memref<1x64x128xf32, #tpu.memory_space<vmem>> -> memref<64x128xf32, #tpu.memory_space<vmem>>
        %dma_start3A_1171 = arith.constant 0 : i32
        %dma_start3A_1172 = tpu.memref_slice %arg4[%dma_start3A_1171, %mul3A_1165] : memref<64x1000000xf32, #tpu.memory_space<hbm>> -> memref<64x128xf32, #tpu.memory_space<hbm>>
        %dma_start3A_1173 = arith.constant 0 : i32
        %dma_start3A_1174 = arith.constant 0 : i32
        %dma_start3A_1175 = tpu.memref_slice %arg15[%dma_start3A_1166, %dma_start3A_1173, %dma_start3A_1174] : memref<8x64x128xf32, #tpu.memory_space<vmem>> -> memref<1x64x128xf32, #tpu.memory_space<vmem>>
        %dma_start3A_1176 = tpu.memref_squeeze %dma_start3A_1175 : memref<1x64x128xf32, #tpu.memory_space<vmem>> -> memref<64x128xf32, #tpu.memory_space<vmem>>
        %dma_start3A_1177 = arith.constant 0 : i32
        %dma_start3A_1178 = tpu.memref_slice %arg4[%dma_start3A_1177, %mul3A_1165] : memref<64x1000000xf32, #tpu.memory_space<hbm>> -> memref<64x128xf32, #tpu.memory_space<hbm>>
        tpu.enqueue_dma source(%dma_start3A_1178 : memref<64x128xf32, #tpu.memory_space<hbm>>) target(%dma_start3A_1176 : memref<64x128xf32, #tpu.memory_space<vmem>>) target_semaphore(%arg30 : memref<!tpu.dma_semaphore, #tpu.memory_space<semaphore_mem>>)
        %dma_wait3A_1179 = arith.constant 0 : i32
        %dma_wait3A_1180 = arith.constant 0 : i32
        %dma_wait3A_1181 = arith.constant 0 : i32
        %dma_wait3A_1182 = tpu.memref_slice %arg15[%dma_wait3A_1179, %dma_wait3A_1180, %dma_wait3A_1181] : memref<8x64x128xf32, #tpu.memory_space<vmem>> -> memref<1x64x128xf32, #tpu.memory_space<vmem>>
        %dma_wait3A_1183 = tpu.memref_squeeze %dma_wait3A_1182 : memref<1x64x128xf32, #tpu.memory_space<vmem>> -> memref<64x128xf32, #tpu.memory_space<vmem>>
        %dma_wait3A_1184 = arith.constant 0 : i32
        %dma_wait3A_1185 = arith.constant 0 : i32
        %dma_wait3A_1186 = tpu.memref_slice %arg4[%dma_wait3A_1184, %dma_wait3A_1185] : memref<64x1000000xf32, #tpu.memory_space<hbm>> -> memref<64x128xf32, #tpu.memory_space<hbm>>
        %dma_wait3A_1187 = arith.constant 0 : i32
        %dma_wait3A_1188 = arith.constant 0 : i32
        %dma_wait3A_1189 = tpu.memref_slice %arg15[%dma_wait3A_1179, %dma_wait3A_1187, %dma_wait3A_1188] : memref<8x64x128xf32, #tpu.memory_space<vmem>> -> memref<1x64x128xf32, #tpu.memory_space<vmem>>
        %dma_wait3A_1190 = tpu.memref_squeeze %dma_wait3A_1189 : memref<1x64x128xf32, #tpu.memory_space<vmem>> -> memref<64x128xf32, #tpu.memory_space<vmem>>
        %dma_wait3A_1191 = arith.constant 0 : i32
        %dma_wait3A_1192 = arith.constant 0 : i32
        %dma_wait3A_1193 = tpu.memref_slice %arg4[%dma_wait3A_1191, %dma_wait3A_1192] : memref<64x1000000xf32, #tpu.memory_space<hbm>> -> memref<64x128xf32, #tpu.memory_space<hbm>>
        tpu.wait_dma2 semaphore(%arg23 : memref<!tpu.dma_semaphore, #tpu.memory_space<semaphore_mem>>) src(%dma_wait3A_1193 : memref<64x128xf32, #tpu.memory_space<hbm>>) dst(%dma_wait3A_1190 : memref<64x128xf32, #tpu.memory_space<vmem>>)
        %slice3A_1194 = vector.extract_strided_slice %get3A_344 {offsets = [8], sizes = [1], strides = [1]} : vector<16xi32> to vector<1xi32>
        %squeeze3A_1195 = vector.extract %slice3A_1194[0] : i32 from vector<1xi32>
        %ge3A_1196 = arith.constant 999936 : i32
        %ge3A_1197 = arith.cmpi sge, %squeeze3A_1195, %ge3A_1196 : i32
        %and3A_1198 = arith.constant 127 : i32
        %and3A_1199 = arith.andi %squeeze3A_1195, %and3A_1198 : i32
        %jit3A_1200 = arith.constant 0 : i32
        %select_n3A_1201 = arith.select %ge3A_1197, %jit3A_1200, %and3A_1199 : i32
        %sub3A_1202 = arith.constant 999936 : i32
        %sub3A_1203 = arith.subi %squeeze3A_1195, %sub3A_1202 : i32
        %jit3A_1204 = arith.constant 0 : i32
        %select_n3A_1205 = arith.select %ge3A_1197, %sub3A_1203, %jit3A_1204 : i32
        %add3A_1206 = arith.constant 8 : i32
        %add3A_1207 = arith.addi %mul3A_352, %add3A_1206 : i32
        %broadcast_in_dim3A_1208 = vector.broadcast %add3A_1207 : i32 to vector<16xi32>
        %broadcast_in_dim3A_1209 = vector.broadcast %ge3A_1197 : i1 to vector<16xi1>
        %add3A_1210 = arith.constant 0 : i32
        %add3A_1211 = vector.broadcast %add3A_1210 : i32 to vector<16xi32>
        %add3A_1212 = arith.addi %iota3A, %add3A_1211 : vector<16xi32>
        %broadcast_in_dim3A_1213 = vector.broadcast %select_n3A_1201 : i32 to vector<16xi32>
        %gather3A_1214 = arith.constant 0 : i32
        %gather3A_1215 = arith.constant 0 : i32
        %gather3A_1216 = arith.constant 0 : i32
        %gather3A_1217 = tpu.memref_slice %arg15[%gather3A_1214, %gather3A_1215, %gather3A_1216] : memref<8x64x128xf32, #tpu.memory_space<vmem>> -> memref<1x64x128xf32, #tpu.memory_space<vmem>>
        %gather3A_1218 = tpu.memref_squeeze %gather3A_1217 : memref<1x64x128xf32, #tpu.memory_space<vmem>> -> memref<64x128xf32, #tpu.memory_space<vmem>>
        %gather3A_1219 = tpu.vector_load_idx %gather3A_1218[%add3A_1212, %broadcast_in_dim3A_1213] : memref<64x128xf32, #tpu.memory_space<vmem>>[vector<16xi32>, vector<16xi32>], vector<16xf32>,
        %broadcast_in_dim3A_1220 = vector.broadcast %select_n3A_1205 : i32 to vector<16xi32>
        %gather3A_1221 = tpu.vector_load_idx %arg14[%add3A_1212, %broadcast_in_dim3A_1220] : memref<64x128xf32, #tpu.memory_space<vmem>>[vector<16xi32>, vector<16xi32>], vector<16xf32>,
        %select_n3A_1222 = arith.select %broadcast_in_dim3A_1209, %gather3A_1221, %gather3A_1219 : vector<16xi1>, vector<16xf32>
        tpu.vector_store_idx %arg18[%add3A_1212, %broadcast_in_dim3A_1208], %select_n3A_1222 : memref<64x128xf32, #tpu.memory_space<vmem>>[vector<16xi32>, vector<16xi32>], vector<16xf32>,
        %add3A_1223 = arith.constant 16 : i32
        %add3A_1224 = vector.broadcast %add3A_1223 : i32 to vector<16xi32>
        %add3A_1225 = arith.addi %iota3A, %add3A_1224 : vector<16xi32>
        %broadcast_in_dim3A_1226 = vector.broadcast %select_n3A_1201 : i32 to vector<16xi32>
        %gather3A_1227 = arith.constant 0 : i32
        %gather3A_1228 = arith.constant 0 : i32
        %gather3A_1229 = arith.constant 0 : i32
        %gather3A_1230 = tpu.memref_slice %arg15[%gather3A_1227, %gather3A_1228, %gather3A_1229] : memref<8x64x128xf32, #tpu.memory_space<vmem>> -> memref<1x64x128xf32, #tpu.memory_space<vmem>>
        %gather3A_1231 = tpu.memref_squeeze %gather3A_1230 : memref<1x64x128xf32, #tpu.memory_space<vmem>> -> memref<64x128xf32, #tpu.memory_space<vmem>>
        %gather3A_1232 = tpu.vector_load_idx %gather3A_1231[%add3A_1225, %broadcast_in_dim3A_1226] : memref<64x128xf32, #tpu.memory_space<vmem>>[vector<16xi32>, vector<16xi32>], vector<16xf32>,
        %broadcast_in_dim3A_1233 = vector.broadcast %select_n3A_1205 : i32 to vector<16xi32>
        %gather3A_1234 = tpu.vector_load_idx %arg14[%add3A_1225, %broadcast_in_dim3A_1233] : memref<64x128xf32, #tpu.memory_space<vmem>>[vector<16xi32>, vector<16xi32>], vector<16xf32>,
        %select_n3A_1235 = arith.select %broadcast_in_dim3A_1209, %gather3A_1234, %gather3A_1232 : vector<16xi1>, vector<16xf32>
        tpu.vector_store_idx %arg18[%add3A_1225, %broadcast_in_dim3A_1208], %select_n3A_1235 : memref<64x128xf32, #tpu.memory_space<vmem>>[vector<16xi32>, vector<16xi32>], vector<16xf32>,
        %add3A_1236 = arith.constant 32 : i32
        %add3A_1237 = vector.broadcast %add3A_1236 : i32 to vector<16xi32>
        %add3A_1238 = arith.addi %iota3A, %add3A_1237 : vector<16xi32>
        %broadcast_in_dim3A_1239 = vector.broadcast %select_n3A_1201 : i32 to vector<16xi32>
        %gather3A_1240 = arith.constant 0 : i32
        %gather3A_1241 = arith.constant 0 : i32
        %gather3A_1242 = arith.constant 0 : i32
        %gather3A_1243 = tpu.memref_slice %arg15[%gather3A_1240, %gather3A_1241, %gather3A_1242] : memref<8x64x128xf32, #tpu.memory_space<vmem>> -> memref<1x64x128xf32, #tpu.memory_space<vmem>>
        %gather3A_1244 = tpu.memref_squeeze %gather3A_1243 : memref<1x64x128xf32, #tpu.memory_space<vmem>> -> memref<64x128xf32, #tpu.memory_space<vmem>>
        %gather3A_1245 = tpu.vector_load_idx %gather3A_1244[%add3A_1238, %broadcast_in_dim3A_1239] : memref<64x128xf32, #tpu.memory_space<vmem>>[vector<16xi32>, vector<16xi32>], vector<16xf32>,
        %broadcast_in_dim3A_1246 = vector.broadcast %select_n3A_1205 : i32 to vector<16xi32>
        %gather3A_1247 = tpu.vector_load_idx %arg14[%add3A_1238, %broadcast_in_dim3A_1246] : memref<64x128xf32, #tpu.memory_space<vmem>>[vector<16xi32>, vector<16xi32>], vector<16xf32>,
        %select_n3A_1248 = arith.select %broadcast_in_dim3A_1209, %gather3A_1247, %gather3A_1245 : vector<16xi1>, vector<16xf32>
        tpu.vector_store_idx %arg18[%add3A_1238, %broadcast_in_dim3A_1208], %select_n3A_1248 : memref<64x128xf32, #tpu.memory_space<vmem>>[vector<16xi32>, vector<16xi32>], vector<16xf32>,
        %add3A_1249 = arith.constant 48 : i32
        %add3A_1250 = vector.broadcast %add3A_1249 : i32 to vector<16xi32>
        %add3A_1251 = arith.addi %iota3A, %add3A_1250 : vector<16xi32>
        %broadcast_in_dim3A_1252 = vector.broadcast %select_n3A_1201 : i32 to vector<16xi32>
        %gather3A_1253 = arith.constant 0 : i32
        %gather3A_1254 = arith.constant 0 : i32
        %gather3A_1255 = arith.constant 0 : i32
        %gather3A_1256 = tpu.memref_slice %arg15[%gather3A_1253, %gather3A_1254, %gather3A_1255] : memref<8x64x128xf32, #tpu.memory_space<vmem>> -> memref<1x64x128xf32, #tpu.memory_space<vmem>>
        %gather3A_1257 = tpu.memref_squeeze %gather3A_1256 : memref<1x64x128xf32, #tpu.memory_space<vmem>> -> memref<64x128xf32, #tpu.memory_space<vmem>>
        %gather3A_1258 = tpu.vector_load_idx %gather3A_1257[%add3A_1251, %broadcast_in_dim3A_1252] : memref<64x128xf32, #tpu.memory_space<vmem>>[vector<16xi32>, vector<16xi32>], vector<16xf32>,
        %broadcast_in_dim3A_1259 = vector.broadcast %select_n3A_1205 : i32 to vector<16xi32>
        %gather3A_1260 = tpu.vector_load_idx %arg14[%add3A_1251, %broadcast_in_dim3A_1259] : memref<64x128xf32, #tpu.memory_space<vmem>>[vector<16xi32>, vector<16xi32>], vector<16xf32>,
        %select_n3A_1261 = arith.select %broadcast_in_dim3A_1209, %gather3A_1260, %gather3A_1258 : vector<16xi1>, vector<16xf32>
        tpu.vector_store_idx %arg18[%add3A_1251, %broadcast_in_dim3A_1208], %select_n3A_1261 : memref<64x128xf32, #tpu.memory_space<vmem>>[vector<16xi32>, vector<16xi32>], vector<16xf32>,
        %slice3A_1262 = vector.extract_strided_slice %get3A_350 {offsets = [0], sizes = [1], strides = [1]} : vector<16xi32> to vector<1xi32>
        %squeeze3A_1263 = vector.extract %slice3A_1262[0] : i32 from vector<1xi32>
        %shift_right_logical3A_1264 = arith.constant 7 : i32
        %shift_right_logical3A_1265 = arith.shrui %squeeze3A_1263, %shift_right_logical3A_1264 : i32
        %min3A_1266 = arith.constant 7811 : i32
        %min3A_1267 = arith.minsi %shift_right_logical3A_1265, %min3A_1266 : i32
        %mul3A_1268 = arith.constant 128 : i32
        %mul3A_1269 = arith.muli %min3A_1267, %mul3A_1268 : i32
        %dma_start3A_1270 = arith.constant 0 : i32
        %dma_start3A_1271 = arith.constant 0 : i32
        %dma_start3A_1272 = arith.constant 0 : i32
        %dma_start3A_1273 = tpu.memref_slice %arg15[%dma_start3A_1270, %dma_start3A_1271, %dma_start3A_1272] : memref<8x64x128xf32, #tpu.memory_space<vmem>> -> memref<1x64x128xf32, #tpu.memory_space<vmem>>
        %dma_start3A_1274 = tpu.memref_squeeze %dma_start3A_1273 : memref<1x64x128xf32, #tpu.memory_space<vmem>> -> memref<64x128xf32, #tpu.memory_space<vmem>>
        %dma_start3A_1275 = arith.constant 0 : i32
        %dma_start3A_1276 = tpu.memref_slice %arg4[%dma_start3A_1275, %mul3A_1269] : memref<64x1000000xf32, #tpu.memory_space<hbm>> -> memref<64x128xf32, #tpu.memory_space<hbm>>
        %dma_start3A_1277 = arith.constant 0 : i32
        %dma_start3A_1278 = arith.constant 0 : i32
        %dma_start3A_1279 = tpu.memref_slice %arg15[%dma_start3A_1270, %dma_start3A_1277, %dma_start3A_1278] : memref<8x64x128xf32, #tpu.memory_space<vmem>> -> memref<1x64x128xf32, #tpu.memory_space<vmem>>
        %dma_start3A_1280 = tpu.memref_squeeze %dma_start3A_1279 : memref<1x64x128xf32, #tpu.memory_space<vmem>> -> memref<64x128xf32, #tpu.memory_space<vmem>>
        %dma_start3A_1281 = arith.constant 0 : i32
        %dma_start3A_1282 = tpu.memref_slice %arg4[%dma_start3A_1281, %mul3A_1269] : memref<64x1000000xf32, #tpu.memory_space<hbm>> -> memref<64x128xf32, #tpu.memory_space<hbm>>
        tpu.enqueue_dma source(%dma_start3A_1282 : memref<64x128xf32, #tpu.memory_space<hbm>>) target(%dma_start3A_1280 : memref<64x128xf32, #tpu.memory_space<vmem>>) target_semaphore(%arg23 : memref<!tpu.dma_semaphore, #tpu.memory_space<semaphore_mem>>)
        %dma_wait3A_1283 = arith.constant 1 : i32
        %dma_wait3A_1284 = arith.constant 0 : i32
        %dma_wait3A_1285 = arith.constant 0 : i32
        %dma_wait3A_1286 = tpu.memref_slice %arg15[%dma_wait3A_1283, %dma_wait3A_1284, %dma_wait3A_1285] : memref<8x64x128xf32, #tpu.memory_space<vmem>> -> memref<1x64x128xf32, #tpu.memory_space<vmem>>
        %dma_wait3A_1287 = tpu.memref_squeeze %dma_wait3A_1286 : memref<1x64x128xf32, #tpu.memory_space<vmem>> -> memref<64x128xf32, #tpu.memory_space<vmem>>
        %dma_wait3A_1288 = arith.constant 0 : i32
        %dma_wait3A_1289 = arith.constant 0 : i32
        %dma_wait3A_1290 = tpu.memref_slice %arg4[%dma_wait3A_1288, %dma_wait3A_1289] : memref<64x1000000xf32, #tpu.memory_space<hbm>> -> memref<64x128xf32, #tpu.memory_space<hbm>>
        %dma_wait3A_1291 = arith.constant 0 : i32
        %dma_wait3A_1292 = arith.constant 0 : i32
        %dma_wait3A_1293 = tpu.memref_slice %arg15[%dma_wait3A_1283, %dma_wait3A_1291, %dma_wait3A_1292] : memref<8x64x128xf32, #tpu.memory_space<vmem>> -> memref<1x64x128xf32, #tpu.memory_space<vmem>>
        %dma_wait3A_1294 = tpu.memref_squeeze %dma_wait3A_1293 : memref<1x64x128xf32, #tpu.memory_space<vmem>> -> memref<64x128xf32, #tpu.memory_space<vmem>>
        %dma_wait3A_1295 = arith.constant 0 : i32
        %dma_wait3A_1296 = arith.constant 0 : i32
        %dma_wait3A_1297 = tpu.memref_slice %arg4[%dma_wait3A_1295, %dma_wait3A_1296] : memref<64x1000000xf32, #tpu.memory_space<hbm>> -> memref<64x128xf32, #tpu.memory_space<hbm>>
        tpu.wait_dma2 semaphore(%arg24 : memref<!tpu.dma_semaphore, #tpu.memory_space<semaphore_mem>>) src(%dma_wait3A_1297 : memref<64x128xf32, #tpu.memory_space<hbm>>) dst(%dma_wait3A_1294 : memref<64x128xf32, #tpu.memory_space<vmem>>)
        %slice3A_1298 = vector.extract_strided_slice %get3A_344 {offsets = [9], sizes = [1], strides = [1]} : vector<16xi32> to vector<1xi32>
        %squeeze3A_1299 = vector.extract %slice3A_1298[0] : i32 from vector<1xi32>
        %ge3A_1300 = arith.constant 999936 : i32
        %ge3A_1301 = arith.cmpi sge, %squeeze3A_1299, %ge3A_1300 : i32
        %and3A_1302 = arith.constant 127 : i32
        %and3A_1303 = arith.andi %squeeze3A_1299, %and3A_1302 : i32
        %jit3A_1304 = arith.constant 0 : i32
        %select_n3A_1305 = arith.select %ge3A_1301, %jit3A_1304, %and3A_1303 : i32
        %sub3A_1306 = arith.constant 999936 : i32
        %sub3A_1307 = arith.subi %squeeze3A_1299, %sub3A_1306 : i32
        %jit3A_1308 = arith.constant 0 : i32
        %select_n3A_1309 = arith.select %ge3A_1301, %sub3A_1307, %jit3A_1308 : i32
        %add3A_1310 = arith.constant 9 : i32
        %add3A_1311 = arith.addi %mul3A_352, %add3A_1310 : i32
        %broadcast_in_dim3A_1312 = vector.broadcast %add3A_1311 : i32 to vector<16xi32>
        %broadcast_in_dim3A_1313 = vector.broadcast %ge3A_1301 : i1 to vector<16xi1>
        %add3A_1314 = arith.constant 0 : i32
        %add3A_1315 = vector.broadcast %add3A_1314 : i32 to vector<16xi32>
        %add3A_1316 = arith.addi %iota3A, %add3A_1315 : vector<16xi32>
        %broadcast_in_dim3A_1317 = vector.broadcast %select_n3A_1305 : i32 to vector<16xi32>
        %gather3A_1318 = arith.constant 1 : i32
        %gather3A_1319 = arith.constant 0 : i32
        %gather3A_1320 = arith.constant 0 : i32
        %gather3A_1321 = tpu.memref_slice %arg15[%gather3A_1318, %gather3A_1319, %gather3A_1320] : memref<8x64x128xf32, #tpu.memory_space<vmem>> -> memref<1x64x128xf32, #tpu.memory_space<vmem>>
        %gather3A_1322 = tpu.memref_squeeze %gather3A_1321 : memref<1x64x128xf32, #tpu.memory_space<vmem>> -> memref<64x128xf32, #tpu.memory_space<vmem>>
        %gather3A_1323 = tpu.vector_load_idx %gather3A_1322[%add3A_1316, %broadcast_in_dim3A_1317] : memref<64x128xf32, #tpu.memory_space<vmem>>[vector<16xi32>, vector<16xi32>], vector<16xf32>,
        %broadcast_in_dim3A_1324 = vector.broadcast %select_n3A_1309 : i32 to vector<16xi32>
        %gather3A_1325 = tpu.vector_load_idx %arg14[%add3A_1316, %broadcast_in_dim3A_1324] : memref<64x128xf32, #tpu.memory_space<vmem>>[vector<16xi32>, vector<16xi32>], vector<16xf32>,
        %select_n3A_1326 = arith.select %broadcast_in_dim3A_1313, %gather3A_1325, %gather3A_1323 : vector<16xi1>, vector<16xf32>
        tpu.vector_store_idx %arg18[%add3A_1316, %broadcast_in_dim3A_1312], %select_n3A_1326 : memref<64x128xf32, #tpu.memory_space<vmem>>[vector<16xi32>, vector<16xi32>], vector<16xf32>,
        %add3A_1327 = arith.constant 16 : i32
        %add3A_1328 = vector.broadcast %add3A_1327 : i32 to vector<16xi32>
        %add3A_1329 = arith.addi %iota3A, %add3A_1328 : vector<16xi32>
        %broadcast_in_dim3A_1330 = vector.broadcast %select_n3A_1305 : i32 to vector<16xi32>
        %gather3A_1331 = arith.constant 1 : i32
        %gather3A_1332 = arith.constant 0 : i32
        %gather3A_1333 = arith.constant 0 : i32
        %gather3A_1334 = tpu.memref_slice %arg15[%gather3A_1331, %gather3A_1332, %gather3A_1333] : memref<8x64x128xf32, #tpu.memory_space<vmem>> -> memref<1x64x128xf32, #tpu.memory_space<vmem>>
        %gather3A_1335 = tpu.memref_squeeze %gather3A_1334 : memref<1x64x128xf32, #tpu.memory_space<vmem>> -> memref<64x128xf32, #tpu.memory_space<vmem>>
        %gather3A_1336 = tpu.vector_load_idx %gather3A_1335[%add3A_1329, %broadcast_in_dim3A_1330] : memref<64x128xf32, #tpu.memory_space<vmem>>[vector<16xi32>, vector<16xi32>], vector<16xf32>,
        %broadcast_in_dim3A_1337 = vector.broadcast %select_n3A_1309 : i32 to vector<16xi32>
        %gather3A_1338 = tpu.vector_load_idx %arg14[%add3A_1329, %broadcast_in_dim3A_1337] : memref<64x128xf32, #tpu.memory_space<vmem>>[vector<16xi32>, vector<16xi32>], vector<16xf32>,
        %select_n3A_1339 = arith.select %broadcast_in_dim3A_1313, %gather3A_1338, %gather3A_1336 : vector<16xi1>, vector<16xf32>
        tpu.vector_store_idx %arg18[%add3A_1329, %broadcast_in_dim3A_1312], %select_n3A_1339 : memref<64x128xf32, #tpu.memory_space<vmem>>[vector<16xi32>, vector<16xi32>], vector<16xf32>,
        %add3A_1340 = arith.constant 32 : i32
        %add3A_1341 = vector.broadcast %add3A_1340 : i32 to vector<16xi32>
        %add3A_1342 = arith.addi %iota3A, %add3A_1341 : vector<16xi32>
        %broadcast_in_dim3A_1343 = vector.broadcast %select_n3A_1305 : i32 to vector<16xi32>
        %gather3A_1344 = arith.constant 1 : i32
        %gather3A_1345 = arith.constant 0 : i32
        %gather3A_1346 = arith.constant 0 : i32
        %gather3A_1347 = tpu.memref_slice %arg15[%gather3A_1344, %gather3A_1345, %gather3A_1346] : memref<8x64x128xf32, #tpu.memory_space<vmem>> -> memref<1x64x128xf32, #tpu.memory_space<vmem>>
        %gather3A_1348 = tpu.memref_squeeze %gather3A_1347 : memref<1x64x128xf32, #tpu.memory_space<vmem>> -> memref<64x128xf32, #tpu.memory_space<vmem>>
        %gather3A_1349 = tpu.vector_load_idx %gather3A_1348[%add3A_1342, %broadcast_in_dim3A_1343] : memref<64x128xf32, #tpu.memory_space<vmem>>[vector<16xi32>, vector<16xi32>], vector<16xf32>,
        %broadcast_in_dim3A_1350 = vector.broadcast %select_n3A_1309 : i32 to vector<16xi32>
        %gather3A_1351 = tpu.vector_load_idx %arg14[%add3A_1342, %broadcast_in_dim3A_1350] : memref<64x128xf32, #tpu.memory_space<vmem>>[vector<16xi32>, vector<16xi32>], vector<16xf32>,
        %select_n3A_1352 = arith.select %broadcast_in_dim3A_1313, %gather3A_1351, %gather3A_1349 : vector<16xi1>, vector<16xf32>
        tpu.vector_store_idx %arg18[%add3A_1342, %broadcast_in_dim3A_1312], %select_n3A_1352 : memref<64x128xf32, #tpu.memory_space<vmem>>[vector<16xi32>, vector<16xi32>], vector<16xf32>,
        %add3A_1353 = arith.constant 48 : i32
        %add3A_1354 = vector.broadcast %add3A_1353 : i32 to vector<16xi32>
        %add3A_1355 = arith.addi %iota3A, %add3A_1354 : vector<16xi32>
        %broadcast_in_dim3A_1356 = vector.broadcast %select_n3A_1305 : i32 to vector<16xi32>
        %gather3A_1357 = arith.constant 1 : i32
        %gather3A_1358 = arith.constant 0 : i32
        %gather3A_1359 = arith.constant 0 : i32
        %gather3A_1360 = tpu.memref_slice %arg15[%gather3A_1357, %gather3A_1358, %gather3A_1359] : memref<8x64x128xf32, #tpu.memory_space<vmem>> -> memref<1x64x128xf32, #tpu.memory_space<vmem>>
        %gather3A_1361 = tpu.memref_squeeze %gather3A_1360 : memref<1x64x128xf32, #tpu.memory_space<vmem>> -> memref<64x128xf32, #tpu.memory_space<vmem>>
        %gather3A_1362 = tpu.vector_load_idx %gather3A_1361[%add3A_1355, %broadcast_in_dim3A_1356] : memref<64x128xf32, #tpu.memory_space<vmem>>[vector<16xi32>, vector<16xi32>], vector<16xf32>,
        %broadcast_in_dim3A_1363 = vector.broadcast %select_n3A_1309 : i32 to vector<16xi32>
        %gather3A_1364 = tpu.vector_load_idx %arg14[%add3A_1355, %broadcast_in_dim3A_1363] : memref<64x128xf32, #tpu.memory_space<vmem>>[vector<16xi32>, vector<16xi32>], vector<16xf32>,
        %select_n3A_1365 = arith.select %broadcast_in_dim3A_1313, %gather3A_1364, %gather3A_1362 : vector<16xi1>, vector<16xf32>
        tpu.vector_store_idx %arg18[%add3A_1355, %broadcast_in_dim3A_1312], %select_n3A_1365 : memref<64x128xf32, #tpu.memory_space<vmem>>[vector<16xi32>, vector<16xi32>], vector<16xf32>,
        %slice3A_1366 = vector.extract_strided_slice %get3A_350 {offsets = [1], sizes = [1], strides = [1]} : vector<16xi32> to vector<1xi32>
        %squeeze3A_1367 = vector.extract %slice3A_1366[0] : i32 from vector<1xi32>
        %shift_right_logical3A_1368 = arith.constant 7 : i32
        %shift_right_logical3A_1369 = arith.shrui %squeeze3A_1367, %shift_right_logical3A_1368 : i32
        %min3A_1370 = arith.constant 7811 : i32
        %min3A_1371 = arith.minsi %shift_right_logical3A_1369, %min3A_1370 : i32
        %mul3A_1372 = arith.constant 128 : i32
        %mul3A_1373 = arith.muli %min3A_1371, %mul3A_1372 : i32
        %dma_start3A_1374 = arith.constant 1 : i32
        %dma_start3A_1375 = arith.constant 0 : i32
        %dma_start3A_1376 = arith.constant 0 : i32
        %dma_start3A_1377 = tpu.memref_slice %arg15[%dma_start3A_1374, %dma_start3A_1375, %dma_start3A_1376] : memref<8x64x128xf32, #tpu.memory_space<vmem>> -> memref<1x64x128xf32, #tpu.memory_space<vmem>>
        %dma_start3A_1378 = tpu.memref_squeeze %dma_start3A_1377 : memref<1x64x128xf32, #tpu.memory_space<vmem>> -> memref<64x128xf32, #tpu.memory_space<vmem>>
        %dma_start3A_1379 = arith.constant 0 : i32
        %dma_start3A_1380 = tpu.memref_slice %arg4[%dma_start3A_1379, %mul3A_1373] : memref<64x1000000xf32, #tpu.memory_space<hbm>> -> memref<64x128xf32, #tpu.memory_space<hbm>>
        %dma_start3A_1381 = arith.constant 0 : i32
        %dma_start3A_1382 = arith.constant 0 : i32
        %dma_start3A_1383 = tpu.memref_slice %arg15[%dma_start3A_1374, %dma_start3A_1381, %dma_start3A_1382] : memref<8x64x128xf32, #tpu.memory_space<vmem>> -> memref<1x64x128xf32, #tpu.memory_space<vmem>>
        %dma_start3A_1384 = tpu.memref_squeeze %dma_start3A_1383 : memref<1x64x128xf32, #tpu.memory_space<vmem>> -> memref<64x128xf32, #tpu.memory_space<vmem>>
        %dma_start3A_1385 = arith.constant 0 : i32
        %dma_start3A_1386 = tpu.memref_slice %arg4[%dma_start3A_1385, %mul3A_1373] : memref<64x1000000xf32, #tpu.memory_space<hbm>> -> memref<64x128xf32, #tpu.memory_space<hbm>>
        tpu.enqueue_dma source(%dma_start3A_1386 : memref<64x128xf32, #tpu.memory_space<hbm>>) target(%dma_start3A_1384 : memref<64x128xf32, #tpu.memory_space<vmem>>) target_semaphore(%arg24 : memref<!tpu.dma_semaphore, #tpu.memory_space<semaphore_mem>>)
        %dma_wait3A_1387 = arith.constant 2 : i32
        %dma_wait3A_1388 = arith.constant 0 : i32
        %dma_wait3A_1389 = arith.constant 0 : i32
        %dma_wait3A_1390 = tpu.memref_slice %arg15[%dma_wait3A_1387, %dma_wait3A_1388, %dma_wait3A_1389] : memref<8x64x128xf32, #tpu.memory_space<vmem>> -> memref<1x64x128xf32, #tpu.memory_space<vmem>>
        %dma_wait3A_1391 = tpu.memref_squeeze %dma_wait3A_1390 : memref<1x64x128xf32, #tpu.memory_space<vmem>> -> memref<64x128xf32, #tpu.memory_space<vmem>>
        %dma_wait3A_1392 = arith.constant 0 : i32
        %dma_wait3A_1393 = arith.constant 0 : i32
        %dma_wait3A_1394 = tpu.memref_slice %arg4[%dma_wait3A_1392, %dma_wait3A_1393] : memref<64x1000000xf32, #tpu.memory_space<hbm>> -> memref<64x128xf32, #tpu.memory_space<hbm>>
        %dma_wait3A_1395 = arith.constant 0 : i32
        %dma_wait3A_1396 = arith.constant 0 : i32
        %dma_wait3A_1397 = tpu.memref_slice %arg15[%dma_wait3A_1387, %dma_wait3A_1395, %dma_wait3A_1396] : memref<8x64x128xf32, #tpu.memory_space<vmem>> -> memref<1x64x128xf32, #tpu.memory_space<vmem>>
        %dma_wait3A_1398 = tpu.memref_squeeze %dma_wait3A_1397 : memref<1x64x128xf32, #tpu.memory_space<vmem>> -> memref<64x128xf32, #tpu.memory_space<vmem>>
        %dma_wait3A_1399 = arith.constant 0 : i32
        %dma_wait3A_1400 = arith.constant 0 : i32
        %dma_wait3A_1401 = tpu.memref_slice %arg4[%dma_wait3A_1399, %dma_wait3A_1400] : memref<64x1000000xf32, #tpu.memory_space<hbm>> -> memref<64x128xf32, #tpu.memory_space<hbm>>
        tpu.wait_dma2 semaphore(%arg25 : memref<!tpu.dma_semaphore, #tpu.memory_space<semaphore_mem>>) src(%dma_wait3A_1401 : memref<64x128xf32, #tpu.memory_space<hbm>>) dst(%dma_wait3A_1398 : memref<64x128xf32, #tpu.memory_space<vmem>>)
        %slice3A_1402 = vector.extract_strided_slice %get3A_344 {offsets = [10], sizes = [1], strides = [1]} : vector<16xi32> to vector<1xi32>
        %squeeze3A_1403 = vector.extract %slice3A_1402[0] : i32 from vector<1xi32>
        %ge3A_1404 = arith.constant 999936 : i32
        %ge3A_1405 = arith.cmpi sge, %squeeze3A_1403, %ge3A_1404 : i32
        %and3A_1406 = arith.constant 127 : i32
        %and3A_1407 = arith.andi %squeeze3A_1403, %and3A_1406 : i32
        %jit3A_1408 = arith.constant 0 : i32
        %select_n3A_1409 = arith.select %ge3A_1405, %jit3A_1408, %and3A_1407 : i32
        %sub3A_1410 = arith.constant 999936 : i32
        %sub3A_1411 = arith.subi %squeeze3A_1403, %sub3A_1410 : i32
        %jit3A_1412 = arith.constant 0 : i32
        %select_n3A_1413 = arith.select %ge3A_1405, %sub3A_1411, %jit3A_1412 : i32
        %add3A_1414 = arith.constant 10 : i32
        %add3A_1415 = arith.addi %mul3A_352, %add3A_1414 : i32
        %broadcast_in_dim3A_1416 = vector.broadcast %add3A_1415 : i32 to vector<16xi32>
        %broadcast_in_dim3A_1417 = vector.broadcast %ge3A_1405 : i1 to vector<16xi1>
        %add3A_1418 = arith.constant 0 : i32
        %add3A_1419 = vector.broadcast %add3A_1418 : i32 to vector<16xi32>
        %add3A_1420 = arith.addi %iota3A, %add3A_1419 : vector<16xi32>
        %broadcast_in_dim3A_1421 = vector.broadcast %select_n3A_1409 : i32 to vector<16xi32>
        %gather3A_1422 = arith.constant 2 : i32
        %gather3A_1423 = arith.constant 0 : i32
        %gather3A_1424 = arith.constant 0 : i32
        %gather3A_1425 = tpu.memref_slice %arg15[%gather3A_1422, %gather3A_1423, %gather3A_1424] : memref<8x64x128xf32, #tpu.memory_space<vmem>> -> memref<1x64x128xf32, #tpu.memory_space<vmem>>
        %gather3A_1426 = tpu.memref_squeeze %gather3A_1425 : memref<1x64x128xf32, #tpu.memory_space<vmem>> -> memref<64x128xf32, #tpu.memory_space<vmem>>
        %gather3A_1427 = tpu.vector_load_idx %gather3A_1426[%add3A_1420, %broadcast_in_dim3A_1421] : memref<64x128xf32, #tpu.memory_space<vmem>>[vector<16xi32>, vector<16xi32>], vector<16xf32>,
        %broadcast_in_dim3A_1428 = vector.broadcast %select_n3A_1413 : i32 to vector<16xi32>
        %gather3A_1429 = tpu.vector_load_idx %arg14[%add3A_1420, %broadcast_in_dim3A_1428] : memref<64x128xf32, #tpu.memory_space<vmem>>[vector<16xi32>, vector<16xi32>], vector<16xf32>,
        %select_n3A_1430 = arith.select %broadcast_in_dim3A_1417, %gather3A_1429, %gather3A_1427 : vector<16xi1>, vector<16xf32>
        tpu.vector_store_idx %arg18[%add3A_1420, %broadcast_in_dim3A_1416], %select_n3A_1430 : memref<64x128xf32, #tpu.memory_space<vmem>>[vector<16xi32>, vector<16xi32>], vector<16xf32>,
        %add3A_1431 = arith.constant 16 : i32
        %add3A_1432 = vector.broadcast %add3A_1431 : i32 to vector<16xi32>
        %add3A_1433 = arith.addi %iota3A, %add3A_1432 : vector<16xi32>
        %broadcast_in_dim3A_1434 = vector.broadcast %select_n3A_1409 : i32 to vector<16xi32>
        %gather3A_1435 = arith.constant 2 : i32
        %gather3A_1436 = arith.constant 0 : i32
        %gather3A_1437 = arith.constant 0 : i32
        %gather3A_1438 = tpu.memref_slice %arg15[%gather3A_1435, %gather3A_1436, %gather3A_1437] : memref<8x64x128xf32, #tpu.memory_space<vmem>> -> memref<1x64x128xf32, #tpu.memory_space<vmem>>
        %gather3A_1439 = tpu.memref_squeeze %gather3A_1438 : memref<1x64x128xf32, #tpu.memory_space<vmem>> -> memref<64x128xf32, #tpu.memory_space<vmem>>
        %gather3A_1440 = tpu.vector_load_idx %gather3A_1439[%add3A_1433, %broadcast_in_dim3A_1434] : memref<64x128xf32, #tpu.memory_space<vmem>>[vector<16xi32>, vector<16xi32>], vector<16xf32>,
        %broadcast_in_dim3A_1441 = vector.broadcast %select_n3A_1413 : i32 to vector<16xi32>
        %gather3A_1442 = tpu.vector_load_idx %arg14[%add3A_1433, %broadcast_in_dim3A_1441] : memref<64x128xf32, #tpu.memory_space<vmem>>[vector<16xi32>, vector<16xi32>], vector<16xf32>,
        %select_n3A_1443 = arith.select %broadcast_in_dim3A_1417, %gather3A_1442, %gather3A_1440 : vector<16xi1>, vector<16xf32>
        tpu.vector_store_idx %arg18[%add3A_1433, %broadcast_in_dim3A_1416], %select_n3A_1443 : memref<64x128xf32, #tpu.memory_space<vmem>>[vector<16xi32>, vector<16xi32>], vector<16xf32>,
        %add3A_1444 = arith.constant 32 : i32
        %add3A_1445 = vector.broadcast %add3A_1444 : i32 to vector<16xi32>
        %add3A_1446 = arith.addi %iota3A, %add3A_1445 : vector<16xi32>
        %broadcast_in_dim3A_1447 = vector.broadcast %select_n3A_1409 : i32 to vector<16xi32>
        %gather3A_1448 = arith.constant 2 : i32
        %gather3A_1449 = arith.constant 0 : i32
        %gather3A_1450 = arith.constant 0 : i32
        %gather3A_1451 = tpu.memref_slice %arg15[%gather3A_1448, %gather3A_1449, %gather3A_1450] : memref<8x64x128xf32, #tpu.memory_space<vmem>> -> memref<1x64x128xf32, #tpu.memory_space<vmem>>
        %gather3A_1452 = tpu.memref_squeeze %gather3A_1451 : memref<1x64x128xf32, #tpu.memory_space<vmem>> -> memref<64x128xf32, #tpu.memory_space<vmem>>
        %gather3A_1453 = tpu.vector_load_idx %gather3A_1452[%add3A_1446, %broadcast_in_dim3A_1447] : memref<64x128xf32, #tpu.memory_space<vmem>>[vector<16xi32>, vector<16xi32>], vector<16xf32>,
        %broadcast_in_dim3A_1454 = vector.broadcast %select_n3A_1413 : i32 to vector<16xi32>
        %gather3A_1455 = tpu.vector_load_idx %arg14[%add3A_1446, %broadcast_in_dim3A_1454] : memref<64x128xf32, #tpu.memory_space<vmem>>[vector<16xi32>, vector<16xi32>], vector<16xf32>,
        %select_n3A_1456 = arith.select %broadcast_in_dim3A_1417, %gather3A_1455, %gather3A_1453 : vector<16xi1>, vector<16xf32>
        tpu.vector_store_idx %arg18[%add3A_1446, %broadcast_in_dim3A_1416], %select_n3A_1456 : memref<64x128xf32, #tpu.memory_space<vmem>>[vector<16xi32>, vector<16xi32>], vector<16xf32>,
        %add3A_1457 = arith.constant 48 : i32
        %add3A_1458 = vector.broadcast %add3A_1457 : i32 to vector<16xi32>
        %add3A_1459 = arith.addi %iota3A, %add3A_1458 : vector<16xi32>
        %broadcast_in_dim3A_1460 = vector.broadcast %select_n3A_1409 : i32 to vector<16xi32>
        %gather3A_1461 = arith.constant 2 : i32
        %gather3A_1462 = arith.constant 0 : i32
        %gather3A_1463 = arith.constant 0 : i32
        %gather3A_1464 = tpu.memref_slice %arg15[%gather3A_1461, %gather3A_1462, %gather3A_1463] : memref<8x64x128xf32, #tpu.memory_space<vmem>> -> memref<1x64x128xf32, #tpu.memory_space<vmem>>
        %gather3A_1465 = tpu.memref_squeeze %gather3A_1464 : memref<1x64x128xf32, #tpu.memory_space<vmem>> -> memref<64x128xf32, #tpu.memory_space<vmem>>
        %gather3A_1466 = tpu.vector_load_idx %gather3A_1465[%add3A_1459, %broadcast_in_dim3A_1460] : memref<64x128xf32, #tpu.memory_space<vmem>>[vector<16xi32>, vector<16xi32>], vector<16xf32>,
        %broadcast_in_dim3A_1467 = vector.broadcast %select_n3A_1413 : i32 to vector<16xi32>
        %gather3A_1468 = tpu.vector_load_idx %arg14[%add3A_1459, %broadcast_in_dim3A_1467] : memref<64x128xf32, #tpu.memory_space<vmem>>[vector<16xi32>, vector<16xi32>], vector<16xf32>,
        %select_n3A_1469 = arith.select %broadcast_in_dim3A_1417, %gather3A_1468, %gather3A_1466 : vector<16xi1>, vector<16xf32>
        tpu.vector_store_idx %arg18[%add3A_1459, %broadcast_in_dim3A_1416], %select_n3A_1469 : memref<64x128xf32, #tpu.memory_space<vmem>>[vector<16xi32>, vector<16xi32>], vector<16xf32>,
        %slice3A_1470 = vector.extract_strided_slice %get3A_350 {offsets = [2], sizes = [1], strides = [1]} : vector<16xi32> to vector<1xi32>
        %squeeze3A_1471 = vector.extract %slice3A_1470[0] : i32 from vector<1xi32>
        %shift_right_logical3A_1472 = arith.constant 7 : i32
        %shift_right_logical3A_1473 = arith.shrui %squeeze3A_1471, %shift_right_logical3A_1472 : i32
        %min3A_1474 = arith.constant 7811 : i32
        %min3A_1475 = arith.minsi %shift_right_logical3A_1473, %min3A_1474 : i32
        %mul3A_1476 = arith.constant 128 : i32
        %mul3A_1477 = arith.muli %min3A_1475, %mul3A_1476 : i32
        %dma_start3A_1478 = arith.constant 2 : i32
        %dma_start3A_1479 = arith.constant 0 : i32
        %dma_start3A_1480 = arith.constant 0 : i32
        %dma_start3A_1481 = tpu.memref_slice %arg15[%dma_start3A_1478, %dma_start3A_1479, %dma_start3A_1480] : memref<8x64x128xf32, #tpu.memory_space<vmem>> -> memref<1x64x128xf32, #tpu.memory_space<vmem>>
        %dma_start3A_1482 = tpu.memref_squeeze %dma_start3A_1481 : memref<1x64x128xf32, #tpu.memory_space<vmem>> -> memref<64x128xf32, #tpu.memory_space<vmem>>
        %dma_start3A_1483 = arith.constant 0 : i32
        %dma_start3A_1484 = tpu.memref_slice %arg4[%dma_start3A_1483, %mul3A_1477] : memref<64x1000000xf32, #tpu.memory_space<hbm>> -> memref<64x128xf32, #tpu.memory_space<hbm>>
        %dma_start3A_1485 = arith.constant 0 : i32
        %dma_start3A_1486 = arith.constant 0 : i32
        %dma_start3A_1487 = tpu.memref_slice %arg15[%dma_start3A_1478, %dma_start3A_1485, %dma_start3A_1486] : memref<8x64x128xf32, #tpu.memory_space<vmem>> -> memref<1x64x128xf32, #tpu.memory_space<vmem>>
        %dma_start3A_1488 = tpu.memref_squeeze %dma_start3A_1487 : memref<1x64x128xf32, #tpu.memory_space<vmem>> -> memref<64x128xf32, #tpu.memory_space<vmem>>
        %dma_start3A_1489 = arith.constant 0 : i32
        %dma_start3A_1490 = tpu.memref_slice %arg4[%dma_start3A_1489, %mul3A_1477] : memref<64x1000000xf32, #tpu.memory_space<hbm>> -> memref<64x128xf32, #tpu.memory_space<hbm>>
        tpu.enqueue_dma source(%dma_start3A_1490 : memref<64x128xf32, #tpu.memory_space<hbm>>) target(%dma_start3A_1488 : memref<64x128xf32, #tpu.memory_space<vmem>>) target_semaphore(%arg25 : memref<!tpu.dma_semaphore, #tpu.memory_space<semaphore_mem>>)
        %dma_wait3A_1491 = arith.constant 3 : i32
        %dma_wait3A_1492 = arith.constant 0 : i32
        %dma_wait3A_1493 = arith.constant 0 : i32
        %dma_wait3A_1494 = tpu.memref_slice %arg15[%dma_wait3A_1491, %dma_wait3A_1492, %dma_wait3A_1493] : memref<8x64x128xf32, #tpu.memory_space<vmem>> -> memref<1x64x128xf32, #tpu.memory_space<vmem>>
        %dma_wait3A_1495 = tpu.memref_squeeze %dma_wait3A_1494 : memref<1x64x128xf32, #tpu.memory_space<vmem>> -> memref<64x128xf32, #tpu.memory_space<vmem>>
        %dma_wait3A_1496 = arith.constant 0 : i32
        %dma_wait3A_1497 = arith.constant 0 : i32
        %dma_wait3A_1498 = tpu.memref_slice %arg4[%dma_wait3A_1496, %dma_wait3A_1497] : memref<64x1000000xf32, #tpu.memory_space<hbm>> -> memref<64x128xf32, #tpu.memory_space<hbm>>
        %dma_wait3A_1499 = arith.constant 0 : i32
        %dma_wait3A_1500 = arith.constant 0 : i32
        %dma_wait3A_1501 = tpu.memref_slice %arg15[%dma_wait3A_1491, %dma_wait3A_1499, %dma_wait3A_1500] : memref<8x64x128xf32, #tpu.memory_space<vmem>> -> memref<1x64x128xf32, #tpu.memory_space<vmem>>
        %dma_wait3A_1502 = tpu.memref_squeeze %dma_wait3A_1501 : memref<1x64x128xf32, #tpu.memory_space<vmem>> -> memref<64x128xf32, #tpu.memory_space<vmem>>
        %dma_wait3A_1503 = arith.constant 0 : i32
        %dma_wait3A_1504 = arith.constant 0 : i32
        %dma_wait3A_1505 = tpu.memref_slice %arg4[%dma_wait3A_1503, %dma_wait3A_1504] : memref<64x1000000xf32, #tpu.memory_space<hbm>> -> memref<64x128xf32, #tpu.memory_space<hbm>>
        tpu.wait_dma2 semaphore(%arg26 : memref<!tpu.dma_semaphore, #tpu.memory_space<semaphore_mem>>) src(%dma_wait3A_1505 : memref<64x128xf32, #tpu.memory_space<hbm>>) dst(%dma_wait3A_1502 : memref<64x128xf32, #tpu.memory_space<vmem>>)
        %slice3A_1506 = vector.extract_strided_slice %get3A_344 {offsets = [11], sizes = [1], strides = [1]} : vector<16xi32> to vector<1xi32>
        %squeeze3A_1507 = vector.extract %slice3A_1506[0] : i32 from vector<1xi32>
        %ge3A_1508 = arith.constant 999936 : i32
        %ge3A_1509 = arith.cmpi sge, %squeeze3A_1507, %ge3A_1508 : i32
        %and3A_1510 = arith.constant 127 : i32
        %and3A_1511 = arith.andi %squeeze3A_1507, %and3A_1510 : i32
        %jit3A_1512 = arith.constant 0 : i32
        %select_n3A_1513 = arith.select %ge3A_1509, %jit3A_1512, %and3A_1511 : i32
        %sub3A_1514 = arith.constant 999936 : i32
        %sub3A_1515 = arith.subi %squeeze3A_1507, %sub3A_1514 : i32
        %jit3A_1516 = arith.constant 0 : i32
        %select_n3A_1517 = arith.select %ge3A_1509, %sub3A_1515, %jit3A_1516 : i32
        %add3A_1518 = arith.constant 11 : i32
        %add3A_1519 = arith.addi %mul3A_352, %add3A_1518 : i32
        %broadcast_in_dim3A_1520 = vector.broadcast %add3A_1519 : i32 to vector<16xi32>
        %broadcast_in_dim3A_1521 = vector.broadcast %ge3A_1509 : i1 to vector<16xi1>
        %add3A_1522 = arith.constant 0 : i32
        %add3A_1523 = vector.broadcast %add3A_1522 : i32 to vector<16xi32>
        %add3A_1524 = arith.addi %iota3A, %add3A_1523 : vector<16xi32>
        %broadcast_in_dim3A_1525 = vector.broadcast %select_n3A_1513 : i32 to vector<16xi32>
        %gather3A_1526 = arith.constant 3 : i32
        %gather3A_1527 = arith.constant 0 : i32
        %gather3A_1528 = arith.constant 0 : i32
        %gather3A_1529 = tpu.memref_slice %arg15[%gather3A_1526, %gather3A_1527, %gather3A_1528] : memref<8x64x128xf32, #tpu.memory_space<vmem>> -> memref<1x64x128xf32, #tpu.memory_space<vmem>>
        %gather3A_1530 = tpu.memref_squeeze %gather3A_1529 : memref<1x64x128xf32, #tpu.memory_space<vmem>> -> memref<64x128xf32, #tpu.memory_space<vmem>>
        %gather3A_1531 = tpu.vector_load_idx %gather3A_1530[%add3A_1524, %broadcast_in_dim3A_1525] : memref<64x128xf32, #tpu.memory_space<vmem>>[vector<16xi32>, vector<16xi32>], vector<16xf32>,
        %broadcast_in_dim3A_1532 = vector.broadcast %select_n3A_1517 : i32 to vector<16xi32>
        %gather3A_1533 = tpu.vector_load_idx %arg14[%add3A_1524, %broadcast_in_dim3A_1532] : memref<64x128xf32, #tpu.memory_space<vmem>>[vector<16xi32>, vector<16xi32>], vector<16xf32>,
        %select_n3A_1534 = arith.select %broadcast_in_dim3A_1521, %gather3A_1533, %gather3A_1531 : vector<16xi1>, vector<16xf32>
        tpu.vector_store_idx %arg18[%add3A_1524, %broadcast_in_dim3A_1520], %select_n3A_1534 : memref<64x128xf32, #tpu.memory_space<vmem>>[vector<16xi32>, vector<16xi32>], vector<16xf32>,
        %add3A_1535 = arith.constant 16 : i32
        %add3A_1536 = vector.broadcast %add3A_1535 : i32 to vector<16xi32>
        %add3A_1537 = arith.addi %iota3A, %add3A_1536 : vector<16xi32>
        %broadcast_in_dim3A_1538 = vector.broadcast %select_n3A_1513 : i32 to vector<16xi32>
        %gather3A_1539 = arith.constant 3 : i32
        %gather3A_1540 = arith.constant 0 : i32
        %gather3A_1541 = arith.constant 0 : i32
        %gather3A_1542 = tpu.memref_slice %arg15[%gather3A_1539, %gather3A_1540, %gather3A_1541] : memref<8x64x128xf32, #tpu.memory_space<vmem>> -> memref<1x64x128xf32, #tpu.memory_space<vmem>>
        %gather3A_1543 = tpu.memref_squeeze %gather3A_1542 : memref<1x64x128xf32, #tpu.memory_space<vmem>> -> memref<64x128xf32, #tpu.memory_space<vmem>>
        %gather3A_1544 = tpu.vector_load_idx %gather3A_1543[%add3A_1537, %broadcast_in_dim3A_1538] : memref<64x128xf32, #tpu.memory_space<vmem>>[vector<16xi32>, vector<16xi32>], vector<16xf32>,
        %broadcast_in_dim3A_1545 = vector.broadcast %select_n3A_1517 : i32 to vector<16xi32>
        %gather3A_1546 = tpu.vector_load_idx %arg14[%add3A_1537, %broadcast_in_dim3A_1545] : memref<64x128xf32, #tpu.memory_space<vmem>>[vector<16xi32>, vector<16xi32>], vector<16xf32>,
        %select_n3A_1547 = arith.select %broadcast_in_dim3A_1521, %gather3A_1546, %gather3A_1544 : vector<16xi1>, vector<16xf32>
        tpu.vector_store_idx %arg18[%add3A_1537, %broadcast_in_dim3A_1520], %select_n3A_1547 : memref<64x128xf32, #tpu.memory_space<vmem>>[vector<16xi32>, vector<16xi32>], vector<16xf32>,
        %add3A_1548 = arith.constant 32 : i32
        %add3A_1549 = vector.broadcast %add3A_1548 : i32 to vector<16xi32>
        %add3A_1550 = arith.addi %iota3A, %add3A_1549 : vector<16xi32>
        %broadcast_in_dim3A_1551 = vector.broadcast %select_n3A_1513 : i32 to vector<16xi32>
        %gather3A_1552 = arith.constant 3 : i32
        %gather3A_1553 = arith.constant 0 : i32
        %gather3A_1554 = arith.constant 0 : i32
        %gather3A_1555 = tpu.memref_slice %arg15[%gather3A_1552, %gather3A_1553, %gather3A_1554] : memref<8x64x128xf32, #tpu.memory_space<vmem>> -> memref<1x64x128xf32, #tpu.memory_space<vmem>>
        %gather3A_1556 = tpu.memref_squeeze %gather3A_1555 : memref<1x64x128xf32, #tpu.memory_space<vmem>> -> memref<64x128xf32, #tpu.memory_space<vmem>>
        %gather3A_1557 = tpu.vector_load_idx %gather3A_1556[%add3A_1550, %broadcast_in_dim3A_1551] : memref<64x128xf32, #tpu.memory_space<vmem>>[vector<16xi32>, vector<16xi32>], vector<16xf32>,
        %broadcast_in_dim3A_1558 = vector.broadcast %select_n3A_1517 : i32 to vector<16xi32>
        %gather3A_1559 = tpu.vector_load_idx %arg14[%add3A_1550, %broadcast_in_dim3A_1558] : memref<64x128xf32, #tpu.memory_space<vmem>>[vector<16xi32>, vector<16xi32>], vector<16xf32>,
        %select_n3A_1560 = arith.select %broadcast_in_dim3A_1521, %gather3A_1559, %gather3A_1557 : vector<16xi1>, vector<16xf32>
        tpu.vector_store_idx %arg18[%add3A_1550, %broadcast_in_dim3A_1520], %select_n3A_1560 : memref<64x128xf32, #tpu.memory_space<vmem>>[vector<16xi32>, vector<16xi32>], vector<16xf32>,
        %add3A_1561 = arith.constant 48 : i32
        %add3A_1562 = vector.broadcast %add3A_1561 : i32 to vector<16xi32>
        %add3A_1563 = arith.addi %iota3A, %add3A_1562 : vector<16xi32>
        %broadcast_in_dim3A_1564 = vector.broadcast %select_n3A_1513 : i32 to vector<16xi32>
        %gather3A_1565 = arith.constant 3 : i32
        %gather3A_1566 = arith.constant 0 : i32
        %gather3A_1567 = arith.constant 0 : i32
        %gather3A_1568 = tpu.memref_slice %arg15[%gather3A_1565, %gather3A_1566, %gather3A_1567] : memref<8x64x128xf32, #tpu.memory_space<vmem>> -> memref<1x64x128xf32, #tpu.memory_space<vmem>>
        %gather3A_1569 = tpu.memref_squeeze %gather3A_1568 : memref<1x64x128xf32, #tpu.memory_space<vmem>> -> memref<64x128xf32, #tpu.memory_space<vmem>>
        %gather3A_1570 = tpu.vector_load_idx %gather3A_1569[%add3A_1563, %broadcast_in_dim3A_1564] : memref<64x128xf32, #tpu.memory_space<vmem>>[vector<16xi32>, vector<16xi32>], vector<16xf32>,
        %broadcast_in_dim3A_1571 = vector.broadcast %select_n3A_1517 : i32 to vector<16xi32>
        %gather3A_1572 = tpu.vector_load_idx %arg14[%add3A_1563, %broadcast_in_dim3A_1571] : memref<64x128xf32, #tpu.memory_space<vmem>>[vector<16xi32>, vector<16xi32>], vector<16xf32>,
        %select_n3A_1573 = arith.select %broadcast_in_dim3A_1521, %gather3A_1572, %gather3A_1570 : vector<16xi1>, vector<16xf32>
        tpu.vector_store_idx %arg18[%add3A_1563, %broadcast_in_dim3A_1520], %select_n3A_1573 : memref<64x128xf32, #tpu.memory_space<vmem>>[vector<16xi32>, vector<16xi32>], vector<16xf32>,
        %slice3A_1574 = vector.extract_strided_slice %get3A_350 {offsets = [3], sizes = [1], strides = [1]} : vector<16xi32> to vector<1xi32>
        %squeeze3A_1575 = vector.extract %slice3A_1574[0] : i32 from vector<1xi32>
        %shift_right_logical3A_1576 = arith.constant 7 : i32
        %shift_right_logical3A_1577 = arith.shrui %squeeze3A_1575, %shift_right_logical3A_1576 : i32
        %min3A_1578 = arith.constant 7811 : i32
        %min3A_1579 = arith.minsi %shift_right_logical3A_1577, %min3A_1578 : i32
        %mul3A_1580 = arith.constant 128 : i32
        %mul3A_1581 = arith.muli %min3A_1579, %mul3A_1580 : i32
        %dma_start3A_1582 = arith.constant 3 : i32
        %dma_start3A_1583 = arith.constant 0 : i32
        %dma_start3A_1584 = arith.constant 0 : i32
        %dma_start3A_1585 = tpu.memref_slice %arg15[%dma_start3A_1582, %dma_start3A_1583, %dma_start3A_1584] : memref<8x64x128xf32, #tpu.memory_space<vmem>> -> memref<1x64x128xf32, #tpu.memory_space<vmem>>
        %dma_start3A_1586 = tpu.memref_squeeze %dma_start3A_1585 : memref<1x64x128xf32, #tpu.memory_space<vmem>> -> memref<64x128xf32, #tpu.memory_space<vmem>>
        %dma_start3A_1587 = arith.constant 0 : i32
        %dma_start3A_1588 = tpu.memref_slice %arg4[%dma_start3A_1587, %mul3A_1581] : memref<64x1000000xf32, #tpu.memory_space<hbm>> -> memref<64x128xf32, #tpu.memory_space<hbm>>
        %dma_start3A_1589 = arith.constant 0 : i32
        %dma_start3A_1590 = arith.constant 0 : i32
        %dma_start3A_1591 = tpu.memref_slice %arg15[%dma_start3A_1582, %dma_start3A_1589, %dma_start3A_1590] : memref<8x64x128xf32, #tpu.memory_space<vmem>> -> memref<1x64x128xf32, #tpu.memory_space<vmem>>
        %dma_start3A_1592 = tpu.memref_squeeze %dma_start3A_1591 : memref<1x64x128xf32, #tpu.memory_space<vmem>> -> memref<64x128xf32, #tpu.memory_space<vmem>>
        %dma_start3A_1593 = arith.constant 0 : i32
        %dma_start3A_1594 = tpu.memref_slice %arg4[%dma_start3A_1593, %mul3A_1581] : memref<64x1000000xf32, #tpu.memory_space<hbm>> -> memref<64x128xf32, #tpu.memory_space<hbm>>
        tpu.enqueue_dma source(%dma_start3A_1594 : memref<64x128xf32, #tpu.memory_space<hbm>>) target(%dma_start3A_1592 : memref<64x128xf32, #tpu.memory_space<vmem>>) target_semaphore(%arg26 : memref<!tpu.dma_semaphore, #tpu.memory_space<semaphore_mem>>)
        %dma_wait3A_1595 = arith.constant 4 : i32
        %dma_wait3A_1596 = arith.constant 0 : i32
        %dma_wait3A_1597 = arith.constant 0 : i32
        %dma_wait3A_1598 = tpu.memref_slice %arg15[%dma_wait3A_1595, %dma_wait3A_1596, %dma_wait3A_1597] : memref<8x64x128xf32, #tpu.memory_space<vmem>> -> memref<1x64x128xf32, #tpu.memory_space<vmem>>
        %dma_wait3A_1599 = tpu.memref_squeeze %dma_wait3A_1598 : memref<1x64x128xf32, #tpu.memory_space<vmem>> -> memref<64x128xf32, #tpu.memory_space<vmem>>
        %dma_wait3A_1600 = arith.constant 0 : i32
        %dma_wait3A_1601 = arith.constant 0 : i32
        %dma_wait3A_1602 = tpu.memref_slice %arg4[%dma_wait3A_1600, %dma_wait3A_1601] : memref<64x1000000xf32, #tpu.memory_space<hbm>> -> memref<64x128xf32, #tpu.memory_space<hbm>>
        %dma_wait3A_1603 = arith.constant 0 : i32
        %dma_wait3A_1604 = arith.constant 0 : i32
        %dma_wait3A_1605 = tpu.memref_slice %arg15[%dma_wait3A_1595, %dma_wait3A_1603, %dma_wait3A_1604] : memref<8x64x128xf32, #tpu.memory_space<vmem>> -> memref<1x64x128xf32, #tpu.memory_space<vmem>>
        %dma_wait3A_1606 = tpu.memref_squeeze %dma_wait3A_1605 : memref<1x64x128xf32, #tpu.memory_space<vmem>> -> memref<64x128xf32, #tpu.memory_space<vmem>>
        %dma_wait3A_1607 = arith.constant 0 : i32
        %dma_wait3A_1608 = arith.constant 0 : i32
        %dma_wait3A_1609 = tpu.memref_slice %arg4[%dma_wait3A_1607, %dma_wait3A_1608] : memref<64x1000000xf32, #tpu.memory_space<hbm>> -> memref<64x128xf32, #tpu.memory_space<hbm>>
        tpu.wait_dma2 semaphore(%arg27 : memref<!tpu.dma_semaphore, #tpu.memory_space<semaphore_mem>>) src(%dma_wait3A_1609 : memref<64x128xf32, #tpu.memory_space<hbm>>) dst(%dma_wait3A_1606 : memref<64x128xf32, #tpu.memory_space<vmem>>)
        %slice3A_1610 = vector.extract_strided_slice %get3A_344 {offsets = [12], sizes = [1], strides = [1]} : vector<16xi32> to vector<1xi32>
        %squeeze3A_1611 = vector.extract %slice3A_1610[0] : i32 from vector<1xi32>
        %ge3A_1612 = arith.constant 999936 : i32
        %ge3A_1613 = arith.cmpi sge, %squeeze3A_1611, %ge3A_1612 : i32
        %and3A_1614 = arith.constant 127 : i32
        %and3A_1615 = arith.andi %squeeze3A_1611, %and3A_1614 : i32
        %jit3A_1616 = arith.constant 0 : i32
        %select_n3A_1617 = arith.select %ge3A_1613, %jit3A_1616, %and3A_1615 : i32
        %sub3A_1618 = arith.constant 999936 : i32
        %sub3A_1619 = arith.subi %squeeze3A_1611, %sub3A_1618 : i32
        %jit3A_1620 = arith.constant 0 : i32
        %select_n3A_1621 = arith.select %ge3A_1613, %sub3A_1619, %jit3A_1620 : i32
        %add3A_1622 = arith.constant 12 : i32
        %add3A_1623 = arith.addi %mul3A_352, %add3A_1622 : i32
        %broadcast_in_dim3A_1624 = vector.broadcast %add3A_1623 : i32 to vector<16xi32>
        %broadcast_in_dim3A_1625 = vector.broadcast %ge3A_1613 : i1 to vector<16xi1>
        %add3A_1626 = arith.constant 0 : i32
        %add3A_1627 = vector.broadcast %add3A_1626 : i32 to vector<16xi32>
        %add3A_1628 = arith.addi %iota3A, %add3A_1627 : vector<16xi32>
        %broadcast_in_dim3A_1629 = vector.broadcast %select_n3A_1617 : i32 to vector<16xi32>
        %gather3A_1630 = arith.constant 4 : i32
        %gather3A_1631 = arith.constant 0 : i32
        %gather3A_1632 = arith.constant 0 : i32
        %gather3A_1633 = tpu.memref_slice %arg15[%gather3A_1630, %gather3A_1631, %gather3A_1632] : memref<8x64x128xf32, #tpu.memory_space<vmem>> -> memref<1x64x128xf32, #tpu.memory_space<vmem>>
        %gather3A_1634 = tpu.memref_squeeze %gather3A_1633 : memref<1x64x128xf32, #tpu.memory_space<vmem>> -> memref<64x128xf32, #tpu.memory_space<vmem>>
        %gather3A_1635 = tpu.vector_load_idx %gather3A_1634[%add3A_1628, %broadcast_in_dim3A_1629] : memref<64x128xf32, #tpu.memory_space<vmem>>[vector<16xi32>, vector<16xi32>], vector<16xf32>,
        %broadcast_in_dim3A_1636 = vector.broadcast %select_n3A_1621 : i32 to vector<16xi32>
        %gather3A_1637 = tpu.vector_load_idx %arg14[%add3A_1628, %broadcast_in_dim3A_1636] : memref<64x128xf32, #tpu.memory_space<vmem>>[vector<16xi32>, vector<16xi32>], vector<16xf32>,
        %select_n3A_1638 = arith.select %broadcast_in_dim3A_1625, %gather3A_1637, %gather3A_1635 : vector<16xi1>, vector<16xf32>
        tpu.vector_store_idx %arg18[%add3A_1628, %broadcast_in_dim3A_1624], %select_n3A_1638 : memref<64x128xf32, #tpu.memory_space<vmem>>[vector<16xi32>, vector<16xi32>], vector<16xf32>,
        %add3A_1639 = arith.constant 16 : i32
        %add3A_1640 = vector.broadcast %add3A_1639 : i32 to vector<16xi32>
        %add3A_1641 = arith.addi %iota3A, %add3A_1640 : vector<16xi32>
        %broadcast_in_dim3A_1642 = vector.broadcast %select_n3A_1617 : i32 to vector<16xi32>
        %gather3A_1643 = arith.constant 4 : i32
        %gather3A_1644 = arith.constant 0 : i32
        %gather3A_1645 = arith.constant 0 : i32
        %gather3A_1646 = tpu.memref_slice %arg15[%gather3A_1643, %gather3A_1644, %gather3A_1645] : memref<8x64x128xf32, #tpu.memory_space<vmem>> -> memref<1x64x128xf32, #tpu.memory_space<vmem>>
        %gather3A_1647 = tpu.memref_squeeze %gather3A_1646 : memref<1x64x128xf32, #tpu.memory_space<vmem>> -> memref<64x128xf32, #tpu.memory_space<vmem>>
        %gather3A_1648 = tpu.vector_load_idx %gather3A_1647[%add3A_1641, %broadcast_in_dim3A_1642] : memref<64x128xf32, #tpu.memory_space<vmem>>[vector<16xi32>, vector<16xi32>], vector<16xf32>,
        %broadcast_in_dim3A_1649 = vector.broadcast %select_n3A_1621 : i32 to vector<16xi32>
        %gather3A_1650 = tpu.vector_load_idx %arg14[%add3A_1641, %broadcast_in_dim3A_1649] : memref<64x128xf32, #tpu.memory_space<vmem>>[vector<16xi32>, vector<16xi32>], vector<16xf32>,
        %select_n3A_1651 = arith.select %broadcast_in_dim3A_1625, %gather3A_1650, %gather3A_1648 : vector<16xi1>, vector<16xf32>
        tpu.vector_store_idx %arg18[%add3A_1641, %broadcast_in_dim3A_1624], %select_n3A_1651 : memref<64x128xf32, #tpu.memory_space<vmem>>[vector<16xi32>, vector<16xi32>], vector<16xf32>,
        %add3A_1652 = arith.constant 32 : i32
        %add3A_1653 = vector.broadcast %add3A_1652 : i32 to vector<16xi32>
        %add3A_1654 = arith.addi %iota3A, %add3A_1653 : vector<16xi32>
        %broadcast_in_dim3A_1655 = vector.broadcast %select_n3A_1617 : i32 to vector<16xi32>
        %gather3A_1656 = arith.constant 4 : i32
        %gather3A_1657 = arith.constant 0 : i32
        %gather3A_1658 = arith.constant 0 : i32
        %gather3A_1659 = tpu.memref_slice %arg15[%gather3A_1656, %gather3A_1657, %gather3A_1658] : memref<8x64x128xf32, #tpu.memory_space<vmem>> -> memref<1x64x128xf32, #tpu.memory_space<vmem>>
        %gather3A_1660 = tpu.memref_squeeze %gather3A_1659 : memref<1x64x128xf32, #tpu.memory_space<vmem>> -> memref<64x128xf32, #tpu.memory_space<vmem>>
        %gather3A_1661 = tpu.vector_load_idx %gather3A_1660[%add3A_1654, %broadcast_in_dim3A_1655] : memref<64x128xf32, #tpu.memory_space<vmem>>[vector<16xi32>, vector<16xi32>], vector<16xf32>,
        %broadcast_in_dim3A_1662 = vector.broadcast %select_n3A_1621 : i32 to vector<16xi32>
        %gather3A_1663 = tpu.vector_load_idx %arg14[%add3A_1654, %broadcast_in_dim3A_1662] : memref<64x128xf32, #tpu.memory_space<vmem>>[vector<16xi32>, vector<16xi32>], vector<16xf32>,
        %select_n3A_1664 = arith.select %broadcast_in_dim3A_1625, %gather3A_1663, %gather3A_1661 : vector<16xi1>, vector<16xf32>
        tpu.vector_store_idx %arg18[%add3A_1654, %broadcast_in_dim3A_1624], %select_n3A_1664 : memref<64x128xf32, #tpu.memory_space<vmem>>[vector<16xi32>, vector<16xi32>], vector<16xf32>,
        %add3A_1665 = arith.constant 48 : i32
        %add3A_1666 = vector.broadcast %add3A_1665 : i32 to vector<16xi32>
        %add3A_1667 = arith.addi %iota3A, %add3A_1666 : vector<16xi32>
        %broadcast_in_dim3A_1668 = vector.broadcast %select_n3A_1617 : i32 to vector<16xi32>
        %gather3A_1669 = arith.constant 4 : i32
        %gather3A_1670 = arith.constant 0 : i32
        %gather3A_1671 = arith.constant 0 : i32
        %gather3A_1672 = tpu.memref_slice %arg15[%gather3A_1669, %gather3A_1670, %gather3A_1671] : memref<8x64x128xf32, #tpu.memory_space<vmem>> -> memref<1x64x128xf32, #tpu.memory_space<vmem>>
        %gather3A_1673 = tpu.memref_squeeze %gather3A_1672 : memref<1x64x128xf32, #tpu.memory_space<vmem>> -> memref<64x128xf32, #tpu.memory_space<vmem>>
        %gather3A_1674 = tpu.vector_load_idx %gather3A_1673[%add3A_1667, %broadcast_in_dim3A_1668] : memref<64x128xf32, #tpu.memory_space<vmem>>[vector<16xi32>, vector<16xi32>], vector<16xf32>,
        %broadcast_in_dim3A_1675 = vector.broadcast %select_n3A_1621 : i32 to vector<16xi32>
        %gather3A_1676 = tpu.vector_load_idx %arg14[%add3A_1667, %broadcast_in_dim3A_1675] : memref<64x128xf32, #tpu.memory_space<vmem>>[vector<16xi32>, vector<16xi32>], vector<16xf32>,
        %select_n3A_1677 = arith.select %broadcast_in_dim3A_1625, %gather3A_1676, %gather3A_1674 : vector<16xi1>, vector<16xf32>
        tpu.vector_store_idx %arg18[%add3A_1667, %broadcast_in_dim3A_1624], %select_n3A_1677 : memref<64x128xf32, #tpu.memory_space<vmem>>[vector<16xi32>, vector<16xi32>], vector<16xf32>,
        %slice3A_1678 = vector.extract_strided_slice %get3A_350 {offsets = [4], sizes = [1], strides = [1]} : vector<16xi32> to vector<1xi32>
        %squeeze3A_1679 = vector.extract %slice3A_1678[0] : i32 from vector<1xi32>
        %shift_right_logical3A_1680 = arith.constant 7 : i32
        %shift_right_logical3A_1681 = arith.shrui %squeeze3A_1679, %shift_right_logical3A_1680 : i32
        %min3A_1682 = arith.constant 7811 : i32
        %min3A_1683 = arith.minsi %shift_right_logical3A_1681, %min3A_1682 : i32
        %mul3A_1684 = arith.constant 128 : i32
        %mul3A_1685 = arith.muli %min3A_1683, %mul3A_1684 : i32
        %dma_start3A_1686 = arith.constant 4 : i32
        %dma_start3A_1687 = arith.constant 0 : i32
        %dma_start3A_1688 = arith.constant 0 : i32
        %dma_start3A_1689 = tpu.memref_slice %arg15[%dma_start3A_1686, %dma_start3A_1687, %dma_start3A_1688] : memref<8x64x128xf32, #tpu.memory_space<vmem>> -> memref<1x64x128xf32, #tpu.memory_space<vmem>>
        %dma_start3A_1690 = tpu.memref_squeeze %dma_start3A_1689 : memref<1x64x128xf32, #tpu.memory_space<vmem>> -> memref<64x128xf32, #tpu.memory_space<vmem>>
        %dma_start3A_1691 = arith.constant 0 : i32
        %dma_start3A_1692 = tpu.memref_slice %arg4[%dma_start3A_1691, %mul3A_1685] : memref<64x1000000xf32, #tpu.memory_space<hbm>> -> memref<64x128xf32, #tpu.memory_space<hbm>>
        %dma_start3A_1693 = arith.constant 0 : i32
        %dma_start3A_1694 = arith.constant 0 : i32
        %dma_start3A_1695 = tpu.memref_slice %arg15[%dma_start3A_1686, %dma_start3A_1693, %dma_start3A_1694] : memref<8x64x128xf32, #tpu.memory_space<vmem>> -> memref<1x64x128xf32, #tpu.memory_space<vmem>>
        %dma_start3A_1696 = tpu.memref_squeeze %dma_start3A_1695 : memref<1x64x128xf32, #tpu.memory_space<vmem>> -> memref<64x128xf32, #tpu.memory_space<vmem>>
        %dma_start3A_1697 = arith.constant 0 : i32
        %dma_start3A_1698 = tpu.memref_slice %arg4[%dma_start3A_1697, %mul3A_1685] : memref<64x1000000xf32, #tpu.memory_space<hbm>> -> memref<64x128xf32, #tpu.memory_space<hbm>>
        tpu.enqueue_dma source(%dma_start3A_1698 : memref<64x128xf32, #tpu.memory_space<hbm>>) target(%dma_start3A_1696 : memref<64x128xf32, #tpu.memory_space<vmem>>) target_semaphore(%arg27 : memref<!tpu.dma_semaphore, #tpu.memory_space<semaphore_mem>>)
        %dma_wait3A_1699 = arith.constant 5 : i32
        %dma_wait3A_1700 = arith.constant 0 : i32
        %dma_wait3A_1701 = arith.constant 0 : i32
        %dma_wait3A_1702 = tpu.memref_slice %arg15[%dma_wait3A_1699, %dma_wait3A_1700, %dma_wait3A_1701] : memref<8x64x128xf32, #tpu.memory_space<vmem>> -> memref<1x64x128xf32, #tpu.memory_space<vmem>>
        %dma_wait3A_1703 = tpu.memref_squeeze %dma_wait3A_1702 : memref<1x64x128xf32, #tpu.memory_space<vmem>> -> memref<64x128xf32, #tpu.memory_space<vmem>>
        %dma_wait3A_1704 = arith.constant 0 : i32
        %dma_wait3A_1705 = arith.constant 0 : i32
        %dma_wait3A_1706 = tpu.memref_slice %arg4[%dma_wait3A_1704, %dma_wait3A_1705] : memref<64x1000000xf32, #tpu.memory_space<hbm>> -> memref<64x128xf32, #tpu.memory_space<hbm>>
        %dma_wait3A_1707 = arith.constant 0 : i32
        %dma_wait3A_1708 = arith.constant 0 : i32
        %dma_wait3A_1709 = tpu.memref_slice %arg15[%dma_wait3A_1699, %dma_wait3A_1707, %dma_wait3A_1708] : memref<8x64x128xf32, #tpu.memory_space<vmem>> -> memref<1x64x128xf32, #tpu.memory_space<vmem>>
        %dma_wait3A_1710 = tpu.memref_squeeze %dma_wait3A_1709 : memref<1x64x128xf32, #tpu.memory_space<vmem>> -> memref<64x128xf32, #tpu.memory_space<vmem>>
        %dma_wait3A_1711 = arith.constant 0 : i32
        %dma_wait3A_1712 = arith.constant 0 : i32
        %dma_wait3A_1713 = tpu.memref_slice %arg4[%dma_wait3A_1711, %dma_wait3A_1712] : memref<64x1000000xf32, #tpu.memory_space<hbm>> -> memref<64x128xf32, #tpu.memory_space<hbm>>
        tpu.wait_dma2 semaphore(%arg28 : memref<!tpu.dma_semaphore, #tpu.memory_space<semaphore_mem>>) src(%dma_wait3A_1713 : memref<64x128xf32, #tpu.memory_space<hbm>>) dst(%dma_wait3A_1710 : memref<64x128xf32, #tpu.memory_space<vmem>>)
        %slice3A_1714 = vector.extract_strided_slice %get3A_344 {offsets = [13], sizes = [1], strides = [1]} : vector<16xi32> to vector<1xi32>
        %squeeze3A_1715 = vector.extract %slice3A_1714[0] : i32 from vector<1xi32>
        %ge3A_1716 = arith.constant 999936 : i32
        %ge3A_1717 = arith.cmpi sge, %squeeze3A_1715, %ge3A_1716 : i32
        %and3A_1718 = arith.constant 127 : i32
        %and3A_1719 = arith.andi %squeeze3A_1715, %and3A_1718 : i32
        %jit3A_1720 = arith.constant 0 : i32
        %select_n3A_1721 = arith.select %ge3A_1717, %jit3A_1720, %and3A_1719 : i32
        %sub3A_1722 = arith.constant 999936 : i32
        %sub3A_1723 = arith.subi %squeeze3A_1715, %sub3A_1722 : i32
        %jit3A_1724 = arith.constant 0 : i32
        %select_n3A_1725 = arith.select %ge3A_1717, %sub3A_1723, %jit3A_1724 : i32
        %add3A_1726 = arith.constant 13 : i32
        %add3A_1727 = arith.addi %mul3A_352, %add3A_1726 : i32
        %broadcast_in_dim3A_1728 = vector.broadcast %add3A_1727 : i32 to vector<16xi32>
        %broadcast_in_dim3A_1729 = vector.broadcast %ge3A_1717 : i1 to vector<16xi1>
        %add3A_1730 = arith.constant 0 : i32
        %add3A_1731 = vector.broadcast %add3A_1730 : i32 to vector<16xi32>
        %add3A_1732 = arith.addi %iota3A, %add3A_1731 : vector<16xi32>
        %broadcast_in_dim3A_1733 = vector.broadcast %select_n3A_1721 : i32 to vector<16xi32>
        %gather3A_1734 = arith.constant 5 : i32
        %gather3A_1735 = arith.constant 0 : i32
        %gather3A_1736 = arith.constant 0 : i32
        %gather3A_1737 = tpu.memref_slice %arg15[%gather3A_1734, %gather3A_1735, %gather3A_1736] : memref<8x64x128xf32, #tpu.memory_space<vmem>> -> memref<1x64x128xf32, #tpu.memory_space<vmem>>
        %gather3A_1738 = tpu.memref_squeeze %gather3A_1737 : memref<1x64x128xf32, #tpu.memory_space<vmem>> -> memref<64x128xf32, #tpu.memory_space<vmem>>
        %gather3A_1739 = tpu.vector_load_idx %gather3A_1738[%add3A_1732, %broadcast_in_dim3A_1733] : memref<64x128xf32, #tpu.memory_space<vmem>>[vector<16xi32>, vector<16xi32>], vector<16xf32>,
        %broadcast_in_dim3A_1740 = vector.broadcast %select_n3A_1725 : i32 to vector<16xi32>
        %gather3A_1741 = tpu.vector_load_idx %arg14[%add3A_1732, %broadcast_in_dim3A_1740] : memref<64x128xf32, #tpu.memory_space<vmem>>[vector<16xi32>, vector<16xi32>], vector<16xf32>,
        %select_n3A_1742 = arith.select %broadcast_in_dim3A_1729, %gather3A_1741, %gather3A_1739 : vector<16xi1>, vector<16xf32>
        tpu.vector_store_idx %arg18[%add3A_1732, %broadcast_in_dim3A_1728], %select_n3A_1742 : memref<64x128xf32, #tpu.memory_space<vmem>>[vector<16xi32>, vector<16xi32>], vector<16xf32>,
        %add3A_1743 = arith.constant 16 : i32
        %add3A_1744 = vector.broadcast %add3A_1743 : i32 to vector<16xi32>
        %add3A_1745 = arith.addi %iota3A, %add3A_1744 : vector<16xi32>
        %broadcast_in_dim3A_1746 = vector.broadcast %select_n3A_1721 : i32 to vector<16xi32>
        %gather3A_1747 = arith.constant 5 : i32
        %gather3A_1748 = arith.constant 0 : i32
        %gather3A_1749 = arith.constant 0 : i32
        %gather3A_1750 = tpu.memref_slice %arg15[%gather3A_1747, %gather3A_1748, %gather3A_1749] : memref<8x64x128xf32, #tpu.memory_space<vmem>> -> memref<1x64x128xf32, #tpu.memory_space<vmem>>
        %gather3A_1751 = tpu.memref_squeeze %gather3A_1750 : memref<1x64x128xf32, #tpu.memory_space<vmem>> -> memref<64x128xf32, #tpu.memory_space<vmem>>
        %gather3A_1752 = tpu.vector_load_idx %gather3A_1751[%add3A_1745, %broadcast_in_dim3A_1746] : memref<64x128xf32, #tpu.memory_space<vmem>>[vector<16xi32>, vector<16xi32>], vector<16xf32>,
        %broadcast_in_dim3A_1753 = vector.broadcast %select_n3A_1725 : i32 to vector<16xi32>
        %gather3A_1754 = tpu.vector_load_idx %arg14[%add3A_1745, %broadcast_in_dim3A_1753] : memref<64x128xf32, #tpu.memory_space<vmem>>[vector<16xi32>, vector<16xi32>], vector<16xf32>,
        %select_n3A_1755 = arith.select %broadcast_in_dim3A_1729, %gather3A_1754, %gather3A_1752 : vector<16xi1>, vector<16xf32>
        tpu.vector_store_idx %arg18[%add3A_1745, %broadcast_in_dim3A_1728], %select_n3A_1755 : memref<64x128xf32, #tpu.memory_space<vmem>>[vector<16xi32>, vector<16xi32>], vector<16xf32>,
        %add3A_1756 = arith.constant 32 : i32
        %add3A_1757 = vector.broadcast %add3A_1756 : i32 to vector<16xi32>
        %add3A_1758 = arith.addi %iota3A, %add3A_1757 : vector<16xi32>
        %broadcast_in_dim3A_1759 = vector.broadcast %select_n3A_1721 : i32 to vector<16xi32>
        %gather3A_1760 = arith.constant 5 : i32
        %gather3A_1761 = arith.constant 0 : i32
        %gather3A_1762 = arith.constant 0 : i32
        %gather3A_1763 = tpu.memref_slice %arg15[%gather3A_1760, %gather3A_1761, %gather3A_1762] : memref<8x64x128xf32, #tpu.memory_space<vmem>> -> memref<1x64x128xf32, #tpu.memory_space<vmem>>
        %gather3A_1764 = tpu.memref_squeeze %gather3A_1763 : memref<1x64x128xf32, #tpu.memory_space<vmem>> -> memref<64x128xf32, #tpu.memory_space<vmem>>
        %gather3A_1765 = tpu.vector_load_idx %gather3A_1764[%add3A_1758, %broadcast_in_dim3A_1759] : memref<64x128xf32, #tpu.memory_space<vmem>>[vector<16xi32>, vector<16xi32>], vector<16xf32>,
        %broadcast_in_dim3A_1766 = vector.broadcast %select_n3A_1725 : i32 to vector<16xi32>
        %gather3A_1767 = tpu.vector_load_idx %arg14[%add3A_1758, %broadcast_in_dim3A_1766] : memref<64x128xf32, #tpu.memory_space<vmem>>[vector<16xi32>, vector<16xi32>], vector<16xf32>,
        %select_n3A_1768 = arith.select %broadcast_in_dim3A_1729, %gather3A_1767, %gather3A_1765 : vector<16xi1>, vector<16xf32>
        tpu.vector_store_idx %arg18[%add3A_1758, %broadcast_in_dim3A_1728], %select_n3A_1768 : memref<64x128xf32, #tpu.memory_space<vmem>>[vector<16xi32>, vector<16xi32>], vector<16xf32>,
        %add3A_1769 = arith.constant 48 : i32
        %add3A_1770 = vector.broadcast %add3A_1769 : i32 to vector<16xi32>
        %add3A_1771 = arith.addi %iota3A, %add3A_1770 : vector<16xi32>
        %broadcast_in_dim3A_1772 = vector.broadcast %select_n3A_1721 : i32 to vector<16xi32>
        %gather3A_1773 = arith.constant 5 : i32
        %gather3A_1774 = arith.constant 0 : i32
        %gather3A_1775 = arith.constant 0 : i32
        %gather3A_1776 = tpu.memref_slice %arg15[%gather3A_1773, %gather3A_1774, %gather3A_1775] : memref<8x64x128xf32, #tpu.memory_space<vmem>> -> memref<1x64x128xf32, #tpu.memory_space<vmem>>
        %gather3A_1777 = tpu.memref_squeeze %gather3A_1776 : memref<1x64x128xf32, #tpu.memory_space<vmem>> -> memref<64x128xf32, #tpu.memory_space<vmem>>
        %gather3A_1778 = tpu.vector_load_idx %gather3A_1777[%add3A_1771, %broadcast_in_dim3A_1772] : memref<64x128xf32, #tpu.memory_space<vmem>>[vector<16xi32>, vector<16xi32>], vector<16xf32>,
        %broadcast_in_dim3A_1779 = vector.broadcast %select_n3A_1725 : i32 to vector<16xi32>
        %gather3A_1780 = tpu.vector_load_idx %arg14[%add3A_1771, %broadcast_in_dim3A_1779] : memref<64x128xf32, #tpu.memory_space<vmem>>[vector<16xi32>, vector<16xi32>], vector<16xf32>,
        %select_n3A_1781 = arith.select %broadcast_in_dim3A_1729, %gather3A_1780, %gather3A_1778 : vector<16xi1>, vector<16xf32>
        tpu.vector_store_idx %arg18[%add3A_1771, %broadcast_in_dim3A_1728], %select_n3A_1781 : memref<64x128xf32, #tpu.memory_space<vmem>>[vector<16xi32>, vector<16xi32>], vector<16xf32>,
        %slice3A_1782 = vector.extract_strided_slice %get3A_350 {offsets = [5], sizes = [1], strides = [1]} : vector<16xi32> to vector<1xi32>
        %squeeze3A_1783 = vector.extract %slice3A_1782[0] : i32 from vector<1xi32>
        %shift_right_logical3A_1784 = arith.constant 7 : i32
        %shift_right_logical3A_1785 = arith.shrui %squeeze3A_1783, %shift_right_logical3A_1784 : i32
        %min3A_1786 = arith.constant 7811 : i32
        %min3A_1787 = arith.minsi %shift_right_logical3A_1785, %min3A_1786 : i32
        %mul3A_1788 = arith.constant 128 : i32
        %mul3A_1789 = arith.muli %min3A_1787, %mul3A_1788 : i32
        %dma_start3A_1790 = arith.constant 5 : i32
        %dma_start3A_1791 = arith.constant 0 : i32
        %dma_start3A_1792 = arith.constant 0 : i32
        %dma_start3A_1793 = tpu.memref_slice %arg15[%dma_start3A_1790, %dma_start3A_1791, %dma_start3A_1792] : memref<8x64x128xf32, #tpu.memory_space<vmem>> -> memref<1x64x128xf32, #tpu.memory_space<vmem>>
        %dma_start3A_1794 = tpu.memref_squeeze %dma_start3A_1793 : memref<1x64x128xf32, #tpu.memory_space<vmem>> -> memref<64x128xf32, #tpu.memory_space<vmem>>
        %dma_start3A_1795 = arith.constant 0 : i32
        %dma_start3A_1796 = tpu.memref_slice %arg4[%dma_start3A_1795, %mul3A_1789] : memref<64x1000000xf32, #tpu.memory_space<hbm>> -> memref<64x128xf32, #tpu.memory_space<hbm>>
        %dma_start3A_1797 = arith.constant 0 : i32
        %dma_start3A_1798 = arith.constant 0 : i32
        %dma_start3A_1799 = tpu.memref_slice %arg15[%dma_start3A_1790, %dma_start3A_1797, %dma_start3A_1798] : memref<8x64x128xf32, #tpu.memory_space<vmem>> -> memref<1x64x128xf32, #tpu.memory_space<vmem>>
        %dma_start3A_1800 = tpu.memref_squeeze %dma_start3A_1799 : memref<1x64x128xf32, #tpu.memory_space<vmem>> -> memref<64x128xf32, #tpu.memory_space<vmem>>
        %dma_start3A_1801 = arith.constant 0 : i32
        %dma_start3A_1802 = tpu.memref_slice %arg4[%dma_start3A_1801, %mul3A_1789] : memref<64x1000000xf32, #tpu.memory_space<hbm>> -> memref<64x128xf32, #tpu.memory_space<hbm>>
        tpu.enqueue_dma source(%dma_start3A_1802 : memref<64x128xf32, #tpu.memory_space<hbm>>) target(%dma_start3A_1800 : memref<64x128xf32, #tpu.memory_space<vmem>>) target_semaphore(%arg28 : memref<!tpu.dma_semaphore, #tpu.memory_space<semaphore_mem>>)
        %dma_wait3A_1803 = arith.constant 6 : i32
        %dma_wait3A_1804 = arith.constant 0 : i32
        %dma_wait3A_1805 = arith.constant 0 : i32
        %dma_wait3A_1806 = tpu.memref_slice %arg15[%dma_wait3A_1803, %dma_wait3A_1804, %dma_wait3A_1805] : memref<8x64x128xf32, #tpu.memory_space<vmem>> -> memref<1x64x128xf32, #tpu.memory_space<vmem>>
        %dma_wait3A_1807 = tpu.memref_squeeze %dma_wait3A_1806 : memref<1x64x128xf32, #tpu.memory_space<vmem>> -> memref<64x128xf32, #tpu.memory_space<vmem>>
        %dma_wait3A_1808 = arith.constant 0 : i32
        %dma_wait3A_1809 = arith.constant 0 : i32
        %dma_wait3A_1810 = tpu.memref_slice %arg4[%dma_wait3A_1808, %dma_wait3A_1809] : memref<64x1000000xf32, #tpu.memory_space<hbm>> -> memref<64x128xf32, #tpu.memory_space<hbm>>
        %dma_wait3A_1811 = arith.constant 0 : i32
        %dma_wait3A_1812 = arith.constant 0 : i32
        %dma_wait3A_1813 = tpu.memref_slice %arg15[%dma_wait3A_1803, %dma_wait3A_1811, %dma_wait3A_1812] : memref<8x64x128xf32, #tpu.memory_space<vmem>> -> memref<1x64x128xf32, #tpu.memory_space<vmem>>
        %dma_wait3A_1814 = tpu.memref_squeeze %dma_wait3A_1813 : memref<1x64x128xf32, #tpu.memory_space<vmem>> -> memref<64x128xf32, #tpu.memory_space<vmem>>
        %dma_wait3A_1815 = arith.constant 0 : i32
        %dma_wait3A_1816 = arith.constant 0 : i32
        %dma_wait3A_1817 = tpu.memref_slice %arg4[%dma_wait3A_1815, %dma_wait3A_1816] : memref<64x1000000xf32, #tpu.memory_space<hbm>> -> memref<64x128xf32, #tpu.memory_space<hbm>>
        tpu.wait_dma2 semaphore(%arg29 : memref<!tpu.dma_semaphore, #tpu.memory_space<semaphore_mem>>) src(%dma_wait3A_1817 : memref<64x128xf32, #tpu.memory_space<hbm>>) dst(%dma_wait3A_1814 : memref<64x128xf32, #tpu.memory_space<vmem>>)
        %slice3A_1818 = vector.extract_strided_slice %get3A_344 {offsets = [14], sizes = [1], strides = [1]} : vector<16xi32> to vector<1xi32>
        %squeeze3A_1819 = vector.extract %slice3A_1818[0] : i32 from vector<1xi32>
        %ge3A_1820 = arith.constant 999936 : i32
        %ge3A_1821 = arith.cmpi sge, %squeeze3A_1819, %ge3A_1820 : i32
        %and3A_1822 = arith.constant 127 : i32
        %and3A_1823 = arith.andi %squeeze3A_1819, %and3A_1822 : i32
        %jit3A_1824 = arith.constant 0 : i32
        %select_n3A_1825 = arith.select %ge3A_1821, %jit3A_1824, %and3A_1823 : i32
        %sub3A_1826 = arith.constant 999936 : i32
        %sub3A_1827 = arith.subi %squeeze3A_1819, %sub3A_1826 : i32
        %jit3A_1828 = arith.constant 0 : i32
        %select_n3A_1829 = arith.select %ge3A_1821, %sub3A_1827, %jit3A_1828 : i32
        %add3A_1830 = arith.constant 14 : i32
        %add3A_1831 = arith.addi %mul3A_352, %add3A_1830 : i32
        %broadcast_in_dim3A_1832 = vector.broadcast %add3A_1831 : i32 to vector<16xi32>
        %broadcast_in_dim3A_1833 = vector.broadcast %ge3A_1821 : i1 to vector<16xi1>
        %add3A_1834 = arith.constant 0 : i32
        %add3A_1835 = vector.broadcast %add3A_1834 : i32 to vector<16xi32>
        %add3A_1836 = arith.addi %iota3A, %add3A_1835 : vector<16xi32>
        %broadcast_in_dim3A_1837 = vector.broadcast %select_n3A_1825 : i32 to vector<16xi32>
        %gather3A_1838 = arith.constant 6 : i32
        %gather3A_1839 = arith.constant 0 : i32
        %gather3A_1840 = arith.constant 0 : i32
        %gather3A_1841 = tpu.memref_slice %arg15[%gather3A_1838, %gather3A_1839, %gather3A_1840] : memref<8x64x128xf32, #tpu.memory_space<vmem>> -> memref<1x64x128xf32, #tpu.memory_space<vmem>>
        %gather3A_1842 = tpu.memref_squeeze %gather3A_1841 : memref<1x64x128xf32, #tpu.memory_space<vmem>> -> memref<64x128xf32, #tpu.memory_space<vmem>>
        %gather3A_1843 = tpu.vector_load_idx %gather3A_1842[%add3A_1836, %broadcast_in_dim3A_1837] : memref<64x128xf32, #tpu.memory_space<vmem>>[vector<16xi32>, vector<16xi32>], vector<16xf32>,
        %broadcast_in_dim3A_1844 = vector.broadcast %select_n3A_1829 : i32 to vector<16xi32>
        %gather3A_1845 = tpu.vector_load_idx %arg14[%add3A_1836, %broadcast_in_dim3A_1844] : memref<64x128xf32, #tpu.memory_space<vmem>>[vector<16xi32>, vector<16xi32>], vector<16xf32>,
        %select_n3A_1846 = arith.select %broadcast_in_dim3A_1833, %gather3A_1845, %gather3A_1843 : vector<16xi1>, vector<16xf32>
        tpu.vector_store_idx %arg18[%add3A_1836, %broadcast_in_dim3A_1832], %select_n3A_1846 : memref<64x128xf32, #tpu.memory_space<vmem>>[vector<16xi32>, vector<16xi32>], vector<16xf32>,
        %add3A_1847 = arith.constant 16 : i32
        %add3A_1848 = vector.broadcast %add3A_1847 : i32 to vector<16xi32>
        %add3A_1849 = arith.addi %iota3A, %add3A_1848 : vector<16xi32>
        %broadcast_in_dim3A_1850 = vector.broadcast %select_n3A_1825 : i32 to vector<16xi32>
        %gather3A_1851 = arith.constant 6 : i32
        %gather3A_1852 = arith.constant 0 : i32
        %gather3A_1853 = arith.constant 0 : i32
        %gather3A_1854 = tpu.memref_slice %arg15[%gather3A_1851, %gather3A_1852, %gather3A_1853] : memref<8x64x128xf32, #tpu.memory_space<vmem>> -> memref<1x64x128xf32, #tpu.memory_space<vmem>>
        %gather3A_1855 = tpu.memref_squeeze %gather3A_1854 : memref<1x64x128xf32, #tpu.memory_space<vmem>> -> memref<64x128xf32, #tpu.memory_space<vmem>>
        %gather3A_1856 = tpu.vector_load_idx %gather3A_1855[%add3A_1849, %broadcast_in_dim3A_1850] : memref<64x128xf32, #tpu.memory_space<vmem>>[vector<16xi32>, vector<16xi32>], vector<16xf32>,
        %broadcast_in_dim3A_1857 = vector.broadcast %select_n3A_1829 : i32 to vector<16xi32>
        %gather3A_1858 = tpu.vector_load_idx %arg14[%add3A_1849, %broadcast_in_dim3A_1857] : memref<64x128xf32, #tpu.memory_space<vmem>>[vector<16xi32>, vector<16xi32>], vector<16xf32>,
        %select_n3A_1859 = arith.select %broadcast_in_dim3A_1833, %gather3A_1858, %gather3A_1856 : vector<16xi1>, vector<16xf32>
        tpu.vector_store_idx %arg18[%add3A_1849, %broadcast_in_dim3A_1832], %select_n3A_1859 : memref<64x128xf32, #tpu.memory_space<vmem>>[vector<16xi32>, vector<16xi32>], vector<16xf32>,
        %add3A_1860 = arith.constant 32 : i32
        %add3A_1861 = vector.broadcast %add3A_1860 : i32 to vector<16xi32>
        %add3A_1862 = arith.addi %iota3A, %add3A_1861 : vector<16xi32>
        %broadcast_in_dim3A_1863 = vector.broadcast %select_n3A_1825 : i32 to vector<16xi32>
        %gather3A_1864 = arith.constant 6 : i32
        %gather3A_1865 = arith.constant 0 : i32
        %gather3A_1866 = arith.constant 0 : i32
        %gather3A_1867 = tpu.memref_slice %arg15[%gather3A_1864, %gather3A_1865, %gather3A_1866] : memref<8x64x128xf32, #tpu.memory_space<vmem>> -> memref<1x64x128xf32, #tpu.memory_space<vmem>>
        %gather3A_1868 = tpu.memref_squeeze %gather3A_1867 : memref<1x64x128xf32, #tpu.memory_space<vmem>> -> memref<64x128xf32, #tpu.memory_space<vmem>>
        %gather3A_1869 = tpu.vector_load_idx %gather3A_1868[%add3A_1862, %broadcast_in_dim3A_1863] : memref<64x128xf32, #tpu.memory_space<vmem>>[vector<16xi32>, vector<16xi32>], vector<16xf32>,
        %broadcast_in_dim3A_1870 = vector.broadcast %select_n3A_1829 : i32 to vector<16xi32>
        %gather3A_1871 = tpu.vector_load_idx %arg14[%add3A_1862, %broadcast_in_dim3A_1870] : memref<64x128xf32, #tpu.memory_space<vmem>>[vector<16xi32>, vector<16xi32>], vector<16xf32>,
        %select_n3A_1872 = arith.select %broadcast_in_dim3A_1833, %gather3A_1871, %gather3A_1869 : vector<16xi1>, vector<16xf32>
        tpu.vector_store_idx %arg18[%add3A_1862, %broadcast_in_dim3A_1832], %select_n3A_1872 : memref<64x128xf32, #tpu.memory_space<vmem>>[vector<16xi32>, vector<16xi32>], vector<16xf32>,
        %add3A_1873 = arith.constant 48 : i32
        %add3A_1874 = vector.broadcast %add3A_1873 : i32 to vector<16xi32>
        %add3A_1875 = arith.addi %iota3A, %add3A_1874 : vector<16xi32>
        %broadcast_in_dim3A_1876 = vector.broadcast %select_n3A_1825 : i32 to vector<16xi32>
        %gather3A_1877 = arith.constant 6 : i32
        %gather3A_1878 = arith.constant 0 : i32
        %gather3A_1879 = arith.constant 0 : i32
        %gather3A_1880 = tpu.memref_slice %arg15[%gather3A_1877, %gather3A_1878, %gather3A_1879] : memref<8x64x128xf32, #tpu.memory_space<vmem>> -> memref<1x64x128xf32, #tpu.memory_space<vmem>>
        %gather3A_1881 = tpu.memref_squeeze %gather3A_1880 : memref<1x64x128xf32, #tpu.memory_space<vmem>> -> memref<64x128xf32, #tpu.memory_space<vmem>>
        %gather3A_1882 = tpu.vector_load_idx %gather3A_1881[%add3A_1875, %broadcast_in_dim3A_1876] : memref<64x128xf32, #tpu.memory_space<vmem>>[vector<16xi32>, vector<16xi32>], vector<16xf32>,
        %broadcast_in_dim3A_1883 = vector.broadcast %select_n3A_1829 : i32 to vector<16xi32>
        %gather3A_1884 = tpu.vector_load_idx %arg14[%add3A_1875, %broadcast_in_dim3A_1883] : memref<64x128xf32, #tpu.memory_space<vmem>>[vector<16xi32>, vector<16xi32>], vector<16xf32>,
        %select_n3A_1885 = arith.select %broadcast_in_dim3A_1833, %gather3A_1884, %gather3A_1882 : vector<16xi1>, vector<16xf32>
        tpu.vector_store_idx %arg18[%add3A_1875, %broadcast_in_dim3A_1832], %select_n3A_1885 : memref<64x128xf32, #tpu.memory_space<vmem>>[vector<16xi32>, vector<16xi32>], vector<16xf32>,
        %slice3A_1886 = vector.extract_strided_slice %get3A_350 {offsets = [6], sizes = [1], strides = [1]} : vector<16xi32> to vector<1xi32>
        %squeeze3A_1887 = vector.extract %slice3A_1886[0] : i32 from vector<1xi32>
        %shift_right_logical3A_1888 = arith.constant 7 : i32
        %shift_right_logical3A_1889 = arith.shrui %squeeze3A_1887, %shift_right_logical3A_1888 : i32
        %min3A_1890 = arith.constant 7811 : i32
        %min3A_1891 = arith.minsi %shift_right_logical3A_1889, %min3A_1890 : i32
        %mul3A_1892 = arith.constant 128 : i32
        %mul3A_1893 = arith.muli %min3A_1891, %mul3A_1892 : i32
        %dma_start3A_1894 = arith.constant 6 : i32
        %dma_start3A_1895 = arith.constant 0 : i32
        %dma_start3A_1896 = arith.constant 0 : i32
        %dma_start3A_1897 = tpu.memref_slice %arg15[%dma_start3A_1894, %dma_start3A_1895, %dma_start3A_1896] : memref<8x64x128xf32, #tpu.memory_space<vmem>> -> memref<1x64x128xf32, #tpu.memory_space<vmem>>
        %dma_start3A_1898 = tpu.memref_squeeze %dma_start3A_1897 : memref<1x64x128xf32, #tpu.memory_space<vmem>> -> memref<64x128xf32, #tpu.memory_space<vmem>>
        %dma_start3A_1899 = arith.constant 0 : i32
        %dma_start3A_1900 = tpu.memref_slice %arg4[%dma_start3A_1899, %mul3A_1893] : memref<64x1000000xf32, #tpu.memory_space<hbm>> -> memref<64x128xf32, #tpu.memory_space<hbm>>
        %dma_start3A_1901 = arith.constant 0 : i32
        %dma_start3A_1902 = arith.constant 0 : i32
        %dma_start3A_1903 = tpu.memref_slice %arg15[%dma_start3A_1894, %dma_start3A_1901, %dma_start3A_1902] : memref<8x64x128xf32, #tpu.memory_space<vmem>> -> memref<1x64x128xf32, #tpu.memory_space<vmem>>
        %dma_start3A_1904 = tpu.memref_squeeze %dma_start3A_1903 : memref<1x64x128xf32, #tpu.memory_space<vmem>> -> memref<64x128xf32, #tpu.memory_space<vmem>>
        %dma_start3A_1905 = arith.constant 0 : i32
        %dma_start3A_1906 = tpu.memref_slice %arg4[%dma_start3A_1905, %mul3A_1893] : memref<64x1000000xf32, #tpu.memory_space<hbm>> -> memref<64x128xf32, #tpu.memory_space<hbm>>
        tpu.enqueue_dma source(%dma_start3A_1906 : memref<64x128xf32, #tpu.memory_space<hbm>>) target(%dma_start3A_1904 : memref<64x128xf32, #tpu.memory_space<vmem>>) target_semaphore(%arg29 : memref<!tpu.dma_semaphore, #tpu.memory_space<semaphore_mem>>)
        %dma_wait3A_1907 = arith.constant 7 : i32
        %dma_wait3A_1908 = arith.constant 0 : i32
        %dma_wait3A_1909 = arith.constant 0 : i32
        %dma_wait3A_1910 = tpu.memref_slice %arg15[%dma_wait3A_1907, %dma_wait3A_1908, %dma_wait3A_1909] : memref<8x64x128xf32, #tpu.memory_space<vmem>> -> memref<1x64x128xf32, #tpu.memory_space<vmem>>
        %dma_wait3A_1911 = tpu.memref_squeeze %dma_wait3A_1910 : memref<1x64x128xf32, #tpu.memory_space<vmem>> -> memref<64x128xf32, #tpu.memory_space<vmem>>
        %dma_wait3A_1912 = arith.constant 0 : i32
        %dma_wait3A_1913 = arith.constant 0 : i32
        %dma_wait3A_1914 = tpu.memref_slice %arg4[%dma_wait3A_1912, %dma_wait3A_1913] : memref<64x1000000xf32, #tpu.memory_space<hbm>> -> memref<64x128xf32, #tpu.memory_space<hbm>>
        %dma_wait3A_1915 = arith.constant 0 : i32
        %dma_wait3A_1916 = arith.constant 0 : i32
        %dma_wait3A_1917 = tpu.memref_slice %arg15[%dma_wait3A_1907, %dma_wait3A_1915, %dma_wait3A_1916] : memref<8x64x128xf32, #tpu.memory_space<vmem>> -> memref<1x64x128xf32, #tpu.memory_space<vmem>>
        %dma_wait3A_1918 = tpu.memref_squeeze %dma_wait3A_1917 : memref<1x64x128xf32, #tpu.memory_space<vmem>> -> memref<64x128xf32, #tpu.memory_space<vmem>>
        %dma_wait3A_1919 = arith.constant 0 : i32
        %dma_wait3A_1920 = arith.constant 0 : i32
        %dma_wait3A_1921 = tpu.memref_slice %arg4[%dma_wait3A_1919, %dma_wait3A_1920] : memref<64x1000000xf32, #tpu.memory_space<hbm>> -> memref<64x128xf32, #tpu.memory_space<hbm>>
        tpu.wait_dma2 semaphore(%arg30 : memref<!tpu.dma_semaphore, #tpu.memory_space<semaphore_mem>>) src(%dma_wait3A_1921 : memref<64x128xf32, #tpu.memory_space<hbm>>) dst(%dma_wait3A_1918 : memref<64x128xf32, #tpu.memory_space<vmem>>)
        %slice3A_1922 = vector.extract_strided_slice %get3A_344 {offsets = [15], sizes = [1], strides = [1]} : vector<16xi32> to vector<1xi32>
        %squeeze3A_1923 = vector.extract %slice3A_1922[0] : i32 from vector<1xi32>
        %ge3A_1924 = arith.constant 999936 : i32
        %ge3A_1925 = arith.cmpi sge, %squeeze3A_1923, %ge3A_1924 : i32
        %and3A_1926 = arith.constant 127 : i32
        %and3A_1927 = arith.andi %squeeze3A_1923, %and3A_1926 : i32
        %jit3A_1928 = arith.constant 0 : i32
        %select_n3A_1929 = arith.select %ge3A_1925, %jit3A_1928, %and3A_1927 : i32
        %sub3A_1930 = arith.constant 999936 : i32
        %sub3A_1931 = arith.subi %squeeze3A_1923, %sub3A_1930 : i32
        %jit3A_1932 = arith.constant 0 : i32
        %select_n3A_1933 = arith.select %ge3A_1925, %sub3A_1931, %jit3A_1932 : i32
        %add3A_1934 = arith.constant 15 : i32
        %add3A_1935 = arith.addi %mul3A_352, %add3A_1934 : i32
        %broadcast_in_dim3A_1936 = vector.broadcast %add3A_1935 : i32 to vector<16xi32>
        %broadcast_in_dim3A_1937 = vector.broadcast %ge3A_1925 : i1 to vector<16xi1>
        %add3A_1938 = arith.constant 0 : i32
        %add3A_1939 = vector.broadcast %add3A_1938 : i32 to vector<16xi32>
        %add3A_1940 = arith.addi %iota3A, %add3A_1939 : vector<16xi32>
        %broadcast_in_dim3A_1941 = vector.broadcast %select_n3A_1929 : i32 to vector<16xi32>
        %gather3A_1942 = arith.constant 7 : i32
        %gather3A_1943 = arith.constant 0 : i32
        %gather3A_1944 = arith.constant 0 : i32
        %gather3A_1945 = tpu.memref_slice %arg15[%gather3A_1942, %gather3A_1943, %gather3A_1944] : memref<8x64x128xf32, #tpu.memory_space<vmem>> -> memref<1x64x128xf32, #tpu.memory_space<vmem>>
        %gather3A_1946 = tpu.memref_squeeze %gather3A_1945 : memref<1x64x128xf32, #tpu.memory_space<vmem>> -> memref<64x128xf32, #tpu.memory_space<vmem>>
        %gather3A_1947 = tpu.vector_load_idx %gather3A_1946[%add3A_1940, %broadcast_in_dim3A_1941] : memref<64x128xf32, #tpu.memory_space<vmem>>[vector<16xi32>, vector<16xi32>], vector<16xf32>,
        %broadcast_in_dim3A_1948 = vector.broadcast %select_n3A_1933 : i32 to vector<16xi32>
        %gather3A_1949 = tpu.vector_load_idx %arg14[%add3A_1940, %broadcast_in_dim3A_1948] : memref<64x128xf32, #tpu.memory_space<vmem>>[vector<16xi32>, vector<16xi32>], vector<16xf32>,
        %select_n3A_1950 = arith.select %broadcast_in_dim3A_1937, %gather3A_1949, %gather3A_1947 : vector<16xi1>, vector<16xf32>
        tpu.vector_store_idx %arg18[%add3A_1940, %broadcast_in_dim3A_1936], %select_n3A_1950 : memref<64x128xf32, #tpu.memory_space<vmem>>[vector<16xi32>, vector<16xi32>], vector<16xf32>,
        %add3A_1951 = arith.constant 16 : i32
        %add3A_1952 = vector.broadcast %add3A_1951 : i32 to vector<16xi32>
        %add3A_1953 = arith.addi %iota3A, %add3A_1952 : vector<16xi32>
        %broadcast_in_dim3A_1954 = vector.broadcast %select_n3A_1929 : i32 to vector<16xi32>
        %gather3A_1955 = arith.constant 7 : i32
        %gather3A_1956 = arith.constant 0 : i32
        %gather3A_1957 = arith.constant 0 : i32
        %gather3A_1958 = tpu.memref_slice %arg15[%gather3A_1955, %gather3A_1956, %gather3A_1957] : memref<8x64x128xf32, #tpu.memory_space<vmem>> -> memref<1x64x128xf32, #tpu.memory_space<vmem>>
        %gather3A_1959 = tpu.memref_squeeze %gather3A_1958 : memref<1x64x128xf32, #tpu.memory_space<vmem>> -> memref<64x128xf32, #tpu.memory_space<vmem>>
        %gather3A_1960 = tpu.vector_load_idx %gather3A_1959[%add3A_1953, %broadcast_in_dim3A_1954] : memref<64x128xf32, #tpu.memory_space<vmem>>[vector<16xi32>, vector<16xi32>], vector<16xf32>,
        %broadcast_in_dim3A_1961 = vector.broadcast %select_n3A_1933 : i32 to vector<16xi32>
        %gather3A_1962 = tpu.vector_load_idx %arg14[%add3A_1953, %broadcast_in_dim3A_1961] : memref<64x128xf32, #tpu.memory_space<vmem>>[vector<16xi32>, vector<16xi32>], vector<16xf32>,
        %select_n3A_1963 = arith.select %broadcast_in_dim3A_1937, %gather3A_1962, %gather3A_1960 : vector<16xi1>, vector<16xf32>
        tpu.vector_store_idx %arg18[%add3A_1953, %broadcast_in_dim3A_1936], %select_n3A_1963 : memref<64x128xf32, #tpu.memory_space<vmem>>[vector<16xi32>, vector<16xi32>], vector<16xf32>,
        %add3A_1964 = arith.constant 32 : i32
        %add3A_1965 = vector.broadcast %add3A_1964 : i32 to vector<16xi32>
        %add3A_1966 = arith.addi %iota3A, %add3A_1965 : vector<16xi32>
        %broadcast_in_dim3A_1967 = vector.broadcast %select_n3A_1929 : i32 to vector<16xi32>
        %gather3A_1968 = arith.constant 7 : i32
        %gather3A_1969 = arith.constant 0 : i32
        %gather3A_1970 = arith.constant 0 : i32
        %gather3A_1971 = tpu.memref_slice %arg15[%gather3A_1968, %gather3A_1969, %gather3A_1970] : memref<8x64x128xf32, #tpu.memory_space<vmem>> -> memref<1x64x128xf32, #tpu.memory_space<vmem>>
        %gather3A_1972 = tpu.memref_squeeze %gather3A_1971 : memref<1x64x128xf32, #tpu.memory_space<vmem>> -> memref<64x128xf32, #tpu.memory_space<vmem>>
        %gather3A_1973 = tpu.vector_load_idx %gather3A_1972[%add3A_1966, %broadcast_in_dim3A_1967] : memref<64x128xf32, #tpu.memory_space<vmem>>[vector<16xi32>, vector<16xi32>], vector<16xf32>,
        %broadcast_in_dim3A_1974 = vector.broadcast %select_n3A_1933 : i32 to vector<16xi32>
        %gather3A_1975 = tpu.vector_load_idx %arg14[%add3A_1966, %broadcast_in_dim3A_1974] : memref<64x128xf32, #tpu.memory_space<vmem>>[vector<16xi32>, vector<16xi32>], vector<16xf32>,
        %select_n3A_1976 = arith.select %broadcast_in_dim3A_1937, %gather3A_1975, %gather3A_1973 : vector<16xi1>, vector<16xf32>
        tpu.vector_store_idx %arg18[%add3A_1966, %broadcast_in_dim3A_1936], %select_n3A_1976 : memref<64x128xf32, #tpu.memory_space<vmem>>[vector<16xi32>, vector<16xi32>], vector<16xf32>,
        %add3A_1977 = arith.constant 48 : i32
        %add3A_1978 = vector.broadcast %add3A_1977 : i32 to vector<16xi32>
        %add3A_1979 = arith.addi %iota3A, %add3A_1978 : vector<16xi32>
        %broadcast_in_dim3A_1980 = vector.broadcast %select_n3A_1929 : i32 to vector<16xi32>
        %gather3A_1981 = arith.constant 7 : i32
        %gather3A_1982 = arith.constant 0 : i32
        %gather3A_1983 = arith.constant 0 : i32
        %gather3A_1984 = tpu.memref_slice %arg15[%gather3A_1981, %gather3A_1982, %gather3A_1983] : memref<8x64x128xf32, #tpu.memory_space<vmem>> -> memref<1x64x128xf32, #tpu.memory_space<vmem>>
        %gather3A_1985 = tpu.memref_squeeze %gather3A_1984 : memref<1x64x128xf32, #tpu.memory_space<vmem>> -> memref<64x128xf32, #tpu.memory_space<vmem>>
        %gather3A_1986 = tpu.vector_load_idx %gather3A_1985[%add3A_1979, %broadcast_in_dim3A_1980] : memref<64x128xf32, #tpu.memory_space<vmem>>[vector<16xi32>, vector<16xi32>], vector<16xf32>,
        %broadcast_in_dim3A_1987 = vector.broadcast %select_n3A_1933 : i32 to vector<16xi32>
        %gather3A_1988 = tpu.vector_load_idx %arg14[%add3A_1979, %broadcast_in_dim3A_1987] : memref<64x128xf32, #tpu.memory_space<vmem>>[vector<16xi32>, vector<16xi32>], vector<16xf32>,
        %select_n3A_1989 = arith.select %broadcast_in_dim3A_1937, %gather3A_1988, %gather3A_1986 : vector<16xi1>, vector<16xf32>
        tpu.vector_store_idx %arg18[%add3A_1979, %broadcast_in_dim3A_1936], %select_n3A_1989 : memref<64x128xf32, #tpu.memory_space<vmem>>[vector<16xi32>, vector<16xi32>], vector<16xf32>,
        %slice3A_1990 = vector.extract_strided_slice %get3A_350 {offsets = [7], sizes = [1], strides = [1]} : vector<16xi32> to vector<1xi32>
        %squeeze3A_1991 = vector.extract %slice3A_1990[0] : i32 from vector<1xi32>
        %shift_right_logical3A_1992 = arith.constant 7 : i32
        %shift_right_logical3A_1993 = arith.shrui %squeeze3A_1991, %shift_right_logical3A_1992 : i32
        %min3A_1994 = arith.constant 7811 : i32
        %min3A_1995 = arith.minsi %shift_right_logical3A_1993, %min3A_1994 : i32
        %mul3A_1996 = arith.constant 128 : i32
        %mul3A_1997 = arith.muli %min3A_1995, %mul3A_1996 : i32
        %dma_start3A_1998 = arith.constant 7 : i32
        %dma_start3A_1999 = arith.constant 0 : i32
        %dma_start3A_2000 = arith.constant 0 : i32
        %dma_start3A_2001 = tpu.memref_slice %arg15[%dma_start3A_1998, %dma_start3A_1999, %dma_start3A_2000] : memref<8x64x128xf32, #tpu.memory_space<vmem>> -> memref<1x64x128xf32, #tpu.memory_space<vmem>>
        %dma_start3A_2002 = tpu.memref_squeeze %dma_start3A_2001 : memref<1x64x128xf32, #tpu.memory_space<vmem>> -> memref<64x128xf32, #tpu.memory_space<vmem>>
        %dma_start3A_2003 = arith.constant 0 : i32
        %dma_start3A_2004 = tpu.memref_slice %arg4[%dma_start3A_2003, %mul3A_1997] : memref<64x1000000xf32, #tpu.memory_space<hbm>> -> memref<64x128xf32, #tpu.memory_space<hbm>>
        %dma_start3A_2005 = arith.constant 0 : i32
        %dma_start3A_2006 = arith.constant 0 : i32
        %dma_start3A_2007 = tpu.memref_slice %arg15[%dma_start3A_1998, %dma_start3A_2005, %dma_start3A_2006] : memref<8x64x128xf32, #tpu.memory_space<vmem>> -> memref<1x64x128xf32, #tpu.memory_space<vmem>>
        %dma_start3A_2008 = tpu.memref_squeeze %dma_start3A_2007 : memref<1x64x128xf32, #tpu.memory_space<vmem>> -> memref<64x128xf32, #tpu.memory_space<vmem>>
        %dma_start3A_2009 = arith.constant 0 : i32
        %dma_start3A_2010 = tpu.memref_slice %arg4[%dma_start3A_2009, %mul3A_1997] : memref<64x1000000xf32, #tpu.memory_space<hbm>> -> memref<64x128xf32, #tpu.memory_space<hbm>>
        tpu.enqueue_dma source(%dma_start3A_2010 : memref<64x128xf32, #tpu.memory_space<hbm>>) target(%dma_start3A_2008 : memref<64x128xf32, #tpu.memory_space<vmem>>) target_semaphore(%arg30 : memref<!tpu.dma_semaphore, #tpu.memory_space<semaphore_mem>>)
      }
      %scan3A_318 = arith.constant 8 : i32
      %dma_wait3A_319 = arith.constant 0 : i32
      %dma_wait3A_320 = tpu.memref_slice %arg13[%scan3A_299, %dma_wait3A_319] : memref<4x128xi32, #tpu.memory_space<vmem>> -> memref<1x128xi32, #tpu.memory_space<vmem>>
      %dma_wait3A_321 = tpu.memref_squeeze %dma_wait3A_320 : memref<1x128xi32, #tpu.memory_space<vmem>> -> memref<128xi32, #tpu.memory_space<vmem>>
      %dma_wait3A_322 = arith.constant 0 : i32
      %dma_wait3A_323 = arith.constant 0 : i32
      %dma_wait3A_324 = tpu.memref_slice %arg5[%dma_wait3A_322, %dma_wait3A_323] : memref<50000x128xf32, #tpu.memory_space<hbm>> -> memref<50000x128xf32, #tpu.memory_space<hbm>>
      tpu.wait_indirect_dma semaphore(%arg22 : memref<!tpu.dma_semaphore, #tpu.memory_space<semaphore_mem>>) src(%dma_wait3A_324 : memref<50000x128xf32, #tpu.memory_space<hbm>>) dst(%arg16 : memref<128x128xf32, #tpu.memory_space<vmem>>)
      %dma_wait3A_325 = arith.constant 0 : i32
      %dma_wait3A_326 = tpu.memref_slice %arg13[%scan3A_299, %dma_wait3A_325] : memref<4x128xi32, #tpu.memory_space<vmem>> -> memref<1x128xi32, #tpu.memory_space<vmem>>
      %dma_wait3A_327 = tpu.memref_squeeze %dma_wait3A_326 : memref<1x128xi32, #tpu.memory_space<vmem>> -> memref<128xi32, #tpu.memory_space<vmem>>
      %dma_wait3A_328 = arith.constant 0 : i32
      %dma_wait3A_329 = arith.constant 0 : i32
      %dma_wait3A_330 = tpu.memref_slice %arg6[%dma_wait3A_328, %dma_wait3A_329] : memref<50000x128xf32, #tpu.memory_space<hbm>> -> memref<50000x128xf32, #tpu.memory_space<hbm>>
      tpu.wait_indirect_dma semaphore(%arg22 : memref<!tpu.dma_semaphore, #tpu.memory_space<semaphore_mem>>) src(%dma_wait3A_330 : memref<50000x128xf32, #tpu.memory_space<hbm>>) dst(%arg17 : memref<128x128xf32, #tpu.memory_space<vmem>>)
      %scan3A_331 = arith.constant 0 : i32
      %scan3A_332 = arith.constant 8 : i32
      %scan3A_333 = arith.addi %scan3A_331, %scan3A_332 : i32
      %scan3A_334 = arith.constant 1 : i32
      %scan3A_335 = scf.for %scan3A_337 = %scan3A_331 to %scan3A_333 step %scan3A_334 iter_args(%scan3A_338 = %scan3A_300) -> (vector<16xf32>)  : i32 {
        %mul3A_339 = arith.constant 16 : i32
        %mul3A_340 = arith.muli %scan3A_337, %mul3A_339 : i32
        %multiple_of3A = tpu.assume_multiple %mul3A_340, 16 : i32
        %mul3A_341 = arith.constant 128 : i32
        %mul3A_342 = arith.muli %scan3A_299, %mul3A_341 : i32
        %mul3A_343 = arith.constant 16 : i32
        %mul3A_344 = arith.muli %scan3A_337, %mul3A_343 : i32
        %add3A_345 = arith.addi %mul3A_342, %mul3A_344 : i32
        %multiple_of3A_346 = tpu.assume_multiple %add3A_345, 16 : i32
        %get3A_347 = arith.index_cast %multiple_of3A_346 : i32 to index
        %get3A_348 = tpu.vector_load %arg12[%get3A_347] {strides = array<i32>} : memref<512xi32, #tpu.memory_space<vmem>>, vector<16xi32>,
        %and3A = arith.constant 1 : i32
        %and3A_349 = vector.broadcast %and3A : i32 to vector<16xi32>
        %and3A_350 = arith.andi %get3A_348, %and3A_349 : vector<16xi32>
        %mul3A_351 = arith.constant 64 : i32
        %mul3A_352 = vector.broadcast %mul3A_351 : i32 to vector<16xi32>
        %mul3A_353 = arith.muli %and3A_350, %mul3A_352 : vector<16xi32>
        %add3A_354 = vector.broadcast %multiple_of3A : i32 to vector<16xi32>
        %add3A_355 = arith.addi %iota3A, %add3A_354 : vector<16xi32>
        %broadcast_in_dim3A_356 = arith.constant 0.000000e+00 : f32
        %broadcast_in_dim3A_357 = vector.broadcast %broadcast_in_dim3A_356 : f32 to vector<16xf32>
        %broadcast_in_dim3A_358 = arith.constant 0.000000e+00 : f32
        %broadcast_in_dim3A_359 = vector.broadcast %broadcast_in_dim3A_358 : f32 to vector<16xf32>
        %get3A_360 = arith.constant 0 : i32
        %get3A_361 = arith.index_cast %get3A_360 : i32 to index
        %get3A_362 = arith.index_cast %multiple_of3A : i32 to index
        %get3A_363 = tpu.vector_load %arg18[%get3A_361, %get3A_362] {strides = array<i32>} : memref<64x128xf32, #tpu.memory_space<vmem>>, vector<16xf32>,
        %add3A_364 = arith.constant 0 : i32
        %add3A_365 = vector.broadcast %add3A_364 : i32 to vector<16xi32>
        %add3A_366 = arith.addi %mul3A_353, %add3A_365 : vector<16xi32>
        %gather3A = tpu.vector_load_idx %arg16[%add3A_355, %add3A_366] : memref<128x128xf32, #tpu.memory_space<vmem>>[vector<16xi32>, vector<16xi32>], vector<16xf32>,
        %add3A_367 = arith.constant 0 : i32
        %add3A_368 = vector.broadcast %add3A_367 : i32 to vector<16xi32>
        %add3A_369 = arith.addi %mul3A_353, %add3A_368 : vector<16xi32>
        %gather3A_370 = tpu.vector_load_idx %arg17[%add3A_355, %add3A_369] : memref<128x128xf32, #tpu.memory_space<vmem>>[vector<16xi32>, vector<16xi32>], vector<16xf32>,
        %mul3A_371 = arith.mulf %get3A_363, %gather3A : vector<16xf32>
        %add3A_372 = arith.addf %broadcast_in_dim3A_357, %mul3A_371 : vector<16xf32>
        %mul3A_373 = arith.mulf %get3A_363, %gather3A_370 : vector<16xf32>
        %add3A_374 = arith.addf %broadcast_in_dim3A_359, %mul3A_373 : vector<16xf32>
        %mul3A_375 = arith.mulf %get3A_363, %get3A_363 : vector<16xf32>
        %add3A_376 = arith.addf %scan3A_338, %mul3A_375 : vector<16xf32>
        %mul3A_377 = arith.mulf %gather3A, %gather3A : vector<16xf32>
        %add3A_378 = arith.addf %add3A_376, %mul3A_377 : vector<16xf32>
        %mul3A_379 = arith.mulf %gather3A_370, %gather3A_370 : vector<16xf32>
        %add3A_380 = arith.addf %add3A_378, %mul3A_379 : vector<16xf32>
        %get3A_381 = arith.constant 1 : i32
        %get3A_382 = arith.index_cast %get3A_381 : i32 to index
        %get3A_383 = arith.index_cast %multiple_of3A : i32 to index
        %get3A_384 = tpu.vector_load %arg18[%get3A_382, %get3A_383] {strides = array<i32>} : memref<64x128xf32, #tpu.memory_space<vmem>>, vector<16xf32>,
        %add3A_385 = arith.constant 1 : i32
        %add3A_386 = vector.broadcast %add3A_385 : i32 to vector<16xi32>
        %add3A_387 = arith.addi %mul3A_353, %add3A_386 : vector<16xi32>
        %gather3A_388 = tpu.vector_load_idx %arg16[%add3A_355, %add3A_387] : memref<128x128xf32, #tpu.memory_space<vmem>>[vector<16xi32>, vector<16xi32>], vector<16xf32>,
        %add3A_389 = arith.constant 1 : i32
        %add3A_390 = vector.broadcast %add3A_389 : i32 to vector<16xi32>
        %add3A_391 = arith.addi %mul3A_353, %add3A_390 : vector<16xi32>
        %gather3A_392 = tpu.vector_load_idx %arg17[%add3A_355, %add3A_391] : memref<128x128xf32, #tpu.memory_space<vmem>>[vector<16xi32>, vector<16xi32>], vector<16xf32>,
        %mul3A_393 = arith.mulf %get3A_384, %gather3A_388 : vector<16xf32>
        %add3A_394 = arith.addf %add3A_372, %mul3A_393 : vector<16xf32>
        %mul3A_395 = arith.mulf %get3A_384, %gather3A_392 : vector<16xf32>
        %add3A_396 = arith.addf %add3A_374, %mul3A_395 : vector<16xf32>
        %mul3A_397 = arith.mulf %get3A_384, %get3A_384 : vector<16xf32>
        %add3A_398 = arith.addf %add3A_380, %mul3A_397 : vector<16xf32>
        %mul3A_399 = arith.mulf %gather3A_388, %gather3A_388 : vector<16xf32>
        %add3A_400 = arith.addf %add3A_398, %mul3A_399 : vector<16xf32>
        %mul3A_401 = arith.mulf %gather3A_392, %gather3A_392 : vector<16xf32>
        %add3A_402 = arith.addf %add3A_400, %mul3A_401 : vector<16xf32>
        %get3A_403 = arith.constant 2 : i32
        %get3A_404 = arith.index_cast %get3A_403 : i32 to index
        %get3A_405 = arith.index_cast %multiple_of3A : i32 to index
        %get3A_406 = tpu.vector_load %arg18[%get3A_404, %get3A_405] {strides = array<i32>} : memref<64x128xf32, #tpu.memory_space<vmem>>, vector<16xf32>,
        %add3A_407 = arith.constant 2 : i32
        %add3A_408 = vector.broadcast %add3A_407 : i32 to vector<16xi32>
        %add3A_409 = arith.addi %mul3A_353, %add3A_408 : vector<16xi32>
        %gather3A_410 = tpu.vector_load_idx %arg16[%add3A_355, %add3A_409] : memref<128x128xf32, #tpu.memory_space<vmem>>[vector<16xi32>, vector<16xi32>], vector<16xf32>,
        %add3A_411 = arith.constant 2 : i32
        %add3A_412 = vector.broadcast %add3A_411 : i32 to vector<16xi32>
        %add3A_413 = arith.addi %mul3A_353, %add3A_412 : vector<16xi32>
        %gather3A_414 = tpu.vector_load_idx %arg17[%add3A_355, %add3A_413] : memref<128x128xf32, #tpu.memory_space<vmem>>[vector<16xi32>, vector<16xi32>], vector<16xf32>,
        %mul3A_415 = arith.mulf %get3A_406, %gather3A_410 : vector<16xf32>
        %add3A_416 = arith.addf %add3A_394, %mul3A_415 : vector<16xf32>
        %mul3A_417 = arith.mulf %get3A_406, %gather3A_414 : vector<16xf32>
        %add3A_418 = arith.addf %add3A_396, %mul3A_417 : vector<16xf32>
        %mul3A_419 = arith.mulf %get3A_406, %get3A_406 : vector<16xf32>
        %add3A_420 = arith.addf %add3A_402, %mul3A_419 : vector<16xf32>
        %mul3A_421 = arith.mulf %gather3A_410, %gather3A_410 : vector<16xf32>
        %add3A_422 = arith.addf %add3A_420, %mul3A_421 : vector<16xf32>
        %mul3A_423 = arith.mulf %gather3A_414, %gather3A_414 : vector<16xf32>
        %add3A_424 = arith.addf %add3A_422, %mul3A_423 : vector<16xf32>
        %get3A_425 = arith.constant 3 : i32
        %get3A_426 = arith.index_cast %get3A_425 : i32 to index
        %get3A_427 = arith.index_cast %multiple_of3A : i32 to index
        %get3A_428 = tpu.vector_load %arg18[%get3A_426, %get3A_427] {strides = array<i32>} : memref<64x128xf32, #tpu.memory_space<vmem>>, vector<16xf32>,
        %add3A_429 = arith.constant 3 : i32
        %add3A_430 = vector.broadcast %add3A_429 : i32 to vector<16xi32>
        %add3A_431 = arith.addi %mul3A_353, %add3A_430 : vector<16xi32>
        %gather3A_432 = tpu.vector_load_idx %arg16[%add3A_355, %add3A_431] : memref<128x128xf32, #tpu.memory_space<vmem>>[vector<16xi32>, vector<16xi32>], vector<16xf32>,
        %add3A_433 = arith.constant 3 : i32
        %add3A_434 = vector.broadcast %add3A_433 : i32 to vector<16xi32>
        %add3A_435 = arith.addi %mul3A_353, %add3A_434 : vector<16xi32>
        %gather3A_436 = tpu.vector_load_idx %arg17[%add3A_355, %add3A_435] : memref<128x128xf32, #tpu.memory_space<vmem>>[vector<16xi32>, vector<16xi32>], vector<16xf32>,
        %mul3A_437 = arith.mulf %get3A_428, %gather3A_432 : vector<16xf32>
        %add3A_438 = arith.addf %add3A_416, %mul3A_437 : vector<16xf32>
        %mul3A_439 = arith.mulf %get3A_428, %gather3A_436 : vector<16xf32>
        %add3A_440 = arith.addf %add3A_418, %mul3A_439 : vector<16xf32>
        %mul3A_441 = arith.mulf %get3A_428, %get3A_428 : vector<16xf32>
        %add3A_442 = arith.addf %add3A_424, %mul3A_441 : vector<16xf32>
        %mul3A_443 = arith.mulf %gather3A_432, %gather3A_432 : vector<16xf32>
        %add3A_444 = arith.addf %add3A_442, %mul3A_443 : vector<16xf32>
        %mul3A_445 = arith.mulf %gather3A_436, %gather3A_436 : vector<16xf32>
        %add3A_446 = arith.addf %add3A_444, %mul3A_445 : vector<16xf32>
        %get3A_447 = arith.constant 4 : i32
        %get3A_448 = arith.index_cast %get3A_447 : i32 to index
        %get3A_449 = arith.index_cast %multiple_of3A : i32 to index
        %get3A_450 = tpu.vector_load %arg18[%get3A_448, %get3A_449] {strides = array<i32>} : memref<64x128xf32, #tpu.memory_space<vmem>>, vector<16xf32>,
        %add3A_451 = arith.constant 4 : i32
        %add3A_452 = vector.broadcast %add3A_451 : i32 to vector<16xi32>
        %add3A_453 = arith.addi %mul3A_353, %add3A_452 : vector<16xi32>
        %gather3A_454 = tpu.vector_load_idx %arg16[%add3A_355, %add3A_453] : memref<128x128xf32, #tpu.memory_space<vmem>>[vector<16xi32>, vector<16xi32>], vector<16xf32>,
        %add3A_455 = arith.constant 4 : i32
        %add3A_456 = vector.broadcast %add3A_455 : i32 to vector<16xi32>
        %add3A_457 = arith.addi %mul3A_353, %add3A_456 : vector<16xi32>
        %gather3A_458 = tpu.vector_load_idx %arg17[%add3A_355, %add3A_457] : memref<128x128xf32, #tpu.memory_space<vmem>>[vector<16xi32>, vector<16xi32>], vector<16xf32>,
        %mul3A_459 = arith.mulf %get3A_450, %gather3A_454 : vector<16xf32>
        %add3A_460 = arith.addf %add3A_438, %mul3A_459 : vector<16xf32>
        %mul3A_461 = arith.mulf %get3A_450, %gather3A_458 : vector<16xf32>
        %add3A_462 = arith.addf %add3A_440, %mul3A_461 : vector<16xf32>
        %mul3A_463 = arith.mulf %get3A_450, %get3A_450 : vector<16xf32>
        %add3A_464 = arith.addf %add3A_446, %mul3A_463 : vector<16xf32>
        %mul3A_465 = arith.mulf %gather3A_454, %gather3A_454 : vector<16xf32>
        %add3A_466 = arith.addf %add3A_464, %mul3A_465 : vector<16xf32>
        %mul3A_467 = arith.mulf %gather3A_458, %gather3A_458 : vector<16xf32>
        %add3A_468 = arith.addf %add3A_466, %mul3A_467 : vector<16xf32>
        %get3A_469 = arith.constant 5 : i32
        %get3A_470 = arith.index_cast %get3A_469 : i32 to index
        %get3A_471 = arith.index_cast %multiple_of3A : i32 to index
        %get3A_472 = tpu.vector_load %arg18[%get3A_470, %get3A_471] {strides = array<i32>} : memref<64x128xf32, #tpu.memory_space<vmem>>, vector<16xf32>,
        %add3A_473 = arith.constant 5 : i32
        %add3A_474 = vector.broadcast %add3A_473 : i32 to vector<16xi32>
        %add3A_475 = arith.addi %mul3A_353, %add3A_474 : vector<16xi32>
        %gather3A_476 = tpu.vector_load_idx %arg16[%add3A_355, %add3A_475] : memref<128x128xf32, #tpu.memory_space<vmem>>[vector<16xi32>, vector<16xi32>], vector<16xf32>,
        %add3A_477 = arith.constant 5 : i32
        %add3A_478 = vector.broadcast %add3A_477 : i32 to vector<16xi32>
        %add3A_479 = arith.addi %mul3A_353, %add3A_478 : vector<16xi32>
        %gather3A_480 = tpu.vector_load_idx %arg17[%add3A_355, %add3A_479] : memref<128x128xf32, #tpu.memory_space<vmem>>[vector<16xi32>, vector<16xi32>], vector<16xf32>,
        %mul3A_481 = arith.mulf %get3A_472, %gather3A_476 : vector<16xf32>
        %add3A_482 = arith.addf %add3A_460, %mul3A_481 : vector<16xf32>
        %mul3A_483 = arith.mulf %get3A_472, %gather3A_480 : vector<16xf32>
        %add3A_484 = arith.addf %add3A_462, %mul3A_483 : vector<16xf32>
        %mul3A_485 = arith.mulf %get3A_472, %get3A_472 : vector<16xf32>
        %add3A_486 = arith.addf %add3A_468, %mul3A_485 : vector<16xf32>
        %mul3A_487 = arith.mulf %gather3A_476, %gather3A_476 : vector<16xf32>
        %add3A_488 = arith.addf %add3A_486, %mul3A_487 : vector<16xf32>
        %mul3A_489 = arith.mulf %gather3A_480, %gather3A_480 : vector<16xf32>
        %add3A_490 = arith.addf %add3A_488, %mul3A_489 : vector<16xf32>
        %get3A_491 = arith.constant 6 : i32
        %get3A_492 = arith.index_cast %get3A_491 : i32 to index
        %get3A_493 = arith.index_cast %multiple_of3A : i32 to index
        %get3A_494 = tpu.vector_load %arg18[%get3A_492, %get3A_493] {strides = array<i32>} : memref<64x128xf32, #tpu.memory_space<vmem>>, vector<16xf32>,
        %add3A_495 = arith.constant 6 : i32
        %add3A_496 = vector.broadcast %add3A_495 : i32 to vector<16xi32>
        %add3A_497 = arith.addi %mul3A_353, %add3A_496 : vector<16xi32>
        %gather3A_498 = tpu.vector_load_idx %arg16[%add3A_355, %add3A_497] : memref<128x128xf32, #tpu.memory_space<vmem>>[vector<16xi32>, vector<16xi32>], vector<16xf32>,
        %add3A_499 = arith.constant 6 : i32
        %add3A_500 = vector.broadcast %add3A_499 : i32 to vector<16xi32>
        %add3A_501 = arith.addi %mul3A_353, %add3A_500 : vector<16xi32>
        %gather3A_502 = tpu.vector_load_idx %arg17[%add3A_355, %add3A_501] : memref<128x128xf32, #tpu.memory_space<vmem>>[vector<16xi32>, vector<16xi32>], vector<16xf32>,
        %mul3A_503 = arith.mulf %get3A_494, %gather3A_498 : vector<16xf32>
        %add3A_504 = arith.addf %add3A_482, %mul3A_503 : vector<16xf32>
        %mul3A_505 = arith.mulf %get3A_494, %gather3A_502 : vector<16xf32>
        %add3A_506 = arith.addf %add3A_484, %mul3A_505 : vector<16xf32>
        %mul3A_507 = arith.mulf %get3A_494, %get3A_494 : vector<16xf32>
        %add3A_508 = arith.addf %add3A_490, %mul3A_507 : vector<16xf32>
        %mul3A_509 = arith.mulf %gather3A_498, %gather3A_498 : vector<16xf32>
        %add3A_510 = arith.addf %add3A_508, %mul3A_509 : vector<16xf32>
        %mul3A_511 = arith.mulf %gather3A_502, %gather3A_502 : vector<16xf32>
        %add3A_512 = arith.addf %add3A_510, %mul3A_511 : vector<16xf32>
        %get3A_513 = arith.constant 7 : i32
        %get3A_514 = arith.index_cast %get3A_513 : i32 to index
        %get3A_515 = arith.index_cast %multiple_of3A : i32 to index
        %get3A_516 = tpu.vector_load %arg18[%get3A_514, %get3A_515] {strides = array<i32>} : memref<64x128xf32, #tpu.memory_space<vmem>>, vector<16xf32>,
        %add3A_517 = arith.constant 7 : i32
        %add3A_518 = vector.broadcast %add3A_517 : i32 to vector<16xi32>
        %add3A_519 = arith.addi %mul3A_353, %add3A_518 : vector<16xi32>
        %gather3A_520 = tpu.vector_load_idx %arg16[%add3A_355, %add3A_519] : memref<128x128xf32, #tpu.memory_space<vmem>>[vector<16xi32>, vector<16xi32>], vector<16xf32>,
        %add3A_521 = arith.constant 7 : i32
        %add3A_522 = vector.broadcast %add3A_521 : i32 to vector<16xi32>
        %add3A_523 = arith.addi %mul3A_353, %add3A_522 : vector<16xi32>
        %gather3A_524 = tpu.vector_load_idx %arg17[%add3A_355, %add3A_523] : memref<128x128xf32, #tpu.memory_space<vmem>>[vector<16xi32>, vector<16xi32>], vector<16xf32>,
        %mul3A_525 = arith.mulf %get3A_516, %gather3A_520 : vector<16xf32>
        %add3A_526 = arith.addf %add3A_504, %mul3A_525 : vector<16xf32>
        %mul3A_527 = arith.mulf %get3A_516, %gather3A_524 : vector<16xf32>
        %add3A_528 = arith.addf %add3A_506, %mul3A_527 : vector<16xf32>
        %mul3A_529 = arith.mulf %get3A_516, %get3A_516 : vector<16xf32>
        %add3A_530 = arith.addf %add3A_512, %mul3A_529 : vector<16xf32>
        %mul3A_531 = arith.mulf %gather3A_520, %gather3A_520 : vector<16xf32>
        %add3A_532 = arith.addf %add3A_530, %mul3A_531 : vector<16xf32>
        %mul3A_533 = arith.mulf %gather3A_524, %gather3A_524 : vector<16xf32>
        %add3A_534 = arith.addf %add3A_532, %mul3A_533 : vector<16xf32>
        %get3A_535 = arith.constant 8 : i32
        %get3A_536 = arith.index_cast %get3A_535 : i32 to index
        %get3A_537 = arith.index_cast %multiple_of3A : i32 to index
        %get3A_538 = tpu.vector_load %arg18[%get3A_536, %get3A_537] {strides = array<i32>} : memref<64x128xf32, #tpu.memory_space<vmem>>, vector<16xf32>,
        %add3A_539 = arith.constant 8 : i32
        %add3A_540 = vector.broadcast %add3A_539 : i32 to vector<16xi32>
        %add3A_541 = arith.addi %mul3A_353, %add3A_540 : vector<16xi32>
        %gather3A_542 = tpu.vector_load_idx %arg16[%add3A_355, %add3A_541] : memref<128x128xf32, #tpu.memory_space<vmem>>[vector<16xi32>, vector<16xi32>], vector<16xf32>,
        %add3A_543 = arith.constant 8 : i32
        %add3A_544 = vector.broadcast %add3A_543 : i32 to vector<16xi32>
        %add3A_545 = arith.addi %mul3A_353, %add3A_544 : vector<16xi32>
        %gather3A_546 = tpu.vector_load_idx %arg17[%add3A_355, %add3A_545] : memref<128x128xf32, #tpu.memory_space<vmem>>[vector<16xi32>, vector<16xi32>], vector<16xf32>,
        %mul3A_547 = arith.mulf %get3A_538, %gather3A_542 : vector<16xf32>
        %add3A_548 = arith.addf %add3A_526, %mul3A_547 : vector<16xf32>
        %mul3A_549 = arith.mulf %get3A_538, %gather3A_546 : vector<16xf32>
        %add3A_550 = arith.addf %add3A_528, %mul3A_549 : vector<16xf32>
        %mul3A_551 = arith.mulf %get3A_538, %get3A_538 : vector<16xf32>
        %add3A_552 = arith.addf %add3A_534, %mul3A_551 : vector<16xf32>
        %mul3A_553 = arith.mulf %gather3A_542, %gather3A_542 : vector<16xf32>
        %add3A_554 = arith.addf %add3A_552, %mul3A_553 : vector<16xf32>
        %mul3A_555 = arith.mulf %gather3A_546, %gather3A_546 : vector<16xf32>
        %add3A_556 = arith.addf %add3A_554, %mul3A_555 : vector<16xf32>
        %get3A_557 = arith.constant 9 : i32
        %get3A_558 = arith.index_cast %get3A_557 : i32 to index
        %get3A_559 = arith.index_cast %multiple_of3A : i32 to index
        %get3A_560 = tpu.vector_load %arg18[%get3A_558, %get3A_559] {strides = array<i32>} : memref<64x128xf32, #tpu.memory_space<vmem>>, vector<16xf32>,
        %add3A_561 = arith.constant 9 : i32
        %add3A_562 = vector.broadcast %add3A_561 : i32 to vector<16xi32>
        %add3A_563 = arith.addi %mul3A_353, %add3A_562 : vector<16xi32>
        %gather3A_564 = tpu.vector_load_idx %arg16[%add3A_355, %add3A_563] : memref<128x128xf32, #tpu.memory_space<vmem>>[vector<16xi32>, vector<16xi32>], vector<16xf32>,
        %add3A_565 = arith.constant 9 : i32
        %add3A_566 = vector.broadcast %add3A_565 : i32 to vector<16xi32>
        %add3A_567 = arith.addi %mul3A_353, %add3A_566 : vector<16xi32>
        %gather3A_568 = tpu.vector_load_idx %arg17[%add3A_355, %add3A_567] : memref<128x128xf32, #tpu.memory_space<vmem>>[vector<16xi32>, vector<16xi32>], vector<16xf32>,
        %mul3A_569 = arith.mulf %get3A_560, %gather3A_564 : vector<16xf32>
        %add3A_570 = arith.addf %add3A_548, %mul3A_569 : vector<16xf32>
        %mul3A_571 = arith.mulf %get3A_560, %gather3A_568 : vector<16xf32>
        %add3A_572 = arith.addf %add3A_550, %mul3A_571 : vector<16xf32>
        %mul3A_573 = arith.mulf %get3A_560, %get3A_560 : vector<16xf32>
        %add3A_574 = arith.addf %add3A_556, %mul3A_573 : vector<16xf32>
        %mul3A_575 = arith.mulf %gather3A_564, %gather3A_564 : vector<16xf32>
        %add3A_576 = arith.addf %add3A_574, %mul3A_575 : vector<16xf32>
        %mul3A_577 = arith.mulf %gather3A_568, %gather3A_568 : vector<16xf32>
        %add3A_578 = arith.addf %add3A_576, %mul3A_577 : vector<16xf32>
        %get3A_579 = arith.constant 10 : i32
        %get3A_580 = arith.index_cast %get3A_579 : i32 to index
        %get3A_581 = arith.index_cast %multiple_of3A : i32 to index
        %get3A_582 = tpu.vector_load %arg18[%get3A_580, %get3A_581] {strides = array<i32>} : memref<64x128xf32, #tpu.memory_space<vmem>>, vector<16xf32>,
        %add3A_583 = arith.constant 10 : i32
        %add3A_584 = vector.broadcast %add3A_583 : i32 to vector<16xi32>
        %add3A_585 = arith.addi %mul3A_353, %add3A_584 : vector<16xi32>
        %gather3A_586 = tpu.vector_load_idx %arg16[%add3A_355, %add3A_585] : memref<128x128xf32, #tpu.memory_space<vmem>>[vector<16xi32>, vector<16xi32>], vector<16xf32>,
        %add3A_587 = arith.constant 10 : i32
        %add3A_588 = vector.broadcast %add3A_587 : i32 to vector<16xi32>
        %add3A_589 = arith.addi %mul3A_353, %add3A_588 : vector<16xi32>
        %gather3A_590 = tpu.vector_load_idx %arg17[%add3A_355, %add3A_589] : memref<128x128xf32, #tpu.memory_space<vmem>>[vector<16xi32>, vector<16xi32>], vector<16xf32>,
        %mul3A_591 = arith.mulf %get3A_582, %gather3A_586 : vector<16xf32>
        %add3A_592 = arith.addf %add3A_570, %mul3A_591 : vector<16xf32>
        %mul3A_593 = arith.mulf %get3A_582, %gather3A_590 : vector<16xf32>
        %add3A_594 = arith.addf %add3A_572, %mul3A_593 : vector<16xf32>
        %mul3A_595 = arith.mulf %get3A_582, %get3A_582 : vector<16xf32>
        %add3A_596 = arith.addf %add3A_578, %mul3A_595 : vector<16xf32>
        %mul3A_597 = arith.mulf %gather3A_586, %gather3A_586 : vector<16xf32>
        %add3A_598 = arith.addf %add3A_596, %mul3A_597 : vector<16xf32>
        %mul3A_599 = arith.mulf %gather3A_590, %gather3A_590 : vector<16xf32>
        %add3A_600 = arith.addf %add3A_598, %mul3A_599 : vector<16xf32>
        %get3A_601 = arith.constant 11 : i32
        %get3A_602 = arith.index_cast %get3A_601 : i32 to index
        %get3A_603 = arith.index_cast %multiple_of3A : i32 to index
        %get3A_604 = tpu.vector_load %arg18[%get3A_602, %get3A_603] {strides = array<i32>} : memref<64x128xf32, #tpu.memory_space<vmem>>, vector<16xf32>,
        %add3A_605 = arith.constant 11 : i32
        %add3A_606 = vector.broadcast %add3A_605 : i32 to vector<16xi32>
        %add3A_607 = arith.addi %mul3A_353, %add3A_606 : vector<16xi32>
        %gather3A_608 = tpu.vector_load_idx %arg16[%add3A_355, %add3A_607] : memref<128x128xf32, #tpu.memory_space<vmem>>[vector<16xi32>, vector<16xi32>], vector<16xf32>,
        %add3A_609 = arith.constant 11 : i32
        %add3A_610 = vector.broadcast %add3A_609 : i32 to vector<16xi32>
        %add3A_611 = arith.addi %mul3A_353, %add3A_610 : vector<16xi32>
        %gather3A_612 = tpu.vector_load_idx %arg17[%add3A_355, %add3A_611] : memref<128x128xf32, #tpu.memory_space<vmem>>[vector<16xi32>, vector<16xi32>], vector<16xf32>,
        %mul3A_613 = arith.mulf %get3A_604, %gather3A_608 : vector<16xf32>
        %add3A_614 = arith.addf %add3A_592, %mul3A_613 : vector<16xf32>
        %mul3A_615 = arith.mulf %get3A_604, %gather3A_612 : vector<16xf32>
        %add3A_616 = arith.addf %add3A_594, %mul3A_615 : vector<16xf32>
        %mul3A_617 = arith.mulf %get3A_604, %get3A_604 : vector<16xf32>
        %add3A_618 = arith.addf %add3A_600, %mul3A_617 : vector<16xf32>
        %mul3A_619 = arith.mulf %gather3A_608, %gather3A_608 : vector<16xf32>
        %add3A_620 = arith.addf %add3A_618, %mul3A_619 : vector<16xf32>
        %mul3A_621 = arith.mulf %gather3A_612, %gather3A_612 : vector<16xf32>
        %add3A_622 = arith.addf %add3A_620, %mul3A_621 : vector<16xf32>
        %get3A_623 = arith.constant 12 : i32
        %get3A_624 = arith.index_cast %get3A_623 : i32 to index
        %get3A_625 = arith.index_cast %multiple_of3A : i32 to index
        %get3A_626 = tpu.vector_load %arg18[%get3A_624, %get3A_625] {strides = array<i32>} : memref<64x128xf32, #tpu.memory_space<vmem>>, vector<16xf32>,
        %add3A_627 = arith.constant 12 : i32
        %add3A_628 = vector.broadcast %add3A_627 : i32 to vector<16xi32>
        %add3A_629 = arith.addi %mul3A_353, %add3A_628 : vector<16xi32>
        %gather3A_630 = tpu.vector_load_idx %arg16[%add3A_355, %add3A_629] : memref<128x128xf32, #tpu.memory_space<vmem>>[vector<16xi32>, vector<16xi32>], vector<16xf32>,
        %add3A_631 = arith.constant 12 : i32
        %add3A_632 = vector.broadcast %add3A_631 : i32 to vector<16xi32>
        %add3A_633 = arith.addi %mul3A_353, %add3A_632 : vector<16xi32>
        %gather3A_634 = tpu.vector_load_idx %arg17[%add3A_355, %add3A_633] : memref<128x128xf32, #tpu.memory_space<vmem>>[vector<16xi32>, vector<16xi32>], vector<16xf32>,
        %mul3A_635 = arith.mulf %get3A_626, %gather3A_630 : vector<16xf32>
        %add3A_636 = arith.addf %add3A_614, %mul3A_635 : vector<16xf32>
        %mul3A_637 = arith.mulf %get3A_626, %gather3A_634 : vector<16xf32>
        %add3A_638 = arith.addf %add3A_616, %mul3A_637 : vector<16xf32>
        %mul3A_639 = arith.mulf %get3A_626, %get3A_626 : vector<16xf32>
        %add3A_640 = arith.addf %add3A_622, %mul3A_639 : vector<16xf32>
        %mul3A_641 = arith.mulf %gather3A_630, %gather3A_630 : vector<16xf32>
        %add3A_642 = arith.addf %add3A_640, %mul3A_641 : vector<16xf32>
        %mul3A_643 = arith.mulf %gather3A_634, %gather3A_634 : vector<16xf32>
        %add3A_644 = arith.addf %add3A_642, %mul3A_643 : vector<16xf32>
        %get3A_645 = arith.constant 13 : i32
        %get3A_646 = arith.index_cast %get3A_645 : i32 to index
        %get3A_647 = arith.index_cast %multiple_of3A : i32 to index
        %get3A_648 = tpu.vector_load %arg18[%get3A_646, %get3A_647] {strides = array<i32>} : memref<64x128xf32, #tpu.memory_space<vmem>>, vector<16xf32>,
        %add3A_649 = arith.constant 13 : i32
        %add3A_650 = vector.broadcast %add3A_649 : i32 to vector<16xi32>
        %add3A_651 = arith.addi %mul3A_353, %add3A_650 : vector<16xi32>
        %gather3A_652 = tpu.vector_load_idx %arg16[%add3A_355, %add3A_651] : memref<128x128xf32, #tpu.memory_space<vmem>>[vector<16xi32>, vector<16xi32>], vector<16xf32>,
        %add3A_653 = arith.constant 13 : i32
        %add3A_654 = vector.broadcast %add3A_653 : i32 to vector<16xi32>
        %add3A_655 = arith.addi %mul3A_353, %add3A_654 : vector<16xi32>
        %gather3A_656 = tpu.vector_load_idx %arg17[%add3A_355, %add3A_655] : memref<128x128xf32, #tpu.memory_space<vmem>>[vector<16xi32>, vector<16xi32>], vector<16xf32>,
        %mul3A_657 = arith.mulf %get3A_648, %gather3A_652 : vector<16xf32>
        %add3A_658 = arith.addf %add3A_636, %mul3A_657 : vector<16xf32>
        %mul3A_659 = arith.mulf %get3A_648, %gather3A_656 : vector<16xf32>
        %add3A_660 = arith.addf %add3A_638, %mul3A_659 : vector<16xf32>
        %mul3A_661 = arith.mulf %get3A_648, %get3A_648 : vector<16xf32>
        %add3A_662 = arith.addf %add3A_644, %mul3A_661 : vector<16xf32>
        %mul3A_663 = arith.mulf %gather3A_652, %gather3A_652 : vector<16xf32>
        %add3A_664 = arith.addf %add3A_662, %mul3A_663 : vector<16xf32>
        %mul3A_665 = arith.mulf %gather3A_656, %gather3A_656 : vector<16xf32>
        %add3A_666 = arith.addf %add3A_664, %mul3A_665 : vector<16xf32>
        %get3A_667 = arith.constant 14 : i32
        %get3A_668 = arith.index_cast %get3A_667 : i32 to index
        %get3A_669 = arith.index_cast %multiple_of3A : i32 to index
        %get3A_670 = tpu.vector_load %arg18[%get3A_668, %get3A_669] {strides = array<i32>} : memref<64x128xf32, #tpu.memory_space<vmem>>, vector<16xf32>,
        %add3A_671 = arith.constant 14 : i32
        %add3A_672 = vector.broadcast %add3A_671 : i32 to vector<16xi32>
        %add3A_673 = arith.addi %mul3A_353, %add3A_672 : vector<16xi32>
        %gather3A_674 = tpu.vector_load_idx %arg16[%add3A_355, %add3A_673] : memref<128x128xf32, #tpu.memory_space<vmem>>[vector<16xi32>, vector<16xi32>], vector<16xf32>,
        %add3A_675 = arith.constant 14 : i32
        %add3A_676 = vector.broadcast %add3A_675 : i32 to vector<16xi32>
        %add3A_677 = arith.addi %mul3A_353, %add3A_676 : vector<16xi32>
        %gather3A_678 = tpu.vector_load_idx %arg17[%add3A_355, %add3A_677] : memref<128x128xf32, #tpu.memory_space<vmem>>[vector<16xi32>, vector<16xi32>], vector<16xf32>,
        %mul3A_679 = arith.mulf %get3A_670, %gather3A_674 : vector<16xf32>
        %add3A_680 = arith.addf %add3A_658, %mul3A_679 : vector<16xf32>
        %mul3A_681 = arith.mulf %get3A_670, %gather3A_678 : vector<16xf32>
        %add3A_682 = arith.addf %add3A_660, %mul3A_681 : vector<16xf32>
        %mul3A_683 = arith.mulf %get3A_670, %get3A_670 : vector<16xf32>
        %add3A_684 = arith.addf %add3A_666, %mul3A_683 : vector<16xf32>
        %mul3A_685 = arith.mulf %gather3A_674, %gather3A_674 : vector<16xf32>
        %add3A_686 = arith.addf %add3A_684, %mul3A_685 : vector<16xf32>
        %mul3A_687 = arith.mulf %gather3A_678, %gather3A_678 : vector<16xf32>
        %add3A_688 = arith.addf %add3A_686, %mul3A_687 : vector<16xf32>
        %get3A_689 = arith.constant 15 : i32
        %get3A_690 = arith.index_cast %get3A_689 : i32 to index
        %get3A_691 = arith.index_cast %multiple_of3A : i32 to index
        %get3A_692 = tpu.vector_load %arg18[%get3A_690, %get3A_691] {strides = array<i32>} : memref<64x128xf32, #tpu.memory_space<vmem>>, vector<16xf32>,
        %add3A_693 = arith.constant 15 : i32
        %add3A_694 = vector.broadcast %add3A_693 : i32 to vector<16xi32>
        %add3A_695 = arith.addi %mul3A_353, %add3A_694 : vector<16xi32>
        %gather3A_696 = tpu.vector_load_idx %arg16[%add3A_355, %add3A_695] : memref<128x128xf32, #tpu.memory_space<vmem>>[vector<16xi32>, vector<16xi32>], vector<16xf32>,
        %add3A_697 = arith.constant 15 : i32
        %add3A_698 = vector.broadcast %add3A_697 : i32 to vector<16xi32>
        %add3A_699 = arith.addi %mul3A_353, %add3A_698 : vector<16xi32>
        %gather3A_700 = tpu.vector_load_idx %arg17[%add3A_355, %add3A_699] : memref<128x128xf32, #tpu.memory_space<vmem>>[vector<16xi32>, vector<16xi32>], vector<16xf32>,
        %mul3A_701 = arith.mulf %get3A_692, %gather3A_696 : vector<16xf32>
        %add3A_702 = arith.addf %add3A_680, %mul3A_701 : vector<16xf32>
        %mul3A_703 = arith.mulf %get3A_692, %gather3A_700 : vector<16xf32>
        %add3A_704 = arith.addf %add3A_682, %mul3A_703 : vector<16xf32>
        %mul3A_705 = arith.mulf %get3A_692, %get3A_692 : vector<16xf32>
        %add3A_706 = arith.addf %add3A_688, %mul3A_705 : vector<16xf32>
        %mul3A_707 = arith.mulf %gather3A_696, %gather3A_696 : vector<16xf32>
        %add3A_708 = arith.addf %add3A_706, %mul3A_707 : vector<16xf32>
        %mul3A_709 = arith.mulf %gather3A_700, %gather3A_700 : vector<16xf32>
        %add3A_710 = arith.addf %add3A_708, %mul3A_709 : vector<16xf32>
        %get3A_711 = arith.constant 16 : i32
        %get3A_712 = arith.index_cast %get3A_711 : i32 to index
        %get3A_713 = arith.index_cast %multiple_of3A : i32 to index
        %get3A_714 = tpu.vector_load %arg18[%get3A_712, %get3A_713] {strides = array<i32>} : memref<64x128xf32, #tpu.memory_space<vmem>>, vector<16xf32>,
        %add3A_715 = arith.constant 16 : i32
        %add3A_716 = vector.broadcast %add3A_715 : i32 to vector<16xi32>
        %add3A_717 = arith.addi %mul3A_353, %add3A_716 : vector<16xi32>
        %gather3A_718 = tpu.vector_load_idx %arg16[%add3A_355, %add3A_717] : memref<128x128xf32, #tpu.memory_space<vmem>>[vector<16xi32>, vector<16xi32>], vector<16xf32>,
        %add3A_719 = arith.constant 16 : i32
        %add3A_720 = vector.broadcast %add3A_719 : i32 to vector<16xi32>
        %add3A_721 = arith.addi %mul3A_353, %add3A_720 : vector<16xi32>
        %gather3A_722 = tpu.vector_load_idx %arg17[%add3A_355, %add3A_721] : memref<128x128xf32, #tpu.memory_space<vmem>>[vector<16xi32>, vector<16xi32>], vector<16xf32>,
        %mul3A_723 = arith.mulf %get3A_714, %gather3A_718 : vector<16xf32>
        %add3A_724 = arith.addf %add3A_702, %mul3A_723 : vector<16xf32>
        %mul3A_725 = arith.mulf %get3A_714, %gather3A_722 : vector<16xf32>
        %add3A_726 = arith.addf %add3A_704, %mul3A_725 : vector<16xf32>
        %mul3A_727 = arith.mulf %get3A_714, %get3A_714 : vector<16xf32>
        %add3A_728 = arith.addf %add3A_710, %mul3A_727 : vector<16xf32>
        %mul3A_729 = arith.mulf %gather3A_718, %gather3A_718 : vector<16xf32>
        %add3A_730 = arith.addf %add3A_728, %mul3A_729 : vector<16xf32>
        %mul3A_731 = arith.mulf %gather3A_722, %gather3A_722 : vector<16xf32>
        %add3A_732 = arith.addf %add3A_730, %mul3A_731 : vector<16xf32>
        %get3A_733 = arith.constant 17 : i32
        %get3A_734 = arith.index_cast %get3A_733 : i32 to index
        %get3A_735 = arith.index_cast %multiple_of3A : i32 to index
        %get3A_736 = tpu.vector_load %arg18[%get3A_734, %get3A_735] {strides = array<i32>} : memref<64x128xf32, #tpu.memory_space<vmem>>, vector<16xf32>,
        %add3A_737 = arith.constant 17 : i32
        %add3A_738 = vector.broadcast %add3A_737 : i32 to vector<16xi32>
        %add3A_739 = arith.addi %mul3A_353, %add3A_738 : vector<16xi32>
        %gather3A_740 = tpu.vector_load_idx %arg16[%add3A_355, %add3A_739] : memref<128x128xf32, #tpu.memory_space<vmem>>[vector<16xi32>, vector<16xi32>], vector<16xf32>,
        %add3A_741 = arith.constant 17 : i32
        %add3A_742 = vector.broadcast %add3A_741 : i32 to vector<16xi32>
        %add3A_743 = arith.addi %mul3A_353, %add3A_742 : vector<16xi32>
        %gather3A_744 = tpu.vector_load_idx %arg17[%add3A_355, %add3A_743] : memref<128x128xf32, #tpu.memory_space<vmem>>[vector<16xi32>, vector<16xi32>], vector<16xf32>,
        %mul3A_745 = arith.mulf %get3A_736, %gather3A_740 : vector<16xf32>
        %add3A_746 = arith.addf %add3A_724, %mul3A_745 : vector<16xf32>
        %mul3A_747 = arith.mulf %get3A_736, %gather3A_744 : vector<16xf32>
        %add3A_748 = arith.addf %add3A_726, %mul3A_747 : vector<16xf32>
        %mul3A_749 = arith.mulf %get3A_736, %get3A_736 : vector<16xf32>
        %add3A_750 = arith.addf %add3A_732, %mul3A_749 : vector<16xf32>
        %mul3A_751 = arith.mulf %gather3A_740, %gather3A_740 : vector<16xf32>
        %add3A_752 = arith.addf %add3A_750, %mul3A_751 : vector<16xf32>
        %mul3A_753 = arith.mulf %gather3A_744, %gather3A_744 : vector<16xf32>
        %add3A_754 = arith.addf %add3A_752, %mul3A_753 : vector<16xf32>
        %get3A_755 = arith.constant 18 : i32
        %get3A_756 = arith.index_cast %get3A_755 : i32 to index
        %get3A_757 = arith.index_cast %multiple_of3A : i32 to index
        %get3A_758 = tpu.vector_load %arg18[%get3A_756, %get3A_757] {strides = array<i32>} : memref<64x128xf32, #tpu.memory_space<vmem>>, vector<16xf32>,
        %add3A_759 = arith.constant 18 : i32
        %add3A_760 = vector.broadcast %add3A_759 : i32 to vector<16xi32>
        %add3A_761 = arith.addi %mul3A_353, %add3A_760 : vector<16xi32>
        %gather3A_762 = tpu.vector_load_idx %arg16[%add3A_355, %add3A_761] : memref<128x128xf32, #tpu.memory_space<vmem>>[vector<16xi32>, vector<16xi32>], vector<16xf32>,
        %add3A_763 = arith.constant 18 : i32
        %add3A_764 = vector.broadcast %add3A_763 : i32 to vector<16xi32>
        %add3A_765 = arith.addi %mul3A_353, %add3A_764 : vector<16xi32>
        %gather3A_766 = tpu.vector_load_idx %arg17[%add3A_355, %add3A_765] : memref<128x128xf32, #tpu.memory_space<vmem>>[vector<16xi32>, vector<16xi32>], vector<16xf32>,
        %mul3A_767 = arith.mulf %get3A_758, %gather3A_762 : vector<16xf32>
        %add3A_768 = arith.addf %add3A_746, %mul3A_767 : vector<16xf32>
        %mul3A_769 = arith.mulf %get3A_758, %gather3A_766 : vector<16xf32>
        %add3A_770 = arith.addf %add3A_748, %mul3A_769 : vector<16xf32>
        %mul3A_771 = arith.mulf %get3A_758, %get3A_758 : vector<16xf32>
        %add3A_772 = arith.addf %add3A_754, %mul3A_771 : vector<16xf32>
        %mul3A_773 = arith.mulf %gather3A_762, %gather3A_762 : vector<16xf32>
        %add3A_774 = arith.addf %add3A_772, %mul3A_773 : vector<16xf32>
        %mul3A_775 = arith.mulf %gather3A_766, %gather3A_766 : vector<16xf32>
        %add3A_776 = arith.addf %add3A_774, %mul3A_775 : vector<16xf32>
        %get3A_777 = arith.constant 19 : i32
        %get3A_778 = arith.index_cast %get3A_777 : i32 to index
        %get3A_779 = arith.index_cast %multiple_of3A : i32 to index
        %get3A_780 = tpu.vector_load %arg18[%get3A_778, %get3A_779] {strides = array<i32>} : memref<64x128xf32, #tpu.memory_space<vmem>>, vector<16xf32>,
        %add3A_781 = arith.constant 19 : i32
        %add3A_782 = vector.broadcast %add3A_781 : i32 to vector<16xi32>
        %add3A_783 = arith.addi %mul3A_353, %add3A_782 : vector<16xi32>
        %gather3A_784 = tpu.vector_load_idx %arg16[%add3A_355, %add3A_783] : memref<128x128xf32, #tpu.memory_space<vmem>>[vector<16xi32>, vector<16xi32>], vector<16xf32>,
        %add3A_785 = arith.constant 19 : i32
        %add3A_786 = vector.broadcast %add3A_785 : i32 to vector<16xi32>
        %add3A_787 = arith.addi %mul3A_353, %add3A_786 : vector<16xi32>
        %gather3A_788 = tpu.vector_load_idx %arg17[%add3A_355, %add3A_787] : memref<128x128xf32, #tpu.memory_space<vmem>>[vector<16xi32>, vector<16xi32>], vector<16xf32>,
        %mul3A_789 = arith.mulf %get3A_780, %gather3A_784 : vector<16xf32>
        %add3A_790 = arith.addf %add3A_768, %mul3A_789 : vector<16xf32>
        %mul3A_791 = arith.mulf %get3A_780, %gather3A_788 : vector<16xf32>
        %add3A_792 = arith.addf %add3A_770, %mul3A_791 : vector<16xf32>
        %mul3A_793 = arith.mulf %get3A_780, %get3A_780 : vector<16xf32>
        %add3A_794 = arith.addf %add3A_776, %mul3A_793 : vector<16xf32>
        %mul3A_795 = arith.mulf %gather3A_784, %gather3A_784 : vector<16xf32>
        %add3A_796 = arith.addf %add3A_794, %mul3A_795 : vector<16xf32>
        %mul3A_797 = arith.mulf %gather3A_788, %gather3A_788 : vector<16xf32>
        %add3A_798 = arith.addf %add3A_796, %mul3A_797 : vector<16xf32>
        %get3A_799 = arith.constant 20 : i32
        %get3A_800 = arith.index_cast %get3A_799 : i32 to index
        %get3A_801 = arith.index_cast %multiple_of3A : i32 to index
        %get3A_802 = tpu.vector_load %arg18[%get3A_800, %get3A_801] {strides = array<i32>} : memref<64x128xf32, #tpu.memory_space<vmem>>, vector<16xf32>,
        %add3A_803 = arith.constant 20 : i32
        %add3A_804 = vector.broadcast %add3A_803 : i32 to vector<16xi32>
        %add3A_805 = arith.addi %mul3A_353, %add3A_804 : vector<16xi32>
        %gather3A_806 = tpu.vector_load_idx %arg16[%add3A_355, %add3A_805] : memref<128x128xf32, #tpu.memory_space<vmem>>[vector<16xi32>, vector<16xi32>], vector<16xf32>,
        %add3A_807 = arith.constant 20 : i32
        %add3A_808 = vector.broadcast %add3A_807 : i32 to vector<16xi32>
        %add3A_809 = arith.addi %mul3A_353, %add3A_808 : vector<16xi32>
        %gather3A_810 = tpu.vector_load_idx %arg17[%add3A_355, %add3A_809] : memref<128x128xf32, #tpu.memory_space<vmem>>[vector<16xi32>, vector<16xi32>], vector<16xf32>,
        %mul3A_811 = arith.mulf %get3A_802, %gather3A_806 : vector<16xf32>
        %add3A_812 = arith.addf %add3A_790, %mul3A_811 : vector<16xf32>
        %mul3A_813 = arith.mulf %get3A_802, %gather3A_810 : vector<16xf32>
        %add3A_814 = arith.addf %add3A_792, %mul3A_813 : vector<16xf32>
        %mul3A_815 = arith.mulf %get3A_802, %get3A_802 : vector<16xf32>
        %add3A_816 = arith.addf %add3A_798, %mul3A_815 : vector<16xf32>
        %mul3A_817 = arith.mulf %gather3A_806, %gather3A_806 : vector<16xf32>
        %add3A_818 = arith.addf %add3A_816, %mul3A_817 : vector<16xf32>
        %mul3A_819 = arith.mulf %gather3A_810, %gather3A_810 : vector<16xf32>
        %add3A_820 = arith.addf %add3A_818, %mul3A_819 : vector<16xf32>
        %get3A_821 = arith.constant 21 : i32
        %get3A_822 = arith.index_cast %get3A_821 : i32 to index
        %get3A_823 = arith.index_cast %multiple_of3A : i32 to index
        %get3A_824 = tpu.vector_load %arg18[%get3A_822, %get3A_823] {strides = array<i32>} : memref<64x128xf32, #tpu.memory_space<vmem>>, vector<16xf32>,
        %add3A_825 = arith.constant 21 : i32
        %add3A_826 = vector.broadcast %add3A_825 : i32 to vector<16xi32>
        %add3A_827 = arith.addi %mul3A_353, %add3A_826 : vector<16xi32>
        %gather3A_828 = tpu.vector_load_idx %arg16[%add3A_355, %add3A_827] : memref<128x128xf32, #tpu.memory_space<vmem>>[vector<16xi32>, vector<16xi32>], vector<16xf32>,
        %add3A_829 = arith.constant 21 : i32
        %add3A_830 = vector.broadcast %add3A_829 : i32 to vector<16xi32>
        %add3A_831 = arith.addi %mul3A_353, %add3A_830 : vector<16xi32>
        %gather3A_832 = tpu.vector_load_idx %arg17[%add3A_355, %add3A_831] : memref<128x128xf32, #tpu.memory_space<vmem>>[vector<16xi32>, vector<16xi32>], vector<16xf32>,
        %mul3A_833 = arith.mulf %get3A_824, %gather3A_828 : vector<16xf32>
        %add3A_834 = arith.addf %add3A_812, %mul3A_833 : vector<16xf32>
        %mul3A_835 = arith.mulf %get3A_824, %gather3A_832 : vector<16xf32>
        %add3A_836 = arith.addf %add3A_814, %mul3A_835 : vector<16xf32>
        %mul3A_837 = arith.mulf %get3A_824, %get3A_824 : vector<16xf32>
        %add3A_838 = arith.addf %add3A_820, %mul3A_837 : vector<16xf32>
        %mul3A_839 = arith.mulf %gather3A_828, %gather3A_828 : vector<16xf32>
        %add3A_840 = arith.addf %add3A_838, %mul3A_839 : vector<16xf32>
        %mul3A_841 = arith.mulf %gather3A_832, %gather3A_832 : vector<16xf32>
        %add3A_842 = arith.addf %add3A_840, %mul3A_841 : vector<16xf32>
        %get3A_843 = arith.constant 22 : i32
        %get3A_844 = arith.index_cast %get3A_843 : i32 to index
        %get3A_845 = arith.index_cast %multiple_of3A : i32 to index
        %get3A_846 = tpu.vector_load %arg18[%get3A_844, %get3A_845] {strides = array<i32>} : memref<64x128xf32, #tpu.memory_space<vmem>>, vector<16xf32>,
        %add3A_847 = arith.constant 22 : i32
        %add3A_848 = vector.broadcast %add3A_847 : i32 to vector<16xi32>
        %add3A_849 = arith.addi %mul3A_353, %add3A_848 : vector<16xi32>
        %gather3A_850 = tpu.vector_load_idx %arg16[%add3A_355, %add3A_849] : memref<128x128xf32, #tpu.memory_space<vmem>>[vector<16xi32>, vector<16xi32>], vector<16xf32>,
        %add3A_851 = arith.constant 22 : i32
        %add3A_852 = vector.broadcast %add3A_851 : i32 to vector<16xi32>
        %add3A_853 = arith.addi %mul3A_353, %add3A_852 : vector<16xi32>
        %gather3A_854 = tpu.vector_load_idx %arg17[%add3A_355, %add3A_853] : memref<128x128xf32, #tpu.memory_space<vmem>>[vector<16xi32>, vector<16xi32>], vector<16xf32>,
        %mul3A_855 = arith.mulf %get3A_846, %gather3A_850 : vector<16xf32>
        %add3A_856 = arith.addf %add3A_834, %mul3A_855 : vector<16xf32>
        %mul3A_857 = arith.mulf %get3A_846, %gather3A_854 : vector<16xf32>
        %add3A_858 = arith.addf %add3A_836, %mul3A_857 : vector<16xf32>
        %mul3A_859 = arith.mulf %get3A_846, %get3A_846 : vector<16xf32>
        %add3A_860 = arith.addf %add3A_842, %mul3A_859 : vector<16xf32>
        %mul3A_861 = arith.mulf %gather3A_850, %gather3A_850 : vector<16xf32>
        %add3A_862 = arith.addf %add3A_860, %mul3A_861 : vector<16xf32>
        %mul3A_863 = arith.mulf %gather3A_854, %gather3A_854 : vector<16xf32>
        %add3A_864 = arith.addf %add3A_862, %mul3A_863 : vector<16xf32>
        %get3A_865 = arith.constant 23 : i32
        %get3A_866 = arith.index_cast %get3A_865 : i32 to index
        %get3A_867 = arith.index_cast %multiple_of3A : i32 to index
        %get3A_868 = tpu.vector_load %arg18[%get3A_866, %get3A_867] {strides = array<i32>} : memref<64x128xf32, #tpu.memory_space<vmem>>, vector<16xf32>,
        %add3A_869 = arith.constant 23 : i32
        %add3A_870 = vector.broadcast %add3A_869 : i32 to vector<16xi32>
        %add3A_871 = arith.addi %mul3A_353, %add3A_870 : vector<16xi32>
        %gather3A_872 = tpu.vector_load_idx %arg16[%add3A_355, %add3A_871] : memref<128x128xf32, #tpu.memory_space<vmem>>[vector<16xi32>, vector<16xi32>], vector<16xf32>,
        %add3A_873 = arith.constant 23 : i32
        %add3A_874 = vector.broadcast %add3A_873 : i32 to vector<16xi32>
        %add3A_875 = arith.addi %mul3A_353, %add3A_874 : vector<16xi32>
        %gather3A_876 = tpu.vector_load_idx %arg17[%add3A_355, %add3A_875] : memref<128x128xf32, #tpu.memory_space<vmem>>[vector<16xi32>, vector<16xi32>], vector<16xf32>,
        %mul3A_877 = arith.mulf %get3A_868, %gather3A_872 : vector<16xf32>
        %add3A_878 = arith.addf %add3A_856, %mul3A_877 : vector<16xf32>
        %mul3A_879 = arith.mulf %get3A_868, %gather3A_876 : vector<16xf32>
        %add3A_880 = arith.addf %add3A_858, %mul3A_879 : vector<16xf32>
        %mul3A_881 = arith.mulf %get3A_868, %get3A_868 : vector<16xf32>
        %add3A_882 = arith.addf %add3A_864, %mul3A_881 : vector<16xf32>
        %mul3A_883 = arith.mulf %gather3A_872, %gather3A_872 : vector<16xf32>
        %add3A_884 = arith.addf %add3A_882, %mul3A_883 : vector<16xf32>
        %mul3A_885 = arith.mulf %gather3A_876, %gather3A_876 : vector<16xf32>
        %add3A_886 = arith.addf %add3A_884, %mul3A_885 : vector<16xf32>
        %get3A_887 = arith.constant 24 : i32
        %get3A_888 = arith.index_cast %get3A_887 : i32 to index
        %get3A_889 = arith.index_cast %multiple_of3A : i32 to index
        %get3A_890 = tpu.vector_load %arg18[%get3A_888, %get3A_889] {strides = array<i32>} : memref<64x128xf32, #tpu.memory_space<vmem>>, vector<16xf32>,
        %add3A_891 = arith.constant 24 : i32
        %add3A_892 = vector.broadcast %add3A_891 : i32 to vector<16xi32>
        %add3A_893 = arith.addi %mul3A_353, %add3A_892 : vector<16xi32>
        %gather3A_894 = tpu.vector_load_idx %arg16[%add3A_355, %add3A_893] : memref<128x128xf32, #tpu.memory_space<vmem>>[vector<16xi32>, vector<16xi32>], vector<16xf32>,
        %add3A_895 = arith.constant 24 : i32
        %add3A_896 = vector.broadcast %add3A_895 : i32 to vector<16xi32>
        %add3A_897 = arith.addi %mul3A_353, %add3A_896 : vector<16xi32>
        %gather3A_898 = tpu.vector_load_idx %arg17[%add3A_355, %add3A_897] : memref<128x128xf32, #tpu.memory_space<vmem>>[vector<16xi32>, vector<16xi32>], vector<16xf32>,
        %mul3A_899 = arith.mulf %get3A_890, %gather3A_894 : vector<16xf32>
        %add3A_900 = arith.addf %add3A_878, %mul3A_899 : vector<16xf32>
        %mul3A_901 = arith.mulf %get3A_890, %gather3A_898 : vector<16xf32>
        %add3A_902 = arith.addf %add3A_880, %mul3A_901 : vector<16xf32>
        %mul3A_903 = arith.mulf %get3A_890, %get3A_890 : vector<16xf32>
        %add3A_904 = arith.addf %add3A_886, %mul3A_903 : vector<16xf32>
        %mul3A_905 = arith.mulf %gather3A_894, %gather3A_894 : vector<16xf32>
        %add3A_906 = arith.addf %add3A_904, %mul3A_905 : vector<16xf32>
        %mul3A_907 = arith.mulf %gather3A_898, %gather3A_898 : vector<16xf32>
        %add3A_908 = arith.addf %add3A_906, %mul3A_907 : vector<16xf32>
        %get3A_909 = arith.constant 25 : i32
        %get3A_910 = arith.index_cast %get3A_909 : i32 to index
        %get3A_911 = arith.index_cast %multiple_of3A : i32 to index
        %get3A_912 = tpu.vector_load %arg18[%get3A_910, %get3A_911] {strides = array<i32>} : memref<64x128xf32, #tpu.memory_space<vmem>>, vector<16xf32>,
        %add3A_913 = arith.constant 25 : i32
        %add3A_914 = vector.broadcast %add3A_913 : i32 to vector<16xi32>
        %add3A_915 = arith.addi %mul3A_353, %add3A_914 : vector<16xi32>
        %gather3A_916 = tpu.vector_load_idx %arg16[%add3A_355, %add3A_915] : memref<128x128xf32, #tpu.memory_space<vmem>>[vector<16xi32>, vector<16xi32>], vector<16xf32>,
        %add3A_917 = arith.constant 25 : i32
        %add3A_918 = vector.broadcast %add3A_917 : i32 to vector<16xi32>
        %add3A_919 = arith.addi %mul3A_353, %add3A_918 : vector<16xi32>
        %gather3A_920 = tpu.vector_load_idx %arg17[%add3A_355, %add3A_919] : memref<128x128xf32, #tpu.memory_space<vmem>>[vector<16xi32>, vector<16xi32>], vector<16xf32>,
        %mul3A_921 = arith.mulf %get3A_912, %gather3A_916 : vector<16xf32>
        %add3A_922 = arith.addf %add3A_900, %mul3A_921 : vector<16xf32>
        %mul3A_923 = arith.mulf %get3A_912, %gather3A_920 : vector<16xf32>
        %add3A_924 = arith.addf %add3A_902, %mul3A_923 : vector<16xf32>
        %mul3A_925 = arith.mulf %get3A_912, %get3A_912 : vector<16xf32>
        %add3A_926 = arith.addf %add3A_908, %mul3A_925 : vector<16xf32>
        %mul3A_927 = arith.mulf %gather3A_916, %gather3A_916 : vector<16xf32>
        %add3A_928 = arith.addf %add3A_926, %mul3A_927 : vector<16xf32>
        %mul3A_929 = arith.mulf %gather3A_920, %gather3A_920 : vector<16xf32>
        %add3A_930 = arith.addf %add3A_928, %mul3A_929 : vector<16xf32>
        %get3A_931 = arith.constant 26 : i32
        %get3A_932 = arith.index_cast %get3A_931 : i32 to index
        %get3A_933 = arith.index_cast %multiple_of3A : i32 to index
        %get3A_934 = tpu.vector_load %arg18[%get3A_932, %get3A_933] {strides = array<i32>} : memref<64x128xf32, #tpu.memory_space<vmem>>, vector<16xf32>,
        %add3A_935 = arith.constant 26 : i32
        %add3A_936 = vector.broadcast %add3A_935 : i32 to vector<16xi32>
        %add3A_937 = arith.addi %mul3A_353, %add3A_936 : vector<16xi32>
        %gather3A_938 = tpu.vector_load_idx %arg16[%add3A_355, %add3A_937] : memref<128x128xf32, #tpu.memory_space<vmem>>[vector<16xi32>, vector<16xi32>], vector<16xf32>,
        %add3A_939 = arith.constant 26 : i32
        %add3A_940 = vector.broadcast %add3A_939 : i32 to vector<16xi32>
        %add3A_941 = arith.addi %mul3A_353, %add3A_940 : vector<16xi32>
        %gather3A_942 = tpu.vector_load_idx %arg17[%add3A_355, %add3A_941] : memref<128x128xf32, #tpu.memory_space<vmem>>[vector<16xi32>, vector<16xi32>], vector<16xf32>,
        %mul3A_943 = arith.mulf %get3A_934, %gather3A_938 : vector<16xf32>
        %add3A_944 = arith.addf %add3A_922, %mul3A_943 : vector<16xf32>
        %mul3A_945 = arith.mulf %get3A_934, %gather3A_942 : vector<16xf32>
        %add3A_946 = arith.addf %add3A_924, %mul3A_945 : vector<16xf32>
        %mul3A_947 = arith.mulf %get3A_934, %get3A_934 : vector<16xf32>
        %add3A_948 = arith.addf %add3A_930, %mul3A_947 : vector<16xf32>
        %mul3A_949 = arith.mulf %gather3A_938, %gather3A_938 : vector<16xf32>
        %add3A_950 = arith.addf %add3A_948, %mul3A_949 : vector<16xf32>
        %mul3A_951 = arith.mulf %gather3A_942, %gather3A_942 : vector<16xf32>
        %add3A_952 = arith.addf %add3A_950, %mul3A_951 : vector<16xf32>
        %get3A_953 = arith.constant 27 : i32
        %get3A_954 = arith.index_cast %get3A_953 : i32 to index
        %get3A_955 = arith.index_cast %multiple_of3A : i32 to index
        %get3A_956 = tpu.vector_load %arg18[%get3A_954, %get3A_955] {strides = array<i32>} : memref<64x128xf32, #tpu.memory_space<vmem>>, vector<16xf32>,
        %add3A_957 = arith.constant 27 : i32
        %add3A_958 = vector.broadcast %add3A_957 : i32 to vector<16xi32>
        %add3A_959 = arith.addi %mul3A_353, %add3A_958 : vector<16xi32>
        %gather3A_960 = tpu.vector_load_idx %arg16[%add3A_355, %add3A_959] : memref<128x128xf32, #tpu.memory_space<vmem>>[vector<16xi32>, vector<16xi32>], vector<16xf32>,
        %add3A_961 = arith.constant 27 : i32
        %add3A_962 = vector.broadcast %add3A_961 : i32 to vector<16xi32>
        %add3A_963 = arith.addi %mul3A_353, %add3A_962 : vector<16xi32>
        %gather3A_964 = tpu.vector_load_idx %arg17[%add3A_355, %add3A_963] : memref<128x128xf32, #tpu.memory_space<vmem>>[vector<16xi32>, vector<16xi32>], vector<16xf32>,
        %mul3A_965 = arith.mulf %get3A_956, %gather3A_960 : vector<16xf32>
        %add3A_966 = arith.addf %add3A_944, %mul3A_965 : vector<16xf32>
        %mul3A_967 = arith.mulf %get3A_956, %gather3A_964 : vector<16xf32>
        %add3A_968 = arith.addf %add3A_946, %mul3A_967 : vector<16xf32>
        %mul3A_969 = arith.mulf %get3A_956, %get3A_956 : vector<16xf32>
        %add3A_970 = arith.addf %add3A_952, %mul3A_969 : vector<16xf32>
        %mul3A_971 = arith.mulf %gather3A_960, %gather3A_960 : vector<16xf32>
        %add3A_972 = arith.addf %add3A_970, %mul3A_971 : vector<16xf32>
        %mul3A_973 = arith.mulf %gather3A_964, %gather3A_964 : vector<16xf32>
        %add3A_974 = arith.addf %add3A_972, %mul3A_973 : vector<16xf32>
        %get3A_975 = arith.constant 28 : i32
        %get3A_976 = arith.index_cast %get3A_975 : i32 to index
        %get3A_977 = arith.index_cast %multiple_of3A : i32 to index
        %get3A_978 = tpu.vector_load %arg18[%get3A_976, %get3A_977] {strides = array<i32>} : memref<64x128xf32, #tpu.memory_space<vmem>>, vector<16xf32>,
        %add3A_979 = arith.constant 28 : i32
        %add3A_980 = vector.broadcast %add3A_979 : i32 to vector<16xi32>
        %add3A_981 = arith.addi %mul3A_353, %add3A_980 : vector<16xi32>
        %gather3A_982 = tpu.vector_load_idx %arg16[%add3A_355, %add3A_981] : memref<128x128xf32, #tpu.memory_space<vmem>>[vector<16xi32>, vector<16xi32>], vector<16xf32>,
        %add3A_983 = arith.constant 28 : i32
        %add3A_984 = vector.broadcast %add3A_983 : i32 to vector<16xi32>
        %add3A_985 = arith.addi %mul3A_353, %add3A_984 : vector<16xi32>
        %gather3A_986 = tpu.vector_load_idx %arg17[%add3A_355, %add3A_985] : memref<128x128xf32, #tpu.memory_space<vmem>>[vector<16xi32>, vector<16xi32>], vector<16xf32>,
        %mul3A_987 = arith.mulf %get3A_978, %gather3A_982 : vector<16xf32>
        %add3A_988 = arith.addf %add3A_966, %mul3A_987 : vector<16xf32>
        %mul3A_989 = arith.mulf %get3A_978, %gather3A_986 : vector<16xf32>
        %add3A_990 = arith.addf %add3A_968, %mul3A_989 : vector<16xf32>
        %mul3A_991 = arith.mulf %get3A_978, %get3A_978 : vector<16xf32>
        %add3A_992 = arith.addf %add3A_974, %mul3A_991 : vector<16xf32>
        %mul3A_993 = arith.mulf %gather3A_982, %gather3A_982 : vector<16xf32>
        %add3A_994 = arith.addf %add3A_992, %mul3A_993 : vector<16xf32>
        %mul3A_995 = arith.mulf %gather3A_986, %gather3A_986 : vector<16xf32>
        %add3A_996 = arith.addf %add3A_994, %mul3A_995 : vector<16xf32>
        %get3A_997 = arith.constant 29 : i32
        %get3A_998 = arith.index_cast %get3A_997 : i32 to index
        %get3A_999 = arith.index_cast %multiple_of3A : i32 to index
        %get3A_1000 = tpu.vector_load %arg18[%get3A_998, %get3A_999] {strides = array<i32>} : memref<64x128xf32, #tpu.memory_space<vmem>>, vector<16xf32>,
        %add3A_1001 = arith.constant 29 : i32
        %add3A_1002 = vector.broadcast %add3A_1001 : i32 to vector<16xi32>
        %add3A_1003 = arith.addi %mul3A_353, %add3A_1002 : vector<16xi32>
        %gather3A_1004 = tpu.vector_load_idx %arg16[%add3A_355, %add3A_1003] : memref<128x128xf32, #tpu.memory_space<vmem>>[vector<16xi32>, vector<16xi32>], vector<16xf32>,
        %add3A_1005 = arith.constant 29 : i32
        %add3A_1006 = vector.broadcast %add3A_1005 : i32 to vector<16xi32>
        %add3A_1007 = arith.addi %mul3A_353, %add3A_1006 : vector<16xi32>
        %gather3A_1008 = tpu.vector_load_idx %arg17[%add3A_355, %add3A_1007] : memref<128x128xf32, #tpu.memory_space<vmem>>[vector<16xi32>, vector<16xi32>], vector<16xf32>,
        %mul3A_1009 = arith.mulf %get3A_1000, %gather3A_1004 : vector<16xf32>
        %add3A_1010 = arith.addf %add3A_988, %mul3A_1009 : vector<16xf32>
        %mul3A_1011 = arith.mulf %get3A_1000, %gather3A_1008 : vector<16xf32>
        %add3A_1012 = arith.addf %add3A_990, %mul3A_1011 : vector<16xf32>
        %mul3A_1013 = arith.mulf %get3A_1000, %get3A_1000 : vector<16xf32>
        %add3A_1014 = arith.addf %add3A_996, %mul3A_1013 : vector<16xf32>
        %mul3A_1015 = arith.mulf %gather3A_1004, %gather3A_1004 : vector<16xf32>
        %add3A_1016 = arith.addf %add3A_1014, %mul3A_1015 : vector<16xf32>
        %mul3A_1017 = arith.mulf %gather3A_1008, %gather3A_1008 : vector<16xf32>
        %add3A_1018 = arith.addf %add3A_1016, %mul3A_1017 : vector<16xf32>
        %get3A_1019 = arith.constant 30 : i32
        %get3A_1020 = arith.index_cast %get3A_1019 : i32 to index
        %get3A_1021 = arith.index_cast %multiple_of3A : i32 to index
        %get3A_1022 = tpu.vector_load %arg18[%get3A_1020, %get3A_1021] {strides = array<i32>} : memref<64x128xf32, #tpu.memory_space<vmem>>, vector<16xf32>,
        %add3A_1023 = arith.constant 30 : i32
        %add3A_1024 = vector.broadcast %add3A_1023 : i32 to vector<16xi32>
        %add3A_1025 = arith.addi %mul3A_353, %add3A_1024 : vector<16xi32>
        %gather3A_1026 = tpu.vector_load_idx %arg16[%add3A_355, %add3A_1025] : memref<128x128xf32, #tpu.memory_space<vmem>>[vector<16xi32>, vector<16xi32>], vector<16xf32>,
        %add3A_1027 = arith.constant 30 : i32
        %add3A_1028 = vector.broadcast %add3A_1027 : i32 to vector<16xi32>
        %add3A_1029 = arith.addi %mul3A_353, %add3A_1028 : vector<16xi32>
        %gather3A_1030 = tpu.vector_load_idx %arg17[%add3A_355, %add3A_1029] : memref<128x128xf32, #tpu.memory_space<vmem>>[vector<16xi32>, vector<16xi32>], vector<16xf32>,
        %mul3A_1031 = arith.mulf %get3A_1022, %gather3A_1026 : vector<16xf32>
        %add3A_1032 = arith.addf %add3A_1010, %mul3A_1031 : vector<16xf32>
        %mul3A_1033 = arith.mulf %get3A_1022, %gather3A_1030 : vector<16xf32>
        %add3A_1034 = arith.addf %add3A_1012, %mul3A_1033 : vector<16xf32>
        %mul3A_1035 = arith.mulf %get3A_1022, %get3A_1022 : vector<16xf32>
        %add3A_1036 = arith.addf %add3A_1018, %mul3A_1035 : vector<16xf32>
        %mul3A_1037 = arith.mulf %gather3A_1026, %gather3A_1026 : vector<16xf32>
        %add3A_1038 = arith.addf %add3A_1036, %mul3A_1037 : vector<16xf32>
        %mul3A_1039 = arith.mulf %gather3A_1030, %gather3A_1030 : vector<16xf32>
        %add3A_1040 = arith.addf %add3A_1038, %mul3A_1039 : vector<16xf32>
        %get3A_1041 = arith.constant 31 : i32
        %get3A_1042 = arith.index_cast %get3A_1041 : i32 to index
        %get3A_1043 = arith.index_cast %multiple_of3A : i32 to index
        %get3A_1044 = tpu.vector_load %arg18[%get3A_1042, %get3A_1043] {strides = array<i32>} : memref<64x128xf32, #tpu.memory_space<vmem>>, vector<16xf32>,
        %add3A_1045 = arith.constant 31 : i32
        %add3A_1046 = vector.broadcast %add3A_1045 : i32 to vector<16xi32>
        %add3A_1047 = arith.addi %mul3A_353, %add3A_1046 : vector<16xi32>
        %gather3A_1048 = tpu.vector_load_idx %arg16[%add3A_355, %add3A_1047] : memref<128x128xf32, #tpu.memory_space<vmem>>[vector<16xi32>, vector<16xi32>], vector<16xf32>,
        %add3A_1049 = arith.constant 31 : i32
        %add3A_1050 = vector.broadcast %add3A_1049 : i32 to vector<16xi32>
        %add3A_1051 = arith.addi %mul3A_353, %add3A_1050 : vector<16xi32>
        %gather3A_1052 = tpu.vector_load_idx %arg17[%add3A_355, %add3A_1051] : memref<128x128xf32, #tpu.memory_space<vmem>>[vector<16xi32>, vector<16xi32>], vector<16xf32>,
        %mul3A_1053 = arith.mulf %get3A_1044, %gather3A_1048 : vector<16xf32>
        %add3A_1054 = arith.addf %add3A_1032, %mul3A_1053 : vector<16xf32>
        %mul3A_1055 = arith.mulf %get3A_1044, %gather3A_1052 : vector<16xf32>
        %add3A_1056 = arith.addf %add3A_1034, %mul3A_1055 : vector<16xf32>
        %mul3A_1057 = arith.mulf %get3A_1044, %get3A_1044 : vector<16xf32>
        %add3A_1058 = arith.addf %add3A_1040, %mul3A_1057 : vector<16xf32>
        %mul3A_1059 = arith.mulf %gather3A_1048, %gather3A_1048 : vector<16xf32>
        %add3A_1060 = arith.addf %add3A_1058, %mul3A_1059 : vector<16xf32>
        %mul3A_1061 = arith.mulf %gather3A_1052, %gather3A_1052 : vector<16xf32>
        %add3A_1062 = arith.addf %add3A_1060, %mul3A_1061 : vector<16xf32>
        %get3A_1063 = arith.constant 32 : i32
        %get3A_1064 = arith.index_cast %get3A_1063 : i32 to index
        %get3A_1065 = arith.index_cast %multiple_of3A : i32 to index
        %get3A_1066 = tpu.vector_load %arg18[%get3A_1064, %get3A_1065] {strides = array<i32>} : memref<64x128xf32, #tpu.memory_space<vmem>>, vector<16xf32>,
        %add3A_1067 = arith.constant 32 : i32
        %add3A_1068 = vector.broadcast %add3A_1067 : i32 to vector<16xi32>
        %add3A_1069 = arith.addi %mul3A_353, %add3A_1068 : vector<16xi32>
        %gather3A_1070 = tpu.vector_load_idx %arg16[%add3A_355, %add3A_1069] : memref<128x128xf32, #tpu.memory_space<vmem>>[vector<16xi32>, vector<16xi32>], vector<16xf32>,
        %add3A_1071 = arith.constant 32 : i32
        %add3A_1072 = vector.broadcast %add3A_1071 : i32 to vector<16xi32>
        %add3A_1073 = arith.addi %mul3A_353, %add3A_1072 : vector<16xi32>
        %gather3A_1074 = tpu.vector_load_idx %arg17[%add3A_355, %add3A_1073] : memref<128x128xf32, #tpu.memory_space<vmem>>[vector<16xi32>, vector<16xi32>], vector<16xf32>,
        %mul3A_1075 = arith.mulf %get3A_1066, %gather3A_1070 : vector<16xf32>
        %add3A_1076 = arith.addf %add3A_1054, %mul3A_1075 : vector<16xf32>
        %mul3A_1077 = arith.mulf %get3A_1066, %gather3A_1074 : vector<16xf32>
        %add3A_1078 = arith.addf %add3A_1056, %mul3A_1077 : vector<16xf32>
        %mul3A_1079 = arith.mulf %get3A_1066, %get3A_1066 : vector<16xf32>
        %add3A_1080 = arith.addf %add3A_1062, %mul3A_1079 : vector<16xf32>
        %mul3A_1081 = arith.mulf %gather3A_1070, %gather3A_1070 : vector<16xf32>
        %add3A_1082 = arith.addf %add3A_1080, %mul3A_1081 : vector<16xf32>
        %mul3A_1083 = arith.mulf %gather3A_1074, %gather3A_1074 : vector<16xf32>
        %add3A_1084 = arith.addf %add3A_1082, %mul3A_1083 : vector<16xf32>
        %get3A_1085 = arith.constant 33 : i32
        %get3A_1086 = arith.index_cast %get3A_1085 : i32 to index
        %get3A_1087 = arith.index_cast %multiple_of3A : i32 to index
        %get3A_1088 = tpu.vector_load %arg18[%get3A_1086, %get3A_1087] {strides = array<i32>} : memref<64x128xf32, #tpu.memory_space<vmem>>, vector<16xf32>,
        %add3A_1089 = arith.constant 33 : i32
        %add3A_1090 = vector.broadcast %add3A_1089 : i32 to vector<16xi32>
        %add3A_1091 = arith.addi %mul3A_353, %add3A_1090 : vector<16xi32>
        %gather3A_1092 = tpu.vector_load_idx %arg16[%add3A_355, %add3A_1091] : memref<128x128xf32, #tpu.memory_space<vmem>>[vector<16xi32>, vector<16xi32>], vector<16xf32>,
        %add3A_1093 = arith.constant 33 : i32
        %add3A_1094 = vector.broadcast %add3A_1093 : i32 to vector<16xi32>
        %add3A_1095 = arith.addi %mul3A_353, %add3A_1094 : vector<16xi32>
        %gather3A_1096 = tpu.vector_load_idx %arg17[%add3A_355, %add3A_1095] : memref<128x128xf32, #tpu.memory_space<vmem>>[vector<16xi32>, vector<16xi32>], vector<16xf32>,
        %mul3A_1097 = arith.mulf %get3A_1088, %gather3A_1092 : vector<16xf32>
        %add3A_1098 = arith.addf %add3A_1076, %mul3A_1097 : vector<16xf32>
        %mul3A_1099 = arith.mulf %get3A_1088, %gather3A_1096 : vector<16xf32>
        %add3A_1100 = arith.addf %add3A_1078, %mul3A_1099 : vector<16xf32>
        %mul3A_1101 = arith.mulf %get3A_1088, %get3A_1088 : vector<16xf32>
        %add3A_1102 = arith.addf %add3A_1084, %mul3A_1101 : vector<16xf32>
        %mul3A_1103 = arith.mulf %gather3A_1092, %gather3A_1092 : vector<16xf32>
        %add3A_1104 = arith.addf %add3A_1102, %mul3A_1103 : vector<16xf32>
        %mul3A_1105 = arith.mulf %gather3A_1096, %gather3A_1096 : vector<16xf32>
        %add3A_1106 = arith.addf %add3A_1104, %mul3A_1105 : vector<16xf32>
        %get3A_1107 = arith.constant 34 : i32
        %get3A_1108 = arith.index_cast %get3A_1107 : i32 to index
        %get3A_1109 = arith.index_cast %multiple_of3A : i32 to index
        %get3A_1110 = tpu.vector_load %arg18[%get3A_1108, %get3A_1109] {strides = array<i32>} : memref<64x128xf32, #tpu.memory_space<vmem>>, vector<16xf32>,
        %add3A_1111 = arith.constant 34 : i32
        %add3A_1112 = vector.broadcast %add3A_1111 : i32 to vector<16xi32>
        %add3A_1113 = arith.addi %mul3A_353, %add3A_1112 : vector<16xi32>
        %gather3A_1114 = tpu.vector_load_idx %arg16[%add3A_355, %add3A_1113] : memref<128x128xf32, #tpu.memory_space<vmem>>[vector<16xi32>, vector<16xi32>], vector<16xf32>,
        %add3A_1115 = arith.constant 34 : i32
        %add3A_1116 = vector.broadcast %add3A_1115 : i32 to vector<16xi32>
        %add3A_1117 = arith.addi %mul3A_353, %add3A_1116 : vector<16xi32>
        %gather3A_1118 = tpu.vector_load_idx %arg17[%add3A_355, %add3A_1117] : memref<128x128xf32, #tpu.memory_space<vmem>>[vector<16xi32>, vector<16xi32>], vector<16xf32>,
        %mul3A_1119 = arith.mulf %get3A_1110, %gather3A_1114 : vector<16xf32>
        %add3A_1120 = arith.addf %add3A_1098, %mul3A_1119 : vector<16xf32>
        %mul3A_1121 = arith.mulf %get3A_1110, %gather3A_1118 : vector<16xf32>
        %add3A_1122 = arith.addf %add3A_1100, %mul3A_1121 : vector<16xf32>
        %mul3A_1123 = arith.mulf %get3A_1110, %get3A_1110 : vector<16xf32>
        %add3A_1124 = arith.addf %add3A_1106, %mul3A_1123 : vector<16xf32>
        %mul3A_1125 = arith.mulf %gather3A_1114, %gather3A_1114 : vector<16xf32>
        %add3A_1126 = arith.addf %add3A_1124, %mul3A_1125 : vector<16xf32>
        %mul3A_1127 = arith.mulf %gather3A_1118, %gather3A_1118 : vector<16xf32>
        %add3A_1128 = arith.addf %add3A_1126, %mul3A_1127 : vector<16xf32>
        %get3A_1129 = arith.constant 35 : i32
        %get3A_1130 = arith.index_cast %get3A_1129 : i32 to index
        %get3A_1131 = arith.index_cast %multiple_of3A : i32 to index
        %get3A_1132 = tpu.vector_load %arg18[%get3A_1130, %get3A_1131] {strides = array<i32>} : memref<64x128xf32, #tpu.memory_space<vmem>>, vector<16xf32>,
        %add3A_1133 = arith.constant 35 : i32
        %add3A_1134 = vector.broadcast %add3A_1133 : i32 to vector<16xi32>
        %add3A_1135 = arith.addi %mul3A_353, %add3A_1134 : vector<16xi32>
        %gather3A_1136 = tpu.vector_load_idx %arg16[%add3A_355, %add3A_1135] : memref<128x128xf32, #tpu.memory_space<vmem>>[vector<16xi32>, vector<16xi32>], vector<16xf32>,
        %add3A_1137 = arith.constant 35 : i32
        %add3A_1138 = vector.broadcast %add3A_1137 : i32 to vector<16xi32>
        %add3A_1139 = arith.addi %mul3A_353, %add3A_1138 : vector<16xi32>
        %gather3A_1140 = tpu.vector_load_idx %arg17[%add3A_355, %add3A_1139] : memref<128x128xf32, #tpu.memory_space<vmem>>[vector<16xi32>, vector<16xi32>], vector<16xf32>,
        %mul3A_1141 = arith.mulf %get3A_1132, %gather3A_1136 : vector<16xf32>
        %add3A_1142 = arith.addf %add3A_1120, %mul3A_1141 : vector<16xf32>
        %mul3A_1143 = arith.mulf %get3A_1132, %gather3A_1140 : vector<16xf32>
        %add3A_1144 = arith.addf %add3A_1122, %mul3A_1143 : vector<16xf32>
        %mul3A_1145 = arith.mulf %get3A_1132, %get3A_1132 : vector<16xf32>
        %add3A_1146 = arith.addf %add3A_1128, %mul3A_1145 : vector<16xf32>
        %mul3A_1147 = arith.mulf %gather3A_1136, %gather3A_1136 : vector<16xf32>
        %add3A_1148 = arith.addf %add3A_1146, %mul3A_1147 : vector<16xf32>
        %mul3A_1149 = arith.mulf %gather3A_1140, %gather3A_1140 : vector<16xf32>
        %add3A_1150 = arith.addf %add3A_1148, %mul3A_1149 : vector<16xf32>
        %get3A_1151 = arith.constant 36 : i32
        %get3A_1152 = arith.index_cast %get3A_1151 : i32 to index
        %get3A_1153 = arith.index_cast %multiple_of3A : i32 to index
        %get3A_1154 = tpu.vector_load %arg18[%get3A_1152, %get3A_1153] {strides = array<i32>} : memref<64x128xf32, #tpu.memory_space<vmem>>, vector<16xf32>,
        %add3A_1155 = arith.constant 36 : i32
        %add3A_1156 = vector.broadcast %add3A_1155 : i32 to vector<16xi32>
        %add3A_1157 = arith.addi %mul3A_353, %add3A_1156 : vector<16xi32>
        %gather3A_1158 = tpu.vector_load_idx %arg16[%add3A_355, %add3A_1157] : memref<128x128xf32, #tpu.memory_space<vmem>>[vector<16xi32>, vector<16xi32>], vector<16xf32>,
        %add3A_1159 = arith.constant 36 : i32
        %add3A_1160 = vector.broadcast %add3A_1159 : i32 to vector<16xi32>
        %add3A_1161 = arith.addi %mul3A_353, %add3A_1160 : vector<16xi32>
        %gather3A_1162 = tpu.vector_load_idx %arg17[%add3A_355, %add3A_1161] : memref<128x128xf32, #tpu.memory_space<vmem>>[vector<16xi32>, vector<16xi32>], vector<16xf32>,
        %mul3A_1163 = arith.mulf %get3A_1154, %gather3A_1158 : vector<16xf32>
        %add3A_1164 = arith.addf %add3A_1142, %mul3A_1163 : vector<16xf32>
        %mul3A_1165 = arith.mulf %get3A_1154, %gather3A_1162 : vector<16xf32>
        %add3A_1166 = arith.addf %add3A_1144, %mul3A_1165 : vector<16xf32>
        %mul3A_1167 = arith.mulf %get3A_1154, %get3A_1154 : vector<16xf32>
        %add3A_1168 = arith.addf %add3A_1150, %mul3A_1167 : vector<16xf32>
        %mul3A_1169 = arith.mulf %gather3A_1158, %gather3A_1158 : vector<16xf32>
        %add3A_1170 = arith.addf %add3A_1168, %mul3A_1169 : vector<16xf32>
        %mul3A_1171 = arith.mulf %gather3A_1162, %gather3A_1162 : vector<16xf32>
        %add3A_1172 = arith.addf %add3A_1170, %mul3A_1171 : vector<16xf32>
        %get3A_1173 = arith.constant 37 : i32
        %get3A_1174 = arith.index_cast %get3A_1173 : i32 to index
        %get3A_1175 = arith.index_cast %multiple_of3A : i32 to index
        %get3A_1176 = tpu.vector_load %arg18[%get3A_1174, %get3A_1175] {strides = array<i32>} : memref<64x128xf32, #tpu.memory_space<vmem>>, vector<16xf32>,
        %add3A_1177 = arith.constant 37 : i32
        %add3A_1178 = vector.broadcast %add3A_1177 : i32 to vector<16xi32>
        %add3A_1179 = arith.addi %mul3A_353, %add3A_1178 : vector<16xi32>
        %gather3A_1180 = tpu.vector_load_idx %arg16[%add3A_355, %add3A_1179] : memref<128x128xf32, #tpu.memory_space<vmem>>[vector<16xi32>, vector<16xi32>], vector<16xf32>,
        %add3A_1181 = arith.constant 37 : i32
        %add3A_1182 = vector.broadcast %add3A_1181 : i32 to vector<16xi32>
        %add3A_1183 = arith.addi %mul3A_353, %add3A_1182 : vector<16xi32>
        %gather3A_1184 = tpu.vector_load_idx %arg17[%add3A_355, %add3A_1183] : memref<128x128xf32, #tpu.memory_space<vmem>>[vector<16xi32>, vector<16xi32>], vector<16xf32>,
        %mul3A_1185 = arith.mulf %get3A_1176, %gather3A_1180 : vector<16xf32>
        %add3A_1186 = arith.addf %add3A_1164, %mul3A_1185 : vector<16xf32>
        %mul3A_1187 = arith.mulf %get3A_1176, %gather3A_1184 : vector<16xf32>
        %add3A_1188 = arith.addf %add3A_1166, %mul3A_1187 : vector<16xf32>
        %mul3A_1189 = arith.mulf %get3A_1176, %get3A_1176 : vector<16xf32>
        %add3A_1190 = arith.addf %add3A_1172, %mul3A_1189 : vector<16xf32>
        %mul3A_1191 = arith.mulf %gather3A_1180, %gather3A_1180 : vector<16xf32>
        %add3A_1192 = arith.addf %add3A_1190, %mul3A_1191 : vector<16xf32>
        %mul3A_1193 = arith.mulf %gather3A_1184, %gather3A_1184 : vector<16xf32>
        %add3A_1194 = arith.addf %add3A_1192, %mul3A_1193 : vector<16xf32>
        %get3A_1195 = arith.constant 38 : i32
        %get3A_1196 = arith.index_cast %get3A_1195 : i32 to index
        %get3A_1197 = arith.index_cast %multiple_of3A : i32 to index
        %get3A_1198 = tpu.vector_load %arg18[%get3A_1196, %get3A_1197] {strides = array<i32>} : memref<64x128xf32, #tpu.memory_space<vmem>>, vector<16xf32>,
        %add3A_1199 = arith.constant 38 : i32
        %add3A_1200 = vector.broadcast %add3A_1199 : i32 to vector<16xi32>
        %add3A_1201 = arith.addi %mul3A_353, %add3A_1200 : vector<16xi32>
        %gather3A_1202 = tpu.vector_load_idx %arg16[%add3A_355, %add3A_1201] : memref<128x128xf32, #tpu.memory_space<vmem>>[vector<16xi32>, vector<16xi32>], vector<16xf32>,
        %add3A_1203 = arith.constant 38 : i32
        %add3A_1204 = vector.broadcast %add3A_1203 : i32 to vector<16xi32>
        %add3A_1205 = arith.addi %mul3A_353, %add3A_1204 : vector<16xi32>
        %gather3A_1206 = tpu.vector_load_idx %arg17[%add3A_355, %add3A_1205] : memref<128x128xf32, #tpu.memory_space<vmem>>[vector<16xi32>, vector<16xi32>], vector<16xf32>,
        %mul3A_1207 = arith.mulf %get3A_1198, %gather3A_1202 : vector<16xf32>
        %add3A_1208 = arith.addf %add3A_1186, %mul3A_1207 : vector<16xf32>
        %mul3A_1209 = arith.mulf %get3A_1198, %gather3A_1206 : vector<16xf32>
        %add3A_1210 = arith.addf %add3A_1188, %mul3A_1209 : vector<16xf32>
        %mul3A_1211 = arith.mulf %get3A_1198, %get3A_1198 : vector<16xf32>
        %add3A_1212 = arith.addf %add3A_1194, %mul3A_1211 : vector<16xf32>
        %mul3A_1213 = arith.mulf %gather3A_1202, %gather3A_1202 : vector<16xf32>
        %add3A_1214 = arith.addf %add3A_1212, %mul3A_1213 : vector<16xf32>
        %mul3A_1215 = arith.mulf %gather3A_1206, %gather3A_1206 : vector<16xf32>
        %add3A_1216 = arith.addf %add3A_1214, %mul3A_1215 : vector<16xf32>
        %get3A_1217 = arith.constant 39 : i32
        %get3A_1218 = arith.index_cast %get3A_1217 : i32 to index
        %get3A_1219 = arith.index_cast %multiple_of3A : i32 to index
        %get3A_1220 = tpu.vector_load %arg18[%get3A_1218, %get3A_1219] {strides = array<i32>} : memref<64x128xf32, #tpu.memory_space<vmem>>, vector<16xf32>,
        %add3A_1221 = arith.constant 39 : i32
        %add3A_1222 = vector.broadcast %add3A_1221 : i32 to vector<16xi32>
        %add3A_1223 = arith.addi %mul3A_353, %add3A_1222 : vector<16xi32>
        %gather3A_1224 = tpu.vector_load_idx %arg16[%add3A_355, %add3A_1223] : memref<128x128xf32, #tpu.memory_space<vmem>>[vector<16xi32>, vector<16xi32>], vector<16xf32>,
        %add3A_1225 = arith.constant 39 : i32
        %add3A_1226 = vector.broadcast %add3A_1225 : i32 to vector<16xi32>
        %add3A_1227 = arith.addi %mul3A_353, %add3A_1226 : vector<16xi32>
        %gather3A_1228 = tpu.vector_load_idx %arg17[%add3A_355, %add3A_1227] : memref<128x128xf32, #tpu.memory_space<vmem>>[vector<16xi32>, vector<16xi32>], vector<16xf32>,
        %mul3A_1229 = arith.mulf %get3A_1220, %gather3A_1224 : vector<16xf32>
        %add3A_1230 = arith.addf %add3A_1208, %mul3A_1229 : vector<16xf32>
        %mul3A_1231 = arith.mulf %get3A_1220, %gather3A_1228 : vector<16xf32>
        %add3A_1232 = arith.addf %add3A_1210, %mul3A_1231 : vector<16xf32>
        %mul3A_1233 = arith.mulf %get3A_1220, %get3A_1220 : vector<16xf32>
        %add3A_1234 = arith.addf %add3A_1216, %mul3A_1233 : vector<16xf32>
        %mul3A_1235 = arith.mulf %gather3A_1224, %gather3A_1224 : vector<16xf32>
        %add3A_1236 = arith.addf %add3A_1234, %mul3A_1235 : vector<16xf32>
        %mul3A_1237 = arith.mulf %gather3A_1228, %gather3A_1228 : vector<16xf32>
        %add3A_1238 = arith.addf %add3A_1236, %mul3A_1237 : vector<16xf32>
        %get3A_1239 = arith.constant 40 : i32
        %get3A_1240 = arith.index_cast %get3A_1239 : i32 to index
        %get3A_1241 = arith.index_cast %multiple_of3A : i32 to index
        %get3A_1242 = tpu.vector_load %arg18[%get3A_1240, %get3A_1241] {strides = array<i32>} : memref<64x128xf32, #tpu.memory_space<vmem>>, vector<16xf32>,
        %add3A_1243 = arith.constant 40 : i32
        %add3A_1244 = vector.broadcast %add3A_1243 : i32 to vector<16xi32>
        %add3A_1245 = arith.addi %mul3A_353, %add3A_1244 : vector<16xi32>
        %gather3A_1246 = tpu.vector_load_idx %arg16[%add3A_355, %add3A_1245] : memref<128x128xf32, #tpu.memory_space<vmem>>[vector<16xi32>, vector<16xi32>], vector<16xf32>,
        %add3A_1247 = arith.constant 40 : i32
        %add3A_1248 = vector.broadcast %add3A_1247 : i32 to vector<16xi32>
        %add3A_1249 = arith.addi %mul3A_353, %add3A_1248 : vector<16xi32>
        %gather3A_1250 = tpu.vector_load_idx %arg17[%add3A_355, %add3A_1249] : memref<128x128xf32, #tpu.memory_space<vmem>>[vector<16xi32>, vector<16xi32>], vector<16xf32>,
        %mul3A_1251 = arith.mulf %get3A_1242, %gather3A_1246 : vector<16xf32>
        %add3A_1252 = arith.addf %add3A_1230, %mul3A_1251 : vector<16xf32>
        %mul3A_1253 = arith.mulf %get3A_1242, %gather3A_1250 : vector<16xf32>
        %add3A_1254 = arith.addf %add3A_1232, %mul3A_1253 : vector<16xf32>
        %mul3A_1255 = arith.mulf %get3A_1242, %get3A_1242 : vector<16xf32>
        %add3A_1256 = arith.addf %add3A_1238, %mul3A_1255 : vector<16xf32>
        %mul3A_1257 = arith.mulf %gather3A_1246, %gather3A_1246 : vector<16xf32>
        %add3A_1258 = arith.addf %add3A_1256, %mul3A_1257 : vector<16xf32>
        %mul3A_1259 = arith.mulf %gather3A_1250, %gather3A_1250 : vector<16xf32>
        %add3A_1260 = arith.addf %add3A_1258, %mul3A_1259 : vector<16xf32>
        %get3A_1261 = arith.constant 41 : i32
        %get3A_1262 = arith.index_cast %get3A_1261 : i32 to index
        %get3A_1263 = arith.index_cast %multiple_of3A : i32 to index
        %get3A_1264 = tpu.vector_load %arg18[%get3A_1262, %get3A_1263] {strides = array<i32>} : memref<64x128xf32, #tpu.memory_space<vmem>>, vector<16xf32>,
        %add3A_1265 = arith.constant 41 : i32
        %add3A_1266 = vector.broadcast %add3A_1265 : i32 to vector<16xi32>
        %add3A_1267 = arith.addi %mul3A_353, %add3A_1266 : vector<16xi32>
        %gather3A_1268 = tpu.vector_load_idx %arg16[%add3A_355, %add3A_1267] : memref<128x128xf32, #tpu.memory_space<vmem>>[vector<16xi32>, vector<16xi32>], vector<16xf32>,
        %add3A_1269 = arith.constant 41 : i32
        %add3A_1270 = vector.broadcast %add3A_1269 : i32 to vector<16xi32>
        %add3A_1271 = arith.addi %mul3A_353, %add3A_1270 : vector<16xi32>
        %gather3A_1272 = tpu.vector_load_idx %arg17[%add3A_355, %add3A_1271] : memref<128x128xf32, #tpu.memory_space<vmem>>[vector<16xi32>, vector<16xi32>], vector<16xf32>,
        %mul3A_1273 = arith.mulf %get3A_1264, %gather3A_1268 : vector<16xf32>
        %add3A_1274 = arith.addf %add3A_1252, %mul3A_1273 : vector<16xf32>
        %mul3A_1275 = arith.mulf %get3A_1264, %gather3A_1272 : vector<16xf32>
        %add3A_1276 = arith.addf %add3A_1254, %mul3A_1275 : vector<16xf32>
        %mul3A_1277 = arith.mulf %get3A_1264, %get3A_1264 : vector<16xf32>
        %add3A_1278 = arith.addf %add3A_1260, %mul3A_1277 : vector<16xf32>
        %mul3A_1279 = arith.mulf %gather3A_1268, %gather3A_1268 : vector<16xf32>
        %add3A_1280 = arith.addf %add3A_1278, %mul3A_1279 : vector<16xf32>
        %mul3A_1281 = arith.mulf %gather3A_1272, %gather3A_1272 : vector<16xf32>
        %add3A_1282 = arith.addf %add3A_1280, %mul3A_1281 : vector<16xf32>
        %get3A_1283 = arith.constant 42 : i32
        %get3A_1284 = arith.index_cast %get3A_1283 : i32 to index
        %get3A_1285 = arith.index_cast %multiple_of3A : i32 to index
        %get3A_1286 = tpu.vector_load %arg18[%get3A_1284, %get3A_1285] {strides = array<i32>} : memref<64x128xf32, #tpu.memory_space<vmem>>, vector<16xf32>,
        %add3A_1287 = arith.constant 42 : i32
        %add3A_1288 = vector.broadcast %add3A_1287 : i32 to vector<16xi32>
        %add3A_1289 = arith.addi %mul3A_353, %add3A_1288 : vector<16xi32>
        %gather3A_1290 = tpu.vector_load_idx %arg16[%add3A_355, %add3A_1289] : memref<128x128xf32, #tpu.memory_space<vmem>>[vector<16xi32>, vector<16xi32>], vector<16xf32>,
        %add3A_1291 = arith.constant 42 : i32
        %add3A_1292 = vector.broadcast %add3A_1291 : i32 to vector<16xi32>
        %add3A_1293 = arith.addi %mul3A_353, %add3A_1292 : vector<16xi32>
        %gather3A_1294 = tpu.vector_load_idx %arg17[%add3A_355, %add3A_1293] : memref<128x128xf32, #tpu.memory_space<vmem>>[vector<16xi32>, vector<16xi32>], vector<16xf32>,
        %mul3A_1295 = arith.mulf %get3A_1286, %gather3A_1290 : vector<16xf32>
        %add3A_1296 = arith.addf %add3A_1274, %mul3A_1295 : vector<16xf32>
        %mul3A_1297 = arith.mulf %get3A_1286, %gather3A_1294 : vector<16xf32>
        %add3A_1298 = arith.addf %add3A_1276, %mul3A_1297 : vector<16xf32>
        %mul3A_1299 = arith.mulf %get3A_1286, %get3A_1286 : vector<16xf32>
        %add3A_1300 = arith.addf %add3A_1282, %mul3A_1299 : vector<16xf32>
        %mul3A_1301 = arith.mulf %gather3A_1290, %gather3A_1290 : vector<16xf32>
        %add3A_1302 = arith.addf %add3A_1300, %mul3A_1301 : vector<16xf32>
        %mul3A_1303 = arith.mulf %gather3A_1294, %gather3A_1294 : vector<16xf32>
        %add3A_1304 = arith.addf %add3A_1302, %mul3A_1303 : vector<16xf32>
        %get3A_1305 = arith.constant 43 : i32
        %get3A_1306 = arith.index_cast %get3A_1305 : i32 to index
        %get3A_1307 = arith.index_cast %multiple_of3A : i32 to index
        %get3A_1308 = tpu.vector_load %arg18[%get3A_1306, %get3A_1307] {strides = array<i32>} : memref<64x128xf32, #tpu.memory_space<vmem>>, vector<16xf32>,
        %add3A_1309 = arith.constant 43 : i32
        %add3A_1310 = vector.broadcast %add3A_1309 : i32 to vector<16xi32>
        %add3A_1311 = arith.addi %mul3A_353, %add3A_1310 : vector<16xi32>
        %gather3A_1312 = tpu.vector_load_idx %arg16[%add3A_355, %add3A_1311] : memref<128x128xf32, #tpu.memory_space<vmem>>[vector<16xi32>, vector<16xi32>], vector<16xf32>,
        %add3A_1313 = arith.constant 43 : i32
        %add3A_1314 = vector.broadcast %add3A_1313 : i32 to vector<16xi32>
        %add3A_1315 = arith.addi %mul3A_353, %add3A_1314 : vector<16xi32>
        %gather3A_1316 = tpu.vector_load_idx %arg17[%add3A_355, %add3A_1315] : memref<128x128xf32, #tpu.memory_space<vmem>>[vector<16xi32>, vector<16xi32>], vector<16xf32>,
        %mul3A_1317 = arith.mulf %get3A_1308, %gather3A_1312 : vector<16xf32>
        %add3A_1318 = arith.addf %add3A_1296, %mul3A_1317 : vector<16xf32>
        %mul3A_1319 = arith.mulf %get3A_1308, %gather3A_1316 : vector<16xf32>
        %add3A_1320 = arith.addf %add3A_1298, %mul3A_1319 : vector<16xf32>
        %mul3A_1321 = arith.mulf %get3A_1308, %get3A_1308 : vector<16xf32>
        %add3A_1322 = arith.addf %add3A_1304, %mul3A_1321 : vector<16xf32>
        %mul3A_1323 = arith.mulf %gather3A_1312, %gather3A_1312 : vector<16xf32>
        %add3A_1324 = arith.addf %add3A_1322, %mul3A_1323 : vector<16xf32>
        %mul3A_1325 = arith.mulf %gather3A_1316, %gather3A_1316 : vector<16xf32>
        %add3A_1326 = arith.addf %add3A_1324, %mul3A_1325 : vector<16xf32>
        %get3A_1327 = arith.constant 44 : i32
        %get3A_1328 = arith.index_cast %get3A_1327 : i32 to index
        %get3A_1329 = arith.index_cast %multiple_of3A : i32 to index
        %get3A_1330 = tpu.vector_load %arg18[%get3A_1328, %get3A_1329] {strides = array<i32>} : memref<64x128xf32, #tpu.memory_space<vmem>>, vector<16xf32>,
        %add3A_1331 = arith.constant 44 : i32
        %add3A_1332 = vector.broadcast %add3A_1331 : i32 to vector<16xi32>
        %add3A_1333 = arith.addi %mul3A_353, %add3A_1332 : vector<16xi32>
        %gather3A_1334 = tpu.vector_load_idx %arg16[%add3A_355, %add3A_1333] : memref<128x128xf32, #tpu.memory_space<vmem>>[vector<16xi32>, vector<16xi32>], vector<16xf32>,
        %add3A_1335 = arith.constant 44 : i32
        %add3A_1336 = vector.broadcast %add3A_1335 : i32 to vector<16xi32>
        %add3A_1337 = arith.addi %mul3A_353, %add3A_1336 : vector<16xi32>
        %gather3A_1338 = tpu.vector_load_idx %arg17[%add3A_355, %add3A_1337] : memref<128x128xf32, #tpu.memory_space<vmem>>[vector<16xi32>, vector<16xi32>], vector<16xf32>,
        %mul3A_1339 = arith.mulf %get3A_1330, %gather3A_1334 : vector<16xf32>
        %add3A_1340 = arith.addf %add3A_1318, %mul3A_1339 : vector<16xf32>
        %mul3A_1341 = arith.mulf %get3A_1330, %gather3A_1338 : vector<16xf32>
        %add3A_1342 = arith.addf %add3A_1320, %mul3A_1341 : vector<16xf32>
        %mul3A_1343 = arith.mulf %get3A_1330, %get3A_1330 : vector<16xf32>
        %add3A_1344 = arith.addf %add3A_1326, %mul3A_1343 : vector<16xf32>
        %mul3A_1345 = arith.mulf %gather3A_1334, %gather3A_1334 : vector<16xf32>
        %add3A_1346 = arith.addf %add3A_1344, %mul3A_1345 : vector<16xf32>
        %mul3A_1347 = arith.mulf %gather3A_1338, %gather3A_1338 : vector<16xf32>
        %add3A_1348 = arith.addf %add3A_1346, %mul3A_1347 : vector<16xf32>
        %get3A_1349 = arith.constant 45 : i32
        %get3A_1350 = arith.index_cast %get3A_1349 : i32 to index
        %get3A_1351 = arith.index_cast %multiple_of3A : i32 to index
        %get3A_1352 = tpu.vector_load %arg18[%get3A_1350, %get3A_1351] {strides = array<i32>} : memref<64x128xf32, #tpu.memory_space<vmem>>, vector<16xf32>,
        %add3A_1353 = arith.constant 45 : i32
        %add3A_1354 = vector.broadcast %add3A_1353 : i32 to vector<16xi32>
        %add3A_1355 = arith.addi %mul3A_353, %add3A_1354 : vector<16xi32>
        %gather3A_1356 = tpu.vector_load_idx %arg16[%add3A_355, %add3A_1355] : memref<128x128xf32, #tpu.memory_space<vmem>>[vector<16xi32>, vector<16xi32>], vector<16xf32>,
        %add3A_1357 = arith.constant 45 : i32
        %add3A_1358 = vector.broadcast %add3A_1357 : i32 to vector<16xi32>
        %add3A_1359 = arith.addi %mul3A_353, %add3A_1358 : vector<16xi32>
        %gather3A_1360 = tpu.vector_load_idx %arg17[%add3A_355, %add3A_1359] : memref<128x128xf32, #tpu.memory_space<vmem>>[vector<16xi32>, vector<16xi32>], vector<16xf32>,
        %mul3A_1361 = arith.mulf %get3A_1352, %gather3A_1356 : vector<16xf32>
        %add3A_1362 = arith.addf %add3A_1340, %mul3A_1361 : vector<16xf32>
        %mul3A_1363 = arith.mulf %get3A_1352, %gather3A_1360 : vector<16xf32>
        %add3A_1364 = arith.addf %add3A_1342, %mul3A_1363 : vector<16xf32>
        %mul3A_1365 = arith.mulf %get3A_1352, %get3A_1352 : vector<16xf32>
        %add3A_1366 = arith.addf %add3A_1348, %mul3A_1365 : vector<16xf32>
        %mul3A_1367 = arith.mulf %gather3A_1356, %gather3A_1356 : vector<16xf32>
        %add3A_1368 = arith.addf %add3A_1366, %mul3A_1367 : vector<16xf32>
        %mul3A_1369 = arith.mulf %gather3A_1360, %gather3A_1360 : vector<16xf32>
        %add3A_1370 = arith.addf %add3A_1368, %mul3A_1369 : vector<16xf32>
        %get3A_1371 = arith.constant 46 : i32
        %get3A_1372 = arith.index_cast %get3A_1371 : i32 to index
        %get3A_1373 = arith.index_cast %multiple_of3A : i32 to index
        %get3A_1374 = tpu.vector_load %arg18[%get3A_1372, %get3A_1373] {strides = array<i32>} : memref<64x128xf32, #tpu.memory_space<vmem>>, vector<16xf32>,
        %add3A_1375 = arith.constant 46 : i32
        %add3A_1376 = vector.broadcast %add3A_1375 : i32 to vector<16xi32>
        %add3A_1377 = arith.addi %mul3A_353, %add3A_1376 : vector<16xi32>
        %gather3A_1378 = tpu.vector_load_idx %arg16[%add3A_355, %add3A_1377] : memref<128x128xf32, #tpu.memory_space<vmem>>[vector<16xi32>, vector<16xi32>], vector<16xf32>,
        %add3A_1379 = arith.constant 46 : i32
        %add3A_1380 = vector.broadcast %add3A_1379 : i32 to vector<16xi32>
        %add3A_1381 = arith.addi %mul3A_353, %add3A_1380 : vector<16xi32>
        %gather3A_1382 = tpu.vector_load_idx %arg17[%add3A_355, %add3A_1381] : memref<128x128xf32, #tpu.memory_space<vmem>>[vector<16xi32>, vector<16xi32>], vector<16xf32>,
        %mul3A_1383 = arith.mulf %get3A_1374, %gather3A_1378 : vector<16xf32>
        %add3A_1384 = arith.addf %add3A_1362, %mul3A_1383 : vector<16xf32>
        %mul3A_1385 = arith.mulf %get3A_1374, %gather3A_1382 : vector<16xf32>
        %add3A_1386 = arith.addf %add3A_1364, %mul3A_1385 : vector<16xf32>
        %mul3A_1387 = arith.mulf %get3A_1374, %get3A_1374 : vector<16xf32>
        %add3A_1388 = arith.addf %add3A_1370, %mul3A_1387 : vector<16xf32>
        %mul3A_1389 = arith.mulf %gather3A_1378, %gather3A_1378 : vector<16xf32>
        %add3A_1390 = arith.addf %add3A_1388, %mul3A_1389 : vector<16xf32>
        %mul3A_1391 = arith.mulf %gather3A_1382, %gather3A_1382 : vector<16xf32>
        %add3A_1392 = arith.addf %add3A_1390, %mul3A_1391 : vector<16xf32>
        %get3A_1393 = arith.constant 47 : i32
        %get3A_1394 = arith.index_cast %get3A_1393 : i32 to index
        %get3A_1395 = arith.index_cast %multiple_of3A : i32 to index
        %get3A_1396 = tpu.vector_load %arg18[%get3A_1394, %get3A_1395] {strides = array<i32>} : memref<64x128xf32, #tpu.memory_space<vmem>>, vector<16xf32>,
        %add3A_1397 = arith.constant 47 : i32
        %add3A_1398 = vector.broadcast %add3A_1397 : i32 to vector<16xi32>
        %add3A_1399 = arith.addi %mul3A_353, %add3A_1398 : vector<16xi32>
        %gather3A_1400 = tpu.vector_load_idx %arg16[%add3A_355, %add3A_1399] : memref<128x128xf32, #tpu.memory_space<vmem>>[vector<16xi32>, vector<16xi32>], vector<16xf32>,
        %add3A_1401 = arith.constant 47 : i32
        %add3A_1402 = vector.broadcast %add3A_1401 : i32 to vector<16xi32>
        %add3A_1403 = arith.addi %mul3A_353, %add3A_1402 : vector<16xi32>
        %gather3A_1404 = tpu.vector_load_idx %arg17[%add3A_355, %add3A_1403] : memref<128x128xf32, #tpu.memory_space<vmem>>[vector<16xi32>, vector<16xi32>], vector<16xf32>,
        %mul3A_1405 = arith.mulf %get3A_1396, %gather3A_1400 : vector<16xf32>
        %add3A_1406 = arith.addf %add3A_1384, %mul3A_1405 : vector<16xf32>
        %mul3A_1407 = arith.mulf %get3A_1396, %gather3A_1404 : vector<16xf32>
        %add3A_1408 = arith.addf %add3A_1386, %mul3A_1407 : vector<16xf32>
        %mul3A_1409 = arith.mulf %get3A_1396, %get3A_1396 : vector<16xf32>
        %add3A_1410 = arith.addf %add3A_1392, %mul3A_1409 : vector<16xf32>
        %mul3A_1411 = arith.mulf %gather3A_1400, %gather3A_1400 : vector<16xf32>
        %add3A_1412 = arith.addf %add3A_1410, %mul3A_1411 : vector<16xf32>
        %mul3A_1413 = arith.mulf %gather3A_1404, %gather3A_1404 : vector<16xf32>
        %add3A_1414 = arith.addf %add3A_1412, %mul3A_1413 : vector<16xf32>
        %get3A_1415 = arith.constant 48 : i32
        %get3A_1416 = arith.index_cast %get3A_1415 : i32 to index
        %get3A_1417 = arith.index_cast %multiple_of3A : i32 to index
        %get3A_1418 = tpu.vector_load %arg18[%get3A_1416, %get3A_1417] {strides = array<i32>} : memref<64x128xf32, #tpu.memory_space<vmem>>, vector<16xf32>,
        %add3A_1419 = arith.constant 48 : i32
        %add3A_1420 = vector.broadcast %add3A_1419 : i32 to vector<16xi32>
        %add3A_1421 = arith.addi %mul3A_353, %add3A_1420 : vector<16xi32>
        %gather3A_1422 = tpu.vector_load_idx %arg16[%add3A_355, %add3A_1421] : memref<128x128xf32, #tpu.memory_space<vmem>>[vector<16xi32>, vector<16xi32>], vector<16xf32>,
        %add3A_1423 = arith.constant 48 : i32
        %add3A_1424 = vector.broadcast %add3A_1423 : i32 to vector<16xi32>
        %add3A_1425 = arith.addi %mul3A_353, %add3A_1424 : vector<16xi32>
        %gather3A_1426 = tpu.vector_load_idx %arg17[%add3A_355, %add3A_1425] : memref<128x128xf32, #tpu.memory_space<vmem>>[vector<16xi32>, vector<16xi32>], vector<16xf32>,
        %mul3A_1427 = arith.mulf %get3A_1418, %gather3A_1422 : vector<16xf32>
        %add3A_1428 = arith.addf %add3A_1406, %mul3A_1427 : vector<16xf32>
        %mul3A_1429 = arith.mulf %get3A_1418, %gather3A_1426 : vector<16xf32>
        %add3A_1430 = arith.addf %add3A_1408, %mul3A_1429 : vector<16xf32>
        %mul3A_1431 = arith.mulf %get3A_1418, %get3A_1418 : vector<16xf32>
        %add3A_1432 = arith.addf %add3A_1414, %mul3A_1431 : vector<16xf32>
        %mul3A_1433 = arith.mulf %gather3A_1422, %gather3A_1422 : vector<16xf32>
        %add3A_1434 = arith.addf %add3A_1432, %mul3A_1433 : vector<16xf32>
        %mul3A_1435 = arith.mulf %gather3A_1426, %gather3A_1426 : vector<16xf32>
        %add3A_1436 = arith.addf %add3A_1434, %mul3A_1435 : vector<16xf32>
        %get3A_1437 = arith.constant 49 : i32
        %get3A_1438 = arith.index_cast %get3A_1437 : i32 to index
        %get3A_1439 = arith.index_cast %multiple_of3A : i32 to index
        %get3A_1440 = tpu.vector_load %arg18[%get3A_1438, %get3A_1439] {strides = array<i32>} : memref<64x128xf32, #tpu.memory_space<vmem>>, vector<16xf32>,
        %add3A_1441 = arith.constant 49 : i32
        %add3A_1442 = vector.broadcast %add3A_1441 : i32 to vector<16xi32>
        %add3A_1443 = arith.addi %mul3A_353, %add3A_1442 : vector<16xi32>
        %gather3A_1444 = tpu.vector_load_idx %arg16[%add3A_355, %add3A_1443] : memref<128x128xf32, #tpu.memory_space<vmem>>[vector<16xi32>, vector<16xi32>], vector<16xf32>,
        %add3A_1445 = arith.constant 49 : i32
        %add3A_1446 = vector.broadcast %add3A_1445 : i32 to vector<16xi32>
        %add3A_1447 = arith.addi %mul3A_353, %add3A_1446 : vector<16xi32>
        %gather3A_1448 = tpu.vector_load_idx %arg17[%add3A_355, %add3A_1447] : memref<128x128xf32, #tpu.memory_space<vmem>>[vector<16xi32>, vector<16xi32>], vector<16xf32>,
        %mul3A_1449 = arith.mulf %get3A_1440, %gather3A_1444 : vector<16xf32>
        %add3A_1450 = arith.addf %add3A_1428, %mul3A_1449 : vector<16xf32>
        %mul3A_1451 = arith.mulf %get3A_1440, %gather3A_1448 : vector<16xf32>
        %add3A_1452 = arith.addf %add3A_1430, %mul3A_1451 : vector<16xf32>
        %mul3A_1453 = arith.mulf %get3A_1440, %get3A_1440 : vector<16xf32>
        %add3A_1454 = arith.addf %add3A_1436, %mul3A_1453 : vector<16xf32>
        %mul3A_1455 = arith.mulf %gather3A_1444, %gather3A_1444 : vector<16xf32>
        %add3A_1456 = arith.addf %add3A_1454, %mul3A_1455 : vector<16xf32>
        %mul3A_1457 = arith.mulf %gather3A_1448, %gather3A_1448 : vector<16xf32>
        %add3A_1458 = arith.addf %add3A_1456, %mul3A_1457 : vector<16xf32>
        %get3A_1459 = arith.constant 50 : i32
        %get3A_1460 = arith.index_cast %get3A_1459 : i32 to index
        %get3A_1461 = arith.index_cast %multiple_of3A : i32 to index
        %get3A_1462 = tpu.vector_load %arg18[%get3A_1460, %get3A_1461] {strides = array<i32>} : memref<64x128xf32, #tpu.memory_space<vmem>>, vector<16xf32>,
        %add3A_1463 = arith.constant 50 : i32
        %add3A_1464 = vector.broadcast %add3A_1463 : i32 to vector<16xi32>
        %add3A_1465 = arith.addi %mul3A_353, %add3A_1464 : vector<16xi32>
        %gather3A_1466 = tpu.vector_load_idx %arg16[%add3A_355, %add3A_1465] : memref<128x128xf32, #tpu.memory_space<vmem>>[vector<16xi32>, vector<16xi32>], vector<16xf32>,
        %add3A_1467 = arith.constant 50 : i32
        %add3A_1468 = vector.broadcast %add3A_1467 : i32 to vector<16xi32>
        %add3A_1469 = arith.addi %mul3A_353, %add3A_1468 : vector<16xi32>
        %gather3A_1470 = tpu.vector_load_idx %arg17[%add3A_355, %add3A_1469] : memref<128x128xf32, #tpu.memory_space<vmem>>[vector<16xi32>, vector<16xi32>], vector<16xf32>,
        %mul3A_1471 = arith.mulf %get3A_1462, %gather3A_1466 : vector<16xf32>
        %add3A_1472 = arith.addf %add3A_1450, %mul3A_1471 : vector<16xf32>
        %mul3A_1473 = arith.mulf %get3A_1462, %gather3A_1470 : vector<16xf32>
        %add3A_1474 = arith.addf %add3A_1452, %mul3A_1473 : vector<16xf32>
        %mul3A_1475 = arith.mulf %get3A_1462, %get3A_1462 : vector<16xf32>
        %add3A_1476 = arith.addf %add3A_1458, %mul3A_1475 : vector<16xf32>
        %mul3A_1477 = arith.mulf %gather3A_1466, %gather3A_1466 : vector<16xf32>
        %add3A_1478 = arith.addf %add3A_1476, %mul3A_1477 : vector<16xf32>
        %mul3A_1479 = arith.mulf %gather3A_1470, %gather3A_1470 : vector<16xf32>
        %add3A_1480 = arith.addf %add3A_1478, %mul3A_1479 : vector<16xf32>
        %get3A_1481 = arith.constant 51 : i32
        %get3A_1482 = arith.index_cast %get3A_1481 : i32 to index
        %get3A_1483 = arith.index_cast %multiple_of3A : i32 to index
        %get3A_1484 = tpu.vector_load %arg18[%get3A_1482, %get3A_1483] {strides = array<i32>} : memref<64x128xf32, #tpu.memory_space<vmem>>, vector<16xf32>,
        %add3A_1485 = arith.constant 51 : i32
        %add3A_1486 = vector.broadcast %add3A_1485 : i32 to vector<16xi32>
        %add3A_1487 = arith.addi %mul3A_353, %add3A_1486 : vector<16xi32>
        %gather3A_1488 = tpu.vector_load_idx %arg16[%add3A_355, %add3A_1487] : memref<128x128xf32, #tpu.memory_space<vmem>>[vector<16xi32>, vector<16xi32>], vector<16xf32>,
        %add3A_1489 = arith.constant 51 : i32
        %add3A_1490 = vector.broadcast %add3A_1489 : i32 to vector<16xi32>
        %add3A_1491 = arith.addi %mul3A_353, %add3A_1490 : vector<16xi32>
        %gather3A_1492 = tpu.vector_load_idx %arg17[%add3A_355, %add3A_1491] : memref<128x128xf32, #tpu.memory_space<vmem>>[vector<16xi32>, vector<16xi32>], vector<16xf32>,
        %mul3A_1493 = arith.mulf %get3A_1484, %gather3A_1488 : vector<16xf32>
        %add3A_1494 = arith.addf %add3A_1472, %mul3A_1493 : vector<16xf32>
        %mul3A_1495 = arith.mulf %get3A_1484, %gather3A_1492 : vector<16xf32>
        %add3A_1496 = arith.addf %add3A_1474, %mul3A_1495 : vector<16xf32>
        %mul3A_1497 = arith.mulf %get3A_1484, %get3A_1484 : vector<16xf32>
        %add3A_1498 = arith.addf %add3A_1480, %mul3A_1497 : vector<16xf32>
        %mul3A_1499 = arith.mulf %gather3A_1488, %gather3A_1488 : vector<16xf32>
        %add3A_1500 = arith.addf %add3A_1498, %mul3A_1499 : vector<16xf32>
        %mul3A_1501 = arith.mulf %gather3A_1492, %gather3A_1492 : vector<16xf32>
        %add3A_1502 = arith.addf %add3A_1500, %mul3A_1501 : vector<16xf32>
        %get3A_1503 = arith.constant 52 : i32
        %get3A_1504 = arith.index_cast %get3A_1503 : i32 to index
        %get3A_1505 = arith.index_cast %multiple_of3A : i32 to index
        %get3A_1506 = tpu.vector_load %arg18[%get3A_1504, %get3A_1505] {strides = array<i32>} : memref<64x128xf32, #tpu.memory_space<vmem>>, vector<16xf32>,
        %add3A_1507 = arith.constant 52 : i32
        %add3A_1508 = vector.broadcast %add3A_1507 : i32 to vector<16xi32>
        %add3A_1509 = arith.addi %mul3A_353, %add3A_1508 : vector<16xi32>
        %gather3A_1510 = tpu.vector_load_idx %arg16[%add3A_355, %add3A_1509] : memref<128x128xf32, #tpu.memory_space<vmem>>[vector<16xi32>, vector<16xi32>], vector<16xf32>,
        %add3A_1511 = arith.constant 52 : i32
        %add3A_1512 = vector.broadcast %add3A_1511 : i32 to vector<16xi32>
        %add3A_1513 = arith.addi %mul3A_353, %add3A_1512 : vector<16xi32>
        %gather3A_1514 = tpu.vector_load_idx %arg17[%add3A_355, %add3A_1513] : memref<128x128xf32, #tpu.memory_space<vmem>>[vector<16xi32>, vector<16xi32>], vector<16xf32>,
        %mul3A_1515 = arith.mulf %get3A_1506, %gather3A_1510 : vector<16xf32>
        %add3A_1516 = arith.addf %add3A_1494, %mul3A_1515 : vector<16xf32>
        %mul3A_1517 = arith.mulf %get3A_1506, %gather3A_1514 : vector<16xf32>
        %add3A_1518 = arith.addf %add3A_1496, %mul3A_1517 : vector<16xf32>
        %mul3A_1519 = arith.mulf %get3A_1506, %get3A_1506 : vector<16xf32>
        %add3A_1520 = arith.addf %add3A_1502, %mul3A_1519 : vector<16xf32>
        %mul3A_1521 = arith.mulf %gather3A_1510, %gather3A_1510 : vector<16xf32>
        %add3A_1522 = arith.addf %add3A_1520, %mul3A_1521 : vector<16xf32>
        %mul3A_1523 = arith.mulf %gather3A_1514, %gather3A_1514 : vector<16xf32>
        %add3A_1524 = arith.addf %add3A_1522, %mul3A_1523 : vector<16xf32>
        %get3A_1525 = arith.constant 53 : i32
        %get3A_1526 = arith.index_cast %get3A_1525 : i32 to index
        %get3A_1527 = arith.index_cast %multiple_of3A : i32 to index
        %get3A_1528 = tpu.vector_load %arg18[%get3A_1526, %get3A_1527] {strides = array<i32>} : memref<64x128xf32, #tpu.memory_space<vmem>>, vector<16xf32>,
        %add3A_1529 = arith.constant 53 : i32
        %add3A_1530 = vector.broadcast %add3A_1529 : i32 to vector<16xi32>
        %add3A_1531 = arith.addi %mul3A_353, %add3A_1530 : vector<16xi32>
        %gather3A_1532 = tpu.vector_load_idx %arg16[%add3A_355, %add3A_1531] : memref<128x128xf32, #tpu.memory_space<vmem>>[vector<16xi32>, vector<16xi32>], vector<16xf32>,
        %add3A_1533 = arith.constant 53 : i32
        %add3A_1534 = vector.broadcast %add3A_1533 : i32 to vector<16xi32>
        %add3A_1535 = arith.addi %mul3A_353, %add3A_1534 : vector<16xi32>
        %gather3A_1536 = tpu.vector_load_idx %arg17[%add3A_355, %add3A_1535] : memref<128x128xf32, #tpu.memory_space<vmem>>[vector<16xi32>, vector<16xi32>], vector<16xf32>,
        %mul3A_1537 = arith.mulf %get3A_1528, %gather3A_1532 : vector<16xf32>
        %add3A_1538 = arith.addf %add3A_1516, %mul3A_1537 : vector<16xf32>
        %mul3A_1539 = arith.mulf %get3A_1528, %gather3A_1536 : vector<16xf32>
        %add3A_1540 = arith.addf %add3A_1518, %mul3A_1539 : vector<16xf32>
        %mul3A_1541 = arith.mulf %get3A_1528, %get3A_1528 : vector<16xf32>
        %add3A_1542 = arith.addf %add3A_1524, %mul3A_1541 : vector<16xf32>
        %mul3A_1543 = arith.mulf %gather3A_1532, %gather3A_1532 : vector<16xf32>
        %add3A_1544 = arith.addf %add3A_1542, %mul3A_1543 : vector<16xf32>
        %mul3A_1545 = arith.mulf %gather3A_1536, %gather3A_1536 : vector<16xf32>
        %add3A_1546 = arith.addf %add3A_1544, %mul3A_1545 : vector<16xf32>
        %get3A_1547 = arith.constant 54 : i32
        %get3A_1548 = arith.index_cast %get3A_1547 : i32 to index
        %get3A_1549 = arith.index_cast %multiple_of3A : i32 to index
        %get3A_1550 = tpu.vector_load %arg18[%get3A_1548, %get3A_1549] {strides = array<i32>} : memref<64x128xf32, #tpu.memory_space<vmem>>, vector<16xf32>,
        %add3A_1551 = arith.constant 54 : i32
        %add3A_1552 = vector.broadcast %add3A_1551 : i32 to vector<16xi32>
        %add3A_1553 = arith.addi %mul3A_353, %add3A_1552 : vector<16xi32>
        %gather3A_1554 = tpu.vector_load_idx %arg16[%add3A_355, %add3A_1553] : memref<128x128xf32, #tpu.memory_space<vmem>>[vector<16xi32>, vector<16xi32>], vector<16xf32>,
        %add3A_1555 = arith.constant 54 : i32
        %add3A_1556 = vector.broadcast %add3A_1555 : i32 to vector<16xi32>
        %add3A_1557 = arith.addi %mul3A_353, %add3A_1556 : vector<16xi32>
        %gather3A_1558 = tpu.vector_load_idx %arg17[%add3A_355, %add3A_1557] : memref<128x128xf32, #tpu.memory_space<vmem>>[vector<16xi32>, vector<16xi32>], vector<16xf32>,
        %mul3A_1559 = arith.mulf %get3A_1550, %gather3A_1554 : vector<16xf32>
        %add3A_1560 = arith.addf %add3A_1538, %mul3A_1559 : vector<16xf32>
        %mul3A_1561 = arith.mulf %get3A_1550, %gather3A_1558 : vector<16xf32>
        %add3A_1562 = arith.addf %add3A_1540, %mul3A_1561 : vector<16xf32>
        %mul3A_1563 = arith.mulf %get3A_1550, %get3A_1550 : vector<16xf32>
        %add3A_1564 = arith.addf %add3A_1546, %mul3A_1563 : vector<16xf32>
        %mul3A_1565 = arith.mulf %gather3A_1554, %gather3A_1554 : vector<16xf32>
        %add3A_1566 = arith.addf %add3A_1564, %mul3A_1565 : vector<16xf32>
        %mul3A_1567 = arith.mulf %gather3A_1558, %gather3A_1558 : vector<16xf32>
        %add3A_1568 = arith.addf %add3A_1566, %mul3A_1567 : vector<16xf32>
        %get3A_1569 = arith.constant 55 : i32
        %get3A_1570 = arith.index_cast %get3A_1569 : i32 to index
        %get3A_1571 = arith.index_cast %multiple_of3A : i32 to index
        %get3A_1572 = tpu.vector_load %arg18[%get3A_1570, %get3A_1571] {strides = array<i32>} : memref<64x128xf32, #tpu.memory_space<vmem>>, vector<16xf32>,
        %add3A_1573 = arith.constant 55 : i32
        %add3A_1574 = vector.broadcast %add3A_1573 : i32 to vector<16xi32>
        %add3A_1575 = arith.addi %mul3A_353, %add3A_1574 : vector<16xi32>
        %gather3A_1576 = tpu.vector_load_idx %arg16[%add3A_355, %add3A_1575] : memref<128x128xf32, #tpu.memory_space<vmem>>[vector<16xi32>, vector<16xi32>], vector<16xf32>,
        %add3A_1577 = arith.constant 55 : i32
        %add3A_1578 = vector.broadcast %add3A_1577 : i32 to vector<16xi32>
        %add3A_1579 = arith.addi %mul3A_353, %add3A_1578 : vector<16xi32>
        %gather3A_1580 = tpu.vector_load_idx %arg17[%add3A_355, %add3A_1579] : memref<128x128xf32, #tpu.memory_space<vmem>>[vector<16xi32>, vector<16xi32>], vector<16xf32>,
        %mul3A_1581 = arith.mulf %get3A_1572, %gather3A_1576 : vector<16xf32>
        %add3A_1582 = arith.addf %add3A_1560, %mul3A_1581 : vector<16xf32>
        %mul3A_1583 = arith.mulf %get3A_1572, %gather3A_1580 : vector<16xf32>
        %add3A_1584 = arith.addf %add3A_1562, %mul3A_1583 : vector<16xf32>
        %mul3A_1585 = arith.mulf %get3A_1572, %get3A_1572 : vector<16xf32>
        %add3A_1586 = arith.addf %add3A_1568, %mul3A_1585 : vector<16xf32>
        %mul3A_1587 = arith.mulf %gather3A_1576, %gather3A_1576 : vector<16xf32>
        %add3A_1588 = arith.addf %add3A_1586, %mul3A_1587 : vector<16xf32>
        %mul3A_1589 = arith.mulf %gather3A_1580, %gather3A_1580 : vector<16xf32>
        %add3A_1590 = arith.addf %add3A_1588, %mul3A_1589 : vector<16xf32>
        %get3A_1591 = arith.constant 56 : i32
        %get3A_1592 = arith.index_cast %get3A_1591 : i32 to index
        %get3A_1593 = arith.index_cast %multiple_of3A : i32 to index
        %get3A_1594 = tpu.vector_load %arg18[%get3A_1592, %get3A_1593] {strides = array<i32>} : memref<64x128xf32, #tpu.memory_space<vmem>>, vector<16xf32>,
        %add3A_1595 = arith.constant 56 : i32
        %add3A_1596 = vector.broadcast %add3A_1595 : i32 to vector<16xi32>
        %add3A_1597 = arith.addi %mul3A_353, %add3A_1596 : vector<16xi32>
        %gather3A_1598 = tpu.vector_load_idx %arg16[%add3A_355, %add3A_1597] : memref<128x128xf32, #tpu.memory_space<vmem>>[vector<16xi32>, vector<16xi32>], vector<16xf32>,
        %add3A_1599 = arith.constant 56 : i32
        %add3A_1600 = vector.broadcast %add3A_1599 : i32 to vector<16xi32>
        %add3A_1601 = arith.addi %mul3A_353, %add3A_1600 : vector<16xi32>
        %gather3A_1602 = tpu.vector_load_idx %arg17[%add3A_355, %add3A_1601] : memref<128x128xf32, #tpu.memory_space<vmem>>[vector<16xi32>, vector<16xi32>], vector<16xf32>,
        %mul3A_1603 = arith.mulf %get3A_1594, %gather3A_1598 : vector<16xf32>
        %add3A_1604 = arith.addf %add3A_1582, %mul3A_1603 : vector<16xf32>
        %mul3A_1605 = arith.mulf %get3A_1594, %gather3A_1602 : vector<16xf32>
        %add3A_1606 = arith.addf %add3A_1584, %mul3A_1605 : vector<16xf32>
        %mul3A_1607 = arith.mulf %get3A_1594, %get3A_1594 : vector<16xf32>
        %add3A_1608 = arith.addf %add3A_1590, %mul3A_1607 : vector<16xf32>
        %mul3A_1609 = arith.mulf %gather3A_1598, %gather3A_1598 : vector<16xf32>
        %add3A_1610 = arith.addf %add3A_1608, %mul3A_1609 : vector<16xf32>
        %mul3A_1611 = arith.mulf %gather3A_1602, %gather3A_1602 : vector<16xf32>
        %add3A_1612 = arith.addf %add3A_1610, %mul3A_1611 : vector<16xf32>
        %get3A_1613 = arith.constant 57 : i32
        %get3A_1614 = arith.index_cast %get3A_1613 : i32 to index
        %get3A_1615 = arith.index_cast %multiple_of3A : i32 to index
        %get3A_1616 = tpu.vector_load %arg18[%get3A_1614, %get3A_1615] {strides = array<i32>} : memref<64x128xf32, #tpu.memory_space<vmem>>, vector<16xf32>,
        %add3A_1617 = arith.constant 57 : i32
        %add3A_1618 = vector.broadcast %add3A_1617 : i32 to vector<16xi32>
        %add3A_1619 = arith.addi %mul3A_353, %add3A_1618 : vector<16xi32>
        %gather3A_1620 = tpu.vector_load_idx %arg16[%add3A_355, %add3A_1619] : memref<128x128xf32, #tpu.memory_space<vmem>>[vector<16xi32>, vector<16xi32>], vector<16xf32>,
        %add3A_1621 = arith.constant 57 : i32
        %add3A_1622 = vector.broadcast %add3A_1621 : i32 to vector<16xi32>
        %add3A_1623 = arith.addi %mul3A_353, %add3A_1622 : vector<16xi32>
        %gather3A_1624 = tpu.vector_load_idx %arg17[%add3A_355, %add3A_1623] : memref<128x128xf32, #tpu.memory_space<vmem>>[vector<16xi32>, vector<16xi32>], vector<16xf32>,
        %mul3A_1625 = arith.mulf %get3A_1616, %gather3A_1620 : vector<16xf32>
        %add3A_1626 = arith.addf %add3A_1604, %mul3A_1625 : vector<16xf32>
        %mul3A_1627 = arith.mulf %get3A_1616, %gather3A_1624 : vector<16xf32>
        %add3A_1628 = arith.addf %add3A_1606, %mul3A_1627 : vector<16xf32>
        %mul3A_1629 = arith.mulf %get3A_1616, %get3A_1616 : vector<16xf32>
        %add3A_1630 = arith.addf %add3A_1612, %mul3A_1629 : vector<16xf32>
        %mul3A_1631 = arith.mulf %gather3A_1620, %gather3A_1620 : vector<16xf32>
        %add3A_1632 = arith.addf %add3A_1630, %mul3A_1631 : vector<16xf32>
        %mul3A_1633 = arith.mulf %gather3A_1624, %gather3A_1624 : vector<16xf32>
        %add3A_1634 = arith.addf %add3A_1632, %mul3A_1633 : vector<16xf32>
        %get3A_1635 = arith.constant 58 : i32
        %get3A_1636 = arith.index_cast %get3A_1635 : i32 to index
        %get3A_1637 = arith.index_cast %multiple_of3A : i32 to index
        %get3A_1638 = tpu.vector_load %arg18[%get3A_1636, %get3A_1637] {strides = array<i32>} : memref<64x128xf32, #tpu.memory_space<vmem>>, vector<16xf32>,
        %add3A_1639 = arith.constant 58 : i32
        %add3A_1640 = vector.broadcast %add3A_1639 : i32 to vector<16xi32>
        %add3A_1641 = arith.addi %mul3A_353, %add3A_1640 : vector<16xi32>
        %gather3A_1642 = tpu.vector_load_idx %arg16[%add3A_355, %add3A_1641] : memref<128x128xf32, #tpu.memory_space<vmem>>[vector<16xi32>, vector<16xi32>], vector<16xf32>,
        %add3A_1643 = arith.constant 58 : i32
        %add3A_1644 = vector.broadcast %add3A_1643 : i32 to vector<16xi32>
        %add3A_1645 = arith.addi %mul3A_353, %add3A_1644 : vector<16xi32>
        %gather3A_1646 = tpu.vector_load_idx %arg17[%add3A_355, %add3A_1645] : memref<128x128xf32, #tpu.memory_space<vmem>>[vector<16xi32>, vector<16xi32>], vector<16xf32>,
        %mul3A_1647 = arith.mulf %get3A_1638, %gather3A_1642 : vector<16xf32>
        %add3A_1648 = arith.addf %add3A_1626, %mul3A_1647 : vector<16xf32>
        %mul3A_1649 = arith.mulf %get3A_1638, %gather3A_1646 : vector<16xf32>
        %add3A_1650 = arith.addf %add3A_1628, %mul3A_1649 : vector<16xf32>
        %mul3A_1651 = arith.mulf %get3A_1638, %get3A_1638 : vector<16xf32>
        %add3A_1652 = arith.addf %add3A_1634, %mul3A_1651 : vector<16xf32>
        %mul3A_1653 = arith.mulf %gather3A_1642, %gather3A_1642 : vector<16xf32>
        %add3A_1654 = arith.addf %add3A_1652, %mul3A_1653 : vector<16xf32>
        %mul3A_1655 = arith.mulf %gather3A_1646, %gather3A_1646 : vector<16xf32>
        %add3A_1656 = arith.addf %add3A_1654, %mul3A_1655 : vector<16xf32>
        %get3A_1657 = arith.constant 59 : i32
        %get3A_1658 = arith.index_cast %get3A_1657 : i32 to index
        %get3A_1659 = arith.index_cast %multiple_of3A : i32 to index
        %get3A_1660 = tpu.vector_load %arg18[%get3A_1658, %get3A_1659] {strides = array<i32>} : memref<64x128xf32, #tpu.memory_space<vmem>>, vector<16xf32>,
        %add3A_1661 = arith.constant 59 : i32
        %add3A_1662 = vector.broadcast %add3A_1661 : i32 to vector<16xi32>
        %add3A_1663 = arith.addi %mul3A_353, %add3A_1662 : vector<16xi32>
        %gather3A_1664 = tpu.vector_load_idx %arg16[%add3A_355, %add3A_1663] : memref<128x128xf32, #tpu.memory_space<vmem>>[vector<16xi32>, vector<16xi32>], vector<16xf32>,
        %add3A_1665 = arith.constant 59 : i32
        %add3A_1666 = vector.broadcast %add3A_1665 : i32 to vector<16xi32>
        %add3A_1667 = arith.addi %mul3A_353, %add3A_1666 : vector<16xi32>
        %gather3A_1668 = tpu.vector_load_idx %arg17[%add3A_355, %add3A_1667] : memref<128x128xf32, #tpu.memory_space<vmem>>[vector<16xi32>, vector<16xi32>], vector<16xf32>,
        %mul3A_1669 = arith.mulf %get3A_1660, %gather3A_1664 : vector<16xf32>
        %add3A_1670 = arith.addf %add3A_1648, %mul3A_1669 : vector<16xf32>
        %mul3A_1671 = arith.mulf %get3A_1660, %gather3A_1668 : vector<16xf32>
        %add3A_1672 = arith.addf %add3A_1650, %mul3A_1671 : vector<16xf32>
        %mul3A_1673 = arith.mulf %get3A_1660, %get3A_1660 : vector<16xf32>
        %add3A_1674 = arith.addf %add3A_1656, %mul3A_1673 : vector<16xf32>
        %mul3A_1675 = arith.mulf %gather3A_1664, %gather3A_1664 : vector<16xf32>
        %add3A_1676 = arith.addf %add3A_1674, %mul3A_1675 : vector<16xf32>
        %mul3A_1677 = arith.mulf %gather3A_1668, %gather3A_1668 : vector<16xf32>
        %add3A_1678 = arith.addf %add3A_1676, %mul3A_1677 : vector<16xf32>
        %get3A_1679 = arith.constant 60 : i32
        %get3A_1680 = arith.index_cast %get3A_1679 : i32 to index
        %get3A_1681 = arith.index_cast %multiple_of3A : i32 to index
        %get3A_1682 = tpu.vector_load %arg18[%get3A_1680, %get3A_1681] {strides = array<i32>} : memref<64x128xf32, #tpu.memory_space<vmem>>, vector<16xf32>,
        %add3A_1683 = arith.constant 60 : i32
        %add3A_1684 = vector.broadcast %add3A_1683 : i32 to vector<16xi32>
        %add3A_1685 = arith.addi %mul3A_353, %add3A_1684 : vector<16xi32>
        %gather3A_1686 = tpu.vector_load_idx %arg16[%add3A_355, %add3A_1685] : memref<128x128xf32, #tpu.memory_space<vmem>>[vector<16xi32>, vector<16xi32>], vector<16xf32>,
        %add3A_1687 = arith.constant 60 : i32
        %add3A_1688 = vector.broadcast %add3A_1687 : i32 to vector<16xi32>
        %add3A_1689 = arith.addi %mul3A_353, %add3A_1688 : vector<16xi32>
        %gather3A_1690 = tpu.vector_load_idx %arg17[%add3A_355, %add3A_1689] : memref<128x128xf32, #tpu.memory_space<vmem>>[vector<16xi32>, vector<16xi32>], vector<16xf32>,
        %mul3A_1691 = arith.mulf %get3A_1682, %gather3A_1686 : vector<16xf32>
        %add3A_1692 = arith.addf %add3A_1670, %mul3A_1691 : vector<16xf32>
        %mul3A_1693 = arith.mulf %get3A_1682, %gather3A_1690 : vector<16xf32>
        %add3A_1694 = arith.addf %add3A_1672, %mul3A_1693 : vector<16xf32>
        %mul3A_1695 = arith.mulf %get3A_1682, %get3A_1682 : vector<16xf32>
        %add3A_1696 = arith.addf %add3A_1678, %mul3A_1695 : vector<16xf32>
        %mul3A_1697 = arith.mulf %gather3A_1686, %gather3A_1686 : vector<16xf32>
        %add3A_1698 = arith.addf %add3A_1696, %mul3A_1697 : vector<16xf32>
        %mul3A_1699 = arith.mulf %gather3A_1690, %gather3A_1690 : vector<16xf32>
        %add3A_1700 = arith.addf %add3A_1698, %mul3A_1699 : vector<16xf32>
        %get3A_1701 = arith.constant 61 : i32
        %get3A_1702 = arith.index_cast %get3A_1701 : i32 to index
        %get3A_1703 = arith.index_cast %multiple_of3A : i32 to index
        %get3A_1704 = tpu.vector_load %arg18[%get3A_1702, %get3A_1703] {strides = array<i32>} : memref<64x128xf32, #tpu.memory_space<vmem>>, vector<16xf32>,
        %add3A_1705 = arith.constant 61 : i32
        %add3A_1706 = vector.broadcast %add3A_1705 : i32 to vector<16xi32>
        %add3A_1707 = arith.addi %mul3A_353, %add3A_1706 : vector<16xi32>
        %gather3A_1708 = tpu.vector_load_idx %arg16[%add3A_355, %add3A_1707] : memref<128x128xf32, #tpu.memory_space<vmem>>[vector<16xi32>, vector<16xi32>], vector<16xf32>,
        %add3A_1709 = arith.constant 61 : i32
        %add3A_1710 = vector.broadcast %add3A_1709 : i32 to vector<16xi32>
        %add3A_1711 = arith.addi %mul3A_353, %add3A_1710 : vector<16xi32>
        %gather3A_1712 = tpu.vector_load_idx %arg17[%add3A_355, %add3A_1711] : memref<128x128xf32, #tpu.memory_space<vmem>>[vector<16xi32>, vector<16xi32>], vector<16xf32>,
        %mul3A_1713 = arith.mulf %get3A_1704, %gather3A_1708 : vector<16xf32>
        %add3A_1714 = arith.addf %add3A_1692, %mul3A_1713 : vector<16xf32>
        %mul3A_1715 = arith.mulf %get3A_1704, %gather3A_1712 : vector<16xf32>
        %add3A_1716 = arith.addf %add3A_1694, %mul3A_1715 : vector<16xf32>
        %mul3A_1717 = arith.mulf %get3A_1704, %get3A_1704 : vector<16xf32>
        %add3A_1718 = arith.addf %add3A_1700, %mul3A_1717 : vector<16xf32>
        %mul3A_1719 = arith.mulf %gather3A_1708, %gather3A_1708 : vector<16xf32>
        %add3A_1720 = arith.addf %add3A_1718, %mul3A_1719 : vector<16xf32>
        %mul3A_1721 = arith.mulf %gather3A_1712, %gather3A_1712 : vector<16xf32>
        %add3A_1722 = arith.addf %add3A_1720, %mul3A_1721 : vector<16xf32>
        %get3A_1723 = arith.constant 62 : i32
        %get3A_1724 = arith.index_cast %get3A_1723 : i32 to index
        %get3A_1725 = arith.index_cast %multiple_of3A : i32 to index
        %get3A_1726 = tpu.vector_load %arg18[%get3A_1724, %get3A_1725] {strides = array<i32>} : memref<64x128xf32, #tpu.memory_space<vmem>>, vector<16xf32>,
        %add3A_1727 = arith.constant 62 : i32
        %add3A_1728 = vector.broadcast %add3A_1727 : i32 to vector<16xi32>
        %add3A_1729 = arith.addi %mul3A_353, %add3A_1728 : vector<16xi32>
        %gather3A_1730 = tpu.vector_load_idx %arg16[%add3A_355, %add3A_1729] : memref<128x128xf32, #tpu.memory_space<vmem>>[vector<16xi32>, vector<16xi32>], vector<16xf32>,
        %add3A_1731 = arith.constant 62 : i32
        %add3A_1732 = vector.broadcast %add3A_1731 : i32 to vector<16xi32>
        %add3A_1733 = arith.addi %mul3A_353, %add3A_1732 : vector<16xi32>
        %gather3A_1734 = tpu.vector_load_idx %arg17[%add3A_355, %add3A_1733] : memref<128x128xf32, #tpu.memory_space<vmem>>[vector<16xi32>, vector<16xi32>], vector<16xf32>,
        %mul3A_1735 = arith.mulf %get3A_1726, %gather3A_1730 : vector<16xf32>
        %add3A_1736 = arith.addf %add3A_1714, %mul3A_1735 : vector<16xf32>
        %mul3A_1737 = arith.mulf %get3A_1726, %gather3A_1734 : vector<16xf32>
        %add3A_1738 = arith.addf %add3A_1716, %mul3A_1737 : vector<16xf32>
        %mul3A_1739 = arith.mulf %get3A_1726, %get3A_1726 : vector<16xf32>
        %add3A_1740 = arith.addf %add3A_1722, %mul3A_1739 : vector<16xf32>
        %mul3A_1741 = arith.mulf %gather3A_1730, %gather3A_1730 : vector<16xf32>
        %add3A_1742 = arith.addf %add3A_1740, %mul3A_1741 : vector<16xf32>
        %mul3A_1743 = arith.mulf %gather3A_1734, %gather3A_1734 : vector<16xf32>
        %add3A_1744 = arith.addf %add3A_1742, %mul3A_1743 : vector<16xf32>
        %get3A_1745 = arith.constant 63 : i32
        %get3A_1746 = arith.index_cast %get3A_1745 : i32 to index
        %get3A_1747 = arith.index_cast %multiple_of3A : i32 to index
        %get3A_1748 = tpu.vector_load %arg18[%get3A_1746, %get3A_1747] {strides = array<i32>} : memref<64x128xf32, #tpu.memory_space<vmem>>, vector<16xf32>,
        %add3A_1749 = arith.constant 63 : i32
        %add3A_1750 = vector.broadcast %add3A_1749 : i32 to vector<16xi32>
        %add3A_1751 = arith.addi %mul3A_353, %add3A_1750 : vector<16xi32>
        %gather3A_1752 = tpu.vector_load_idx %arg16[%add3A_355, %add3A_1751] : memref<128x128xf32, #tpu.memory_space<vmem>>[vector<16xi32>, vector<16xi32>], vector<16xf32>,
        %add3A_1753 = arith.constant 63 : i32
        %add3A_1754 = vector.broadcast %add3A_1753 : i32 to vector<16xi32>
        %add3A_1755 = arith.addi %mul3A_353, %add3A_1754 : vector<16xi32>
        %gather3A_1756 = tpu.vector_load_idx %arg17[%add3A_355, %add3A_1755] : memref<128x128xf32, #tpu.memory_space<vmem>>[vector<16xi32>, vector<16xi32>], vector<16xf32>,
        %mul3A_1757 = arith.mulf %get3A_1748, %gather3A_1752 : vector<16xf32>
        %add3A_1758 = arith.addf %add3A_1736, %mul3A_1757 : vector<16xf32>
        %mul3A_1759 = arith.mulf %get3A_1748, %gather3A_1756 : vector<16xf32>
        %add3A_1760 = arith.addf %add3A_1738, %mul3A_1759 : vector<16xf32>
        %mul3A_1761 = arith.mulf %get3A_1748, %get3A_1748 : vector<16xf32>
        %add3A_1762 = arith.addf %add3A_1744, %mul3A_1761 : vector<16xf32>
        %mul3A_1763 = arith.mulf %gather3A_1752, %gather3A_1752 : vector<16xf32>
        %add3A_1764 = arith.addf %add3A_1762, %mul3A_1763 : vector<16xf32>
        %mul3A_1765 = arith.mulf %gather3A_1756, %gather3A_1756 : vector<16xf32>
        %add3A_1766 = arith.addf %add3A_1764, %mul3A_1765 : vector<16xf32>
        %swap3A_1767 = arith.index_cast %multiple_of3A_346 : i32 to index
        %swap3A_1768 = tpu.vector_load %arg19[%swap3A_1767] {strides = array<i32>} : memref<512xf32, #tpu.memory_space<vmem>>, vector<16xf32>,
        tpu.vector_store %arg19[%swap3A_1767], %add3A_1758 {strides = array<i32>} : memref<512xf32, #tpu.memory_space<vmem>>, vector<16xf32>,
        %swap3A_1769 = arith.index_cast %multiple_of3A_346 : i32 to index
        %swap3A_1770 = tpu.vector_load %arg20[%swap3A_1769] {strides = array<i32>} : memref<512xf32, #tpu.memory_space<vmem>>, vector<16xf32>,
        tpu.vector_store %arg20[%swap3A_1769], %add3A_1760 {strides = array<i32>} : memref<512xf32, #tpu.memory_space<vmem>>, vector<16xf32>,
        scf.yield %add3A_1766 : vector<16xf32>
      }
      %scan3A_336 = arith.constant 8 : i32
      scf.yield %scan3A_335 : vector<16xf32>
    }
    %scan3A_178 = arith.constant 4 : i32
    %dma_wait3A = arith.constant 0 : i32
    %dma_wait3A_179 = arith.constant 0 : i32
    %dma_wait3A_180 = arith.constant 0 : i32
    %dma_wait3A_181 = tpu.memref_slice %arg15[%dma_wait3A, %dma_wait3A_179, %dma_wait3A_180] : memref<8x64x128xf32, #tpu.memory_space<vmem>> -> memref<1x64x128xf32, #tpu.memory_space<vmem>>
    %dma_wait3A_182 = tpu.memref_squeeze %dma_wait3A_181 : memref<1x64x128xf32, #tpu.memory_space<vmem>> -> memref<64x128xf32, #tpu.memory_space<vmem>>
    %dma_wait3A_183 = arith.constant 0 : i32
    %dma_wait3A_184 = arith.constant 0 : i32
    %dma_wait3A_185 = tpu.memref_slice %arg4[%dma_wait3A_183, %dma_wait3A_184] : memref<64x1000000xf32, #tpu.memory_space<hbm>> -> memref<64x128xf32, #tpu.memory_space<hbm>>
    %dma_wait3A_186 = arith.constant 0 : i32
    %dma_wait3A_187 = arith.constant 0 : i32
    %dma_wait3A_188 = tpu.memref_slice %arg15[%dma_wait3A, %dma_wait3A_186, %dma_wait3A_187] : memref<8x64x128xf32, #tpu.memory_space<vmem>> -> memref<1x64x128xf32, #tpu.memory_space<vmem>>
    %dma_wait3A_189 = tpu.memref_squeeze %dma_wait3A_188 : memref<1x64x128xf32, #tpu.memory_space<vmem>> -> memref<64x128xf32, #tpu.memory_space<vmem>>
    %dma_wait3A_190 = arith.constant 0 : i32
    %dma_wait3A_191 = arith.constant 0 : i32
    %dma_wait3A_192 = tpu.memref_slice %arg4[%dma_wait3A_190, %dma_wait3A_191] : memref<64x1000000xf32, #tpu.memory_space<hbm>> -> memref<64x128xf32, #tpu.memory_space<hbm>>
    tpu.wait_dma2 semaphore(%arg23 : memref<!tpu.dma_semaphore, #tpu.memory_space<semaphore_mem>>) src(%dma_wait3A_192 : memref<64x128xf32, #tpu.memory_space<hbm>>) dst(%dma_wait3A_189 : memref<64x128xf32, #tpu.memory_space<vmem>>)
    %dma_wait3A_193 = arith.constant 1 : i32
    %dma_wait3A_194 = arith.constant 0 : i32
    %dma_wait3A_195 = arith.constant 0 : i32
    %dma_wait3A_196 = tpu.memref_slice %arg15[%dma_wait3A_193, %dma_wait3A_194, %dma_wait3A_195] : memref<8x64x128xf32, #tpu.memory_space<vmem>> -> memref<1x64x128xf32, #tpu.memory_space<vmem>>
    %dma_wait3A_197 = tpu.memref_squeeze %dma_wait3A_196 : memref<1x64x128xf32, #tpu.memory_space<vmem>> -> memref<64x128xf32, #tpu.memory_space<vmem>>
    %dma_wait3A_198 = arith.constant 0 : i32
    %dma_wait3A_199 = arith.constant 0 : i32
    %dma_wait3A_200 = tpu.memref_slice %arg4[%dma_wait3A_198, %dma_wait3A_199] : memref<64x1000000xf32, #tpu.memory_space<hbm>> -> memref<64x128xf32, #tpu.memory_space<hbm>>
    %dma_wait3A_201 = arith.constant 0 : i32
    %dma_wait3A_202 = arith.constant 0 : i32
    %dma_wait3A_203 = tpu.memref_slice %arg15[%dma_wait3A_193, %dma_wait3A_201, %dma_wait3A_202] : memref<8x64x128xf32, #tpu.memory_space<vmem>> -> memref<1x64x128xf32, #tpu.memory_space<vmem>>
    %dma_wait3A_204 = tpu.memref_squeeze %dma_wait3A_203 : memref<1x64x128xf32, #tpu.memory_space<vmem>> -> memref<64x128xf32, #tpu.memory_space<vmem>>
    %dma_wait3A_205 = arith.constant 0 : i32
    %dma_wait3A_206 = arith.constant 0 : i32
    %dma_wait3A_207 = tpu.memref_slice %arg4[%dma_wait3A_205, %dma_wait3A_206] : memref<64x1000000xf32, #tpu.memory_space<hbm>> -> memref<64x128xf32, #tpu.memory_space<hbm>>
    tpu.wait_dma2 semaphore(%arg24 : memref<!tpu.dma_semaphore, #tpu.memory_space<semaphore_mem>>) src(%dma_wait3A_207 : memref<64x128xf32, #tpu.memory_space<hbm>>) dst(%dma_wait3A_204 : memref<64x128xf32, #tpu.memory_space<vmem>>)
    %dma_wait3A_208 = arith.constant 2 : i32
    %dma_wait3A_209 = arith.constant 0 : i32
    %dma_wait3A_210 = arith.constant 0 : i32
    %dma_wait3A_211 = tpu.memref_slice %arg15[%dma_wait3A_208, %dma_wait3A_209, %dma_wait3A_210] : memref<8x64x128xf32, #tpu.memory_space<vmem>> -> memref<1x64x128xf32, #tpu.memory_space<vmem>>
    %dma_wait3A_212 = tpu.memref_squeeze %dma_wait3A_211 : memref<1x64x128xf32, #tpu.memory_space<vmem>> -> memref<64x128xf32, #tpu.memory_space<vmem>>
    %dma_wait3A_213 = arith.constant 0 : i32
    %dma_wait3A_214 = arith.constant 0 : i32
    %dma_wait3A_215 = tpu.memref_slice %arg4[%dma_wait3A_213, %dma_wait3A_214] : memref<64x1000000xf32, #tpu.memory_space<hbm>> -> memref<64x128xf32, #tpu.memory_space<hbm>>
    %dma_wait3A_216 = arith.constant 0 : i32
    %dma_wait3A_217 = arith.constant 0 : i32
    %dma_wait3A_218 = tpu.memref_slice %arg15[%dma_wait3A_208, %dma_wait3A_216, %dma_wait3A_217] : memref<8x64x128xf32, #tpu.memory_space<vmem>> -> memref<1x64x128xf32, #tpu.memory_space<vmem>>
    %dma_wait3A_219 = tpu.memref_squeeze %dma_wait3A_218 : memref<1x64x128xf32, #tpu.memory_space<vmem>> -> memref<64x128xf32, #tpu.memory_space<vmem>>
    %dma_wait3A_220 = arith.constant 0 : i32
    %dma_wait3A_221 = arith.constant 0 : i32
    %dma_wait3A_222 = tpu.memref_slice %arg4[%dma_wait3A_220, %dma_wait3A_221] : memref<64x1000000xf32, #tpu.memory_space<hbm>> -> memref<64x128xf32, #tpu.memory_space<hbm>>
    tpu.wait_dma2 semaphore(%arg25 : memref<!tpu.dma_semaphore, #tpu.memory_space<semaphore_mem>>) src(%dma_wait3A_222 : memref<64x128xf32, #tpu.memory_space<hbm>>) dst(%dma_wait3A_219 : memref<64x128xf32, #tpu.memory_space<vmem>>)
    %dma_wait3A_223 = arith.constant 3 : i32
    %dma_wait3A_224 = arith.constant 0 : i32
    %dma_wait3A_225 = arith.constant 0 : i32
    %dma_wait3A_226 = tpu.memref_slice %arg15[%dma_wait3A_223, %dma_wait3A_224, %dma_wait3A_225] : memref<8x64x128xf32, #tpu.memory_space<vmem>> -> memref<1x64x128xf32, #tpu.memory_space<vmem>>
    %dma_wait3A_227 = tpu.memref_squeeze %dma_wait3A_226 : memref<1x64x128xf32, #tpu.memory_space<vmem>> -> memref<64x128xf32, #tpu.memory_space<vmem>>
    %dma_wait3A_228 = arith.constant 0 : i32
    %dma_wait3A_229 = arith.constant 0 : i32
    %dma_wait3A_230 = tpu.memref_slice %arg4[%dma_wait3A_228, %dma_wait3A_229] : memref<64x1000000xf32, #tpu.memory_space<hbm>> -> memref<64x128xf32, #tpu.memory_space<hbm>>
    %dma_wait3A_231 = arith.constant 0 : i32
    %dma_wait3A_232 = arith.constant 0 : i32
    %dma_wait3A_233 = tpu.memref_slice %arg15[%dma_wait3A_223, %dma_wait3A_231, %dma_wait3A_232] : memref<8x64x128xf32, #tpu.memory_space<vmem>> -> memref<1x64x128xf32, #tpu.memory_space<vmem>>
    %dma_wait3A_234 = tpu.memref_squeeze %dma_wait3A_233 : memref<1x64x128xf32, #tpu.memory_space<vmem>> -> memref<64x128xf32, #tpu.memory_space<vmem>>
    %dma_wait3A_235 = arith.constant 0 : i32
    %dma_wait3A_236 = arith.constant 0 : i32
    %dma_wait3A_237 = tpu.memref_slice %arg4[%dma_wait3A_235, %dma_wait3A_236] : memref<64x1000000xf32, #tpu.memory_space<hbm>> -> memref<64x128xf32, #tpu.memory_space<hbm>>
    tpu.wait_dma2 semaphore(%arg26 : memref<!tpu.dma_semaphore, #tpu.memory_space<semaphore_mem>>) src(%dma_wait3A_237 : memref<64x128xf32, #tpu.memory_space<hbm>>) dst(%dma_wait3A_234 : memref<64x128xf32, #tpu.memory_space<vmem>>)
    %dma_wait3A_238 = arith.constant 4 : i32
    %dma_wait3A_239 = arith.constant 0 : i32
    %dma_wait3A_240 = arith.constant 0 : i32
    %dma_wait3A_241 = tpu.memref_slice %arg15[%dma_wait3A_238, %dma_wait3A_239, %dma_wait3A_240] : memref<8x64x128xf32, #tpu.memory_space<vmem>> -> memref<1x64x128xf32, #tpu.memory_space<vmem>>
    %dma_wait3A_242 = tpu.memref_squeeze %dma_wait3A_241 : memref<1x64x128xf32, #tpu.memory_space<vmem>> -> memref<64x128xf32, #tpu.memory_space<vmem>>
    %dma_wait3A_243 = arith.constant 0 : i32
    %dma_wait3A_244 = arith.constant 0 : i32
    %dma_wait3A_245 = tpu.memref_slice %arg4[%dma_wait3A_243, %dma_wait3A_244] : memref<64x1000000xf32, #tpu.memory_space<hbm>> -> memref<64x128xf32, #tpu.memory_space<hbm>>
    %dma_wait3A_246 = arith.constant 0 : i32
    %dma_wait3A_247 = arith.constant 0 : i32
    %dma_wait3A_248 = tpu.memref_slice %arg15[%dma_wait3A_238, %dma_wait3A_246, %dma_wait3A_247] : memref<8x64x128xf32, #tpu.memory_space<vmem>> -> memref<1x64x128xf32, #tpu.memory_space<vmem>>
    %dma_wait3A_249 = tpu.memref_squeeze %dma_wait3A_248 : memref<1x64x128xf32, #tpu.memory_space<vmem>> -> memref<64x128xf32, #tpu.memory_space<vmem>>
    %dma_wait3A_250 = arith.constant 0 : i32
    %dma_wait3A_251 = arith.constant 0 : i32
    %dma_wait3A_252 = tpu.memref_slice %arg4[%dma_wait3A_250, %dma_wait3A_251] : memref<64x1000000xf32, #tpu.memory_space<hbm>> -> memref<64x128xf32, #tpu.memory_space<hbm>>
    tpu.wait_dma2 semaphore(%arg27 : memref<!tpu.dma_semaphore, #tpu.memory_space<semaphore_mem>>) src(%dma_wait3A_252 : memref<64x128xf32, #tpu.memory_space<hbm>>) dst(%dma_wait3A_249 : memref<64x128xf32, #tpu.memory_space<vmem>>)
    %dma_wait3A_253 = arith.constant 5 : i32
    %dma_wait3A_254 = arith.constant 0 : i32
    %dma_wait3A_255 = arith.constant 0 : i32
    %dma_wait3A_256 = tpu.memref_slice %arg15[%dma_wait3A_253, %dma_wait3A_254, %dma_wait3A_255] : memref<8x64x128xf32, #tpu.memory_space<vmem>> -> memref<1x64x128xf32, #tpu.memory_space<vmem>>
    %dma_wait3A_257 = tpu.memref_squeeze %dma_wait3A_256 : memref<1x64x128xf32, #tpu.memory_space<vmem>> -> memref<64x128xf32, #tpu.memory_space<vmem>>
    %dma_wait3A_258 = arith.constant 0 : i32
    %dma_wait3A_259 = arith.constant 0 : i32
    %dma_wait3A_260 = tpu.memref_slice %arg4[%dma_wait3A_258, %dma_wait3A_259] : memref<64x1000000xf32, #tpu.memory_space<hbm>> -> memref<64x128xf32, #tpu.memory_space<hbm>>
    %dma_wait3A_261 = arith.constant 0 : i32
    %dma_wait3A_262 = arith.constant 0 : i32
    %dma_wait3A_263 = tpu.memref_slice %arg15[%dma_wait3A_253, %dma_wait3A_261, %dma_wait3A_262] : memref<8x64x128xf32, #tpu.memory_space<vmem>> -> memref<1x64x128xf32, #tpu.memory_space<vmem>>
    %dma_wait3A_264 = tpu.memref_squeeze %dma_wait3A_263 : memref<1x64x128xf32, #tpu.memory_space<vmem>> -> memref<64x128xf32, #tpu.memory_space<vmem>>
    %dma_wait3A_265 = arith.constant 0 : i32
    %dma_wait3A_266 = arith.constant 0 : i32
    %dma_wait3A_267 = tpu.memref_slice %arg4[%dma_wait3A_265, %dma_wait3A_266] : memref<64x1000000xf32, #tpu.memory_space<hbm>> -> memref<64x128xf32, #tpu.memory_space<hbm>>
    tpu.wait_dma2 semaphore(%arg28 : memref<!tpu.dma_semaphore, #tpu.memory_space<semaphore_mem>>) src(%dma_wait3A_267 : memref<64x128xf32, #tpu.memory_space<hbm>>) dst(%dma_wait3A_264 : memref<64x128xf32, #tpu.memory_space<vmem>>)
    %dma_wait3A_268 = arith.constant 6 : i32
    %dma_wait3A_269 = arith.constant 0 : i32
    %dma_wait3A_270 = arith.constant 0 : i32
    %dma_wait3A_271 = tpu.memref_slice %arg15[%dma_wait3A_268, %dma_wait3A_269, %dma_wait3A_270] : memref<8x64x128xf32, #tpu.memory_space<vmem>> -> memref<1x64x128xf32, #tpu.memory_space<vmem>>
    %dma_wait3A_272 = tpu.memref_squeeze %dma_wait3A_271 : memref<1x64x128xf32, #tpu.memory_space<vmem>> -> memref<64x128xf32, #tpu.memory_space<vmem>>
    %dma_wait3A_273 = arith.constant 0 : i32
    %dma_wait3A_274 = arith.constant 0 : i32
    %dma_wait3A_275 = tpu.memref_slice %arg4[%dma_wait3A_273, %dma_wait3A_274] : memref<64x1000000xf32, #tpu.memory_space<hbm>> -> memref<64x128xf32, #tpu.memory_space<hbm>>
    %dma_wait3A_276 = arith.constant 0 : i32
    %dma_wait3A_277 = arith.constant 0 : i32
    %dma_wait3A_278 = tpu.memref_slice %arg15[%dma_wait3A_268, %dma_wait3A_276, %dma_wait3A_277] : memref<8x64x128xf32, #tpu.memory_space<vmem>> -> memref<1x64x128xf32, #tpu.memory_space<vmem>>
    %dma_wait3A_279 = tpu.memref_squeeze %dma_wait3A_278 : memref<1x64x128xf32, #tpu.memory_space<vmem>> -> memref<64x128xf32, #tpu.memory_space<vmem>>
    %dma_wait3A_280 = arith.constant 0 : i32
    %dma_wait3A_281 = arith.constant 0 : i32
    %dma_wait3A_282 = tpu.memref_slice %arg4[%dma_wait3A_280, %dma_wait3A_281] : memref<64x1000000xf32, #tpu.memory_space<hbm>> -> memref<64x128xf32, #tpu.memory_space<hbm>>
    tpu.wait_dma2 semaphore(%arg29 : memref<!tpu.dma_semaphore, #tpu.memory_space<semaphore_mem>>) src(%dma_wait3A_282 : memref<64x128xf32, #tpu.memory_space<hbm>>) dst(%dma_wait3A_279 : memref<64x128xf32, #tpu.memory_space<vmem>>)
    %dma_wait3A_283 = arith.constant 7 : i32
    %dma_wait3A_284 = arith.constant 0 : i32
    %dma_wait3A_285 = arith.constant 0 : i32
    %dma_wait3A_286 = tpu.memref_slice %arg15[%dma_wait3A_283, %dma_wait3A_284, %dma_wait3A_285] : memref<8x64x128xf32, #tpu.memory_space<vmem>> -> memref<1x64x128xf32, #tpu.memory_space<vmem>>
    %dma_wait3A_287 = tpu.memref_squeeze %dma_wait3A_286 : memref<1x64x128xf32, #tpu.memory_space<vmem>> -> memref<64x128xf32, #tpu.memory_space<vmem>>
    %dma_wait3A_288 = arith.constant 0 : i32
    %dma_wait3A_289 = arith.constant 0 : i32
    %dma_wait3A_290 = tpu.memref_slice %arg4[%dma_wait3A_288, %dma_wait3A_289] : memref<64x1000000xf32, #tpu.memory_space<hbm>> -> memref<64x128xf32, #tpu.memory_space<hbm>>
    %dma_wait3A_291 = arith.constant 0 : i32
    %dma_wait3A_292 = arith.constant 0 : i32
    %dma_wait3A_293 = tpu.memref_slice %arg15[%dma_wait3A_283, %dma_wait3A_291, %dma_wait3A_292] : memref<8x64x128xf32, #tpu.memory_space<vmem>> -> memref<1x64x128xf32, #tpu.memory_space<vmem>>
    %dma_wait3A_294 = tpu.memref_squeeze %dma_wait3A_293 : memref<1x64x128xf32, #tpu.memory_space<vmem>> -> memref<64x128xf32, #tpu.memory_space<vmem>>
    %dma_wait3A_295 = arith.constant 0 : i32
    %dma_wait3A_296 = arith.constant 0 : i32
    %dma_wait3A_297 = tpu.memref_slice %arg4[%dma_wait3A_295, %dma_wait3A_296] : memref<64x1000000xf32, #tpu.memory_space<hbm>> -> memref<64x128xf32, #tpu.memory_space<hbm>>
    tpu.wait_dma2 semaphore(%arg30 : memref<!tpu.dma_semaphore, #tpu.memory_space<semaphore_mem>>) src(%dma_wait3A_297 : memref<64x128xf32, #tpu.memory_space<hbm>>) dst(%dma_wait3A_294 : memref<64x128xf32, #tpu.memory_space<vmem>>)
    %swap3A = arith.constant 0 : index
    %swap3A_298 = tpu.vector_load %arg21[%swap3A] {strides = array<i32>} : memref<16xf32, #tpu.memory_space<vmem>>, vector<16xf32>,
    tpu.vector_store %arg21[%swap3A], %scan3A_177 {strides = array<i32>} : memref<16xf32, #tpu.memory_space<vmem>>, vector<16xf32>,
    "tpu.region"() ({
      %run_scoped3A = tpu.sem_alloc : memref<!tpu.dma_semaphore, #tpu.memory_space<semaphore_mem>>
      %dma_start3A_299 = tpu.memref_slice %arg8[%mul3A_2] : memref<16384xf32, #tpu.memory_space<hbm>> -> memref<512xf32, #tpu.memory_space<hbm>>
      %dma_start3A_300 = tpu.memref_slice %arg8[%mul3A_2] : memref<16384xf32, #tpu.memory_space<hbm>> -> memref<512xf32, #tpu.memory_space<hbm>>
      tpu.enqueue_dma source(%arg19 : memref<512xf32, #tpu.memory_space<vmem>>) target(%dma_start3A_300 : memref<512xf32, #tpu.memory_space<hbm>>) target_semaphore(%run_scoped3A : memref<!tpu.dma_semaphore, #tpu.memory_space<semaphore_mem>>)
      %dma_wait3A_301 = tpu.memref_slice %arg8[%mul3A_2] : memref<16384xf32, #tpu.memory_space<hbm>> -> memref<512xf32, #tpu.memory_space<hbm>>
      %dma_wait3A_302 = tpu.memref_slice %arg8[%mul3A_2] : memref<16384xf32, #tpu.memory_space<hbm>> -> memref<512xf32, #tpu.memory_space<hbm>>
      tpu.wait_dma2 semaphore(%run_scoped3A : memref<!tpu.dma_semaphore, #tpu.memory_space<semaphore_mem>>) src(%arg19 : memref<512xf32, #tpu.memory_space<vmem>>) dst(%dma_wait3A_302 : memref<512xf32, #tpu.memory_space<hbm>>)
      tpu.yield
    }) : () -> ()
    "tpu.region"() ({
      %run_scoped3A = tpu.sem_alloc : memref<!tpu.dma_semaphore, #tpu.memory_space<semaphore_mem>>
      %dma_start3A_299 = tpu.memref_slice %arg9[%mul3A_2] : memref<16384xf32, #tpu.memory_space<hbm>> -> memref<512xf32, #tpu.memory_space<hbm>>
      %dma_start3A_300 = tpu.memref_slice %arg9[%mul3A_2] : memref<16384xf32, #tpu.memory_space<hbm>> -> memref<512xf32, #tpu.memory_space<hbm>>
      tpu.enqueue_dma source(%arg20 : memref<512xf32, #tpu.memory_space<vmem>>) target(%dma_start3A_300 : memref<512xf32, #tpu.memory_space<hbm>>) target_semaphore(%run_scoped3A : memref<!tpu.dma_semaphore, #tpu.memory_space<semaphore_mem>>)
      %dma_wait3A_301 = tpu.memref_slice %arg9[%mul3A_2] : memref<16384xf32, #tpu.memory_space<hbm>> -> memref<512xf32, #tpu.memory_space<hbm>>
      %dma_wait3A_302 = tpu.memref_slice %arg9[%mul3A_2] : memref<16384xf32, #tpu.memory_space<hbm>> -> memref<512xf32, #tpu.memory_space<hbm>>
      tpu.wait_dma2 semaphore(%run_scoped3A : memref<!tpu.dma_semaphore, #tpu.memory_space<semaphore_mem>>) src(%arg20 : memref<512xf32, #tpu.memory_space<vmem>>) dst(%dma_wait3A_302 : memref<512xf32, #tpu.memory_space<hbm>>)
      tpu.yield
    }) : () -> ()
    "tpu.region"() ({
      %run_scoped3A = tpu.sem_alloc : memref<!tpu.dma_semaphore, #tpu.memory_space<semaphore_mem>>
      %dma_start3A_299 = arith.constant 0 : i32
      %dma_start3A_300 = tpu.memref_slice %arg10[%add3A, %dma_start3A_299] : memref<32x16xf32, #tpu.memory_space<hbm>> -> memref<1x16xf32, #tpu.memory_space<hbm>>
      %dma_start3A_301 = tpu.memref_squeeze %dma_start3A_300 : memref<1x16xf32, #tpu.memory_space<hbm>> -> memref<16xf32, #tpu.memory_space<hbm>>
      %dma_start3A_302 = arith.constant 0 : i32
      %dma_start3A_303 = tpu.memref_slice %arg10[%add3A, %dma_start3A_302] : memref<32x16xf32, #tpu.memory_space<hbm>> -> memref<1x16xf32, #tpu.memory_space<hbm>>
      %dma_start3A_304 = tpu.memref_squeeze %dma_start3A_303 : memref<1x16xf32, #tpu.memory_space<hbm>> -> memref<16xf32, #tpu.memory_space<hbm>>
      tpu.enqueue_dma source(%arg21 : memref<16xf32, #tpu.memory_space<vmem>>) target(%dma_start3A_304 : memref<16xf32, #tpu.memory_space<hbm>>) target_semaphore(%run_scoped3A : memref<!tpu.dma_semaphore, #tpu.memory_space<semaphore_mem>>)
      %dma_wait3A_305 = arith.constant 0 : i32
      %dma_wait3A_306 = tpu.memref_slice %arg10[%add3A, %dma_wait3A_305] : memref<32x16xf32, #tpu.memory_space<hbm>> -> memref<1x16xf32, #tpu.memory_space<hbm>>
      %dma_wait3A_307 = tpu.memref_squeeze %dma_wait3A_306 : memref<1x16xf32, #tpu.memory_space<hbm>> -> memref<16xf32, #tpu.memory_space<hbm>>
      %dma_wait3A_308 = arith.constant 0 : i32
      %dma_wait3A_309 = tpu.memref_slice %arg10[%add3A, %dma_wait3A_308] : memref<32x16xf32, #tpu.memory_space<hbm>> -> memref<1x16xf32, #tpu.memory_space<hbm>>
      %dma_wait3A_310 = tpu.memref_squeeze %dma_wait3A_309 : memref<1x16xf32, #tpu.memory_space<hbm>> -> memref<16xf32, #tpu.memory_space<hbm>>
      tpu.wait_dma2 semaphore(%run_scoped3A : memref<!tpu.dma_semaphore, #tpu.memory_space<semaphore_mem>>) src(%arg21 : memref<16xf32, #tpu.memory_space<vmem>>) dst(%dma_wait3A_310 : memref<16xf32, #tpu.memory_space<hbm>>)
      tpu.yield
    }) : () -> ()
    return
  }
}

module attributes {stable_mosaic.version = 14 : i64} {
  func.func @_loss_body(%arg0: memref<128x128xf32, #tpu.memory_space<vmem>>, %arg1: memref<128x128xf32, #tpu.memory_space<vmem>>, %arg2: memref<32x16xf32, #tpu.memory_space<vmem>>, %arg3: memref<128x128xf32, #tpu.memory_space<vmem>>, %arg4: memref<128x128xf32, #tpu.memory_space<vmem>>, %arg5: memref<128x128xf32, #tpu.memory_space<vmem>>, %arg6: memref<128x128xf32, #tpu.memory_space<vmem>>, %arg7: memref<1x1xf32, #tpu.memory_space<vmem>>) attributes {dimension_semantics = [], scalar_prefetch = 0 : i64, scratch_operands = 0 : i64, tpu.core_type = #tpu.core_type<tc>} {
    %get3A = arith.constant 0 : index
    %get3A_0 = arith.constant 0 : index
    %get3A_1 = vector.load %arg0[%get3A, %get3A_0] : memref<128x128xf32, #tpu.memory_space<vmem>>, vector<128x128xf32>
    %get3A_2 = arith.constant 0 : index
    %get3A_3 = arith.constant 0 : index
    %get3A_4 = vector.load %arg1[%get3A_2, %get3A_3] : memref<128x128xf32, #tpu.memory_space<vmem>>, vector<128x128xf32>
    %get3A_5 = arith.constant 0 : index
    %get3A_6 = arith.constant 0 : index
    %get3A_7 = vector.load %arg4[%get3A_5, %get3A_6] : memref<128x128xf32, #tpu.memory_space<vmem>>, vector<128x128xf32>
    %sub3A = arith.constant 9.99999974E-5 : f32
    %sub3A_8 = vector.broadcast %sub3A : f32 to vector<128x128xf32>
    %sub3A_9 = arith.subf %get3A_7, %sub3A_8 : vector<128x128xf32>
    %get3A_10 = arith.constant 0 : index
    %get3A_11 = arith.constant 0 : index
    %get3A_12 = vector.load %arg6[%get3A_10, %get3A_11] : memref<128x128xf32, #tpu.memory_space<vmem>>, vector<128x128xf32>
    %sub3A_13 = arith.constant 9.99999974E-5 : f32
    %sub3A_14 = vector.broadcast %sub3A_13 : f32 to vector<128x128xf32>
    %sub3A_15 = arith.subf %get3A_12, %sub3A_14 : vector<128x128xf32>
    %ne3A = arith.constant 0.000000e+00 : f32
    %ne3A_16 = vector.broadcast %ne3A : f32 to vector<128x128xf32>
    %ne3A_17 = arith.cmpf one, %sub3A_9, %ne3A_16 : vector<128x128xf32>
    %sub3A_18 = arith.constant 1.000000e+00 : f32
    %sub3A_19 = vector.broadcast %sub3A_18 : f32 to vector<128x128xf32>
    %sub3A_20 = arith.subf %sub3A_9, %sub3A_19 : vector<128x128xf32>
    %ne3A_21 = arith.constant 0.000000e+00 : f32
    %ne3A_22 = vector.broadcast %ne3A_21 : f32 to vector<128x128xf32>
    %ne3A_23 = arith.cmpf one, %sub3A_20, %ne3A_22 : vector<128x128xf32>
    %neg3A = arith.constant 0.000000e+00 : f32
    %neg3A_24 = vector.broadcast %neg3A : f32 to vector<128x128xf32>
    %neg3A_25 = arith.subf %neg3A_24, %get3A_1 : vector<128x128xf32>
    %exp3A = math.exp %neg3A_25 : vector<128x128xf32>
    %add3A = arith.constant 1.000000e+00 : f32
    %add3A_26 = vector.broadcast %add3A : f32 to vector<128x128xf32>
    %add3A_27 = arith.addf %add3A_26, %exp3A : vector<128x128xf32>
    %div3A = arith.constant 1.000000e+00 : f32
    %div3A_28 = vector.broadcast %div3A : f32 to vector<128x128xf32>
    %div3A_29 = arith.divf %div3A_28, %add3A_27 : vector<128x128xf32>
    %neg3A_30 = arith.constant 0.000000e+00 : f32
    %neg3A_31 = vector.broadcast %neg3A_30 : f32 to vector<128x128xf32>
    %neg3A_32 = arith.subf %neg3A_31, %get3A_4 : vector<128x128xf32>
    %exp3A_33 = math.exp %neg3A_32 : vector<128x128xf32>
    %add3A_34 = arith.constant 1.000000e+00 : f32
    %add3A_35 = vector.broadcast %add3A_34 : f32 to vector<128x128xf32>
    %add3A_36 = arith.addf %add3A_35, %exp3A_33 : vector<128x128xf32>
    %div3A_37 = arith.constant 1.000000e+00 : f32
    %div3A_38 = vector.broadcast %div3A_37 : f32 to vector<128x128xf32>
    %div3A_39 = arith.divf %div3A_38, %add3A_36 : vector<128x128xf32>
    %log3A = math.log %div3A_39 : vector<128x128xf32>
    %jit3A = arith.constant 0.000000e+00 : f32
    %broadcast_in_dim3A = vector.broadcast %jit3A : f32 to vector<128x128xf32>
    %select_n3A = arith.select %ne3A_17, %log3A, %broadcast_in_dim3A : vector<128x128xi1>, vector<128x128xf32>
    %reduce_sum3A = vector.shape_cast %select_n3A : vector<128x128xf32> to vector<1x128x128xf32>
    %reduce_sum3A_40 = arith.constant dense<0.000000e+00> : vector<1xf32>
    %reduce_sum3A_41 = vector.multi_reduction <add>, %reduce_sum3A, %reduce_sum3A_40 [1, 2] : vector<1x128x128xf32> to vector<1xf32>
    %reduce_sum3A_42 = vector.shape_cast %reduce_sum3A_41 : vector<1xf32> to vector<1x1x1xf32>
    %reduce_sum3A_43 = vector.extract %reduce_sum3A_42[0, 0, 0] : f32 from vector<1x1x1xf32>
    %sub3A_44 = arith.constant 1.000000e+00 : f32
    %sub3A_45 = vector.broadcast %sub3A_44 : f32 to vector<128x128xf32>
    %sub3A_46 = arith.subf %sub3A_45, %div3A_39 : vector<128x128xf32>
    %log3A_47 = math.log %sub3A_46 : vector<128x128xf32>
    %jit3A_48 = arith.constant 0.000000e+00 : f32
    %broadcast_in_dim3A_49 = vector.broadcast %jit3A_48 : f32 to vector<128x128xf32>
    %select_n3A_50 = arith.select %ne3A_23, %log3A_47, %broadcast_in_dim3A_49 : vector<128x128xi1>, vector<128x128xf32>
    %reduce_sum3A_51 = vector.shape_cast %select_n3A_50 : vector<128x128xf32> to vector<1x128x128xf32>
    %reduce_sum3A_52 = arith.constant dense<0.000000e+00> : vector<1xf32>
    %reduce_sum3A_53 = vector.multi_reduction <add>, %reduce_sum3A_51, %reduce_sum3A_52 [1, 2] : vector<1x128x128xf32> to vector<1xf32>
    %reduce_sum3A_54 = vector.shape_cast %reduce_sum3A_53 : vector<1xf32> to vector<1x1x1xf32>
    %reduce_sum3A_55 = vector.extract %reduce_sum3A_54[0, 0, 0] : f32 from vector<1x1x1xf32>
    %add3A_56 = arith.addf %reduce_sum3A_43, %reduce_sum3A_55 : f32
    %ge3A = arith.constant 5.000000e-01 : f32
    %ge3A_57 = vector.broadcast %ge3A : f32 to vector<128x128xf32>
    %ge3A_58 = arith.cmpf oge, %sub3A_15, %ge3A_57 : vector<128x128xf32>
    %jit3A_59 = arith.constant 1.000000e+00 : f32
    %jit3A_60 = arith.constant 0.000000e+00 : f32
    %broadcast_in_dim3A_61 = vector.broadcast %jit3A_59 : f32 to vector<128x128xf32>
    %broadcast_in_dim3A_62 = vector.broadcast %jit3A_60 : f32 to vector<128x128xf32>
    %select_n3A_63 = arith.select %ge3A_58, %broadcast_in_dim3A_61, %broadcast_in_dim3A_62 : vector<128x128xi1>, vector<128x128xf32>
    %add3A_64 = arith.addf %select_n3A_63, %sub3A_9 : vector<128x128xf32>
    %eq3A = arith.constant 2.000000e+00 : f32
    %eq3A_65 = vector.broadcast %eq3A : f32 to vector<128x128xf32>
    %eq3A_66 = arith.cmpf oeq, %add3A_64, %eq3A_65 : vector<128x128xf32>
    %jit3A_67 = arith.constant 1.000000e+00 : f32
    %jit3A_68 = arith.constant 0.000000e+00 : f32
    %broadcast_in_dim3A_69 = vector.broadcast %jit3A_67 : f32 to vector<128x128xf32>
    %broadcast_in_dim3A_70 = vector.broadcast %jit3A_68 : f32 to vector<128x128xf32>
    %select_n3A_71 = arith.select %eq3A_66, %broadcast_in_dim3A_69, %broadcast_in_dim3A_70 : vector<128x128xi1>, vector<128x128xf32>
    %mul3A = arith.constant -3.000000e-01 : f32
    %mul3A_72 = vector.broadcast %mul3A : f32 to vector<128x128xf32>
    %mul3A_73 = arith.mulf %mul3A_72, %select_n3A_71 : vector<128x128xf32>
    %add3A_74 = arith.addf %select_n3A_63, %mul3A_73 : vector<128x128xf32>
    %mul3A_75 = arith.constant -0.699999988 : f32
    %mul3A_76 = vector.broadcast %mul3A_75 : f32 to vector<128x128xf32>
    %mul3A_77 = arith.mulf %mul3A_76, %select_n3A_71 : vector<128x128xf32>
    %add3A_78 = arith.addf %sub3A_9, %mul3A_77 : vector<128x128xf32>
    %get3A_79 = arith.constant 0 : index
    %get3A_80 = arith.constant 0 : index
    %get3A_81 = vector.load %arg3[%get3A_79, %get3A_80] : memref<128x128xf32, #tpu.memory_space<vmem>>, vector<128x128xf32>
    %sub3A_82 = arith.subf %div3A_29, %get3A_81 : vector<128x128xf32>
    %integer_pow3A = arith.mulf %sub3A_82, %sub3A_82 : vector<128x128xf32>
    %mul3A_83 = arith.mulf %integer_pow3A, %add3A_78 : vector<128x128xf32>
    %reduce_sum3A_84 = vector.shape_cast %mul3A_83 : vector<128x128xf32> to vector<1x128x128xf32>
    %reduce_sum3A_85 = arith.constant dense<0.000000e+00> : vector<1xf32>
    %reduce_sum3A_86 = vector.multi_reduction <add>, %reduce_sum3A_84, %reduce_sum3A_85 [1, 2] : vector<1x128x128xf32> to vector<1xf32>
    %reduce_sum3A_87 = vector.shape_cast %reduce_sum3A_86 : vector<1xf32> to vector<1x1x1xf32>
    %reduce_sum3A_88 = vector.extract %reduce_sum3A_87[0, 0, 0] : f32 from vector<1x1x1xf32>
    %get3A_89 = arith.constant 0 : index
    %get3A_90 = arith.constant 0 : index
    %get3A_91 = vector.load %arg5[%get3A_89, %get3A_90] : memref<128x128xf32, #tpu.memory_space<vmem>>, vector<128x128xf32>
    %sub3A_92 = arith.subf %div3A_29, %get3A_91 : vector<128x128xf32>
    %integer_pow3A_93 = arith.mulf %sub3A_92, %sub3A_92 : vector<128x128xf32>
    %mul3A_94 = arith.mulf %integer_pow3A_93, %add3A_74 : vector<128x128xf32>
    %reduce_sum3A_95 = vector.shape_cast %mul3A_94 : vector<128x128xf32> to vector<1x128x128xf32>
    %reduce_sum3A_96 = arith.constant dense<0.000000e+00> : vector<1xf32>
    %reduce_sum3A_97 = vector.multi_reduction <add>, %reduce_sum3A_95, %reduce_sum3A_96 [1, 2] : vector<1x128x128xf32> to vector<1xf32>
    %reduce_sum3A_98 = vector.shape_cast %reduce_sum3A_97 : vector<1xf32> to vector<1x1x1xf32>
    %reduce_sum3A_99 = vector.extract %reduce_sum3A_98[0, 0, 0] : f32 from vector<1x1x1xf32>
    %get3A_100 = arith.constant 0 : index
    %get3A_101 = arith.constant 0 : index
    %get3A_102 = vector.load %arg2[%get3A_100, %get3A_101] : memref<32x16xf32, #tpu.memory_space<vmem>>, vector<32x16xf32>
    %reduce_sum3A_103 = vector.shape_cast %get3A_102 : vector<32x16xf32> to vector<1x32x16xf32>
    %reduce_sum3A_104 = arith.constant dense<0.000000e+00> : vector<1xf32>
    %reduce_sum3A_105 = vector.multi_reduction <add>, %reduce_sum3A_103, %reduce_sum3A_104 [1, 2] : vector<1x32x16xf32> to vector<1xf32>
    %reduce_sum3A_106 = vector.shape_cast %reduce_sum3A_105 : vector<1xf32> to vector<1x1x1xf32>
    %reduce_sum3A_107 = vector.extract %reduce_sum3A_106[0, 0, 0] : f32 from vector<1x1x1xf32>
    %add3A_108 = arith.addf %reduce_sum3A_99, %reduce_sum3A_88 : f32
    %mul3A_109 = arith.constant 3.000000e-01 : f32
    %mul3A_110 = arith.mulf %mul3A_109, %add3A_56 : f32
    %sub3A_111 = arith.subf %add3A_108, %mul3A_110 : f32
    %mul3A_112 = arith.constant 1.000000e-03 : f32
    %mul3A_113 = arith.mulf %mul3A_112, %reduce_sum3A_107 : f32
    %add3A_114 = arith.addf %sub3A_111, %mul3A_113 : f32
    %broadcast_in_dim3A_115 = vector.broadcast %add3A_114 : f32 to vector<1x1xf32>
    %swap3A = arith.constant 0 : index
    %swap3A_116 = arith.constant 0 : index
    %swap3A_117 = vector.load %arg7[%swap3A, %swap3A_116] : memref<1x1xf32, #tpu.memory_space<vmem>>, vector<1x1xf32>
    tpu.vector_store %arg7[%swap3A, %swap3A_116], %broadcast_in_dim3A_115 {strides = array<i32>} : memref<1x1xf32, #tpu.memory_space<vmem>>, vector<1x1xf32>,
    return
  }
}

</mosaic_0001>

<sc_bundles>
// kernel: kernel.4.cloned.1.call-start
scs
__scs_entry_jumppad:
0x0: {  	(pc) =	sbr.rel $0x88, $3  }
0x1: {  	(tag) =	ssettag $0x0;
	lr =	simm.s32 $0x1  }
0x2: {  	[smem:$0x3F98] =	sst lr;
	_ =	strace $0xD0000000  }
0x3: {  	_ = 	snop  }
0x4: {  	_ = 	snop  }
0x5: {  	_ = 	snop  }
0x6: {  	_ = 	snop  }
0x7: {  	_ = 	snop  }
__scs_overlays_trampoline_lowered:
0x8: {  	[smem:$0x3FA7] =	sst s0  }
0x9: {  	[smem:$0x3FA8] =	sst s1  }
0xa: {  	[smem:$0x3FA9] =	sst s2  }
0xb: {  	[smem:$0x3FAA] =	sst s3  }
0xc: {  	[smem:$0x3FAB] =	sst s4  }
0xd: {  	[smem:$0x3FAC] =	sst s5  }
0xe: {  	[smem:$0x3FAD] =	sst s6  }
0xf: {  	[smem:$0x3FAE] =	sst s7  }
0x10: {  	[smem:$0x3FAF] =	sst s8  }
0x11: {  	[smem:$0x3FB0] =	sst s9;
	s0 =	simm.s32 @!p0 $0x0  }
0x12: {  	s1 =	sld [smem:$0x3F96];
	s0 =	simm.s32 @p0 $0x1  }
0x13: {  	[smem:$0x3FB1] =	sst s0;
	s0 =	simm.s32 @!p1 $0x0  }
0x14: {  	s2 =	sld [smem:$0x3F95];
	s0 =	simm.s32 @p1 $0x1  }
0x15: {  	[smem:$0x3FB2] =	sst s0;
	s0 =	simm.s32 @!p2 $0x0  }
0x16: {  	s3 =	sld [smem:$0x3FDB];
	s0 =	simm.s32 @p2 $0x1  }
0x17: {  	s4 =	simm.s32 $0x1BF5;
	[smem:$0x3FB4] =	sst s0  }
0x18: {  	s0 =	sld [smem:$0x3F97];
	_ =	swait.ge [sflag:s4], $0x0  }
0x19: {  	s7 =	sld [smem:$0x3F98]  }
0x1a: {  	s8 =	sadd.s32 $0xFFFFE003, lr  }
0x1b: {  	s9 =	sadd.s32 $0xFFFFFEF7, lr;
	s5 =	simm.s32 $0xFFFFFFFF;
	p2 =	slt.u32 s8, $0xFFFFF086  }
0x1c: {  	p1 =	slt.u32 s9, $0xF7A;
	s5 =	simm.s32 @!p2 $0x0  }
0x1d: {  	s5 =	simm.s32 @p1 $0x1;
	p0 =	seq.s32 s7, s2  }
0x1e: {  	s7 =	smul.u32 @!p0 $0xF7A, s2;
	p2 =	seq.s32 @!p0 s5, $0x0  }
0x1f: {  	s9 =	smul.u32 $0xF7A, s1;
	s8 =	simm.s32 @!p0 $0x1BF5;
	p2 =	por !p2, p0  }
0x20: {  	[sflag:s8] =	ssyncset.s32 @!p0 $0xFFFFF086;
	s6 =	sadd.s32 @!p0 s3, s7;
	s7 =	simm.s32 @!p0 $0x108  }
0x21: {  	s3 =	sadd.s32 s3, s9;
	s6 =	sadd.s32 @!p0 $0x88, s6;
	s7 =	simm.s32 @p2 $0x1082  }
0x22: {  	[simem:s7], [sflag:s8] =	dma.local @!p0 [hbm:s6], $0xF7A  }
0x23: {  	s9 =	sor.u32 $0xD0000000, s2;
	s6 =	simm.s32 $0x108;
	_ =	swait.ge @!p0 [sflag:s8], $0x0  }
0x24: {  	s3 =	sadd.s32 $0x88, s3;
	s6 =	simm.s32 @!p1 $0x1082;
	[sflag:s4] =	ssyncset.s32 $0xFFFFF086  }
0x25: {  	[simem:s6], [sflag:s4] =	dma.local [hbm:s3], $0xF7A  }
0x26: {  	[smem:$0x3F98] =	sst s1;
	(tag) =	ssettag s2;
	_ =	strace s9  }
0x27: {  	s1 =	sld [smem:$0x3FA8]  }
0x28: {  	s2 =	sld [smem:$0x3FA9]  }
0x29: {  	s4 =	sld [smem:$0x3FAB]  }
0x2a: {  	p0 =	seq.s32 s5, $0x0;
	s5 =	sld [smem:$0x3FAC]  }
0x2b: {  	s6 =	sld [smem:$0x3FAD]  }
0x2c: {  	s7 =	sld [smem:$0x3FAE]  }
0x2d: {  	s3 =	simm.s32 $0x108;
	s8 =	sld [smem:$0x3FAF]  }
0x2e: {  	s3 =	simm.s32 @!p0 $0x1082;
	s9 =	sld [smem:$0x3FB0]  }
0x2f: {  	lr =	sadd.s32 s0, s3;
	s0 =	sld [smem:$0x3FA7]  }
0x30: {  	s3 =	sld [smem:$0x3FAA]  }
0x31: {  	[smem:$0x3FB3] =	sst s10  }
0x32: {  	s10 =	sld [smem:$0x3FB1];
	_ =	sdelay $0x3  }
0x33: {  	p0 =	seq.s32 s10, $0x1;
	s10 =	sld [smem:$0x3FB3];
	_ =	sdelay $0x3  }
0x34: {  	[smem:$0x3FB3] =	sst s10  }
0x35: {  	s10 =	sld [smem:$0x3FB2];
	_ =	sdelay $0x3  }
0x36: {  	p1 =	seq.s32 s10, $0x1;
	s10 =	sld [smem:$0x3FB3];
	_ =	sdelay $0x3  }
0x37: {  	[smem:$0x3FB3] =	sst s10  }
0x38: {  	s10 =	sld [smem:$0x3FB4]  }
0x39: {  	_ = 	snop;
	(pc) =	sbr.ind lr, $3  }
0x3a: {  	_ = 	snop  }
0x3b: {  	_ = 	snop  }
0x3c: {  	p2 =	seq.s32 s10, $0x1;
	s10 =	sld [smem:$0x3FB3]  }
0x3d: {  	_ =	shalt  }
0x3e: {  	_ =	shalt  }
0x3f: {  	_ =	shalt  }
0x40: {  	_ =	shalt  }
0x41: {  	_ =	shalt  }
0x42: {  	_ =	shalt  }
0x43: {  	_ =	shalt  }
0x44: {  	_ =	shalt  }
0x45: {  	_ =	shalt  }
0x46: {  	_ =	shalt  }
0x47: {  	_ =	shalt  }
0x48: {  	_ =	shalt  }
0x49: {  	_ =	shalt  }
0x4a: {  	_ =	shalt  }
0x4b: {  	_ =	shalt  }
0x4c: {  	_ =	shalt  }
0x4d: {  	_ =	shalt  }
0x4e: {  	_ =	shalt  }
0x4f: {  	_ =	shalt  }
0x50: {  	_ =	shalt  }
0x51: {  	_ =	shalt  }
0x52: {  	_ =	shalt  }
0x53: {  	_ =	shalt  }
0x54: {  	_ =	shalt  }
0x55: {  	_ =	shalt  }
0x56: {  	_ =	shalt  }
0x57: {  	_ =	shalt  }
0x58: {  	_ =	shalt  }
0x59: {  	_ =	shalt  }
0x5a: {  	_ =	shalt  }
0x5b: {  	_ =	shalt  }
0x5c: {  	_ =	shalt  }
0x5d: {  	_ =	shalt  }
0x5e: {  	_ =	shalt  }
0x5f: {  	_ =	shalt  }
0x60: {  	_ =	shalt  }
0x61: {  	_ =	shalt  }
0x62: {  	_ =	shalt  }
0x63: {  	_ =	shalt  }
0x64: {  	_ =	shalt  }
0x65: {  	_ =	shalt  }
0x66: {  	_ =	shalt  }
0x67: {  	_ =	shalt  }
0x68: {  	_ =	shalt  }
0x69: {  	_ =	shalt  }
0x6a: {  	_ =	shalt  }
0x6b: {  	_ =	shalt  }
0x6c: {  	_ =	shalt  }
0x6d: {  	_ =	shalt  }
0x6e: {  	_ =	shalt  }
0x6f: {  	_ =	shalt  }
0x70: {  	_ =	shalt  }
0x71: {  	_ =	shalt  }
0x72: {  	_ =	shalt  }
0x73: {  	_ =	shalt  }
0x74: {  	_ =	shalt  }
0x75: {  	_ =	shalt  }
0x76: {  	_ =	shalt  }
0x77: {  	_ =	shalt  }
0x78: {  	_ =	shalt  }
0x79: {  	_ =	shalt  }
0x7a: {  	_ =	shalt  }
0x7b: {  	_ =	shalt  }
0x7c: {  	_ =	shalt  }
0x7d: {  	_ =	shalt  }
0x7e: {  	_ =	shalt  }
0x7f: {  	_ =	shalt  }
0x80: {  	_ =	shalt  }
0x81: {  	_ =	shalt  }
0x82: {  	_ =	shalt  }
0x83: {  	_ =	shalt  }
0x84: {  	_ =	shalt  }
0x85: {  	_ =	shalt  }
0x86: {  	_ =	shalt  }
0x87: {  	_ =	shalt  }
.Lfunc_end0:
.L_simem_size_0:
called_computation_lowered:
.L_overlay_start_0:
0x88: {  	s2 =	sld [smem:$0x3FD9]  }
0x89: {  	s3 =	sld [smem:$0x3FFE];
	_ =	sdelay $0x1  }
0x8a: {  	s1 =	srdreg.scid  }
0x8b: {  	s0 =	sand.u32 $0x1, s1  }
0x8c: {  	s17 =	sshll.u32 s0, $0xA;
	s2 =	sadd.s32 s3, s2  }
0x8d: {  	s2 =	sadd.s32 s2, s17  }
0x8e: {  	[smem:$0x3FBF] =	sst s2  }
0x8f: {  	_ = 	snop  }
0x90: {  	s2 =	sld [smem:$0x3FC9]  }
0x91: {  	s18 =	sld [smem:$0x3FC8]  }
0x92: {  	s4 =	sld [smem:$0x3FC3];
	(tm) =	ssettm $0x1  }
0x93: {  	s5 =	sld [smem:$0x3FFB];
	_ =	sdelay $0x3  }
0x94: {  	_ =	strace s5  }
0x95: {  	s5 =	sld [smem:$0x3FFC];
	_ =	sdelay $0x3  }
0x96: {  	_ =	strace s5  }
0x97: {  	s5 =	sld [smem:$0x3FFD];
	_ =	sdelay $0x3  }
0x98: {  	_ =	strace s5  }
0x99: {  	_ =	strace $0x8FFFFFFF  }
0x9a: {  	s19 =	sld [smem:$0x3FDB];
	_ =	sdelay $0x1  }
0x9b: {  	s6 =	simm.s32 $_scs_section_size  }
0x9c: {  	s7 =	simm.s32 $_size__tile_overlayer_lowered;
	s8 =	simm.s32 $_tile_overlayer_lowered  }
0x9d: {  	s22 =	simm.s32 $0x1BFF;
	s21 =	sshll.u32 s8, $0x1;
	s5 =	sadd.s32 s6, s19  }
0x9e: {  	s9 =	simm.s32 $0x0;
	s20 =	sshll.u32 s7, $0x1;
	s7 =	sadd.s32 s21, s5  }
0x9f: {  	[timem:s9], [sflag:s22] =	dma.local [hbm:s7], s20  }
0xa0: {  	_ =	swait.ge [sflag:s22], s20  }
0xa1: {  	s6 =	ssub.s32 $0x0, s20;
	[sflag:s22] =	ssyncset.done $0x0  }
0xa2: {  	[sflag:s22] =	ssyncadd.s32 s6;
	_ =	sdelay $0x1  }
0xa3: {  	s23 =	simm.s32 $0x1B8B  }
0xa4: {  	_ =	swait.ge [sflag:s23], $0x1  }
0xa5: {  	[sflag:s23] =	ssyncset.done $0x0  }
0xa6: {  	s25 =	simm.s32 $0x1B8E;
	s24 =	sld [smem:$0x3FFE];
	[sflag:s23] =	ssyncadd.s32 $0xFFFFFFFF  }
0xa7: {  	s26 =	simm.s32 $execute0_lowered;
	[smem:$0x3FD2] =	sst s25  }
0xa8: {  	s7 =	sshll.u32 s26, $0x1;
	_ =	strace $0x80000046;
	[dreg:$0x1] =	wrdreg $0xFFFFFFFF  }
0xa9: {  	s28 =	simm.s32 $_size_execute0_lowered;
	s5 =	sadd.s32 s5, s7;
	[dreg:$0x0] =	wrdreg $0x0  }
0xaa: {  	s7 =	sshll.u32 s28, $0x1;
	[dreg:$0x2] =	wrdreg s5  }
0xab: {  	[dreg:$0x3] =	wrdreg s7  }
0xac: {  	[dreg:$0x4] =	wrdreg $0xC0  }
0xad: {  	_ =	task [dreg:s9], $0x5FFFF  }
0xae: {  	[dreg:$0x1] =	wrdreg $0xFFFFFFFF  }
0xaf: {  	[dreg:$0x0] =	wrdreg $0x60  }
0xb0: {  	[dreg:$0x2] =	wrdreg s2  }
0xb1: {  	[dreg:$0x3] =	wrdreg s18  }
0xb2: {  	[dreg:$0x4] =	wrdreg s4  }
0xb3: {  	[dreg:$0x5] =	wrdreg s24  }
0xb4: {  	[dreg:$0x6] =	wrdreg $0x9  }
0xb5: {  	_ =	task.clear_ibuf [dreg:s9], $0x7FFFF;
	_ =	strace $0x90000046  }
0xb6: {  	s29 =	simm.s32 $0x9;
	_ =	strace $0x80000048  }
0xb7: {  	_ =	swait.ge [sflag:s29], $0x1  }
0xb8: {  	[sflag:s29] =	ssyncadd.s32 $0xFFFFFFFF  }
0xb9: {  	_ =	strace $0x90000048  }
0xba: {  	_ =	sfence  }
0xbb: {  	s30 =	sld [smem:$0x0];
	_ =	sdelay $0x2  }
0xbc: {  	s31 =	sshll.u32 s1, $0xD;
	s1 =	sshrl.u32 s1, $0x2  }
0xbd: {  	s3 =	sand.u32 $0x4000, s31;
	s1 =	sadd.s32 s1, s30  }
0xbe: {  	s0 =	sor.u32 s3, s0;
	s1 =	sshll.u32 s1, $0x11  }
0xbf: {  	s0 =	sor.u32 s1, s0  }
0xc0: {  	s0 =	sadd.s32 $0x8F2B, s0  }
0xc1: {  	[sflag:s0] =	ssyncadd.remote.s32 $0x1  }
0xc2: {  	_ =	sfence.sel $0xFFFF  }
0xc3: {  	[dreg:$0x0] =	wrdreg $0xFFFFFFFF;
	(pc) =	sbr.abs _section_cstart, $3  }
0xc4: {  	[dreg:$0x1] =	wrdreg $0xFFFFFFFF  }
0xc5: {  	_ =	task.clear_ibuf [dreg:s9], $0x2FFFF;
	_ =	strace $0x9FFFFFFF  }
0xc6: {  	(tm) =	ssettm $0x7FFFFFFF  }
0xc7: {  	_ =	shalt  }
tec
execute0_lowered:
.L_overlay_start_1:
0x0: {  	(tag) =	ssettag $0x1  }
0x1: {  	s0 =	rddreg [dreg:$0x0]  }
0x2: {  	s2 =	rddreg [dreg:$0x1]  }
0x3: {  	s30 =	rddreg [dreg:$0x2]  }
0x4: {  	s3 =	rddreg [dreg:$0x3]  }
0x5: {  	s10 =	simm.s32 $0x0;
	s19 =	srdreg.scid;
	s5 =	stileid.u32  }
0x6: {  	s15 =	simm.s32 $0x600;
	s16 =	simm.s32 $0x400;
	s17 =	simm.s32 $0x7A1400  }
0x7: {  	s9 =	simm.s32 $0x8600;
	s11 =	simm.s32 $0xA600;
	s13 =	simm.s32 $0xC600  }
0x8: {  	s18 =	simm.s32 $0xE600;
	s1 =	simm.s32 $0x10600;
	s28 =	simm.s32 $0x12600  }
0x9: {  	s29 =	simm.s32 $0x16600;
	s31 =	simm.s32 $0x1A600;
	s14 =	simm.s32 $0x3  }
0xa: {  	s12 =	simm.s32 $0x6;
	[smem:$0x7FF] =	sst s10;
	s4 =	sadd.s32 $0x18A000, s3  }
0xb: {  	s6 =	sadd.s32 $0x24D600, s3;
	_ =	strace $0x80000047;
	[dreg:$0x5] =	wrdreg s4  }
0xc: {  	s5 =	sshll.u32 s5, $0x1;
	s20 =	sadd.s32 $0x3600, s3;
	[dreg:$0x6] =	wrdreg s6  }
0xd: {  	s4 =	sand.u32 $0x1, s19;
	[dreg:$0x7] =	wrdreg s20;
	s6 =	simm.s32 $0x2600  }
0xe: {  	s19 =	simm.s32 $0x8;
	s5 =	sor.u32 s4, s5;
	s4 =	ssub.s32 $0x2, s4  }
0xf: {  	s21 =	sshll.u32 s5, $0x6;
	s5 =	sshll.u32 s5, $0x4;
	s7 =	sshrl.u32 s4, $0x1  }
0x10: {  	s8 =	sadd.s32 s21, s3;
	s3 =	sadd.s32 s5, s3;
	s0 =	sadd.s32 s0, s21  }
0x11: {  	v0 =	vlaneseq.u32;
	s4 =	ssub.s32 s4, s7;
	s22 =	sadd.s32 s2, s21;
	[dreg:$0x8] =	wrdreg s0  }
0x12: {  	v9 =	vmul.u32 $0x80, v0;
	s2 =	simm.s32 $0xA;
	[dreg:$0x9] =	wrdreg s22;
	s23 =	sadd.s32 $0x3A00, s8  }
0x13: {  	s7 =	simm.s32 $0x4600;
	s24 =	sadd.s32 $0x4200, s8;
	[dreg:$0xa] =	wrdreg s23  }
0x14: {  	v10 =	vor.u32 $0x800, v9;
	[tilespmem:$0x1FFF0] =	vst v9;
	s21 =	simm.s32 $0x4600;
	s25 =	sadd.s32 $0x4A00, s3;
	[dreg:$0xb] =	wrdreg s24  }
0x15: {  	v11 =	vor.u32 $0x1000, v9;
	[tilespmem:$0x1FFC0] =	vst v10;
	s26 =	smax.u32 s4, $0x1;
	s8 =	simm.s32 $0x6600;
	[dreg:$0xc] =	wrdreg s25  }
0x16: {  	v12 =	vor.u32 $0x1800, v9;
	[tilespmem:$0x1FFD0] =	vst v11;
	s3 =	simm.s32 $0x0;
	s22 =	simm.s32 $0x6600;
	[dreg:$0xd] =	wrdreg s26  }
0x17: {  	[tilespmem:$0x1FFE0] =	vst v12;
	s23 =	simm.s32 $0x8600;
	s24 =	simm.s32 $0xA600;
	s25 =	simm.s32 $0xC600  }
.LBB2_1:
0x18: {  	[dreg:$0xe] =	wrdreg s3  }
0x19: {  	s0 =	rddreg [dreg:$0x8]  }
0x1a: {  	[tilespmem:s10], [sflag:$0xA] =	stream.linear.gather [hbm4b:s0+s10], $0x200, $0x38;
	[tilespmem:$0x1CA80] =	vst v63  }
0x1b: {  	_ =	swait.ge [sflag:s2], $0x200  }
0x1c: {  	[sflag:s2] =	ssyncset.done $0x0  }
0x1d: {  	s20 =	simm.s32 $0x200;
	s5 =	rddreg [dreg:$0x9];
	[sflag:s2] =	ssyncadd.s32 $0xFFFFFE00  }
0x1e: {  	[tilespmem:s20], [sflag:$0xA] =	stream.linear.gather [hbm4b:s5+s10], $0x200, $0x38;
	[tilespmem:$0x1CA80] =	vst v63  }
0x1f: {  	_ =	swait.ge [sflag:s2], $0x200  }
0x20: {  	[sflag:s2] =	ssyncset.done $0x0  }
0x21: {  	s26 =	rddreg [dreg:$0x7];
	[sflag:s2] =	ssyncadd.s32 $0xFFFFFE00  }
0x22: {  	[tilespmem:s15], [sflag:$0xA] =	stream.linear.gather [hbm4b:s26+s10], $0x2000, $0x38;
	[tilespmem:$0x1CA80] =	vst v63  }
0x23: {  	_ =	swait.ge [sflag:s2], $0x2000  }
0x24: {  	s4 =	simm.s32 $0x0;
	s0 =	simm.s32 $0x0;
	[sflag:s2] =	ssyncset.done $0x0  }
0x25: {  	s5 =	simm.s32 $0x0;
	[sflag:s2] =	ssyncadd.s32 $0xFFFFE000;
	s2 =	simm.s32 $0x10  }
.LBB2_2:
0x26: {  	p0 =	sne.s32 s2, $0x1F0;
	v0 =	vld [tilespmem:s5+$0x200];
	_ =	sdelay $0x1  }
.Ltmp0:
0x27: {  	(pc) =	sbr.rel @p0 .LBB2_2-.Ltmp0, $4  }
0x28: {  	s5 =	sand.u32 $0x600, s0  }
0x29: {  	s10 =	sand.u32 $0x70, s4;
	s4 =	smov.u32 s2;
	s5 =	sshrl.u32 s5, $0x2  }
0x2a: {  	s0 =	sadd.s32 $0x40, s0;
	s10 =	sor.u32 s10, s5;
	v0 =	vshrl.u32 v0, $0x1  }
0x2b: {  	s2 =	sadd.s32 $0x10, s2;
	s5 =	sshra.s32 s0, $0x2;
	[tilespmem:s10+$0x400] =	vst v0  }
0x2c: {  	v0 =	vld [tilespmem:s5+$0x200];
	_ =	sdelay $0x2  }
0x2d: {  	s0 =	sand.u32 $0x600, s0  }
0x2e: {  	s2 =	sand.u32 $0x70, s4;
	s0 =	sshrl.u32 s0, $0x2  }
0x2f: {  	s0 =	sor.u32 s2, s0;
	v0 =	vshrl.u32 v0, $0x1  }
0x30: {  	[tilespmem:s0+$0x400] =	vst v0  }
0x31: {  	v0 =	vld [tilespmem:$0x0];
	_ =	sdelay $0x4  }
0x32: {  	v0 =	vshrl.u32 v0, $0x7  }
0x33: {  	(v2sf) =	vpush v0, $0x0;
	_ =	sdelay $0x5  }
0x34: {  	(v2sf) =	vpush v0, $0x1;
	_ =	sdelay $0x2  }
0x35: {  	(v2sf) =	vpush v0, $0x2;
	_ =	sdelay $0x5  }
0x36: {  	s3 =	spop (v2sf);
	(v2sf) =	vpush v0, $0x3;
	_ =	sdelay $0x2  }
0x37: {  	(v2sf) =	vpush v0, $0x4;
	_ =	sdelay $0x1  }
0x38: {  	s0 =	smin.u32 s3, $0x1E83  }
0x39: {  	s4 =	spop (v2sf);
	s0 =	sshll.u32 s0, $0x7;
	(v2sf) =	vpush v0, $0x5  }
0x3a: {  	s0 =	sadd.s32 s30, s0  }
0x3b: {  	[tilespmem:s6], [sflag:$0x2] =	stream.strided.gather [hbm4b:s0+s16], $0x2000, s17, s16, $0x38;
	[tilespmem:$0x1CA80] =	vst v63  }
0x3c: {  	s5 =	spop (v2sf);
	(v2sf) =	vpush v0, $0x6;
	s0 =	smin.u32 s4, $0x1E83  }
0x3d: {  	s0 =	sshll.u32 s0, $0x7  }
0x3e: {  	s0 =	sadd.s32 s30, s0  }
0x3f: {  	[tilespmem:s7], [sflag:$0x3] =	stream.strided.gather [hbm4b:s0+s16], $0x2000, s17, s16, $0x38;
	[tilespmem:$0x1CA80] =	vst v63  }
0x40: {  	s0 =	smin.u32 s5, $0x1E83  }
0x41: {  	s0 =	sshll.u32 s0, $0x7  }
0x42: {  	s0 =	sadd.s32 s30, s0;
	s6 =	spop (v2sf);
	(v2sf) =	vpush v0, $0x7  }
0x43: {  	[tilespmem:s8], [sflag:$0x4] =	stream.strided.gather [hbm4b:s0+s16], $0x2000, s17, s16, $0x38;
	[tilespmem:$0x1CA80] =	vst v63  }
0x44: {  	s0 =	smin.u32 s6, $0x1E83  }
0x45: {  	s7 =	spop (v2sf);
	s0 =	sshll.u32 s0, $0x7  }
0x46: {  	s8 =	smin.u32 s7, $0x1E83;
	s0 =	sadd.s32 s30, s0  }
0x47: {  	[tilespmem:s9], [sflag:$0x5] =	stream.strided.gather [hbm4b:s0+s16], $0x2000, s17, s16, $0x38;
	[tilespmem:$0x1CA80] =	vst v63  }
0x48: {  	s0 =	sshll.u32 s8, $0x7;
	s9 =	spop (v2sf)  }
0x49: {  	s0 =	sadd.s32 s30, s0;
	s10 =	smin.u32 s9, $0x1E83  }
0x4a: {  	[tilespmem:s11], [sflag:$0x6] =	stream.strided.gather [hbm4b:s0+s16], $0x2000, s17, s16, $0x38;
	[tilespmem:$0x1CA80] =	vst v63  }
0x4b: {  	s0 =	sshll.u32 s10, $0x7;
	s11 =	spop (v2sf)  }
0x4c: {  	s0 =	sadd.s32 s30, s0;
	s20 =	smin.u32 s11, $0x1E83  }
0x4d: {  	[tilespmem:s13], [sflag:$0x7] =	stream.strided.gather [hbm4b:s0+s16], $0x2000, s17, s16, $0x38;
	[tilespmem:$0x1CA80] =	vst v63  }
0x4e: {  	s0 =	sshll.u32 s20, $0x7  }
0x4f: {  	s0 =	sadd.s32 s30, s0  }
0x50: {  	[tilespmem:s18], [sflag:$0x8] =	stream.strided.gather [hbm4b:s0+s16], $0x2000, s17, s16, $0x38;
	[tilespmem:$0x1CA80] =	vst v63  }
0x51: {  	s26 =	spop (v2sf)  }
0x52: {  	s0 =	smin.u32 s26, $0x1E83  }
0x53: {  	s3 =	simm.s32 $0x1C600;
	s0 =	sshll.u32 s0, $0x7  }
0x54: {  	s4 =	simm.s32 $0x200;
	s5 =	simm.s32 $0x0;
	s0 =	sadd.s32 s30, s0  }
0x55: {  	[tilespmem:s1], [sflag:$0x9] =	stream.strided.gather [hbm4b:s0+s16], $0x2000, s17, s16, $0x38;
	[tilespmem:$0x1CA80] =	vst v63  }
0x56: {  	v2 =	vimm.f32 $0.0e+00;
	s18 =	simm.s32 $0x0;
	s1 =	simm.s32 $0x1C800;
	s0 =	simm.s32 $0x0  }
.LBB2_4:
0x57: {  	[dreg:$0x12] =	wrdreg s4  }
0x58: {  	[dreg:$0x11] =	wrdreg s3  }
0x59: {  	[dreg:$0x10] =	wrdreg s1  }
0x5a: {  	[dreg:$0x14] =	wrdreg s0  }
0x5b: {  	s2 =	rddreg [dreg:$0x5]  }
0x5c: {  	s13 =	sshll.u32 s0, $0x7;
	s26 =	rddreg [dreg:$0x6]  }
0x5d: {  	s20 =	simm.s32 $0x80;
	[dreg:$0xf] =	wrdreg s18;
	s0 =	sadd.s32 $0x400, s13  }
0x5e: {  	[tilespmem:s28], [sflag:$0x1] =	stream.indirect.gather [hbm4b:s2+s20], $0x80, s0, s20, $0xb8;
	[tilespmem:$0x1CA80] =	vst v63  }
0x5f: {  	[dreg:$0x13] =	wrdreg s5;
	s2 =	simm.s32 $0xF  }
0x60: {  	[tilespmem:s29], [sflag:$0x1] =	stream.indirect.gather [hbm4b:s26+s20], $0x80, s0, s20, $0xb8;
	[tilespmem:$0x1CA80] =	vst v63  }
.LBB2_5:
0x61: {  	s0 =	sadd.s32 $0xFFFFFFF1, s2;
	v0 =	vld [tilespmem:s18+$0x0]  }
0x62: {  	s4 =	sadd.s32 s5, s0  }
0x63: {  	p0 =	slt.s32 s4, $0x1E0  }
0x64: {  	s1 =	simm.s32 $0x2;
	s4 =	simm.s32 @!p0 $0x1E0  }
0x65: {  	v1 =	vld [tilespmem:s4+$0x10];
	_ =	swait.ge [sflag:s1], $0x2000  }
0x66: {  	(v2sf) =	vpush v0, $0x0;
	_ =	sdelay $0xe  }
0x67: {  	s4 =	spop (v2sf)  }
0x68: {  	p1 =	slt.s32 s4, $0xF4200;
	s5 =	smov.u32 s4  }
0x69: {  	s5 =	simm.s32 @!p1 $0xF4200;
	p1 =	sgt.s32 s4, $0xF4200  }
0x6a: {  	p4 =	sgt.s32 s4, $0xF41FF;
	s5 =	sand.u32 $0x7F, s5;
	s4 =	simm.s32 @!p1 $0xF4200  }
0x6b: {  	s4 =	sadd.s32 $0xFFF0BE00, s4;
	v3 =	vor.u32 s5, v9  }
0x6c: {  	v4 =	vadd.s32 s4, v9;
	_ =	sdelay $0x1  }
0x6d: {  	v5 =	vmov s0;
	[sflag:s1] =	ssyncset.done $0x0  }
0x6e: {  	s20 =	simm.s32 $0x2600;
	v5 =	vand.u32 $0x70, v5;
	[sflag:s1] =	ssyncadd.s32 $0xFFFFE000  }
0x6f: {  	v5 =	vbroadcast v5, $0x0;
	v3 =	vld.idx.msk [tilespmem:v3+s20+$0x0], $0xffff  }
0x70: {  	v4 =	vld.idx.msk [tilespmem:v4+s15+$0x0], $0xffff  }
0x71: {  	v6 =	vor.u32 v9, v5  }
0x72: {  	v7 =	vor.u32 s5, v10  }
0x73: {  	v8 =	vadd.s32 s4, v10;
	_ =	sdelay $0x1  }
0x74: {  	v3 =	vpsel p4, v4, v3  }
0x75: {  	[tilespmem:v6+s31+$0x0] =	vst.idx.msk $0xffff, v3  }
0x76: {  	v3 =	vld.idx.msk [tilespmem:v7+s20+$0x0], $0xffff  }
0x77: {  	v46 =	vld.idx.msk [tilespmem:v8+s15+$0x0], $0xffff  }
0x78: {  	v47 =	vor.u32 v10, v5  }
0x79: {  	v48 =	vor.u32 s5, v11  }
0x7a: {  	(v2sf) =	vpush v0, $0x8;
	v8 =	vadd.s32 s4, v11;
	_ =	sdelay $0x1  }
0x7b: {  	v3 =	vpsel p4, v46, v3  }
0x7c: {  	[tilespmem:v47+s31+$0x0] =	vst.idx.msk $0xffff, v3  }
0x7d: {  	v3 =	vld.idx.msk [tilespmem:v48+s20+$0x0], $0xffff  }
0x7e: {  	v49 =	vld.idx.msk [tilespmem:v8+s15+$0x0], $0xffff  }
0x7f: {  	v50 =	vor.u32 v11, v5  }
0x80: {  	v51 =	vor.u32 s5, v12  }
0x81: {  	v8 =	vadd.s32 s4, v12;
	_ =	sdelay $0x1  }
0x82: {  	v3 =	vpsel p4, v49, v3  }
0x83: {  	[tilespmem:v50+s31+$0x0] =	vst.idx.msk $0xffff, v3  }
0x84: {  	v3 =	vld.idx.msk [tilespmem:v51+s20+$0x0], $0xffff  }
0x85: {  	v52 =	vld.idx.msk [tilespmem:v8+s15+$0x0], $0xffff  }
0x86: {  	v5 =	vor.u32 v12, v5  }
0x87: {  	s11 =	spop (v2sf)  }
0x88: {  	s13 =	sshrl.u32 s11, $0x7  }
0x89: {  	s0 =	smin.u32 s13, $0x1E83  }
0x8a: {  	s0 =	sshll.u32 s0, $0x7;
	v3 =	vpsel p4, v52, v3  }
0x8b: {  	s0 =	sadd.s32 s30, s0;
	[tilespmem:v5+s31+$0x0] =	vst.idx.msk $0xffff, v3  }
0x8c: {  	[tilespmem:s20], [sflag:$0x2] =	stream.strided.gather [hbm4b:s0+s16], $0x2000, s17, s16, $0x38;
	[tilespmem:$0x1CA80] =	vst v63  }
0x8d: {  	_ =	swait.ge [sflag:s14], $0x2000  }
0x8e: {  	(v2sf) =	vpush v0, $0x1;
	_ =	sdelay $0xe  }
0x8f: {  	s0 =	spop (v2sf)  }
0x90: {  	p1 =	slt.s32 s0, $0xF4200;
	s4 =	smov.u32 s0  }
0x91: {  	s4 =	simm.s32 @!p1 $0xF4200;
	p1 =	sgt.s32 s0, $0xF4200  }
0x92: {  	p5 =	sgt.s32 s0, $0xF41FF;
	s4 =	sand.u32 $0x7F, s4;
	s0 =	simm.s32 @!p1 $0xF4200  }
0x93: {  	s0 =	sadd.s32 $0xFFF0BE00, s0;
	v3 =	vor.u32 s4, v9  }
0x94: {  	v53 =	vadd.s32 s0, v9  }
0x95: {  	s26 =	sadd.s32 $0xFFFFFFF2, s2  }
0x96: {  	v54 =	vmov s26;
	[sflag:s14] =	ssyncset.done $0x0  }
0x97: {  	v5 =	vand.u32 $0x71, v54;
	[sflag:s14] =	ssyncadd.s32 $0xFFFFE000  }
0x98: {  	v5 =	vbroadcast v5, $0x0;
	v3 =	vld.idx.msk [tilespmem:v3+s21+$0x0], $0xffff  }
0x99: {  	v4 =	vld.idx.msk [tilespmem:v53+s15+$0x0], $0xffff  }
0x9a: {  	v55 =	vor.u32 v9, v5  }
0x9b: {  	v56 =	vor.u32 s4, v10  }
0x9c: {  	v8 =	vadd.s32 s0, v10;
	_ =	sdelay $0x1  }
0x9d: {  	v3 =	vpsel p5, v4, v3  }
0x9e: {  	[tilespmem:v55+s31+$0x0] =	vst.idx.msk $0xffff, v3  }
0x9f: {  	v3 =	vld.idx.msk [tilespmem:v56+s21+$0x0], $0xffff  }
0xa0: {  	v57 =	vld.idx.msk [tilespmem:v8+s15+$0x0], $0xffff  }
0xa1: {  	v58 =	vor.u32 v10, v5  }
0xa2: {  	v59 =	vor.u32 s4, v11  }
0xa3: {  	(v2sf) =	vpush v0, $0x9;
	v8 =	vadd.s32 s0, v11;
	_ =	sdelay $0x1  }
0xa4: {  	v3 =	vpsel p5, v57, v3  }
0xa5: {  	[tilespmem:v58+s31+$0x0] =	vst.idx.msk $0xffff, v3  }
0xa6: {  	v3 =	vld.idx.msk [tilespmem:v59+s21+$0x0], $0xffff  }
0xa7: {  	v60 =	vld.idx.msk [tilespmem:v8+s15+$0x0], $0xffff  }
0xa8: {  	v61 =	vor.u32 v11, v5  }
0xa9: {  	v62 =	vor.u32 s4, v12  }
0xaa: {  	v8 =	vadd.s32 s0, v12;
	_ =	sdelay $0x1  }
0xab: {  	v3 =	vpsel p5, v60, v3  }
0xac: {  	[tilespmem:v61+s31+$0x0] =	vst.idx.msk $0xffff, v3  }
0xad: {  	v3 =	vld.idx.msk [tilespmem:v62+s21+$0x0], $0xffff  }
0xae: {  	v63 =	vld.idx.msk [tilespmem:v8+s15+$0x0], $0xffff  }
0xaf: {  	v5 =	vor.u32 v12, v5  }
0xb0: {  	s13 =	spop (v2sf)  }
0xb1: {  	s1 =	sshrl.u32 s13, $0x7  }
0xb2: {  	s0 =	smin.u32 s1, $0x1E83  }
0xb3: {  	s0 =	sshll.u32 s0, $0x7;
	v3 =	vpsel p5, v63, v3  }
0xb4: {  	s3 =	simm.s32 $0x4;
	s0 =	sadd.s32 s30, s0;
	[tilespmem:v5+s31+$0x0] =	vst.idx.msk $0xffff, v3  }
0xb5: {  	[tilespmem:s21], [sflag:$0x3] =	stream.strided.gather [hbm4b:s0+s16], $0x2000, s17, s16, $0x38;
	[tilespmem:$0x1CA80] =	vst v63  }
0xb6: {  	_ =	swait.ge [sflag:s3], $0x2000  }
0xb7: {  	(v2sf) =	vpush v0, $0x2;
	_ =	sdelay $0xe  }
0xb8: {  	s0 =	spop (v2sf)  }
0xb9: {  	p1 =	slt.s32 s0, $0xF4200;
	s4 =	smov.u32 s0  }
0xba: {  	s4 =	simm.s32 @!p1 $0xF4200;
	p1 =	sgt.s32 s0, $0xF4200  }
0xbb: {  	p6 =	sgt.s32 s0, $0xF41FF;
	s4 =	sand.u32 $0x7F, s4;
	s0 =	simm.s32 @!p1 $0xF4200  }
0xbc: {  	s0 =	sadd.s32 $0xFFF0BE00, s0;
	v3 =	vor.u32 s4, v9  }
0xbd: {  	v16 =	vadd.s32 s0, v9  }
0xbe: {  	s6 =	sadd.s32 $0xFFFFFFF3, s2  }
0xbf: {  	v17 =	vmov s6;
	[sflag:s3] =	ssyncset.done $0x0  }
0xc0: {  	v5 =	vand.u32 $0x72, v17;
	[sflag:s3] =	ssyncadd.s32 $0xFFFFE000  }
0xc1: {  	v5 =	vbroadcast v5, $0x0;
	v3 =	vld.idx.msk [tilespmem:v3+s22+$0x0], $0xffff  }
0xc2: {  	v4 =	vld.idx.msk [tilespmem:v16+s15+$0x0], $0xffff  }
0xc3: {  	v18 =	vor.u32 v9, v5  }
0xc4: {  	v19 =	vor.u32 s4, v10  }
0xc5: {  	v8 =	vadd.s32 s0, v10;
	_ =	sdelay $0x1  }
0xc6: {  	v3 =	vpsel p6, v4, v3  }
0xc7: {  	[tilespmem:v18+s31+$0x0] =	vst.idx.msk $0xffff, v3  }
0xc8: {  	v3 =	vld.idx.msk [tilespmem:v19+s22+$0x0], $0xffff  }
0xc9: {  	v20 =	vld.idx.msk [tilespmem:v8+s15+$0x0], $0xffff  }
0xca: {  	v21 =	vor.u32 v10, v5  }
0xcb: {  	v22 =	vor.u32 s4, v11  }
0xcc: {  	(v2sf) =	vpush v0, $0xA;
	v8 =	vadd.s32 s0, v11;
	_ =	sdelay $0x1  }
0xcd: {  	v3 =	vpsel p6, v20, v3  }
0xce: {  	[tilespmem:v21+s31+$0x0] =	vst.idx.msk $0xffff, v3  }
0xcf: {  	v3 =	vld.idx.msk [tilespmem:v22+s22+$0x0], $0xffff  }
0xd0: {  	v23 =	vld.idx.msk [tilespmem:v8+s15+$0x0], $0xffff  }
0xd1: {  	v24 =	vor.u32 v11, v5  }
0xd2: {  	v25 =	vor.u32 s4, v12  }
0xd3: {  	v8 =	vadd.s32 s0, v12;
	_ =	sdelay $0x1  }
0xd4: {  	v3 =	vpsel p6, v23, v3  }
0xd5: {  	[tilespmem:v24+s31+$0x0] =	vst.idx.msk $0xffff, v3  }
0xd6: {  	v3 =	vld.idx.msk [tilespmem:v25+s22+$0x0], $0xffff  }
0xd7: {  	v26 =	vld.idx.msk [tilespmem:v8+s15+$0x0], $0xffff  }
0xd8: {  	v5 =	vor.u32 v12, v5  }
0xd9: {  	s26 =	spop (v2sf)  }
0xda: {  	s7 =	sshrl.u32 s26, $0x7  }
0xdb: {  	s0 =	smin.u32 s7, $0x1E83  }
0xdc: {  	s0 =	sshll.u32 s0, $0x7;
	v3 =	vpsel p6, v26, v3  }
0xdd: {  	s8 =	simm.s32 $0x5;
	s0 =	sadd.s32 s30, s0;
	[tilespmem:v5+s31+$0x0] =	vst.idx.msk $0xffff, v3  }
0xde: {  	[tilespmem:s22], [sflag:$0x4] =	stream.strided.gather [hbm4b:s0+s16], $0x2000, s17, s16, $0x38;
	[tilespmem:$0x1CA80] =	vst v63  }
0xdf: {  	_ =	swait.ge [sflag:s8], $0x2000  }
0xe0: {  	(v2sf) =	vpush v0, $0x3;
	_ =	sdelay $0xe  }
0xe1: {  	s0 =	spop (v2sf)  }
0xe2: {  	p1 =	slt.s32 s0, $0xF4200;
	s4 =	smov.u32 s0  }
0xe3: {  	s4 =	simm.s32 @!p1 $0xF4200;
	p1 =	sgt.s32 s0, $0xF4200  }
0xe4: {  	p2 =	sgt.s32 s0, $0xF41FF;
	s4 =	sand.u32 $0x7F, s4;
	s0 =	simm.s32 @!p1 $0xF4200  }
0xe5: {  	s0 =	sadd.s32 $0xFFF0BE00, s0;
	v3 =	vor.u32 s4, v9  }
0xe6: {  	v27 =	vadd.s32 s0, v9  }
0xe7: {  	s9 =	sadd.s32 $0xFFFFFFF4, s2  }
0xe8: {  	v28 =	vmov s9;
	[sflag:s8] =	ssyncset.done $0x0  }
0xe9: {  	v5 =	vand.u32 $0x73, v28;
	[sflag:s8] =	ssyncadd.s32 $0xFFFFE000  }
0xea: {  	v5 =	vbroadcast v5, $0x0;
	v3 =	vld.idx.msk [tilespmem:v3+s23+$0x0], $0xffff  }
0xeb: {  	v4 =	vld.idx.msk [tilespmem:v27+s15+$0x0], $0xffff  }
0xec: {  	v29 =	vor.u32 v9, v5  }
0xed: {  	v30 =	vor.u32 s4, v10  }
0xee: {  	v8 =	vadd.s32 s0, v10;
	_ =	sdelay $0x1  }
0xef: {  	v3 =	vpsel p2, v4, v3  }
0xf0: {  	[tilespmem:v29+s31+$0x0] =	vst.idx.msk $0xffff, v3  }
0xf1: {  	v3 =	vld.idx.msk [tilespmem:v30+s23+$0x0], $0xffff  }
0xf2: {  	v31 =	vld.idx.msk [tilespmem:v8+s15+$0x0], $0xffff  }
0xf3: {  	v32 =	vor.u32 v10, v5  }
0xf4: {  	v33 =	vor.u32 s4, v11  }
0xf5: {  	(v2sf) =	vpush v0, $0xB;
	v8 =	vadd.s32 s0, v11;
	_ =	sdelay $0x1  }
0xf6: {  	v3 =	vpsel p2, v31, v3  }
0xf7: {  	[tilespmem:v32+s31+$0x0] =	vst.idx.msk $0xffff, v3  }
0xf8: {  	v3 =	vld.idx.msk [tilespmem:v33+s23+$0x0], $0xffff  }
0xf9: {  	v34 =	vld.idx.msk [tilespmem:v8+s15+$0x0], $0xffff  }
0xfa: {  	v35 =	vor.u32 v11, v5  }
0xfb: {  	v36 =	vor.u32 s4, v12  }
0xfc: {  	v8 =	vadd.s32 s0, v12;
	_ =	sdelay $0x1  }
0xfd: {  	v3 =	vpsel p2, v34, v3  }
0xfe: {  	[tilespmem:v35+s31+$0x0] =	vst.idx.msk $0xffff, v3  }
0xff: {  	v3 =	vld.idx.msk [tilespmem:v36+s23+$0x0], $0xffff  }
0x100: {  	v37 =	vld.idx.msk [tilespmem:v8+s15+$0x0], $0xffff  }
0x101: {  	v5 =	vor.u32 v12, v5  }
0x102: {  	s5 =	spop (v2sf)  }
0x103: {  	s10 =	sshrl.u32 s5, $0x7  }
0x104: {  	s0 =	smin.u32 s10, $0x1E83  }
0x105: {  	s0 =	sshll.u32 s0, $0x7;
	v3 =	vpsel p2, v37, v3  }
0x106: {  	s0 =	sadd.s32 s30, s0;
	[tilespmem:v5+s31+$0x0] =	vst.idx.msk $0xffff, v3  }
0x107: {  	[tilespmem:s23], [sflag:$0x5] =	stream.strided.gather [hbm4b:s0+s16], $0x2000, s17, s16, $0x38;
	[tilespmem:$0x1CA80] =	vst v63  }
0x108: {  	_ =	swait.ge [sflag:s12], $0x2000  }
0x109: {  	(v2sf) =	vpush v0, $0x4;
	_ =	sdelay $0xe  }
0x10a: {  	s0 =	spop (v2sf)  }
0x10b: {  	p1 =	slt.s32 s0, $0xF4200;
	s4 =	smov.u32 s0  }
0x10c: {  	s4 =	simm.s32 @!p1 $0xF4200;
	p1 =	sgt.s32 s0, $0xF4200  }
0x10d: {  	p3 =	sgt.s32 s0, $0xF41FF;
	s4 =	sand.u32 $0x7F, s4;
	s0 =	simm.s32 @!p1 $0xF4200  }
0x10e: {  	s0 =	sadd.s32 $0xFFF0BE00, s0;
	v3 =	vor.u32 s4, v9  }
0x10f: {  	v38 =	vadd.s32 s0, v9  }
0x110: {  	s14 =	sadd.s32 $0xFFFFFFF5, s2;
	s3 =	simm.s32 $0x6  }
0x111: {  	v39 =	vmov s14;
	[sflag:s3] =	ssyncset.done $0x0  }
0x112: {  	v5 =	vand.u32 $0x74, v39;
	[sflag:s3] =	ssyncadd.s32 $0xFFFFE000  }
0x113: {  	v5 =	vbroadcast v5, $0x0;
	v3 =	vld.idx.msk [tilespmem:v3+s24+$0x0], $0xffff  }
0x114: {  	v4 =	vld.idx.msk [tilespmem:v38+s15+$0x0], $0xffff  }
0x115: {  	v40 =	vor.u32 v9, v5  }
0x116: {  	v41 =	vor.u32 s4, v10  }
0x117: {  	v8 =	vadd.s32 s0, v10;
	_ =	sdelay $0x1  }
0x118: {  	v3 =	vpsel p3, v4, v3  }
0x119: {  	[tilespmem:v40+s31+$0x0] =	vst.idx.msk $0xffff, v3  }
0x11a: {  	v3 =	vld.idx.msk [tilespmem:v41+s24+$0x0], $0xffff  }
0x11b: {  	v42 =	vld.idx.msk [tilespmem:v8+s15+$0x0], $0xffff  }
0x11c: {  	v43 =	vor.u32 v10, v5  }
0x11d: {  	v44 =	vor.u32 s4, v11  }
0x11e: {  	(v2sf) =	vpush v0, $0xC;
	v8 =	vadd.s32 s0, v11;
	_ =	sdelay $0x1  }
0x11f: {  	v3 =	vpsel p3, v42, v3  }
0x120: {  	[tilespmem:v43+s31+$0x0] =	vst.idx.msk $0xffff, v3  }
0x121: {  	v3 =	vld.idx.msk [tilespmem:v44+s24+$0x0], $0xffff  }
0x122: {  	v45 =	vld.idx.msk [tilespmem:v8+s15+$0x0], $0xffff  }
0x123: {  	v46 =	vor.u32 v11, v5  }
0x124: {  	v47 =	vor.u32 s4, v12  }
0x125: {  	v8 =	vadd.s32 s0, v12;
	_ =	sdelay $0x1  }
0x126: {  	v3 =	vpsel p3, v45, v3  }
0x127: {  	[tilespmem:v46+s31+$0x0] =	vst.idx.msk $0xffff, v3  }
0x128: {  	v3 =	vld.idx.msk [tilespmem:v47+s24+$0x0], $0xffff  }
0x129: {  	v48 =	vld.idx.msk [tilespmem:v8+s15+$0x0], $0xffff  }
0x12a: {  	v5 =	vor.u32 v12, v5  }
0x12b: {  	s12 =	spop (v2sf)  }
0x12c: {  	s1 =	sshrl.u32 s12, $0x7  }
0x12d: {  	s0 =	smin.u32 s1, $0x1E83  }
0x12e: {  	s0 =	sshll.u32 s0, $0x7;
	v3 =	vpsel p3, v48, v3  }
0x12f: {  	s8 =	simm.s32 $0x7;
	s0 =	sadd.s32 s30, s0;
	[tilespmem:v5+s31+$0x0] =	vst.idx.msk $0xffff, v3  }
0x130: {  	[tilespmem:s24], [sflag:$0x6] =	stream.strided.gather [hbm4b:s0+s16], $0x2000, s17, s16, $0x38;
	[tilespmem:$0x1CA80] =	vst v63  }
0x131: {  	_ =	swait.ge [sflag:s8], $0x2000  }
0x132: {  	(v2sf) =	vpush v0, $0x5;
	_ =	sdelay $0xe  }
0x133: {  	s0 =	spop (v2sf)  }
0x134: {  	p1 =	slt.s32 s0, $0xF4200;
	s4 =	smov.u32 s0  }
0x135: {  	s4 =	simm.s32 @!p1 $0xF4200;
	p1 =	sgt.s32 s0, $0xF4200  }
0x136: {  	p4 =	sgt.s32 s0, $0xF41FF;
	s4 =	sand.u32 $0x7F, s4;
	s0 =	simm.s32 @!p1 $0xF4200  }
0x137: {  	s0 =	sadd.s32 $0xFFF0BE00, s0;
	v3 =	vor.u32 s4, v9  }
0x138: {  	v49 =	vadd.s32 s0, v9  }
0x139: {  	s16 =	smov.u32 s30;
	s30 =	sadd.s32 $0xFFFFFFF6, s2  }
0x13a: {  	v50 =	vmov s30;
	[sflag:s8] =	ssyncset.done $0x0  }
0x13b: {  	v5 =	vand.u32 $0x75, v50;
	[sflag:s8] =	ssyncadd.s32 $0xFFFFE000  }
0x13c: {  	v5 =	vbroadcast v5, $0x0;
	v3 =	vld.idx.msk [tilespmem:v3+s25+$0x0], $0xffff  }
0x13d: {  	v4 =	vld.idx.msk [tilespmem:v49+s15+$0x0], $0xffff  }
0x13e: {  	v51 =	vor.u32 v9, v5  }
0x13f: {  	v52 =	vor.u32 s4, v10  }
0x140: {  	v8 =	vadd.s32 s0, v10;
	_ =	sdelay $0x1  }
0x141: {  	v3 =	vpsel p4, v4, v3  }
0x142: {  	[tilespmem:v51+s31+$0x0] =	vst.idx.msk $0xffff, v3  }
0x143: {  	v3 =	vld.idx.msk [tilespmem:v52+s25+$0x0], $0xffff  }
0x144: {  	v53 =	vld.idx.msk [tilespmem:v8+s15+$0x0], $0xffff  }
0x145: {  	v54 =	vor.u32 v10, v5  }
0x146: {  	v55 =	vor.u32 s4, v11  }
0x147: {  	(v2sf) =	vpush v0, $0xD;
	v8 =	vadd.s32 s0, v11;
	_ =	sdelay $0x1  }
0x148: {  	v3 =	vpsel p4, v53, v3  }
0x149: {  	[tilespmem:v54+s31+$0x0] =	vst.idx.msk $0xffff, v3  }
0x14a: {  	v3 =	vld.idx.msk [tilespmem:v55+s25+$0x0], $0xffff  }
0x14b: {  	v56 =	vld.idx.msk [tilespmem:v8+s15+$0x0], $0xffff  }
0x14c: {  	v57 =	vor.u32 v11, v5  }
0x14d: {  	v58 =	vor.u32 s4, v12  }
0x14e: {  	v8 =	vadd.s32 s0, v12;
	_ =	sdelay $0x1  }
0x14f: {  	v3 =	vpsel p4, v56, v3  }
0x150: {  	[tilespmem:v57+s31+$0x0] =	vst.idx.msk $0xffff, v3  }
0x151: {  	v3 =	vld.idx.msk [tilespmem:v58+s25+$0x0], $0xffff  }
0x152: {  	v59 =	vld.idx.msk [tilespmem:v8+s15+$0x0], $0xffff  }
0x153: {  	v5 =	vor.u32 v12, v5  }
0x154: {  	s4 =	spop (v2sf)  }
0x155: {  	s3 =	sshrl.u32 s4, $0x7  }
0x156: {  	s0 =	smin.u32 s3, $0x1E83  }
0x157: {  	s0 =	sshll.u32 s0, $0x7;
	v3 =	vpsel p4, v59, v3  }
0x158: {  	s6 =	simm.s32 $0x7A1400;
	s17 =	simm.s32 $0x400;
	s0 =	sadd.s32 s16, s0;
	[tilespmem:v5+s31+$0x0] =	vst.idx.msk $0xffff, v3  }
0x159: {  	[tilespmem:s25], [sflag:$0x7] =	stream.strided.gather [hbm4b:s0+s17], $0x2000, s6, s17, $0x38;
	[tilespmem:$0x1CA80] =	vst v63  }
0x15a: {  	_ =	swait.ge [sflag:s19], $0x2000  }
0x15b: {  	(v2sf) =	vpush v0, $0x6;
	_ =	sdelay $0xe  }
0x15c: {  	s0 =	spop (v2sf)  }
0x15d: {  	p1 =	slt.s32 s0, $0xF4200;
	s30 =	smov.u32 s0  }
0x15e: {  	s30 =	simm.s32 @!p1 $0xF4200;
	p1 =	sgt.s32 s0, $0xF4200  }
0x15f: {  	p5 =	sgt.s32 s0, $0xF41FF;
	s30 =	sand.u32 $0x7F, s30;
	s0 =	simm.s32 @!p1 $0xF4200  }
0x160: {  	s0 =	sadd.s32 $0xFFF0BE00, s0;
	v3 =	vor.u32 s30, v9  }
0x161: {  	v60 =	vadd.s32 s0, v9  }
0x162: {  	s7 =	sadd.s32 $0xFFFFFFF7, s2  }
0x163: {  	v61 =	vmov s7;
	[sflag:s19] =	ssyncset.done $0x0  }
0x164: {  	s1 =	simm.s32 $0xE600;
	v5 =	vand.u32 $0x76, v61;
	[sflag:s19] =	ssyncadd.s32 $0xFFFFE000  }
0x165: {  	v5 =	vbroadcast v5, $0x0;
	v3 =	vld.idx.msk [tilespmem:v3+s1+$0x0], $0xffff  }
0x166: {  	v4 =	vld.idx.msk [tilespmem:v60+s15+$0x0], $0xffff  }
0x167: {  	v62 =	vor.u32 v9, v5  }
0x168: {  	v63 =	vor.u32 s30, v10  }
0x169: {  	v8 =	vadd.s32 s0, v10;
	_ =	sdelay $0x1  }
0x16a: {  	v3 =	vpsel p5, v4, v3  }
0x16b: {  	[tilespmem:v62+s31+$0x0] =	vst.idx.msk $0xffff, v3  }
0x16c: {  	v3 =	vld.idx.msk [tilespmem:v63+s1+$0x0], $0xffff  }
0x16d: {  	v16 =	vld.idx.msk [tilespmem:v8+s15+$0x0], $0xffff  }
0x16e: {  	v17 =	vor.u32 v10, v5  }
0x16f: {  	v18 =	vor.u32 s30, v11  }
0x170: {  	(v2sf) =	vpush v0, $0xE;
	v8 =	vadd.s32 s0, v11;
	_ =	sdelay $0x1  }
0x171: {  	v3 =	vpsel p5, v16, v3  }
0x172: {  	[tilespmem:v17+s31+$0x0] =	vst.idx.msk $0xffff, v3  }
0x173: {  	v3 =	vld.idx.msk [tilespmem:v18+s1+$0x0], $0xffff  }
0x174: {  	v19 =	vld.idx.msk [tilespmem:v8+s15+$0x0], $0xffff  }
0x175: {  	v20 =	vor.u32 v11, v5  }
0x176: {  	v21 =	vor.u32 s30, v12  }
0x177: {  	v8 =	vadd.s32 s0, v12;
	_ =	sdelay $0x1  }
0x178: {  	v3 =	vpsel p5, v19, v3  }
0x179: {  	[tilespmem:v20+s31+$0x0] =	vst.idx.msk $0xffff, v3  }
0x17a: {  	v3 =	vld.idx.msk [tilespmem:v21+s1+$0x0], $0xffff  }
0x17b: {  	v22 =	vld.idx.msk [tilespmem:v8+s15+$0x0], $0xffff  }
0x17c: {  	v5 =	vor.u32 v12, v5  }
0x17d: {  	s30 =	spop (v2sf)  }
0x17e: {  	s9 =	sshrl.u32 s30, $0x7  }
0x17f: {  	s0 =	smin.u32 s9, $0x1E83  }
0x180: {  	s0 =	sshll.u32 s0, $0x7;
	v3 =	vpsel p5, v22, v3  }
0x181: {  	s7 =	simm.s32 $0x9;
	s0 =	sadd.s32 s16, s0;
	[tilespmem:v5+s31+$0x0] =	vst.idx.msk $0xffff, v3  }
0x182: {  	[tilespmem:s1], [sflag:$0x8] =	stream.strided.gather [hbm4b:s0+s17], $0x2000, s6, s17, $0x38;
	[tilespmem:$0x1CA80] =	vst v63  }
0x183: {  	_ =	swait.ge [sflag:s7], $0x2000  }
0x184: {  	(v2sf) =	vpush v0, $0x7;
	_ =	sdelay $0xe  }
0x185: {  	s0 =	spop (v2sf)  }
0x186: {  	p0 =	slt.s32 s0, $0xF4200;
	s3 =	smov.u32 s0  }
0x187: {  	s3 =	simm.s32 @!p0 $0xF4200;
	p0 =	sgt.s32 s0, $0xF4200  }
0x188: {  	p6 =	sgt.s32 s0, $0xF41FF;
	s3 =	sand.u32 $0x7F, s3;
	s0 =	simm.s32 @!p0 $0xF4200  }
0x189: {  	s0 =	sadd.s32 $0xFFF0BE00, s0;
	v3 =	vor.u32 s3, v9  }
0x18a: {  	v23 =	vadd.s32 s0, v9  }
0x18b: {  	s10 =	sadd.s32 $0xFFFFFFF8, s2  }
0x18c: {  	v24 =	vmov s10;
	[sflag:s7] =	ssyncset.done $0x0  }
0x18d: {  	s10 =	simm.s32 $0x10600;
	v5 =	vand.u32 $0x77, v24;
	[sflag:s7] =	ssyncadd.s32 $0xFFFFE000  }
0x18e: {  	v5 =	vbroadcast v5, $0x0;
	v3 =	vld.idx.msk [tilespmem:v3+s10+$0x0], $0xffff  }
0x18f: {  	v4 =	vld.idx.msk [tilespmem:v23+s15+$0x0], $0xffff  }
0x190: {  	v25 =	vor.u32 v9, v5  }
0x191: {  	v26 =	vor.u32 s3, v10  }
0x192: {  	v8 =	vadd.s32 s0, v10;
	_ =	sdelay $0x1  }
0x193: {  	v3 =	vpsel p6, v4, v3  }
0x194: {  	[tilespmem:v25+s31+$0x0] =	vst.idx.msk $0xffff, v3  }
0x195: {  	v3 =	vld.idx.msk [tilespmem:v26+s10+$0x0], $0xffff  }
0x196: {  	v27 =	vld.idx.msk [tilespmem:v8+s15+$0x0], $0xffff  }
0x197: {  	v28 =	vor.u32 v10, v5  }
0x198: {  	v29 =	vor.u32 s3, v11  }
0x199: {  	(v2sf) =	vpush v0, $0xF;
	v0 =	vadd.s32 s0, v11;
	_ =	sdelay $0x1  }
0x19a: {  	v3 =	vpsel p6, v27, v3  }
0x19b: {  	[tilespmem:v28+s31+$0x0] =	vst.idx.msk $0xffff, v3  }
0x19c: {  	v3 =	vld.idx.msk [tilespmem:v29+s10+$0x0], $0xffff  }
0x19d: {  	v0 =	vld.idx.msk [tilespmem:v0+s15+$0x0], $0xffff  }
0x19e: {  	v30 =	vor.u32 v11, v5  }
0x19f: {  	v31 =	vor.u32 s3, v12  }
0x1a0: {  	v32 =	vadd.s32 s0, v12;
	_ =	sdelay $0x1  }
0x1a1: {  	v0 =	vpsel p6, v0, v3  }
0x1a2: {  	[tilespmem:v30+s31+$0x0] =	vst.idx.msk $0xffff, v0  }
0x1a3: {  	v0 =	vld.idx.msk [tilespmem:v31+s10+$0x0], $0xffff  }
0x1a4: {  	v3 =	vld.idx.msk [tilespmem:v32+s15+$0x0], $0xffff  }
0x1a5: {  	v33 =	vor.u32 v12, v5  }
0x1a6: {  	s14 =	smov.u32 s11;
	p2 =	slt.s32 s11, $0xF4200;
	s0 =	spop (v2sf)  }
0x1a7: {  	s14 =	simm.s32 @!p2 $0xF4200;
	s9 =	sshrl.u32 s0, $0x7  }
0x1a8: {  	p2 =	sgt.s32 s11, $0xF4200;
	s14 =	sand.u32 $0x7F, s14;
	s3 =	smin.u32 s9, $0x1E83  }
0x1a9: {  	p3 =	sgt.s32 s11, $0xF41FF;
	s11 =	simm.s32 @!p2 $0xF4200;
	s3 =	sshll.u32 s3, $0x7;
	v0 =	vpsel p6, v3, v0  }
0x1aa: {  	s11 =	sadd.s32 $0xFFF0BE00, s11;
	s9 =	simm.s32 $0x2;
	s3 =	sadd.s32 s16, s3;
	[tilespmem:v33+s31+$0x0] =	vst.idx.msk $0xffff, v0;
	v0 =	vor.u32 s14, v9  }
0x1ab: {  	v3 =	vadd.s32 s11, v9;
	[tilespmem:s10], [sflag:$0x9] =	stream.strided.gather [hbm4b:s3+s17], $0x2000, s6, s17, $0x38;
	[tilespmem:$0x1CA80] =	vst v63  }
0x1ac: {  	s3 =	sadd.s32 $0xFFFFFFF9, s2;
	_ =	swait.ge [sflag:s9], $0x2000  }
0x1ad: {  	v34 =	vmov s3;
	[sflag:s9] =	ssyncset.done $0x0  }
0x1ae: {  	v4 =	vand.u32 $0x78, v34;
	[sflag:s9] =	ssyncadd.s32 $0xFFFFE000  }
0x1af: {  	v4 =	vbroadcast v4, $0x0;
	v0 =	vld.idx.msk [tilespmem:v0+s20+$0x0], $0xffff  }
0x1b0: {  	v3 =	vld.idx.msk [tilespmem:v3+s15+$0x0], $0xffff  }
0x1b1: {  	v35 =	vor.u32 v9, v4  }
0x1b2: {  	v36 =	vor.u32 s14, v10  }
0x1b3: {  	v37 =	vadd.s32 s11, v10;
	_ =	sdelay $0x1  }
0x1b4: {  	v0 =	vpsel p3, v3, v0  }
0x1b5: {  	[tilespmem:v35+s31+$0x0] =	vst.idx.msk $0xffff, v0  }
0x1b6: {  	v3 =	vld.idx.msk [tilespmem:v36+s20+$0x0], $0xffff  }
0x1b7: {  	v5 =	vld.idx.msk [tilespmem:v37+s15+$0x0], $0xffff  }
0x1b8: {  	v38 =	vor.u32 v10, v4  }
0x1b9: {  	v39 =	vor.u32 s14, v11;
	v0 =	vshrl.u32 v1, $0x7  }
0x1ba: {  	v1 =	vadd.s32 s11, v11;
	(v2sf) =	vpush v0, $0x0;
	_ =	sdelay $0x1  }
0x1bb: {  	v3 =	vpsel p3, v5, v3  }
0x1bc: {  	[tilespmem:v38+s31+$0x0] =	vst.idx.msk $0xffff, v3  }
0x1bd: {  	v3 =	vld.idx.msk [tilespmem:v39+s20+$0x0], $0xffff  }
0x1be: {  	v1 =	vld.idx.msk [tilespmem:v1+s15+$0x0], $0xffff  }
0x1bf: {  	v40 =	vor.u32 v11, v4  }
0x1c0: {  	v41 =	vor.u32 s14, v12  }
0x1c1: {  	v42 =	vadd.s32 s11, v12;
	_ =	sdelay $0x1  }
0x1c2: {  	v1 =	vpsel p3, v1, v3  }
0x1c3: {  	[tilespmem:v40+s31+$0x0] =	vst.idx.msk $0xffff, v1  }
0x1c4: {  	v1 =	vld.idx.msk [tilespmem:v41+s20+$0x0], $0xffff  }
0x1c5: {  	v3 =	vld.idx.msk [tilespmem:v42+s15+$0x0], $0xffff  }
0x1c6: {  	v4 =	vor.u32 v12, v4  }
0x1c7: {  	s11 =	spop (v2sf)  }
0x1c8: {  	p2 =	slt.s32 s13, $0xF4200;
	s3 =	smin.u32 s11, $0x1E83;
	s11 =	smov.u32 s13  }
0x1c9: {  	p4 =	sgt.s32 s13, $0xF41FF;
	s11 =	simm.s32 @!p2 $0xF4200;
	p2 =	sgt.s32 s13, $0xF4200  }
0x1ca: {  	s3 =	sshll.u32 s3, $0x7;
	s11 =	sand.u32 $0x7F, s11;
	s13 =	simm.s32 @!p2 $0xF4200;
	v1 =	vpsel p3, v3, v1  }
0x1cb: {  	s14 =	simm.s32 $0x3;
	s3 =	sadd.s32 s16, s3;
	s13 =	sadd.s32 $0xFFF0BE00, s13;
	[tilespmem:v4+s31+$0x0] =	vst.idx.msk $0xffff, v1;
	v1 =	vor.u32 s11, v9  }
0x1cc: {  	v3 =	vadd.s32 s13, v9;
	[tilespmem:s20], [sflag:$0x2] =	stream.strided.gather [hbm4b:s3+s17], $0x2000, s6, s17, $0x38;
	[tilespmem:$0x1CA80] =	vst v63  }
0x1cd: {  	s9 =	sadd.s32 $0xFFFFFFFA, s2;
	_ =	swait.ge [sflag:s14], $0x2000  }
0x1ce: {  	v43 =	vmov s9;
	[sflag:s14] =	ssyncset.done $0x0  }
0x1cf: {  	v4 =	vand.u32 $0x79, v43;
	[sflag:s14] =	ssyncadd.s32 $0xFFFFE000  }
0x1d0: {  	v4 =	vbroadcast v4, $0x0;
	v1 =	vld.idx.msk [tilespmem:v1+s21+$0x0], $0xffff  }
0x1d1: {  	v3 =	vld.idx.msk [tilespmem:v3+s15+$0x0], $0xffff  }
0x1d2: {  	v44 =	vor.u32 v9, v4  }
0x1d3: {  	v45 =	vor.u32 s11, v10  }
0x1d4: {  	v46 =	vadd.s32 s13, v10;
	_ =	sdelay $0x1  }
0x1d5: {  	v1 =	vpsel p4, v3, v1  }
0x1d6: {  	[tilespmem:v44+s31+$0x0] =	vst.idx.msk $0xffff, v1  }
0x1d7: {  	v1 =	vld.idx.msk [tilespmem:v45+s21+$0x0], $0xffff  }
0x1d8: {  	v3 =	vld.idx.msk [tilespmem:v46+s15+$0x0], $0xffff  }
0x1d9: {  	v47 =	vor.u32 v10, v4  }
0x1da: {  	v48 =	vor.u32 s11, v11  }
0x1db: {  	v49 =	vadd.s32 s13, v11  }
0x1dc: {  	(v2sf) =	vpush v0, $0x1  }
0x1dd: {  	v1 =	vpsel p4, v3, v1  }
0x1de: {  	[tilespmem:v47+s31+$0x0] =	vst.idx.msk $0xffff, v1  }
0x1df: {  	v1 =	vld.idx.msk [tilespmem:v48+s21+$0x0], $0xffff  }
0x1e0: {  	v3 =	vld.idx.msk [tilespmem:v49+s15+$0x0], $0xffff  }
0x1e1: {  	v50 =	vor.u32 v11, v4  }
0x1e2: {  	v51 =	vor.u32 s11, v12  }
0x1e3: {  	v52 =	vadd.s32 s13, v12;
	_ =	sdelay $0x1  }
0x1e4: {  	v1 =	vpsel p4, v3, v1  }
0x1e5: {  	[tilespmem:v50+s31+$0x0] =	vst.idx.msk $0xffff, v1  }
0x1e6: {  	v1 =	vld.idx.msk [tilespmem:v51+s21+$0x0], $0xffff  }
0x1e7: {  	v3 =	vld.idx.msk [tilespmem:v52+s15+$0x0], $0xffff  }
0x1e8: {  	v4 =	vor.u32 v12, v4  }
0x1e9: {  	p5 =	sgt.s32 s26, $0xF41FF  }
0x1ea: {  	p2 =	slt.s32 s26, $0xF4200;
	s11 =	smov.u32 s26;
	s20 =	spop (v2sf)  }
0x1eb: {  	s11 =	simm.s32 @!p2 $0xF4200;
	p2 =	sgt.s32 s26, $0xF4200;
	s3 =	smin.u32 s20, $0x1E83  }
0x1ec: {  	s11 =	sand.u32 $0x7F, s11;
	s26 =	simm.s32 @!p2 $0xF4200;
	s3 =	sshll.u32 s3, $0x7;
	v1 =	vpsel p4, v3, v1  }
0x1ed: {  	s13 =	sadd.s32 $0xFFF0BE00, s26;
	s26 =	simm.s32 $0x4;
	s3 =	sadd.s32 s16, s3;
	[tilespmem:v4+s31+$0x0] =	vst.idx.msk $0xffff, v1;
	v1 =	vor.u32 s11, v9  }
0x1ee: {  	v3 =	vadd.s32 s13, v9;
	[tilespmem:s21], [sflag:$0x3] =	stream.strided.gather [hbm4b:s3+s17], $0x2000, s6, s17, $0x38;
	[tilespmem:$0x1CA80] =	vst v63  }
0x1ef: {  	s9 =	sadd.s32 $0xFFFFFFFB, s2;
	_ =	swait.ge [sflag:s26], $0x2000  }
0x1f0: {  	v53 =	vmov s9;
	[sflag:s26] =	ssyncset.done $0x0  }
0x1f1: {  	v4 =	vand.u32 $0x7A, v53;
	[sflag:s26] =	ssyncadd.s32 $0xFFFFE000  }
0x1f2: {  	v4 =	vbroadcast v4, $0x0;
	v1 =	vld.idx.msk [tilespmem:v1+s22+$0x0], $0xffff  }
0x1f3: {  	v3 =	vld.idx.msk [tilespmem:v3+s15+$0x0], $0xffff  }
0x1f4: {  	v54 =	vor.u32 v9, v4  }
0x1f5: {  	v55 =	vor.u32 s11, v10  }
0x1f6: {  	v56 =	vadd.s32 s13, v10;
	_ =	sdelay $0x1  }
0x1f7: {  	v1 =	vpsel p5, v3, v1  }
0x1f8: {  	[tilespmem:v54+s31+$0x0] =	vst.idx.msk $0xffff, v1  }
0x1f9: {  	v1 =	vld.idx.msk [tilespmem:v55+s22+$0x0], $0xffff  }
0x1fa: {  	v3 =	vld.idx.msk [tilespmem:v56+s15+$0x0], $0xffff  }
0x1fb: {  	v57 =	vor.u32 v10, v4  }
0x1fc: {  	v58 =	vor.u32 s11, v11  }
0x1fd: {  	v59 =	vadd.s32 s13, v11  }
0x1fe: {  	(v2sf) =	vpush v0, $0x2  }
0x1ff: {  	v1 =	vpsel p5, v3, v1  }
0x200: {  	[tilespmem:v57+s31+$0x0] =	vst.idx.msk $0xffff, v1  }
0x201: {  	v1 =	vld.idx.msk [tilespmem:v58+s22+$0x0], $0xffff  }
0x202: {  	v3 =	vld.idx.msk [tilespmem:v59+s15+$0x0], $0xffff  }
0x203: {  	v60 =	vor.u32 v11, v4  }
0x204: {  	v61 =	vor.u32 s11, v12  }
0x205: {  	v62 =	vadd.s32 s13, v12;
	_ =	sdelay $0x1  }
0x206: {  	v1 =	vpsel p5, v3, v1  }
0x207: {  	[tilespmem:v60+s31+$0x0] =	vst.idx.msk $0xffff, v1  }
0x208: {  	v1 =	vld.idx.msk [tilespmem:v61+s22+$0x0], $0xffff  }
0x209: {  	v3 =	vld.idx.msk [tilespmem:v62+s15+$0x0], $0xffff  }
0x20a: {  	v4 =	vor.u32 v12, v4  }
0x20b: {  	p6 =	sgt.s32 s5, $0xF41FF  }
0x20c: {  	p2 =	slt.s32 s5, $0xF4200;
	s11 =	smov.u32 s5;
	s13 =	spop (v2sf)  }
0x20d: {  	s11 =	simm.s32 @!p2 $0xF4200;
	p2 =	sgt.s32 s5, $0xF4200;
	s3 =	smin.u32 s13, $0x1E83  }
0x20e: {  	s11 =	sand.u32 $0x7F, s11;
	s5 =	simm.s32 @!p2 $0xF4200;
	s3 =	sshll.u32 s3, $0x7;
	v1 =	vpsel p5, v3, v1  }
0x20f: {  	s20 =	simm.s32 $0x5;
	s5 =	sadd.s32 $0xFFF0BE00, s5;
	s3 =	sadd.s32 s16, s3;
	[tilespmem:v4+s31+$0x0] =	vst.idx.msk $0xffff, v1;
	v1 =	vor.u32 s11, v9  }
0x210: {  	v3 =	vadd.s32 s5, v9;
	[tilespmem:s22], [sflag:$0x4] =	stream.strided.gather [hbm4b:s3+s17], $0x2000, s6, s17, $0x38;
	[tilespmem:$0x1CA80] =	vst v63  }
0x211: {  	s26 =	sadd.s32 $0xFFFFFFFC, s2;
	_ =	swait.ge [sflag:s20], $0x2000  }
0x212: {  	v63 =	vmov s26;
	[sflag:s20] =	ssyncset.done $0x0  }
0x213: {  	v4 =	vand.u32 $0x7B, v63;
	[sflag:s20] =	ssyncadd.s32 $0xFFFFE000  }
0x214: {  	v4 =	vbroadcast v4, $0x0;
	v1 =	vld.idx.msk [tilespmem:v1+s23+$0x0], $0xffff  }
0x215: {  	v3 =	vld.idx.msk [tilespmem:v3+s15+$0x0], $0xffff  }
0x216: {  	v16 =	vor.u32 v9, v4  }
0x217: {  	v17 =	vor.u32 s11, v10  }
0x218: {  	v18 =	vadd.s32 s5, v10;
	_ =	sdelay $0x1  }
0x219: {  	v1 =	vpsel p6, v3, v1  }
0x21a: {  	[tilespmem:v16+s31+$0x0] =	vst.idx.msk $0xffff, v1  }
0x21b: {  	v1 =	vld.idx.msk [tilespmem:v17+s23+$0x0], $0xffff  }
0x21c: {  	v3 =	vld.idx.msk [tilespmem:v18+s15+$0x0], $0xffff  }
0x21d: {  	v19 =	vor.u32 v10, v4  }
0x21e: {  	v20 =	vor.u32 s11, v11  }
0x21f: {  	v21 =	vadd.s32 s5, v11  }
0x220: {  	(v2sf) =	vpush v0, $0x3  }
0x221: {  	v1 =	vpsel p6, v3, v1  }
0x222: {  	[tilespmem:v19+s31+$0x0] =	vst.idx.msk $0xffff, v1  }
0x223: {  	v1 =	vld.idx.msk [tilespmem:v20+s23+$0x0], $0xffff  }
0x224: {  	v3 =	vld.idx.msk [tilespmem:v21+s15+$0x0], $0xffff  }
0x225: {  	v22 =	vor.u32 v11, v4  }
0x226: {  	v23 =	vor.u32 s11, v12  }
0x227: {  	v24 =	vadd.s32 s5, v12;
	_ =	sdelay $0x1  }
0x228: {  	v1 =	vpsel p6, v3, v1  }
0x229: {  	[tilespmem:v22+s31+$0x0] =	vst.idx.msk $0xffff, v1  }
0x22a: {  	v1 =	vld.idx.msk [tilespmem:v23+s23+$0x0], $0xffff  }
0x22b: {  	v3 =	vld.idx.msk [tilespmem:v24+s15+$0x0], $0xffff  }
0x22c: {  	v4 =	vor.u32 v12, v4  }
0x22d: {  	p3 =	sgt.s32 s12, $0xF41FF  }
0x22e: {  	p2 =	slt.s32 s12, $0xF4200;
	s5 =	smov.u32 s12;
	s13 =	spop (v2sf)  }
0x22f: {  	s5 =	simm.s32 @!p2 $0xF4200;
	p2 =	sgt.s32 s12, $0xF4200;
	s3 =	smin.u32 s13, $0x1E83  }
0x230: {  	s5 =	sand.u32 $0x7F, s5;
	s12 =	simm.s32 @!p2 $0xF4200;
	s3 =	sshll.u32 s3, $0x7;
	v1 =	vpsel p6, v3, v1  }
0x231: {  	s20 =	sadd.s32 $0xFFF0BE00, s12;
	s12 =	simm.s32 $0x6;
	s3 =	sadd.s32 s16, s3;
	[tilespmem:v4+s31+$0x0] =	vst.idx.msk $0xffff, v1;
	v1 =	vor.u32 s5, v9  }
0x232: {  	v3 =	vadd.s32 s20, v9;
	[tilespmem:s23], [sflag:$0x5] =	stream.strided.gather [hbm4b:s3+s17], $0x2000, s6, s17, $0x38;
	[tilespmem:$0x1CA80] =	vst v63  }
0x233: {  	s26 =	sadd.s32 $0xFFFFFFFD, s2;
	_ =	swait.ge [sflag:s12], $0x2000  }
0x234: {  	v25 =	vmov s26;
	[sflag:s12] =	ssyncset.done $0x0  }
0x235: {  	v4 =	vand.u32 $0x7C, v25;
	[sflag:s12] =	ssyncadd.s32 $0xFFFFE000  }
0x236: {  	v4 =	vbroadcast v4, $0x0;
	v1 =	vld.idx.msk [tilespmem:v1+s24+$0x0], $0xffff  }
0x237: {  	v3 =	vld.idx.msk [tilespmem:v3+s15+$0x0], $0xffff  }
0x238: {  	v26 =	vor.u32 v9, v4  }
0x239: {  	v27 =	vor.u32 s5, v10  }
0x23a: {  	v28 =	vadd.s32 s20, v10;
	_ =	sdelay $0x1  }
0x23b: {  	v1 =	vpsel p3, v3, v1  }
0x23c: {  	[tilespmem:v26+s31+$0x0] =	vst.idx.msk $0xffff, v1  }
0x23d: {  	v1 =	vld.idx.msk [tilespmem:v27+s24+$0x0], $0xffff  }
0x23e: {  	v3 =	vld.idx.msk [tilespmem:v28+s15+$0x0], $0xffff  }
0x23f: {  	v29 =	vor.u32 v10, v4  }
0x240: {  	v30 =	vor.u32 s5, v11  }
0x241: {  	v31 =	vadd.s32 s20, v11;
	(v2sf) =	vpush v0, $0x4;
	_ =	sdelay $0x1  }
0x242: {  	v1 =	vpsel p3, v3, v1  }
0x243: {  	[tilespmem:v29+s31+$0x0] =	vst.idx.msk $0xffff, v1  }
0x244: {  	v1 =	vld.idx.msk [tilespmem:v30+s24+$0x0], $0xffff  }
0x245: {  	v3 =	vld.idx.msk [tilespmem:v31+s15+$0x0], $0xffff  }
0x246: {  	v32 =	vor.u32 v11, v4  }
0x247: {  	v33 =	vor.u32 s5, v12  }
0x248: {  	v34 =	vadd.s32 s20, v12;
	_ =	sdelay $0x1  }
0x249: {  	v1 =	vpsel p3, v3, v1  }
0x24a: {  	[tilespmem:v32+s31+$0x0] =	vst.idx.msk $0xffff, v1  }
0x24b: {  	v1 =	vld.idx.msk [tilespmem:v33+s24+$0x0], $0xffff  }
0x24c: {  	v3 =	vld.idx.msk [tilespmem:v34+s15+$0x0], $0xffff  }
0x24d: {  	v4 =	vor.u32 v12, v4  }
0x24e: {  	s5 =	spop (v2sf)  }
0x24f: {  	p2 =	slt.s32 s4, $0xF4200;
	s3 =	smin.u32 s5, $0x1E83;
	s5 =	smov.u32 s4  }
0x250: {  	p4 =	sgt.s32 s4, $0xF41FF;
	s5 =	simm.s32 @!p2 $0xF4200;
	p2 =	sgt.s32 s4, $0xF4200  }
0x251: {  	s3 =	sshll.u32 s3, $0x7;
	s5 =	sand.u32 $0x7F, s5;
	s4 =	simm.s32 @!p2 $0xF4200;
	v1 =	vpsel p3, v3, v1  }
0x252: {  	s3 =	sadd.s32 s16, s3;
	s4 =	sadd.s32 $0xFFF0BE00, s4;
	[tilespmem:v4+s31+$0x0] =	vst.idx.msk $0xffff, v1;
	v1 =	vor.u32 s5, v9  }
0x253: {  	v3 =	vadd.s32 s4, v9;
	[tilespmem:s24], [sflag:$0x6] =	stream.strided.gather [hbm4b:s3+s17], $0x2000, s6, s17, $0x38;
	[tilespmem:$0x1CA80] =	vst v63  }
0x254: {  	s6 =	sadd.s32 $0xFFFFFFFE, s2;
	_ =	swait.ge [sflag:s8], $0x2000  }
0x255: {  	v35 =	vmov s6;
	[sflag:s8] =	ssyncset.done $0x0  }
0x256: {  	v4 =	vand.u32 $0x7D, v35;
	[sflag:s8] =	ssyncadd.s32 $0xFFFFE000  }
0x257: {  	v4 =	vbroadcast v4, $0x0;
	v1 =	vld.idx.msk [tilespmem:v1+s25+$0x0], $0xffff  }
0x258: {  	v3 =	vld.idx.msk [tilespmem:v3+s15+$0x0], $0xffff  }
0x259: {  	v36 =	vor.u32 v9, v4  }
0x25a: {  	v37 =	vor.u32 s5, v10  }
0x25b: {  	v38 =	vadd.s32 s4, v10;
	_ =	sdelay $0x1  }
0x25c: {  	v1 =	vpsel p4, v3, v1  }
0x25d: {  	[tilespmem:v36+s31+$0x0] =	vst.idx.msk $0xffff, v1  }
0x25e: {  	v1 =	vld.idx.msk [tilespmem:v37+s25+$0x0], $0xffff  }
0x25f: {  	v3 =	vld.idx.msk [tilespmem:v38+s15+$0x0], $0xffff  }
0x260: {  	v39 =	vor.u32 v10, v4  }
0x261: {  	v40 =	vor.u32 s5, v11  }
0x262: {  	v41 =	vadd.s32 s4, v11  }
0x263: {  	(v2sf) =	vpush v0, $0x5  }
0x264: {  	v1 =	vpsel p4, v3, v1  }
0x265: {  	[tilespmem:v39+s31+$0x0] =	vst.idx.msk $0xffff, v1  }
0x266: {  	v1 =	vld.idx.msk [tilespmem:v40+s25+$0x0], $0xffff  }
0x267: {  	v3 =	vld.idx.msk [tilespmem:v41+s15+$0x0], $0xffff  }
0x268: {  	v42 =	vor.u32 v11, v4  }
0x269: {  	v43 =	vor.u32 s5, v12  }
0x26a: {  	v44 =	vadd.s32 s4, v12;
	_ =	sdelay $0x1  }
0x26b: {  	v1 =	vpsel p4, v3, v1  }
0x26c: {  	[tilespmem:v42+s31+$0x0] =	vst.idx.msk $0xffff, v1  }
0x26d: {  	v1 =	vld.idx.msk [tilespmem:v43+s25+$0x0], $0xffff  }
0x26e: {  	v3 =	vld.idx.msk [tilespmem:v44+s15+$0x0], $0xffff  }
0x26f: {  	v4 =	vor.u32 v12, v4  }
0x270: {  	p5 =	sgt.s32 s30, $0xF41FF;
	p2 =	slt.s32 s30, $0xF4200;
	s4 =	smov.u32 s30  }
0x271: {  	s4 =	simm.s32 @!p2 $0xF4200;
	p2 =	sgt.s32 s30, $0xF4200;
	s9 =	spop (v2sf)  }
0x272: {  	s17 =	simm.s32 $0x7A1400;
	s30 =	simm.s32 @!p2 $0xF4200;
	s3 =	smin.u32 s9, $0x1E83  }
0x273: {  	s4 =	sand.u32 $0x7F, s4;
	s11 =	sadd.s32 $0xFFF0BE00, s30;
	s3 =	sshll.u32 s3, $0x7;
	v1 =	vpsel p4, v3, v1  }
0x274: {  	s30 =	smov.u32 s16;
	s3 =	sadd.s32 s16, s3;
	s16 =	simm.s32 $0x400;
	[tilespmem:v4+s31+$0x0] =	vst.idx.msk $0xffff, v1;
	v1 =	vor.u32 s4, v9  }
0x275: {  	v3 =	vadd.s32 s11, v9;
	[tilespmem:s25], [sflag:$0x7] =	stream.strided.gather [hbm4b:s3+s16], $0x2000, s17, s16, $0x38;
	[tilespmem:$0x1CA80] =	vst v63  }
0x276: {  	s13 =	sadd.s32 $0xFFFFFFFF, s2;
	_ =	swait.ge [sflag:s19], $0x2000  }
0x277: {  	v45 =	vmov s13;
	[sflag:s19] =	ssyncset.done $0x0  }
0x278: {  	v4 =	vand.u32 $0x7E, v45;
	[sflag:s19] =	ssyncadd.s32 $0xFFFFE000  }
0x279: {  	v4 =	vbroadcast v4, $0x0;
	v1 =	vld.idx.msk [tilespmem:v1+s1+$0x0], $0xffff  }
0x27a: {  	v3 =	vld.idx.msk [tilespmem:v3+s15+$0x0], $0xffff  }
0x27b: {  	v46 =	vor.u32 v9, v4  }
0x27c: {  	v47 =	vor.u32 s4, v10  }
0x27d: {  	v48 =	vadd.s32 s11, v10;
	_ =	sdelay $0x1  }
0x27e: {  	v1 =	vpsel p5, v3, v1  }
0x27f: {  	[tilespmem:v46+s31+$0x0] =	vst.idx.msk $0xffff, v1  }
0x280: {  	v1 =	vld.idx.msk [tilespmem:v47+s1+$0x0], $0xffff  }
0x281: {  	v3 =	vld.idx.msk [tilespmem:v48+s15+$0x0], $0xffff  }
0x282: {  	v49 =	vor.u32 v10, v4  }
0x283: {  	v50 =	vor.u32 s4, v11  }
0x284: {  	v51 =	vadd.s32 s11, v11  }
0x285: {  	(v2sf) =	vpush v0, $0x6  }
0x286: {  	v1 =	vpsel p5, v3, v1  }
0x287: {  	[tilespmem:v49+s31+$0x0] =	vst.idx.msk $0xffff, v1  }
0x288: {  	v1 =	vld.idx.msk [tilespmem:v50+s1+$0x0], $0xffff  }
0x289: {  	v3 =	vld.idx.msk [tilespmem:v51+s15+$0x0], $0xffff  }
0x28a: {  	v52 =	vor.u32 v11, v4  }
0x28b: {  	v53 =	vor.u32 s4, v12  }
0x28c: {  	v54 =	vadd.s32 s11, v12;
	_ =	sdelay $0x1  }
0x28d: {  	v1 =	vpsel p5, v3, v1  }
0x28e: {  	[tilespmem:v52+s31+$0x0] =	vst.idx.msk $0xffff, v1  }
0x28f: {  	v1 =	vld.idx.msk [tilespmem:v53+s1+$0x0], $0xffff  }
0x290: {  	v3 =	vld.idx.msk [tilespmem:v54+s15+$0x0], $0xffff  }
0x291: {  	v4 =	vor.u32 v12, v4  }
0x292: {  	p6 =	sgt.s32 s0, $0xF41FF  }
0x293: {  	p2 =	slt.s32 s0, $0xF4200;
	s4 =	smov.u32 s0;
	s20 =	spop (v2sf)  }
0x294: {  	s4 =	simm.s32 @!p2 $0xF4200;
	p2 =	sgt.s32 s0, $0xF4200;
	s3 =	smin.u32 s20, $0x1E83  }
0x295: {  	s4 =	sand.u32 $0x7F, s4;
	s0 =	simm.s32 @!p2 $0xF4200;
	s3 =	sshll.u32 s3, $0x7;
	v1 =	vpsel p5, v3, v1  }
0x296: {  	s0 =	sadd.s32 $0xFFF0BE00, s0;
	s3 =	sadd.s32 s30, s3;
	[tilespmem:v4+s31+$0x0] =	vst.idx.msk $0xffff, v1;
	v1 =	vor.u32 s4, v9  }
0x297: {  	v3 =	vadd.s32 s0, v9;
	[tilespmem:s1], [sflag:$0x8] =	stream.strided.gather [hbm4b:s3+s16], $0x2000, s17, s16, $0x38;
	[tilespmem:$0x1CA80] =	vst v63  }
0x298: {  	s5 =	rddreg [dreg:$0x13];
	_ =	swait.ge [sflag:s7], $0x2000  }
0x299: {  	v55 =	vmov s2;
	[sflag:s7] =	ssyncset.done $0x0  }
0x29a: {  	v4 =	vand.u32 $0x7F, v55;
	[sflag:s7] =	ssyncadd.s32 $0xFFFFE000  }
0x29b: {  	v4 =	vbroadcast v4, $0x0;
	v1 =	vld.idx.msk [tilespmem:v1+s10+$0x0], $0xffff  }
0x29c: {  	v3 =	vld.idx.msk [tilespmem:v3+s15+$0x0], $0xffff  }
0x29d: {  	v56 =	vor.u32 v9, v4  }
0x29e: {  	v57 =	vor.u32 s4, v10  }
0x29f: {  	v58 =	vadd.s32 s0, v10;
	_ =	sdelay $0x1  }
0x2a0: {  	v1 =	vpsel p6, v3, v1  }
0x2a1: {  	[tilespmem:v56+s31+$0x0] =	vst.idx.msk $0xffff, v1  }
0x2a2: {  	v1 =	vld.idx.msk [tilespmem:v57+s10+$0x0], $0xffff  }
0x2a3: {  	v3 =	vld.idx.msk [tilespmem:v58+s15+$0x0], $0xffff  }
0x2a4: {  	v59 =	vor.u32 v10, v4  }
0x2a5: {  	v60 =	vor.u32 s4, v11  }
0x2a6: {  	v61 =	vadd.s32 s0, v11  }
0x2a7: {  	(v2sf) =	vpush v0, $0x7  }
0x2a8: {  	v0 =	vpsel p6, v3, v1  }
0x2a9: {  	[tilespmem:v59+s31+$0x0] =	vst.idx.msk $0xffff, v0  }
0x2aa: {  	v0 =	vld.idx.msk [tilespmem:v60+s10+$0x0], $0xffff  }
0x2ab: {  	v1 =	vld.idx.msk [tilespmem:v61+s15+$0x0], $0xffff  }
0x2ac: {  	v3 =	vor.u32 v11, v4  }
0x2ad: {  	v62 =	vor.u32 s4, v12  }
0x2ae: {  	v63 =	vadd.s32 s0, v12;
	_ =	sdelay $0x1  }
0x2af: {  	v0 =	vpsel p6, v1, v0  }
0x2b0: {  	[tilespmem:v3+s31+$0x0] =	vst.idx.msk $0xffff, v0  }
0x2b1: {  	v0 =	vld.idx.msk [tilespmem:v62+s10+$0x0], $0xffff  }
0x2b2: {  	v1 =	vld.idx.msk [tilespmem:v63+s15+$0x0], $0xffff  }
0x2b3: {  	v3 =	vor.u32 v12, v4  }
0x2b4: {  	p0 =	sne.s32 s2, $0x7F  }
.Ltmp1:
0x2b5: {  	s26 =	spop (v2sf);
	(pc) =	sbr.rel @p0 .LBB2_5-.Ltmp1, $4  }
0x2b6: {  	s0 =	smin.u32 s26, $0x1E83  }
0x2b7: {  	s0 =	sshll.u32 s0, $0x7;
	v0 =	vpsel p6, v1, v0  }
0x2b8: {  	s18 =	sadd.s32 $0x10, s18;
	s2 =	sadd.s32 $0x10, s2;
	s0 =	sadd.s32 s30, s0;
	[tilespmem:v3+s31+$0x0] =	vst.idx.msk $0xffff, v0  }
0x2b9: {  	[tilespmem:s10], [sflag:$0x9] =	stream.strided.gather [hbm4b:s0+s16], $0x2000, s17, s16, $0x38;
	[tilespmem:$0x1CA80] =	vst v63  }
0x2ba: {  	s0 =	simm.s32 $0x1  }
0x2bb: {  	_ =	swait.ge [sflag:s0], $0x4000  }
0x2bc: {  	[sflag:s0] =	ssyncset.done $0x0  }
0x2bd: {  	[sflag:s0] =	ssyncadd.s32 $0xFFFFC000  }
0x2be: {  	_ =	swait.ge [sflag:s0], $0x4000  }
0x2bf: {  	[sflag:s0] =	ssyncset.done $0x0  }
0x2c0: {  	s4 =	rddreg [dreg:$0x12];
	[sflag:s0] =	ssyncadd.s32 $0xFFFFC000  }
0x2c1: {  	v0 =	vld [tilespmem:s4+$0x0];
	_ =	sdelay $0x2  }
0x2c2: {  	s26 =	simm.s32 $0x0  }
0x2c3: {  	v1 =	vmov s26  }
0x2c4: {  	v1 =	vshll.u32 v1, $0x7;
	v0 =	vshll.u32 v0, $0x6  }
0x2c5: {  	v1 =	vor.u32 v9, v1;
	v0 =	vand.u32 $0x40, v0  }
0x2c6: {  	v5 =	vor.u32 v1, v0;
	_ =	sdelay $0x1  }
0x2c7: {  	s2 =	simm.s32 $0x1B600  }
0x2c8: {  	v24 =	vld [tilespmem:s2+$0xFFFFF000];
	_ =	sdelay $0x1  }
0x2c9: {  	v25 =	vld.idx.msk [tilespmem:v5+s28+$0x0], $0xffff  }
0x2ca: {  	v0 =	vor.u32 $0x1, v5  }
0x2cb: {  	v36 =	vld.idx.msk [tilespmem:v5+s29+$0x0], $0xffff  }
0x2cc: {  	v1 =	vmul.f32 v24, v24  }
0x2cd: {  	v3 =	vld [tilespmem:s2+$0xFFFFF080]  }
0x2ce: {  	v1 =	vadd.f32 v1, v2;
	v2 =	vmul.f32 v25, v25  }
0x2cf: {  	v45 =	vld.idx.msk [tilespmem:v0+s28+$0x0], $0xffff  }
0x2d0: {  	v4 =	vor.u32 $0x2, v5;
	v1 =	vadd.f32 v2, v1;
	v2 =	vmul.f32 v36, v36  }
0x2d1: {  	v37 =	vld.idx.msk [tilespmem:v0+s29+$0x0], $0xffff  }
0x2d2: {  	v0 =	vadd.f32 v2, v1;
	v1 =	vmul.f32 v3, v3  }
0x2d3: {  	v39 =	vld [tilespmem:s2+$0xFFFFF100]  }
0x2d4: {  	v0 =	vadd.f32 v1, v0;
	v1 =	vmul.f32 v45, v45  }
0x2d5: {  	v47 =	vld.idx.msk [tilespmem:v4+s28+$0x0], $0xffff  }
0x2d6: {  	v2 =	vor.u32 $0x3, v5;
	v0 =	vadd.f32 v1, v0;
	v1 =	vmul.f32 v37, v37  }
0x2d7: {  	v7 =	vld.idx.msk [tilespmem:v4+s29+$0x0], $0xffff  }
0x2d8: {  	v0 =	vadd.f32 v1, v0;
	v1 =	vmul.f32 v39, v39  }
0x2d9: {  	v22 =	vld [tilespmem:s2+$0xFFFFF180]  }
0x2da: {  	v0 =	vadd.f32 v1, v0;
	v1 =	vmul.f32 v47, v47  }
0x2db: {  	v6 =	vld.idx.msk [tilespmem:v2+s28+$0x0], $0xffff  }
0x2dc: {  	v12 =	vor.u32 $0x4, v5;
	v0 =	vadd.f32 v1, v0;
	v1 =	vmul.f32 v7, v7  }
0x2dd: {  	v13 =	vld.idx.msk [tilespmem:v2+s29+$0x0], $0xffff  }
0x2de: {  	v2 =	vmul.f32 v22, v22;
	v1 =	vadd.f32 v1, v0  }
0x2df: {  	v38 =	vld [tilespmem:s2+$0xFFFFF200]  }
0x2e0: {  	v1 =	vadd.f32 v2, v1;
	v2 =	vmul.f32 v6, v6  }
0x2e1: {  	v0 =	vld.idx.msk [tilespmem:v12+s28+$0x0], $0xffff  }
0x2e2: {  	v14 =	vor.u32 $0x5, v5;
	v1 =	vadd.f32 v2, v1;
	v2 =	vmul.f32 v13, v13  }
0x2e3: {  	v15 =	vld.idx.msk [tilespmem:v12+s29+$0x0], $0xffff  }
0x2e4: {  	v1 =	vadd.f32 v2, v1;
	v2 =	vmul.f32 v38, v38  }
0x2e5: {  	v19 =	vld [tilespmem:s2+$0xFFFFF280]  }
0x2e6: {  	v1 =	vadd.f32 v2, v1;
	v2 =	vmul.f32 v0, v0  }
0x2e7: {  	[tilespmem:$0x1FC20] =	vst v0;
	v0 =	vld.idx.msk [tilespmem:v14+s28+$0x0], $0xffff  }
0x2e8: {  	v17 =	vor.u32 $0x6, v5;
	v1 =	vadd.f32 v2, v1;
	v2 =	vmul.f32 v15, v15  }
0x2e9: {  	v8 =	vld.idx.msk [tilespmem:v14+s29+$0x0], $0xffff  }
0x2ea: {  	v18 =	vmul.f32 v19, v19;
	v2 =	vadd.f32 v2, v1  }
0x2eb: {  	v29 =	vld [tilespmem:s2+$0xFFFFF300]  }
0x2ec: {  	v20 =	vmul.f32 v0, v0;
	v2 =	vadd.f32 v18, v2  }
0x2ed: {  	[tilespmem:$0x1FC40] =	vst v0;
	v0 =	vld.idx.msk [tilespmem:v17+s28+$0x0], $0xffff  }
0x2ee: {  	v21 =	vor.u32 $0x7, v5;
	v23 =	vmul.f32 v8, v8;
	v2 =	vadd.f32 v20, v2  }
0x2ef: {  	v1 =	vld.idx.msk [tilespmem:v17+s29+$0x0], $0xffff  }
0x2f0: {  	v26 =	vmul.f32 v29, v29;
	v2 =	vadd.f32 v23, v2  }
0x2f1: {  	v41 =	vld [tilespmem:s2+$0xFFFFF380]  }
0x2f2: {  	v27 =	vmul.f32 v0, v0;
	v2 =	vadd.f32 v26, v2  }
0x2f3: {  	[tilespmem:$0x1FC60] =	vst v0;
	v0 =	vld.idx.msk [tilespmem:v21+s28+$0x0], $0xffff  }
0x2f4: {  	v28 =	vor.u32 $0x8, v5;
	v30 =	vmul.f32 v1, v1;
	v2 =	vadd.f32 v27, v2  }
0x2f5: {  	[tilespmem:$0x1FC50] =	vst v1;
	v1 =	vld.idx.msk [tilespmem:v21+s29+$0x0], $0xffff  }
0x2f6: {  	v31 =	vmul.f32 v41, v41;
	v2 =	vadd.f32 v30, v2  }
0x2f7: {  	v17 =	vld [tilespmem:s2+$0xFFFFF400]  }
0x2f8: {  	v32 =	vmul.f32 v0, v0;
	v2 =	vadd.f32 v31, v2  }
0x2f9: {  	[tilespmem:$0x1FC80] =	vst v0;
	v0 =	vld.idx.msk [tilespmem:v28+s28+$0x0], $0xffff  }
0x2fa: {  	v33 =	vor.u32 $0x9, v5;
	v34 =	vmul.f32 v1, v1;
	v2 =	vadd.f32 v32, v2  }
0x2fb: {  	[tilespmem:$0x1FC70] =	vst v1;
	v1 =	vld.idx.msk [tilespmem:v28+s29+$0x0], $0xffff  }
0x2fc: {  	v35 =	vmul.f32 v17, v17;
	v2 =	vadd.f32 v34, v2  }
0x2fd: {  	v21 =	vld [tilespmem:s2+$0xFFFFF480]  }
0x2fe: {  	v40 =	vmul.f32 v0, v0;
	v2 =	vadd.f32 v35, v2  }
0x2ff: {  	[tilespmem:$0x1FCA0] =	vst v0;
	v0 =	vld.idx.msk [tilespmem:v33+s28+$0x0], $0xffff  }
0x300: {  	v42 =	vor.u32 $0xA, v5;
	v43 =	vmul.f32 v1, v1;
	v2 =	vadd.f32 v40, v2  }
0x301: {  	[tilespmem:$0x1FC90] =	vst v1;
	v1 =	vld.idx.msk [tilespmem:v33+s29+$0x0], $0xffff  }
0x302: {  	v44 =	vmul.f32 v21, v21;
	v2 =	vadd.f32 v43, v2  }
0x303: {  	v32 =	vld [tilespmem:s2+$0xFFFFF500]  }
0x304: {  	v46 =	vmul.f32 v0, v0;
	v2 =	vadd.f32 v44, v2  }
0x305: {  	[tilespmem:$0x1FCC0] =	vst v0;
	v0 =	vld.idx.msk [tilespmem:v42+s28+$0x0], $0xffff  }
0x306: {  	v48 =	vor.u32 $0xB, v5;
	v49 =	vmul.f32 v1, v1;
	v2 =	vadd.f32 v46, v2  }
0x307: {  	[tilespmem:$0x1FCB0] =	vst v1;
	v1 =	vld.idx.msk [tilespmem:v42+s29+$0x0], $0xffff  }
0x308: {  	v50 =	vmul.f32 v32, v32;
	v2 =	vadd.f32 v49, v2  }
0x309: {  	v27 =	vld [tilespmem:s2+$0xFFFFF580]  }
0x30a: {  	v51 =	vmul.f32 v0, v0;
	v2 =	vadd.f32 v50, v2  }
0x30b: {  	[tilespmem:$0x1FCD0] =	vst v0;
	v0 =	vld.idx.msk [tilespmem:v48+s28+$0x0], $0xffff  }
0x30c: {  	v52 =	vor.u32 $0xC, v5;
	v53 =	vmul.f32 v1, v1;
	v2 =	vadd.f32 v51, v2  }
0x30d: {  	[tilespmem:$0x1FCE0] =	vst v1;
	v1 =	vld.idx.msk [tilespmem:v48+s29+$0x0], $0xffff  }
0x30e: {  	v54 =	vmul.f32 v27, v27;
	v2 =	vadd.f32 v53, v2  }
0x30f: {  	v26 =	vld [tilespmem:s2+$0xFFFFF600]  }
0x310: {  	v55 =	vmul.f32 v0, v0;
	v2 =	vadd.f32 v54, v2  }
0x311: {  	[tilespmem:$0x1FD00] =	vst v0;
	v0 =	vld.idx.msk [tilespmem:v52+s28+$0x0], $0xffff  }
0x312: {  	v56 =	vor.u32 $0xD, v5;
	v57 =	vmul.f32 v1, v1;
	v2 =	vadd.f32 v55, v2  }
0x313: {  	[tilespmem:$0x1FCF0] =	vst v1;
	v1 =	vld.idx.msk [tilespmem:v52+s29+$0x0], $0xffff  }
0x314: {  	v58 =	vmul.f32 v26, v26;
	v2 =	vadd.f32 v57, v2  }
0x315: {  	v28 =	vld [tilespmem:s2+$0xFFFFF680]  }
0x316: {  	v59 =	vmul.f32 v0, v0;
	v2 =	vadd.f32 v58, v2  }
0x317: {  	[tilespmem:$0x1FD30] =	vst v0;
	v0 =	vld.idx.msk [tilespmem:v56+s28+$0x0], $0xffff  }
0x318: {  	v60 =	vor.u32 $0xE, v5;
	v61 =	vmul.f32 v1, v1;
	v2 =	vadd.f32 v59, v2  }
0x319: {  	[tilespmem:$0x1FD10] =	vst v1;
	v1 =	vld.idx.msk [tilespmem:v56+s29+$0x0], $0xffff  }
0x31a: {  	v62 =	vmul.f32 v28, v28;
	v2 =	vadd.f32 v61, v2  }
0x31b: {  	v35 =	vld [tilespmem:s2+$0xFFFFF700]  }
0x31c: {  	v63 =	vmul.f32 v0, v0;
	v2 =	vadd.f32 v62, v2  }
0x31d: {  	[tilespmem:$0x1FD50] =	vst v0;
	v0 =	vld.idx.msk [tilespmem:v60+s28+$0x0], $0xffff  }
0x31e: {  	v9 =	vor.u32 $0xF, v5;
	v10 =	vmul.f32 v1, v1;
	v2 =	vadd.f32 v63, v2  }
0x31f: {  	[tilespmem:$0x1FD20] =	vst v1;
	v1 =	vld.idx.msk [tilespmem:v60+s29+$0x0], $0xffff  }
0x320: {  	v11 =	vmul.f32 v35, v35;
	v2 =	vadd.f32 v10, v2  }
0x321: {  	v40 =	vld [tilespmem:s2+$0xFFFFF780]  }
0x322: {  	v12 =	vmul.f32 v0, v0;
	v2 =	vadd.f32 v11, v2  }
0x323: {  	[tilespmem:$0x1FD70] =	vst v0;
	v0 =	vld.idx.msk [tilespmem:v9+s28+$0x0], $0xffff  }
0x324: {  	[tilespmem:$0x1FBF0] =	vst v13;
	v13 =	vor.u32 $0x10, v5;
	v14 =	vmul.f32 v1, v1;
	v2 =	vadd.f32 v12, v2  }
0x325: {  	[tilespmem:$0x1FD40] =	vst v1;
	v1 =	vld.idx.msk [tilespmem:v9+s29+$0x0], $0xffff  }
0x326: {  	[tilespmem:$0x1FC10] =	vst v15;
	v15 =	vmul.f32 v40, v40;
	v2 =	vadd.f32 v14, v2  }
0x327: {  	v46 =	vld [tilespmem:s2+$0xFFFFF800]  }
0x328: {  	v16 =	vmul.f32 v0, v0;
	v2 =	vadd.f32 v15, v2  }
0x329: {  	[tilespmem:$0x1FD90] =	vst v0;
	v0 =	vld.idx.msk [tilespmem:v13+s28+$0x0], $0xffff  }
0x32a: {  	v18 =	vor.u32 $0x11, v5;
	v20 =	vmul.f32 v1, v1;
	v2 =	vadd.f32 v16, v2  }
0x32b: {  	[tilespmem:$0x1FD60] =	vst v1;
	v1 =	vld.idx.msk [tilespmem:v13+s29+$0x0], $0xffff  }
0x32c: {  	v23 =	vmul.f32 v46, v46;
	v2 =	vadd.f32 v20, v2  }
0x32d: {  	v49 =	vld [tilespmem:s2+$0xFFFFF880]  }
0x32e: {  	v30 =	vmul.f32 v0, v0;
	v2 =	vadd.f32 v23, v2  }
0x32f: {  	[tilespmem:$0x1FDA0] =	vst v0;
	v0 =	vld.idx.msk [tilespmem:v18+s28+$0x0], $0xffff  }
0x330: {  	v31 =	vor.u32 $0x12, v5;
	v33 =	vmul.f32 v1, v1;
	v2 =	vadd.f32 v30, v2  }
0x331: {  	[tilespmem:$0x1FD80] =	vst v1;
	v1 =	vld.idx.msk [tilespmem:v18+s29+$0x0], $0xffff  }
0x332: {  	v34 =	vmul.f32 v49, v49;
	v2 =	vadd.f32 v33, v2  }
0x333: {  	v50 =	vld [tilespmem:s2+$0xFFFFF900]  }
0x334: {  	v42 =	vmul.f32 v0, v0;
	v2 =	vadd.f32 v34, v2  }
0x335: {  	[tilespmem:$0x1FDC0] =	vst v0;
	v0 =	vld.idx.msk [tilespmem:v31+s28+$0x0], $0xffff  }
0x336: {  	v43 =	vor.u32 $0x13, v5;
	v44 =	vmul.f32 v1, v1;
	v2 =	vadd.f32 v42, v2  }
0x337: {  	[tilespmem:$0x1FDB0] =	vst v1;
	v1 =	vld.idx.msk [tilespmem:v31+s29+$0x0], $0xffff  }
0x338: {  	v48 =	vmul.f32 v50, v50;
	v2 =	vadd.f32 v44, v2  }
0x339: {  	v53 =	vld [tilespmem:s2+$0xFFFFF980]  }
0x33a: {  	v56 =	vmul.f32 v0, v0;
	v2 =	vadd.f32 v48, v2  }
0x33b: {  	[tilespmem:$0x1FDE0] =	vst v0;
	v0 =	vld.idx.msk [tilespmem:v43+s28+$0x0], $0xffff  }
0x33c: {  	v57 =	vor.u32 $0x14, v5;
	v58 =	vmul.f32 v1, v1;
	v2 =	vadd.f32 v56, v2  }
0x33d: {  	[tilespmem:$0x1FDD0] =	vst v1;
	v1 =	vld.idx.msk [tilespmem:v43+s29+$0x0], $0xffff  }
0x33e: {  	v59 =	vmul.f32 v53, v53;
	v2 =	vadd.f32 v58, v2  }
0x33f: {  	v54 =	vld [tilespmem:s2+$0xFFFFFA00]  }
0x340: {  	v60 =	vmul.f32 v0, v0;
	v2 =	vadd.f32 v59, v2  }
0x341: {  	[tilespmem:$0x1FE00] =	vst v0;
	v0 =	vld.idx.msk [tilespmem:v57+s28+$0x0], $0xffff  }
0x342: {  	[tilespmem:$0x1FBE0] =	vst v7;
	v61 =	vor.u32 $0x15, v5;
	v7 =	vmul.f32 v1, v1;
	v2 =	vadd.f32 v60, v2  }
0x343: {  	[tilespmem:$0x1FDF0] =	vst v1;
	v1 =	vld.idx.msk [tilespmem:v57+s29+$0x0], $0xffff  }
0x344: {  	v62 =	vmul.f32 v54, v54;
	v2 =	vadd.f32 v7, v2  }
0x345: {  	v58 =	vld [tilespmem:s2+$0xFFFFFA80]  }
0x346: {  	v63 =	vmul.f32 v0, v0;
	v2 =	vadd.f32 v62, v2  }
0x347: {  	[tilespmem:$0x1FE20] =	vst v0;
	v0 =	vld.idx.msk [tilespmem:v61+s28+$0x0], $0xffff  }
0x348: {  	v9 =	vor.u32 $0x16, v5;
	v10 =	vmul.f32 v1, v1;
	v2 =	vadd.f32 v63, v2  }
0x349: {  	[tilespmem:$0x1FE10] =	vst v1;
	v1 =	vld.idx.msk [tilespmem:v61+s29+$0x0], $0xffff  }
0x34a: {  	v11 =	vmul.f32 v58, v58;
	v2 =	vadd.f32 v10, v2  }
0x34b: {  	v16 =	vld [tilespmem:s2+$0xFFFFFB00]  }
0x34c: {  	v12 =	vmul.f32 v0, v0;
	v2 =	vadd.f32 v11, v2  }
0x34d: {  	[tilespmem:$0x1FE40] =	vst v0;
	v0 =	vld.idx.msk [tilespmem:v9+s28+$0x0], $0xffff  }
0x34e: {  	v13 =	vor.u32 $0x17, v5;
	v14 =	vmul.f32 v1, v1;
	v2 =	vadd.f32 v12, v2  }
0x34f: {  	[tilespmem:$0x1FE30] =	vst v1;
	v1 =	vld.idx.msk [tilespmem:v9+s29+$0x0], $0xffff  }
0x350: {  	v15 =	vmul.f32 v16, v16;
	v2 =	vadd.f32 v14, v2  }
0x351: {  	v18 =	vld [tilespmem:s2+$0xFFFFFB80]  }
0x352: {  	v23 =	vmul.f32 v0, v0;
	v2 =	vadd.f32 v15, v2  }
0x353: {  	[tilespmem:$0x1FE50] =	vst v0;
	v0 =	vld.idx.msk [tilespmem:v13+s28+$0x0], $0xffff  }
0x354: {  	v30 =	vor.u32 $0x18, v5;
	v31 =	vmul.f32 v1, v1;
	v2 =	vadd.f32 v23, v2  }
0x355: {  	[tilespmem:$0x1FE60] =	vst v1;
	v1 =	vld.idx.msk [tilespmem:v13+s29+$0x0], $0xffff  }
0x356: {  	v33 =	vmul.f32 v18, v18;
	v2 =	vadd.f32 v31, v2  }
0x357: {  	v20 =	vld [tilespmem:s2+$0xFFFFFC00]  }
0x358: {  	v34 =	vmul.f32 v0, v0;
	v2 =	vadd.f32 v33, v2  }
0x359: {  	v42 =	vld.idx.msk [tilespmem:v30+s28+$0x0], $0xffff  }
0x35a: {  	v43 =	vor.u32 $0x19, v5;
	v44 =	vmul.f32 v1, v1;
	v2 =	vadd.f32 v34, v2  }
0x35b: {  	[tilespmem:$0x1FE70] =	vst v0;
	v0 =	vld.idx.msk [tilespmem:v30+s29+$0x0], $0xffff  }
0x35c: {  	v48 =	vmul.f32 v20, v20;
	v2 =	vadd.f32 v44, v2  }
0x35d: {  	v61 =	vld [tilespmem:s2+$0xFFFFFC80]  }
0x35e: {  	v51 =	vmul.f32 v42, v42;
	v2 =	vadd.f32 v48, v2  }
0x35f: {  	[tilespmem:$0x1FE80] =	vst v1;
	v1 =	vld.idx.msk [tilespmem:v43+s28+$0x0], $0xffff  }
0x360: {  	v52 =	vor.u32 $0x1A, v5;
	v55 =	vmul.f32 v0, v0;
	v2 =	vadd.f32 v51, v2  }
0x361: {  	[tilespmem:$0x1FEA0] =	vst v0;
	v0 =	vld.idx.msk [tilespmem:v43+s29+$0x0], $0xffff  }
0x362: {  	v56 =	vmul.f32 v61, v61;
	v2 =	vadd.f32 v55, v2  }
0x363: {  	v15 =	vld [tilespmem:s2+$0xFFFFFD00]  }
0x364: {  	v57 =	vmul.f32 v1, v1;
	v2 =	vadd.f32 v56, v2  }
0x365: {  	[tilespmem:$0x1FEB0] =	vst v1;
	v1 =	vld.idx.msk [tilespmem:v52+s28+$0x0], $0xffff  }
0x366: {  	v59 =	vor.u32 $0x1B, v5;
	v60 =	vmul.f32 v0, v0;
	v2 =	vadd.f32 v57, v2  }
0x367: {  	[tilespmem:$0x1FED0] =	vst v0;
	v0 =	vld.idx.msk [tilespmem:v52+s29+$0x0], $0xffff  }
0x368: {  	v62 =	vmul.f32 v15, v15;
	v2 =	vadd.f32 v60, v2  }
0x369: {  	v23 =	vld [tilespmem:s2+$0xFFFFFD80]  }
0x36a: {  	v63 =	vmul.f32 v1, v1;
	v2 =	vadd.f32 v62, v2  }
0x36b: {  	[tilespmem:$0x1FEC0] =	vst v1;
	v1 =	vld.idx.msk [tilespmem:v59+s28+$0x0], $0xffff  }
0x36c: {  	v9 =	vor.u32 $0x1C, v5;
	v10 =	vmul.f32 v0, v0;
	v2 =	vadd.f32 v63, v2  }
0x36d: {  	[tilespmem:$0x1FEF0] =	vst v0;
	v0 =	vld.idx.msk [tilespmem:v59+s29+$0x0], $0xffff  }
0x36e: {  	v11 =	vmul.f32 v23, v23;
	v2 =	vadd.f32 v10, v2  }
0x36f: {  	v14 =	vld [tilespmem:s2+$0xFFFFFE00]  }
0x370: {  	v30 =	vmul.f32 v1, v1;
	v2 =	vadd.f32 v11, v2  }
0x371: {  	v60 =	vld.idx.msk [tilespmem:v9+s28+$0x0], $0xffff  }
0x372: {  	v31 =	vor.u32 $0x1D, v5;
	v33 =	vmul.f32 v0, v0;
	v2 =	vadd.f32 v30, v2  }
0x373: {  	[tilespmem:$0x1FF00] =	vst v0;
	v0 =	vld.idx.msk [tilespmem:v9+s29+$0x0], $0xffff  }
0x374: {  	v34 =	vmul.f32 v14, v14;
	v2 =	vadd.f32 v33, v2  }
0x375: {  	v13 =	vld [tilespmem:s2+$0xFFFFFE80]  }
0x376: {  	[tilespmem:$0x1FE90] =	vst v42;
	v42 =	vmul.f32 v60, v60;
	v2 =	vadd.f32 v34, v2  }
0x377: {  	[tilespmem:$0x1FEE0] =	vst v1;
	v1 =	vld.idx.msk [tilespmem:v31+s28+$0x0], $0xffff  }
0x378: {  	v43 =	vor.u32 $0x1E, v5;
	v44 =	vmul.f32 v0, v0;
	v2 =	vadd.f32 v42, v2  }
0x379: {  	[tilespmem:$0x1FF20] =	vst v0;
	v0 =	vld.idx.msk [tilespmem:v31+s29+$0x0], $0xffff  }
0x37a: {  	v48 =	vmul.f32 v13, v13;
	v2 =	vadd.f32 v44, v2  }
0x37b: {  	v10 =	vld [tilespmem:s2+$0xFFFFFF00]  }
0x37c: {  	v51 =	vmul.f32 v1, v1;
	v2 =	vadd.f32 v48, v2  }
0x37d: {  	[tilespmem:$0x1FF10] =	vst v1;
	v1 =	vld.idx.msk [tilespmem:v43+s28+$0x0], $0xffff  }
0x37e: {  	v52 =	vor.u32 $0x1F, v5;
	v55 =	vmul.f32 v0, v0;
	v2 =	vadd.f32 v51, v2  }
0x37f: {  	[tilespmem:$0x1FF30] =	vst v0;
	v0 =	vld.idx.msk [tilespmem:v43+s29+$0x0], $0xffff  }
0x380: {  	v56 =	vmul.f32 v10, v10;
	v2 =	vadd.f32 v55, v2  }
0x381: {  	v12 =	vld [tilespmem:s2+$0xFFFFFF80]  }
0x382: {  	v57 =	vmul.f32 v1, v1;
	v2 =	vadd.f32 v56, v2  }
0x383: {  	[tilespmem:$0x1FF40] =	vst v1;
	v1 =	vld.idx.msk [tilespmem:v52+s28+$0x0], $0xffff  }
0x384: {  	v59 =	vor.u32 $0x20, v5;
	v11 =	vmul.f32 v0, v0;
	v2 =	vadd.f32 v57, v2  }
0x385: {  	[tilespmem:$0x1FF50] =	vst v0;
	v0 =	vld.idx.msk [tilespmem:v52+s29+$0x0], $0xffff  }
0x386: {  	v30 =	vmul.f32 v12, v12;
	v2 =	vadd.f32 v11, v2  }
0x387: {  	v11 =	vld [tilespmem:s2+$0x0]  }
0x388: {  	v31 =	vmul.f32 v1, v1;
	v2 =	vadd.f32 v30, v2  }
0x389: {  	v63 =	vld.idx.msk [tilespmem:v59+s28+$0x0], $0xffff  }
0x38a: {  	v33 =	vor.u32 $0x21, v5;
	v34 =	vmul.f32 v0, v0;
	v2 =	vadd.f32 v31, v2  }
0x38b: {  	[tilespmem:$0x1FF70] =	vst v0;
	v0 =	vld.idx.msk [tilespmem:v59+s29+$0x0], $0xffff  }
0x38c: {  	v42 =	vmul.f32 v11, v11;
	v2 =	vadd.f32 v34, v2  }
0x38d: {  	v9 =	vld [tilespmem:s2+$0x80]  }
0x38e: {  	v43 =	vmul.f32 v63, v63;
	v2 =	vadd.f32 v42, v2  }
0x38f: {  	v57 =	vld.idx.msk [tilespmem:v33+s28+$0x0], $0xffff  }
0x390: {  	v44 =	vor.u32 $0x22, v5;
	v48 =	vmul.f32 v0, v0;
	v2 =	vadd.f32 v43, v2  }
0x391: {  	[tilespmem:$0x1FF80] =	vst v0;
	v0 =	vld.idx.msk [tilespmem:v33+s29+$0x0], $0xffff  }
0x392: {  	v51 =	vmul.f32 v9, v9;
	v2 =	vadd.f32 v48, v2  }
0x393: {  	[tilespmem:$0x1FC30] =	vst v8;
	v8 =	vld [tilespmem:s2+$0x100]  }
0x394: {  	v52 =	vmul.f32 v57, v57;
	v2 =	vadd.f32 v51, v2  }
0x395: {  	v56 =	vld.idx.msk [tilespmem:v44+s28+$0x0], $0xffff  }
0x396: {  	v59 =	vor.u32 $0x23, v5;
	v62 =	vmul.f32 v0, v0;
	v2 =	vadd.f32 v52, v2  }
0x397: {  	[tilespmem:$0x1FF90] =	vst v0;
	v0 =	vld.idx.msk [tilespmem:v44+s29+$0x0], $0xffff  }
0x398: {  	v30 =	vmul.f32 v8, v8;
	v2 =	vadd.f32 v62, v2  }
0x399: {  	[tilespmem:$0x1FC00] =	vst v6;
	v6 =	vld [tilespmem:s2+$0x180]  }
0x39a: {  	v31 =	vmul.f32 v56, v56;
	v2 =	vadd.f32 v30, v2  }
0x39b: {  	v43 =	vld.idx.msk [tilespmem:v59+s28+$0x0], $0xffff  }
0x39c: {  	v33 =	vmul.f32 v0, v0;
	v30 =	vor.u32 $0x24, v5;
	v2 =	vadd.f32 v31, v2  }
0x39d: {  	v59 =	vld.idx.msk [tilespmem:v59+s29+$0x0], $0xffff  }
0x39e: {  	v34 =	vmul.f32 v6, v6;
	v2 =	vadd.f32 v33, v2  }
0x39f: {  	v44 =	vld [tilespmem:s2+$0x200]  }
0x3a0: {  	v48 =	vmul.f32 v43, v43;
	v2 =	vadd.f32 v34, v2  }
0x3a1: {  	v52 =	vld.idx.msk [tilespmem:v30+s28+$0x0], $0xffff  }
0x3a2: {  	v62 =	vmul.f32 v59, v59;
	v31 =	vor.u32 $0x25, v5;
	v2 =	vadd.f32 v48, v2  }
0x3a3: {  	[tilespmem:$0x1FFA0] =	vst v0;
	v0 =	vld.idx.msk [tilespmem:v30+s29+$0x0], $0xffff  }
0x3a4: {  	v33 =	vmul.f32 v44, v44;
	v2 =	vadd.f32 v62, v2  }
0x3a5: {  	v42 =	vld [tilespmem:s2+$0x280]  }
0x3a6: {  	v34 =	vmul.f32 v52, v52;
	v2 =	vadd.f32 v33, v2  }
0x3a7: {  	v51 =	vld.idx.msk [tilespmem:v31+s28+$0x0], $0xffff  }
0x3a8: {  	v30 =	vor.u32 $0x26, v5;
	v33 =	vmul.f32 v0, v0;
	v2 =	vadd.f32 v34, v2  }
0x3a9: {  	v62 =	vld.idx.msk [tilespmem:v31+s29+$0x0], $0xffff  }
0x3aa: {  	v55 =	vmul.f32 v42, v42;
	v48 =	vadd.f32 v33, v2  }
0x3ab: {  	v7 =	vld [tilespmem:s2+$0x300]  }
0x3ac: {  	v4 =	vmul.f32 v51, v51;
	v31 =	vadd.f32 v55, v48  }
0x3ad: {  	v48 =	vld.idx.msk [tilespmem:v30+s28+$0x0], $0xffff  }
0x3ae: {  	[tilespmem:$0x1FFB0] =	vst v0;
	v0 =	vld [tilespmem:$0x1FBE0];
	v34 =	vmul.f32 v62, v62;
	v31 =	vadd.f32 v4, v31  }
0x3af: {  	v55 =	vld.idx.msk [tilespmem:v30+s29+$0x0], $0xffff  }
0x3b0: {  	v30 =	vadd.f32 v34, v31;
	v31 =	vmul.f32 v7, v7  }
0x3b1: {  	v2 =	vld [tilespmem:$0x1FBF0]  }
0x3b2: {  	v34 =	vmul.f32 v25, v24;
	v25 =	vmul.f32 v48, v48;
	v30 =	vadd.f32 v31, v30;
	_ =	sdelay $0x1  }
0x3b3: {  	[tilespmem:$0x1FF60] =	vst v1;
	v1 =	vmul.f32 v0, v39;
	v0 =	vmul.f32 v55, v55;
	v30 =	vadd.f32 v25, v30;
	_ =	sdelay $0x1  }
0x3b4: {  	v0 =	vadd.f32 v0, v30;
	v30 =	vmul.f32 v2, v22;
	v2 =	vld [tilespmem:$0x1FC00];
	_ =	sdelay $0x2  }
0x3b5: {  	v36 =	vmul.f32 v36, v24;
	v24 =	vld [tilespmem:s2+$0x380];
	_ =	sdelay $0x1  }
0x3b6: {  	v4 =	vmul.f32 v47, v39;
	v39 =	vmul.f32 v2, v22;
	v2 =	vld [tilespmem:$0x1FC10];
	_ =	sdelay $0x2  }
0x3b7: {  	v25 =	vmul.f32 v24, v24;
	_ =	sdelay $0x1  }
0x3b8: {  	v0 =	vadd.f32 v25, v0;
	v25 =	vmul.f32 v2, v38;
	v2 =	vld [tilespmem:$0x1FC20];
	_ =	sdelay $0x4  }
0x3b9: {  	v38 =	vmul.f32 v2, v38;
	v2 =	vld [tilespmem:$0x1FC30]  }
0x3ba: {  	v37 =	vmul.f32 v37, v3;
	v3 =	vmul.f32 v45, v3;
	v34 =	vadd.f32 $0.0e+00, v34  }
0x3bb: {  	v36 =	vadd.f32 $0.0e+00, v36  }
0x3bc: {  	v3 =	vadd.f32 v3, v34  }
0x3bd: {  	v37 =	vadd.f32 v37, v36  }
0x3be: {  	v3 =	vadd.f32 v4, v3;
	v4 =	vmul.f32 v2, v19;
	v2 =	vld [tilespmem:$0x1FC40]  }
0x3bf: {  	v1 =	vadd.f32 v1, v37  }
0x3c0: {  	v33 =	vor.u32 $0x27, v5  }
0x3c1: {  	v1 =	vadd.f32 v30, v1;
	_ =	sdelay $0x1  }
0x3c2: {  	v1 =	vadd.f32 v25, v1;
	v25 =	vmul.f32 v2, v19;
	v2 =	vld [tilespmem:$0x1FC50];
	_ =	sdelay $0x1  }
0x3c3: {  	v45 =	vld.idx.msk [tilespmem:v33+s28+$0x0], $0xffff  }
0x3c4: {  	v31 =	vor.u32 $0x28, v5  }
0x3c5: {  	v47 =	vld.idx.msk [tilespmem:v33+s29+$0x0], $0xffff  }
0x3c6: {  	v34 =	vmul.f32 v2, v29;
	v2 =	vld [tilespmem:$0x1FC60]  }
0x3c7: {  	v22 =	vld [tilespmem:s2+$0x400]  }
0x3c8: {  	v30 =	vmul.f32 v45, v45  }
0x3c9: {  	v36 =	vld.idx.msk [tilespmem:v31+s28+$0x0], $0xffff;
	v1 =	vadd.f32 v4, v1  }
0x3ca: {  	v33 =	vmul.f32 v47, v47;
	v37 =	vld.idx.msk [tilespmem:v31+s29+$0x0], $0xffff;
	v0 =	vadd.f32 v30, v0  }
0x3cb: {  	v3 =	vadd.f32 v39, v3;
	v29 =	vmul.f32 v2, v29;
	v2 =	vadd.f32 v34, v1;
	v1 =	vld [tilespmem:$0x1FC70]  }
0x3cc: {  	v0 =	vadd.f32 v33, v0;
	v33 =	vmul.f32 v22, v22  }
0x3cd: {  	v3 =	vadd.f32 v38, v3  }
0x3ce: {  	v0 =	vadd.f32 v33, v0;
	v4 =	vmul.f32 v36, v36  }
0x3cf: {  	v3 =	vadd.f32 v25, v3  }
0x3d0: {  	v25 =	vmul.f32 v1, v41;
	v1 =	vadd.f32 v4, v0;
	v0 =	vmul.f32 v37, v37;
	_ =	sdelay $0x1  }
0x3d1: {  	v0 =	vadd.f32 v0, v1;
	v1 =	vld [tilespmem:$0x1FC90];
	_ =	sdelay $0x4  }
0x3d2: {  	v39 =	vor.u32 $0x29, v5;
	v2 =	vadd.f32 v25, v2;
	v1 =	vmul.f32 v1, v17;
	_ =	sdelay $0x1  }
0x3d3: {  	v2 =	vadd.f32 v1, v2;
	v1 =	vld [tilespmem:$0x1FCB0]  }
0x3d4: {  	v30 =	vld [tilespmem:$0x1FCA0]  }
0x3d5: {  	v33 =	vld [tilespmem:$0x1FC80]  }
0x3d6: {  	v38 =	vld.idx.msk [tilespmem:v39+s29+$0x0], $0xffff  }
0x3d7: {  	v34 =	vld.idx.msk [tilespmem:v39+s28+$0x0], $0xffff  }
0x3d8: {  	v39 =	vmul.f32 v1, v21;
	v1 =	vld [tilespmem:$0x1FCC0];
	_ =	sdelay $0x3  }
0x3d9: {  	v3 =	vadd.f32 v29, v3;
	v29 =	vmul.f32 v33, v41;
	v33 =	vmul.f32 v30, v17;
	v30 =	vld [tilespmem:$0x1FCE0]  }
0x3da: {  	v21 =	vmul.f32 v1, v21;
	v1 =	vld [tilespmem:$0x1FCD0];
	_ =	sdelay $0x4  }
0x3db: {  	v2 =	vadd.f32 v39, v2;
	v1 =	vmul.f32 v1, v32;
	v32 =	vmul.f32 v30, v32  }
0x3dc: {  	v19 =	vld [tilespmem:s2+$0x480]  }
0x3dd: {  	v2 =	vadd.f32 v32, v2;
	v32 =	vld [tilespmem:$0x1FCF0]  }
0x3de: {  	v3 =	vadd.f32 v29, v3  }
0x3df: {  	v30 =	vld [tilespmem:$0x1FD00]  }
0x3e0: {  	v3 =	vadd.f32 v33, v3  }
0x3e1: {  	v25 =	vmul.f32 v19, v19  }
0x3e2: {  	v17 =	vld [tilespmem:s2+$0x500];
	v3 =	vadd.f32 v21, v3;
	v39 =	vmul.f32 v32, v27  }
0x3e3: {  	v0 =	vadd.f32 v25, v0;
	v25 =	vmul.f32 v34, v34  }
0x3e4: {  	v1 =	vadd.f32 v1, v3;
	v27 =	vmul.f32 v30, v27;
	v2 =	vadd.f32 v39, v2;
	v39 =	vld [tilespmem:$0x1FD10]  }
0x3e5: {  	v41 =	vor.u32 $0x2B, v5;
	v0 =	vadd.f32 v25, v0;
	v25 =	vmul.f32 v38, v38;
	v30 =	vld [tilespmem:$0x1FD20]  }
0x3e6: {  	v1 =	vadd.f32 v27, v1;
	v27 =	vld [tilespmem:$0x1FD30]  }
0x3e7: {  	v31 =	vor.u32 $0x2A, v5;
	v0 =	vadd.f32 v25, v0;
	v25 =	vmul.f32 v17, v17;
	_ =	sdelay $0x1  }
0x3e8: {  	v0 =	vadd.f32 v25, v0;
	v25 =	vmul.f32 v39, v26  }
0x3e9: {  	v32 =	vld.idx.msk [tilespmem:v41+s28+$0x0], $0xffff  }
0x3ea: {  	v2 =	vadd.f32 v25, v2;
	v25 =	vmul.f32 v30, v28;
	v30 =	vld.idx.msk [tilespmem:v41+s29+$0x0], $0xffff;
	v41 =	vmul.f32 v27, v26  }
0x3eb: {  	v33 =	vld.idx.msk [tilespmem:v31+s28+$0x0], $0xffff  }
0x3ec: {  	v4 =	vadd.f32 v41, v1;
	v1 =	vld [tilespmem:$0x1FD50];
	_ =	sdelay $0x1  }
0x3ed: {  	v31 =	vld.idx.msk [tilespmem:v31+s29+$0x0], $0xffff  }
0x3ee: {  	v29 =	vld [tilespmem:$0x1FD40]  }
0x3ef: {  	v21 =	vld [tilespmem:s2+$0x580]  }
0x3f0: {  	v3 =	vmul.f32 v33, v33;
	v28 =	vmul.f32 v1, v28;
	v1 =	vld [tilespmem:$0x1FD60];
	_ =	sdelay $0x1  }
0x3f1: {  	v0 =	vadd.f32 v3, v0;
	v3 =	vmul.f32 v31, v31  }
0x3f2: {  	v29 =	vmul.f32 v29, v35;
	v2 =	vadd.f32 v25, v2  }
0x3f3: {  	v0 =	vadd.f32 v3, v0  }
0x3f4: {  	v3 =	vmul.f32 v21, v21;
	v2 =	vadd.f32 v29, v2;
	v29 =	vmul.f32 v1, v40;
	_ =	sdelay $0x1  }
0x3f5: {  	v0 =	vadd.f32 v3, v0;
	v41 =	vmul.f32 v32, v32;
	v29 =	vadd.f32 v29, v2;
	v2 =	vld [tilespmem:$0x1FD90];
	_ =	sdelay $0x1  }
0x3f6: {  	v1 =	vadd.f32 v41, v0;
	v0 =	vmul.f32 v30, v30;
	_ =	sdelay $0x1  }
0x3f7: {  	v0 =	vadd.f32 v0, v1;
	v1 =	vld [tilespmem:$0x1FD80]  }
0x3f8: {  	v40 =	vmul.f32 v2, v40;
	v2 =	vld [tilespmem:$0x1FDA0];
	_ =	sdelay $0x2  }
0x3f9: {  	v3 =	vld [tilespmem:$0x1FD70];
	_ =	sdelay $0x1  }
0x3fa: {  	v1 =	vmul.f32 v1, v46;
	v46 =	vmul.f32 v2, v46;
	v2 =	vld [tilespmem:$0x1FDB0];
	_ =	sdelay $0x1  }
0x3fb: {  	v39 =	vor.u32 $0x2C, v5  }
0x3fc: {  	v35 =	vmul.f32 v3, v35;
	v26 =	vld [tilespmem:s2+$0x600];
	v4 =	vadd.f32 v28, v4;
	_ =	sdelay $0x1  }
0x3fd: {  	v4 =	vadd.f32 v35, v4;
	v35 =	vmul.f32 v2, v49;
	v2 =	vld [tilespmem:$0x1FDC0];
	_ =	sdelay $0x1  }
0x3fe: {  	v25 =	vld.idx.msk [tilespmem:v39+s28+$0x0], $0xffff  }
0x3ff: {  	v27 =	vld.idx.msk [tilespmem:v39+s29+$0x0], $0xffff;
	v39 =	vmul.f32 v26, v26;
	_ =	sdelay $0x1  }
0x400: {  	v0 =	vadd.f32 v39, v0;
	v39 =	vmul.f32 v2, v49;
	v2 =	vld [tilespmem:$0x1FDD0];
	_ =	sdelay $0x2  }
0x401: {  	v41 =	vor.u32 $0x2D, v5;
	v1 =	vadd.f32 v1, v29;
	_ =	sdelay $0x1  }
0x402: {  	v1 =	vadd.f32 v35, v1;
	v35 =	vmul.f32 v2, v50;
	v2 =	vld [tilespmem:$0x1FDE0]  }
0x403: {  	v4 =	vadd.f32 v40, v4;
	_ =	sdelay $0x1  }
0x404: {  	v4 =	vadd.f32 v46, v4;
	v46 =	vld.idx.msk [tilespmem:v41+s29+$0x0], $0xffff  }
0x405: {  	v49 =	vld.idx.msk [tilespmem:v41+s28+$0x0], $0xffff  }
0x406: {  	v41 =	vmul.f32 v2, v50;
	v2 =	vld [tilespmem:$0x1FDF0];
	_ =	sdelay $0x4  }
0x407: {  	v1 =	vadd.f32 v35, v1;
	v35 =	vmul.f32 v2, v53;
	_ =	sdelay $0x1  }
0x408: {  	v35 =	vadd.f32 v35, v1;
	v1 =	vld [tilespmem:$0x1FE10];
	_ =	sdelay $0x2  }
0x409: {  	v4 =	vadd.f32 v39, v4;
	_ =	sdelay $0x1  }
0x40a: {  	v4 =	vadd.f32 v41, v4;
	v41 =	vmul.f32 v1, v54;
	v1 =	vld [tilespmem:$0x1FE20]  }
0x40b: {  	v29 =	vmul.f32 v25, v25  }
0x40c: {  	v2 =	vld [tilespmem:$0x1FE00]  }
0x40d: {  	v0 =	vadd.f32 v29, v0;
	v29 =	vor.u32 $0x2E, v5;
	_ =	sdelay $0x1  }
0x40e: {  	v54 =	vmul.f32 v1, v54;
	v1 =	vld [tilespmem:$0x1FE30];
	_ =	sdelay $0x1  }
0x40f: {  	v28 =	vld [tilespmem:s2+$0x680];
	v39 =	vmul.f32 v2, v53  }
0x410: {  	v3 =	vld.idx.msk [tilespmem:v29+s28+$0x0], $0xffff  }
0x411: {  	v39 =	vadd.f32 v39, v4;
	v4 =	vld.idx.msk [tilespmem:v29+s29+$0x0], $0xffff  }
0x412: {  	v40 =	vmul.f32 v27, v27;
	v29 =	vmul.f32 v1, v58;
	v1 =	vld [tilespmem:$0x1FE40];
	_ =	sdelay $0x1  }
0x413: {  	v0 =	vadd.f32 v40, v0;
	v50 =	vmul.f32 v28, v28  }
0x414: {  	v40 =	vld [tilespmem:s2+$0x700]  }
0x415: {  	v0 =	vadd.f32 v50, v0;
	v53 =	vmul.f32 v49, v49  }
0x416: {  	v58 =	vmul.f32 v1, v58;
	v1 =	vld [tilespmem:$0x1FE50]  }
0x417: {  	v50 =	vmul.f32 v46, v46;
	v0 =	vadd.f32 v53, v0;
	_ =	sdelay $0x1  }
0x418: {  	v35 =	vadd.f32 v41, v35;
	v0 =	vadd.f32 v50, v0;
	v41 =	vmul.f32 v40, v40;
	_ =	sdelay $0x1  }
0x419: {  	v0 =	vadd.f32 v41, v0;
	v41 =	vmul.f32 v1, v16;
	v1 =	vld [tilespmem:$0x1FE60];
	_ =	sdelay $0x1  }
0x41a: {  	v2 =	vld [tilespmem:$0x1FE70]  }
0x41b: {  	v39 =	vadd.f32 v54, v39;
	_ =	sdelay $0x1  }
0x41c: {  	v29 =	vadd.f32 v29, v35;
	v39 =	vadd.f32 v58, v39;
	v16 =	vmul.f32 v1, v16  }
0x41d: {  	v50 =	vld [tilespmem:s2+$0x780]  }
0x41e: {  	v1 =	vadd.f32 v16, v29;
	v16 =	vadd.f32 v41, v39;
	v39 =	vmul.f32 v2, v18;
	v2 =	vld [tilespmem:$0x1FE80]  }
0x41f: {  	v54 =	vmul.f32 v3, v3;
	_ =	sdelay $0x1  }
0x420: {  	v0 =	vadd.f32 v54, v0;
	v54 =	vmul.f32 v4, v4  }
0x421: {  	v53 =	vor.u32 $0x2F, v5  }
0x422: {  	v0 =	vadd.f32 v54, v0;
	v41 =	vmul.f32 v50, v50;
	v18 =	vmul.f32 v2, v18;
	v2 =	vld [tilespmem:$0x1FE90];
	_ =	sdelay $0x1  }
0x423: {  	v1 =	vadd.f32 v18, v1;
	v18 =	vadd.f32 v41, v0;
	v0 =	vld [tilespmem:$0x1FEA0];
	_ =	sdelay $0x1  }
0x424: {  	v58 =	vld.idx.msk [tilespmem:v53+s28+$0x0], $0xffff  }
0x425: {  	v29 =	vld.idx.msk [tilespmem:v53+s29+$0x0], $0xffff;
	v39 =	vadd.f32 v39, v16;
	v53 =	vmul.f32 v2, v20;
	_ =	sdelay $0x1  }
0x426: {  	v39 =	vadd.f32 v53, v39;
	v53 =	vmul.f32 v0, v20;
	v0 =	vld [tilespmem:$0x1FEB0];
	_ =	sdelay $0x4  }
0x427: {  	v20 =	vmul.f32 v0, v61;
	v0 =	vld [tilespmem:$0x1FEC0];
	_ =	sdelay $0x4  }
0x428: {  	v39 =	vadd.f32 v20, v39;
	v20 =	vmul.f32 v0, v15;
	v0 =	vld [tilespmem:$0x1FED0];
	_ =	sdelay $0x4  }
0x429: {  	v61 =	vmul.f32 v0, v61;
	v0 =	vld [tilespmem:$0x1FEE0];
	_ =	sdelay $0x4  }
0x42a: {  	v20 =	vadd.f32 v20, v39;
	v39 =	vmul.f32 v0, v23;
	v0 =	vld [tilespmem:$0x1FEF0];
	_ =	sdelay $0x4  }
0x42b: {  	v15 =	vmul.f32 v0, v15;
	v0 =	vld [tilespmem:$0x1FF00]  }
0x42c: {  	v41 =	vmul.f32 v58, v58;
	_ =	sdelay $0x1  }
0x42d: {  	v18 =	vadd.f32 v41, v18;
	v41 =	vor.u32 $0x31, v5;
	_ =	sdelay $0x1  }
0x42e: {  	v1 =	vadd.f32 v53, v1;
	v23 =	vmul.f32 v0, v23;
	v0 =	vld [tilespmem:$0x1FF10]  }
0x42f: {  	v35 =	vor.u32 $0x30, v5  }
0x430: {  	v16 =	vld [tilespmem:s2+$0x800];
	v1 =	vadd.f32 v61, v1  }
0x431: {  	v20 =	vadd.f32 v39, v20;
	v39 =	vmul.f32 v60, v14;
	v60 =	vld.idx.msk [tilespmem:v41+s28+$0x0], $0xffff  }
0x432: {  	v1 =	vadd.f32 v15, v1;
	v15 =	vld.idx.msk [tilespmem:v41+s29+$0x0], $0xffff  }
0x433: {  	v41 =	vmul.f32 v0, v13;
	v0 =	vld [tilespmem:$0x1FF20]  }
0x434: {  	v2 =	vld.idx.msk [tilespmem:v35+s28+$0x0], $0xffff  }
0x435: {  	v54 =	vmul.f32 v29, v29  }
0x436: {  	v35 =	vld.idx.msk [tilespmem:v35+s29+$0x0], $0xffff  }
0x437: {  	v53 =	vadd.f32 v54, v18;
	v54 =	vmul.f32 v16, v16  }
0x438: {  	v1 =	vadd.f32 v23, v1;
	v23 =	vmul.f32 v0, v14;
	v0 =	vld [tilespmem:$0x1FF30]  }
0x439: {  	v53 =	vadd.f32 v54, v53;
	v54 =	vmul.f32 v2, v2;
	_ =	sdelay $0x1  }
0x43a: {  	v53 =	vadd.f32 v54, v53;
	v61 =	vmul.f32 v35, v35;
	_ =	sdelay $0x1  }
0x43b: {  	v20 =	vadd.f32 v39, v20;
	v39 =	vadd.f32 v61, v53;
	v53 =	vmul.f32 v0, v13;
	v0 =	vld [tilespmem:$0x1FF40];
	_ =	sdelay $0x4  }
0x43c: {  	v20 =	vadd.f32 v41, v20;
	v13 =	vmul.f32 v0, v10  }
0x43d: {  	v54 =	vor.u32 $0x32, v5;
	v0 =	vld [tilespmem:$0x1FF50]  }
0x43e: {  	v20 =	vadd.f32 v13, v20;
	v13 =	vld [tilespmem:$0x1FF60];
	_ =	sdelay $0x2  }
0x43f: {  	v18 =	vld [tilespmem:s2+$0x880]  }
0x440: {  	v1 =	vadd.f32 v23, v1;
	v23 =	vld.idx.msk [tilespmem:v54+s28+$0x0], $0xffff  }
0x441: {  	v0 =	vmul.f32 v0, v10;
	v10 =	vmul.f32 v13, v12;
	v13 =	vld.idx.msk [tilespmem:v54+s29+$0x0], $0xffff  }
0x442: {  	v54 =	vmul.f32 v63, v11;
	v63 =	vld [tilespmem:$0x1FF70];
	_ =	sdelay $0x1  }
0x443: {  	v61 =	vmul.f32 v18, v18;
	_ =	sdelay $0x1  }
0x444: {  	v39 =	vadd.f32 v61, v39;
	v14 =	vld [tilespmem:s2+$0x900]  }
0x445: {  	v61 =	vmul.f32 v60, v60;
	v1 =	vadd.f32 v53, v1;
	v53 =	vmul.f32 v63, v12;
	v63 =	vld [tilespmem:$0x1FF80];
	_ =	sdelay $0x1  }
0x446: {  	v39 =	vadd.f32 v61, v39;
	v61 =	vmul.f32 v15, v15  }
0x447: {  	v41 =	vor.u32 $0x33, v5;
	v0 =	vadd.f32 v0, v1  }
0x448: {  	v39 =	vadd.f32 v61, v39;
	v20 =	vadd.f32 v10, v20;
	v10 =	vld [tilespmem:s2+$0x980]  }
0x449: {  	v61 =	vmul.f32 v14, v14;
	v0 =	vadd.f32 v53, v0;
	v53 =	vmul.f32 v63, v11;
	v63 =	vld [tilespmem:$0x1FF90]  }
0x44a: {  	v20 =	vadd.f32 v54, v20;
	v54 =	vmul.f32 v57, v9;
	v57 =	vld [tilespmem:$0x1FFA0]  }
0x44b: {  	v1 =	vadd.f32 v61, v39;
	v61 =	vmul.f32 v23, v23  }
0x44c: {  	v39 =	vor.u32 $0x34, v5;
	v12 =	vld.idx.msk [tilespmem:v41+s28+$0x0], $0xffff  }
0x44d: {  	v1 =	vadd.f32 v61, v1;
	v61 =	vmul.f32 v13, v13;
	v20 =	vadd.f32 v54, v20  }
0x44e: {  	v11 =	vld.idx.msk [tilespmem:v41+s29+$0x0], $0xffff;
	v41 =	vmul.f32 v56, v8;
	v0 =	vadd.f32 v53, v0;
	v56 =	vmul.f32 v63, v9  }
0x44f: {  	v1 =	vadd.f32 v61, v1;
	v61 =	vmul.f32 v10, v10;
	v54 =	vmul.f32 v57, v8  }
0x450: {  	v20 =	vadd.f32 v41, v20;
	v63 =	vmul.f32 v43, v6;
	v0 =	vadd.f32 v56, v0  }
0x451: {  	v1 =	vadd.f32 v61, v1;
	v61 =	vmul.f32 v12, v12;
	v9 =	vld [tilespmem:s2+$0xA00]  }
0x452: {  	v20 =	vadd.f32 v63, v20;
	v63 =	vmul.f32 v59, v6;
	v0 =	vadd.f32 v54, v0  }
0x453: {  	v1 =	vadd.f32 v61, v1;
	v43 =	vld.idx.msk [tilespmem:v39+s28+$0x0], $0xffff  }
0x454: {  	v61 =	vmul.f32 v11, v11;
	v56 =	vor.u32 $0x35, v5;
	v0 =	vadd.f32 v63, v0;
	v63 =	vld [tilespmem:$0x1FFB0]  }
0x455: {  	v8 =	vld.idx.msk [tilespmem:v39+s29+$0x0], $0xffff  }
0x456: {  	v1 =	vadd.f32 v61, v1;
	v57 =	vmul.f32 v9, v9  }
0x457: {  	v52 =	vmul.f32 v52, v44;
	v6 =	vld [tilespmem:s2+$0xA80]  }
0x458: {  	v48 =	vmul.f32 v48, v7;
	v61 =	vmul.f32 v43, v43;
	v1 =	vadd.f32 v57, v1  }
0x459: {  	v59 =	vmul.f32 v51, v42;
	v20 =	vadd.f32 v52, v20;
	v41 =	vld.idx.msk [tilespmem:v56+s28+$0x0], $0xffff;
	v44 =	vmul.f32 v63, v44  }
0x45a: {  	v51 =	vor.u32 $0x36, v5;
	v54 =	vmul.f32 v8, v8;
	v1 =	vadd.f32 v61, v1  }
0x45b: {  	v42 =	vmul.f32 v62, v42;
	v20 =	vadd.f32 v59, v20;
	v0 =	vadd.f32 v44, v0;
	v44 =	vld.idx.msk [tilespmem:v56+s29+$0x0], $0xffff  }
0x45c: {  	v1 =	vadd.f32 v54, v1;
	v56 =	vmul.f32 v6, v6  }
0x45d: {  	v45 =	vmul.f32 v45, v24;
	v20 =	vadd.f32 v48, v20;
	v0 =	vadd.f32 v42, v0;
	v42 =	vld [tilespmem:s2+$0xB00]  }
0x45e: {  	v7 =	vmul.f32 v55, v7;
	v57 =	vmul.f32 v41, v41;
	v1 =	vadd.f32 v56, v1  }
0x45f: {  	v36 =	vmul.f32 v36, v22;
	v59 =	vmul.f32 v47, v24;
	v24 =	vld.idx.msk [tilespmem:v51+s28+$0x0], $0xffff;
	v20 =	vadd.f32 v45, v20  }
0x460: {  	v61 =	vor.u32 $0x37, v5;
	v1 =	vadd.f32 v57, v1;
	v62 =	vmul.f32 v44, v44  }
0x461: {  	v63 =	vmul.f32 v34, v19;
	v34 =	vld.idx.msk [tilespmem:v51+s29+$0x0], $0xffff;
	v20 =	vadd.f32 v36, v20;
	v0 =	vadd.f32 v7, v0  }
0x462: {  	v22 =	vmul.f32 v37, v22;
	v1 =	vadd.f32 v62, v1;
	v47 =	vmul.f32 v42, v42  }
0x463: {  	v33 =	vmul.f32 v33, v17;
	v7 =	vadd.f32 v63, v20;
	v20 =	vld [tilespmem:s2+$0xB80];
	v0 =	vadd.f32 v59, v0  }
0x464: {  	v48 =	vmul.f32 v24, v24;
	v1 =	vadd.f32 v47, v1  }
0x465: {  	v19 =	vmul.f32 v38, v19;
	v7 =	vadd.f32 v33, v7;
	v33 =	vld.idx.msk [tilespmem:v61+s28+$0x0], $0xffff;
	v0 =	vadd.f32 v22, v0  }
0x466: {  	v51 =	vor.u32 $0x38, v5;
	v52 =	vmul.f32 v34, v34;
	v1 =	vadd.f32 v48, v1  }
0x467: {  	v32 =	vmul.f32 v32, v21;
	v0 =	vadd.f32 v19, v0;
	v19 =	vld.idx.msk [tilespmem:v61+s29+$0x0], $0xffff  }
0x468: {  	v53 =	vmul.f32 v20, v20;
	v1 =	vadd.f32 v52, v1  }
0x469: {  	v25 =	vmul.f32 v25, v26;
	v54 =	vmul.f32 v30, v21;
	v21 =	vld [tilespmem:s2+$0xC00];
	v7 =	vadd.f32 v32, v7  }
0x46a: {  	v17 =	vmul.f32 v31, v17;
	v55 =	vmul.f32 v33, v33;
	v1 =	vadd.f32 v53, v1  }
0x46b: {  	v56 =	vmul.f32 v49, v28;
	v57 =	vmul.f32 v27, v26;
	v26 =	vld.idx.msk [tilespmem:v51+s28+$0x0], $0xffff;
	v7 =	vadd.f32 v25, v7  }
0x46c: {  	v59 =	vor.u32 $0x39, v5;
	v61 =	vmul.f32 v19, v19;
	v1 =	vadd.f32 v55, v1  }
0x46d: {  	v3 =	vmul.f32 v3, v40;
	v0 =	vadd.f32 v17, v0;
	v7 =	vadd.f32 v56, v7;
	v17 =	vld.idx.msk [tilespmem:v51+s29+$0x0], $0xffff  }
0x46e: {  	v63 =	vmul.f32 v21, v21;
	v1 =	vadd.f32 v61, v1  }
0x46f: {  	v32 =	vmul.f32 v58, v50;
	v3 =	vadd.f32 v3, v7;
	v7 =	vld [tilespmem:s2+$0xC80]  }
0x470: {  	v36 =	vmul.f32 v26, v26;
	v1 =	vadd.f32 v63, v1  }
0x471: {  	v2 =	vmul.f32 v2, v16;
	v25 =	vld.idx.msk [tilespmem:v59+s28+$0x0], $0xffff;
	v0 =	vadd.f32 v54, v0;
	v3 =	vadd.f32 v32, v3  }
0x472: {  	v37 =	vor.u32 $0x3A, v5;
	v38 =	vmul.f32 v17, v17;
	v1 =	vadd.f32 v36, v1  }
0x473: {  	v62 =	vmul.f32 v46, v28;
	v0 =	vadd.f32 v57, v0;
	v2 =	vadd.f32 v2, v3;
	v3 =	vld.idx.msk [tilespmem:v59+s29+$0x0], $0xffff  }
0x474: {  	v45 =	vmul.f32 v7, v7;
	v1 =	vadd.f32 v38, v1  }
0x475: {  	v4 =	vmul.f32 v4, v40;
	v47 =	vld [tilespmem:s2+$0xD00];
	v0 =	vadd.f32 v62, v0  }
0x476: {  	v48 =	vmul.f32 v25, v25;
	v1 =	vadd.f32 v45, v1  }
0x477: {  	v40 =	vmul.f32 v60, v18;
	v39 =	vmul.f32 v29, v50;
	v50 =	vld.idx.msk [tilespmem:v37+s28+$0x0], $0xffff;
	v0 =	vadd.f32 v4, v0  }
0x478: {  	v51 =	vor.u32 $0x3B, v5;
	v52 =	vmul.f32 v3, v3;
	v1 =	vadd.f32 v48, v1  }
0x479: {  	v23 =	vmul.f32 v23, v14;
	v46 =	vmul.f32 v35, v16;
	v54 =	vld.idx.msk [tilespmem:v37+s29+$0x0], $0xffff;
	v0 =	vadd.f32 v39, v0  }
0x47a: {  	v13 =	vmul.f32 v13, v14;
	v55 =	vmul.f32 v47, v47;
	v1 =	vadd.f32 v52, v1  }
0x47b: {  	v8 =	vmul.f32 v8, v9;
	v49 =	vmul.f32 v15, v18;
	v56 =	vld [tilespmem:s2+$0xD80];
	v0 =	vadd.f32 v46, v0  }
0x47c: {  	v31 =	vmul.f32 v33, v20;
	v58 =	vmul.f32 v50, v50;
	v1 =	vadd.f32 v55, v1  }
0x47d: {  	v53 =	vmul.f32 v12, v10;
	v60 =	vld.idx.msk [tilespmem:v51+s28+$0x0], $0xffff;
	v2 =	vadd.f32 v40, v2;
	v0 =	vadd.f32 v49, v0  }
0x47e: {  	v61 =	vor.u32 $0x3C, v5;
	v62 =	vmul.f32 v54, v54;
	v1 =	vadd.f32 v58, v1  }
0x47f: {  	v10 =	vmul.f32 v11, v10;
	v63 =	vld.idx.msk [tilespmem:v51+s29+$0x0], $0xffff;
	v2 =	vadd.f32 v23, v2;
	v0 =	vadd.f32 v13, v0  }
0x480: {  	v57 =	vmul.f32 v43, v9;
	v28 =	vmul.f32 v56, v56;
	v1 =	vadd.f32 v62, v1  }
0x481: {  	v29 =	vld [tilespmem:s2+$0xE00];
	v32 =	vmul.f32 v34, v42;
	v2 =	vadd.f32 v53, v2;
	v0 =	vadd.f32 v10, v0  }
0x482: {  	v59 =	vmul.f32 v41, v6;
	v30 =	vmul.f32 v60, v60;
	v1 =	vadd.f32 v28, v1  }
0x483: {  	v6 =	vmul.f32 v44, v6;
	v33 =	vld.idx.msk [tilespmem:v61+s28+$0x0], $0xffff;
	v2 =	vadd.f32 v57, v2;
	v0 =	vadd.f32 v8, v0  }
0x484: {  	v34 =	vor.u32 $0x3D, v5;
	v35 =	vmul.f32 v63, v63;
	v1 =	vadd.f32 v30, v1  }
0x485: {  	v27 =	vmul.f32 v24, v42;
	v37 =	vld.idx.msk [tilespmem:v61+s29+$0x0], $0xffff;
	v2 =	vadd.f32 v59, v2;
	v0 =	vadd.f32 v6, v0  }
0x486: {  	v19 =	vmul.f32 v19, v20;
	v38 =	vmul.f32 v29, v29;
	v1 =	vadd.f32 v35, v1  }
0x487: {  	v43 =	vor.u32 $0x3E, v5;
	v39 =	vld [tilespmem:s2+$0xE80];
	v2 =	vadd.f32 v27, v2;
	v0 =	vadd.f32 v32, v0  }
0x488: {  	v17 =	vmul.f32 v17, v21;
	v41 =	vmul.f32 v33, v33;
	v1 =	vadd.f32 v38, v1  }
0x489: {  	v42 =	vld.idx.msk [tilespmem:v34+s28+$0x0], $0xffff;
	v36 =	vmul.f32 v26, v21;
	v2 =	vadd.f32 v31, v2;
	v0 =	vadd.f32 v19, v0  }
0x48a: {  	v40 =	vmul.f32 v25, v7;
	v44 =	vmul.f32 v37, v37;
	v1 =	vadd.f32 v41, v1  }
0x48b: {  	v3 =	vmul.f32 v3, v7;
	v45 =	vld.idx.msk [tilespmem:v34+s29+$0x0], $0xffff;
	v2 =	vadd.f32 v36, v2;
	v0 =	vadd.f32 v17, v0  }
0x48c: {  	v15 =	vmul.f32 v50, v47;
	v46 =	vmul.f32 v39, v39;
	v1 =	vadd.f32 v44, v1  }
0x48d: {  	v48 =	vld [tilespmem:s2+$0xF00];
	v2 =	vadd.f32 v40, v2;
	v0 =	vadd.f32 v3, v0;
	v3 =	vor.u32 $0x3F, v5  }
0x48e: {  	v47 =	vmul.f32 v54, v47;
	v49 =	vmul.f32 v42, v42;
	v1 =	vadd.f32 v46, v1  }
0x48f: {  	v50 =	vld.idx.msk [tilespmem:v43+s28+$0x0], $0xffff;
	v11 =	vmul.f32 v60, v56;
	v4 =	vmul.f32 v63, v56;
	v2 =	vadd.f32 v15, v2  }
0x490: {  	v52 =	vld.idx.msk [tilespmem:v43+s29+$0x0], $0xffff;
	v53 =	vmul.f32 v45, v45;
	v0 =	vadd.f32 v47, v0;
	v1 =	vadd.f32 v49, v1  }
0x491: {  	v54 =	vld [tilespmem:s2+$0xF80];
	v51 =	vmul.f32 v33, v29;
	v8 =	vmul.f32 v37, v29;
	v2 =	vadd.f32 v11, v2  }
0x492: {  	v57 =	vmul.f32 v48, v48;
	v0 =	vadd.f32 v4, v0;
	v55 =	vld.idx.msk [tilespmem:v3+s28+$0x0], $0xffff;
	v1 =	vadd.f32 v53, v1  }
0x493: {  	v56 =	vmul.f32 v42, v39;
	v6 =	vmul.f32 v45, v39;
	v2 =	vadd.f32 v51, v2;
	v3 =	vld.idx.msk [tilespmem:v3+s29+$0x0], $0xffff  }
0x494: {  	v58 =	vmul.f32 v50, v50;
	v0 =	vadd.f32 v8, v0;
	v1 =	vadd.f32 v57, v1  }
0x495: {  	v59 =	vmul.f32 v52, v48;
	v5 =	vmul.f32 v50, v48;
	v2 =	vadd.f32 v56, v2  }
0x496: {  	v60 =	vmul.f32 v52, v52;
	v0 =	vadd.f32 v6, v0;
	v1 =	vadd.f32 v58, v1  }
0x497: {  	v2 =	vadd.f32 v5, v2;
	v4 =	vmul.f32 v54, v54;
	v61 =	vmul.f32 v55, v54  }
0x498: {  	v0 =	vadd.f32 v59, v0;
	v62 =	vmul.f32 v3, v54;
	v1 =	vadd.f32 v60, v1  }
0x499: {  	v2 =	vadd.f32 v61, v2  }
0x49a: {  	s3 =	rddreg [dreg:$0x11];
	v63 =	vmul.f32 v55, v55;
	v0 =	vadd.f32 v62, v0;
	v1 =	vadd.f32 v4, v1  }
0x49b: {  	s10 =	simm.s32 $0x1B610;
	s26 =	simm.s32 $0x10;
	s1 =	rddreg [dreg:$0x10];
	[tilespmem:s3+$0x0] =	vst v2  }
0x49c: {  	s11 =	smov.u32 s3;
	s13 =	smov.u32 s4;
	s2 =	smov.u32 s1;
	[tilespmem:s1+$0x0] =	vst v0;
	v0 =	vadd.f32 v63, v1;
	v1 =	vmul.f32 v3, v3  }
.LBB2_7:
0x49d: {  	s13 =	sadd.s32 $0x10, s13  }
0x49e: {  	v14 =	vadd.f32 v1, v0;
	v0 =	vld [tilespmem:s13+$0x0]  }
0x49f: {  	v2 =	vld [tilespmem:$0x1FFF0];
	_ =	sdelay $0x1  }
0x4a0: {  	s0 =	smov.u32 s26  }
0x4a1: {  	v1 =	vmov s0  }
0x4a2: {  	v1 =	vshll.u32 v1, $0x7;
	v0 =	vshll.u32 v0, $0x6  }
0x4a3: {  	v1 =	vor.u32 v2, v1;
	v0 =	vand.u32 $0x40, v0  }
0x4a4: {  	v7 =	vor.u32 v1, v0;
	_ =	sdelay $0x1  }
0x4a5: {  	v24 =	vld [tilespmem:s10+$0xFFFFF000];
	_ =	sdelay $0x2  }
0x4a6: {  	v25 =	vld.idx.msk [tilespmem:v7+s28+$0x0], $0xffff  }
0x4a7: {  	v1 =	vor.u32 $0x1, v7  }
0x4a8: {  	v31 =	vmul.f32 v24, v24;
	v26 =	vld.idx.msk [tilespmem:v7+s29+$0x0], $0xffff  }
0x4a9: {  	v23 =	vld [tilespmem:s10+$0xFFFFF080]  }
0x4aa: {  	v62 =	vld [tilespmem:s10+$0xFFFFF100];
	v14 =	vadd.f32 v31, v14  }
0x4ab: {  	v8 =	vor.u32 $0x2, v7;
	v33 =	vmul.f32 v25, v24;
	v25 =	vmul.f32 v25, v25  }
0x4ac: {  	v28 =	vld.idx.msk [tilespmem:v1+s28+$0x0], $0xffff  }
0x4ad: {  	v17 =	vor.u32 $0x3, v7;
	v56 =	vmul.f32 v26, v26;
	v14 =	vadd.f32 v25, v14  }
0x4ae: {  	v61 =	vmul.f32 v23, v23;
	v29 =	vld.idx.msk [tilespmem:v1+s29+$0x0], $0xffff  }
0x4af: {  	v9 =	vmul.f32 v62, v62;
	v18 =	vor.u32 $0x4, v7;
	v14 =	vadd.f32 v56, v14  }
0x4b0: {  	v21 =	vor.u32 $0x5, v7;
	v27 =	vor.u32 $0x7, v7;
	v0 =	vor.u32 $0x23, v7;
	v32 =	vld.idx.msk [tilespmem:v8+s28+$0x0], $0xffff  }
0x4b1: {  	[tilespmem:$0x1F840] =	vst v0;
	v0 =	vor.u32 $0x24, v7;
	v39 =	vld.idx.msk [tilespmem:v8+s29+$0x0], $0xffff;
	v63 =	vmul.f32 v28, v28;
	v14 =	vadd.f32 v61, v14  }
0x4b2: {  	v30 =	vor.u32 $0x8, v7;
	[tilespmem:$0x1F850] =	vst v0;
	v0 =	vor.u32 $0x25, v7;
	v40 =	vld.idx.msk [tilespmem:v17+s28+$0x0], $0xffff;
	v24 =	vmul.f32 v26, v24  }
0x4b3: {  	[tilespmem:$0x1F860] =	vst v0;
	v0 =	vor.u32 $0x26, v7;
	v41 =	vld.idx.msk [tilespmem:v17+s29+$0x0], $0xffff;
	v8 =	vmul.f32 v29, v29;
	v14 =	vadd.f32 v63, v14  }
0x4b4: {  	[tilespmem:$0x1F870] =	vst v0;
	v0 =	vor.u32 $0x27, v7;
	v45 =	vld.idx.msk [tilespmem:v18+s28+$0x0], $0xffff;
	v60 =	vmul.f32 v29, v23;
	v24 =	vadd.f32 $0.0e+00, v24  }
0x4b5: {  	v34 =	vor.u32 $0x9, v7;
	v48 =	vld.idx.msk [tilespmem:v18+s29+$0x0], $0xffff;
	[tilespmem:$0x1F880] =	vst v0;
	v0 =	vor.u32 $0x28, v7;
	v14 =	vadd.f32 v8, v14  }
0x4b6: {  	v58 =	vmul.f32 v28, v23;
	v43 =	vadd.f32 $0.0e+00, v33;
	v49 =	vadd.f32 v60, v24;
	v60 =	vld [tilespmem:s10+$0xFFFFF180]  }
0x4b7: {  	v15 =	vld.idx.msk [tilespmem:v21+s28+$0x0], $0xffff;
	v1 =	vor.u32 $0x34, v7;
	[tilespmem:$0x1F890] =	vst v0;
	v29 =	vmul.f32 v32, v32;
	v14 =	vadd.f32 v9, v14  }
0x4b8: {  	v16 =	vld.idx.msk [tilespmem:v21+s29+$0x0], $0xffff;
	v0 =	vor.u32 $0x29, v7;
	[tilespmem:$0x1F950] =	vst v1;
	v1 =	vor.u32 $0x35, v7;
	v55 =	vadd.f32 v58, v43  }
0x4b9: {  	[tilespmem:$0x1F8A0] =	vst v0;
	v58 =	vmul.f32 v39, v62;
	v39 =	vmul.f32 v39, v39;
	v61 =	vadd.f32 v29, v14  }
0x4ba: {  	v2 =	vor.u32 $0xB, v7;
	v18 =	vld.idx.msk [tilespmem:v27+s28+$0x0], $0xffff;
	v0 =	vor.u32 $0x2A, v7;
	[tilespmem:$0x1F960] =	vst v1  }
0x4bb: {  	v21 =	vld.idx.msk [tilespmem:v30+s29+$0x0], $0xffff;
	[tilespmem:$0x1F8B0] =	vst v0;
	v0 =	vor.u32 $0x2B, v7;
	v33 =	vmul.f32 v60, v60;
	v31 =	vadd.f32 v39, v61  }
0x4bc: {  	[tilespmem:$0x1F8C0] =	vst v0;
	v0 =	vor.u32 $0x2C, v7;
	v43 =	vld [tilespmem:s10+$0xFFFFF200]  }
0x4bd: {  	v17 =	vld.idx.msk [tilespmem:v34+s28+$0x0], $0xffff;
	[tilespmem:$0x1F8D0] =	vst v0;
	v0 =	vor.u32 $0x2D, v7;
	v46 =	vmul.f32 v40, v40;
	v1 =	vadd.f32 v33, v31  }
0x4be: {  	v22 =	vor.u32 $0x6, v7;
	v23 =	vld.idx.msk [tilespmem:v27+s29+$0x0], $0xffff;
	[tilespmem:$0x1F8E0] =	vst v0;
	v0 =	vor.u32 $0x2E, v7  }
0x4bf: {  	v26 =	vmul.f32 v41, v41;
	[tilespmem:$0x1F8F0] =	vst v0;
	v0 =	vor.u32 $0x2F, v7;
	v14 =	vld.idx.msk [tilespmem:v34+s29+$0x0], $0xffff;
	v34 =	vadd.f32 v46, v1  }
0x4c0: {  	v27 =	vmul.f32 v32, v62;
	[tilespmem:$0x1F900] =	vst v0;
	v0 =	vor.u32 $0x30, v7;
	v62 =	vld.idx.msk [tilespmem:v2+s28+$0x0], $0xffff  }
0x4c1: {  	[tilespmem:$0x1F910] =	vst v0;
	v0 =	vor.u32 $0x31, v7;
	v9 =	vld.idx.msk [tilespmem:v2+s29+$0x0], $0xffff;
	v29 =	vmul.f32 v43, v43;
	v2 =	vadd.f32 v26, v34  }
0x4c2: {  	v38 =	vor.u32 $0xA, v7;
	v56 =	vor.u32 $0x36, v7;
	[tilespmem:$0x1F920] =	vst v0;
	v0 =	vor.u32 $0x32, v7;
	v31 =	vld [tilespmem:s10+$0xFFFFF280]  }
0x4c3: {  	v25 =	vld.idx.msk [tilespmem:v22+s29+$0x0], $0xffff;
	v32 =	vmul.f32 v41, v60;
	v41 =	vmul.f32 v45, v45;
	v2 =	vadd.f32 v29, v2  }
0x4c4: {  	v24 =	vld.idx.msk [tilespmem:v22+s28+$0x0], $0xffff;
	v58 =	vadd.f32 v58, v49;
	[tilespmem:$0x1F930] =	vst v0;
	v0 =	vor.u32 $0x33, v7;
	v28 =	vmul.f32 v48, v43  }
0x4c5: {  	v22 =	vld.idx.msk [tilespmem:v30+s28+$0x0], $0xffff;
	v30 =	vmul.f32 v45, v43;
	v43 =	vmul.f32 v48, v48;
	v2 =	vadd.f32 v41, v2  }
0x4c6: {  	v27 =	vadd.f32 v27, v55;
	[tilespmem:$0x1F940] =	vst v0;
	v0 =	vmul.f32 v40, v60;
	v39 =	vadd.f32 v32, v58  }
0x4c7: {  	v12 =	vor.u32 $0x11, v7;
	[tilespmem:$0x1F970] =	vst v56;
	v56 =	vmul.f32 v31, v31;
	v45 =	vadd.f32 v43, v2  }
0x4c8: {  	v20 =	vor.u32 $0xC, v7;
	v0 =	vadd.f32 v0, v27;
	v34 =	vadd.f32 v28, v39;
	v2 =	vld [tilespmem:s10+$0xFFFFF300]  }
0x4c9: {  	v8 =	vmul.f32 v15, v31;
	v15 =	vmul.f32 v15, v15;
	v28 =	vadd.f32 v56, v45  }
0x4ca: {  	v13 =	vor.u32 $0x10, v7;
	v49 =	vld.idx.msk [tilespmem:v38+s28+$0x0], $0xffff  }
0x4cb: {  	v63 =	vld.idx.msk [tilespmem:v38+s29+$0x0], $0xffff;
	v0 =	vadd.f32 v30, v0;
	v30 =	vmul.f32 v16, v16;
	v29 =	vadd.f32 v15, v28  }
0x4cc: {  	v5 =	vor.u32 $0x15, v7;
	v40 =	vld.idx.msk [tilespmem:v12+s28+$0x0], $0xffff;
	v58 =	vor.u32 $0x37, v7;
	v46 =	vmul.f32 v16, v31  }
0x4cd: {  	v61 =	vor.u32 $0x38, v7;
	[tilespmem:$0x1F980] =	vst v58;
	v58 =	vld.idx.msk [tilespmem:v20+s28+$0x0], $0xffff;
	v43 =	vmul.f32 v2, v2;
	v31 =	vadd.f32 v30, v29  }
0x4ce: {  	v27 =	vadd.f32 v46, v34;
	v0 =	vadd.f32 v8, v0;
	v46 =	vld [tilespmem:s10+$0xFFFFF380];
	v56 =	vmul.f32 v24, v24  }
0x4cf: {  	v39 =	vld.idx.msk [tilespmem:v12+s29+$0x0], $0xffff;
	v38 =	vmul.f32 v25, v2;
	v2 =	vmul.f32 v24, v2;
	v12 =	vadd.f32 v43, v31  }
0x4d0: {  	v4 =	vor.u32 $0x13, v7;
	v3 =	vor.u32 $0x14, v7;
	[tilespmem:$0x1F990] =	vst v61;
	v61 =	vld.idx.msk [tilespmem:v20+s29+$0x0], $0xffff  }
0x4d1: {  	v20 =	vmul.f32 v25, v25;
	v16 =	vld.idx.msk [tilespmem:v5+s29+$0x0], $0xffff;
	v8 =	vadd.f32 v2, v0;
	v2 =	vadd.f32 v56, v12  }
0x4d2: {  	v41 =	vld.idx.msk [tilespmem:v13+s29+$0x0], $0xffff  }
0x4d3: {  	v45 =	vld.idx.msk [tilespmem:v13+s28+$0x0], $0xffff;
	v28 =	vmul.f32 v46, v46;
	v2 =	vadd.f32 v20, v2  }
0x4d4: {  	v29 =	vld [tilespmem:s10+$0xFFFFF400]  }
0x4d5: {  	v25 =	vld.idx.msk [tilespmem:v4+s29+$0x0], $0xffff;
	v30 =	vmul.f32 v18, v18;
	v2 =	vadd.f32 v28, v2  }
0x4d6: {  	v24 =	vld.idx.msk [tilespmem:v3+s28+$0x0], $0xffff  }
0x4d7: {  	v13 =	vadd.f32 v38, v27;
	v27 =	vld.idx.msk [tilespmem:v4+s28+$0x0], $0xffff;
	v31 =	vmul.f32 v23, v23;
	v4 =	vadd.f32 v30, v2  }
0x4d8: {  	v59 =	vor.u32 $0xD, v7;
	v53 =	vor.u32 $0xE, v7;
	v20 =	vld.idx.msk [tilespmem:v3+s29+$0x0], $0xffff  }
0x4d9: {  	v33 =	vmul.f32 v29, v29;
	v3 =	vmul.f32 v18, v46;
	v18 =	vld.idx.msk [tilespmem:v5+s28+$0x0], $0xffff;
	v5 =	vadd.f32 v31, v4  }
0x4da: {  	v42 =	vor.u32 $0xF, v7;
	v6 =	vor.u32 $0x12, v7;
	v51 =	vor.u32 $0x16, v7;
	v43 =	vld [tilespmem:s10+$0xFFFFF480]  }
0x4db: {  	v26 =	vmul.f32 v23, v46;
	v46 =	vmul.f32 v22, v22;
	v5 =	vadd.f32 v33, v5  }
0x4dc: {  	v11 =	vor.u32 $0x17, v7;
	v1 =	vor.u32 $0x39, v7;
	v32 =	vmul.f32 v21, v29  }
0x4dd: {  	v21 =	vmul.f32 v21, v21;
	v4 =	vmul.f32 v22, v29;
	v22 =	vadd.f32 v46, v5  }
0x4de: {  	v57 =	vor.u32 $0x18, v7;
	v10 =	vor.u32 $0x19, v7;
	[tilespmem:$0x1F9A0] =	vst v1;
	v1 =	vor.u32 $0x3A, v7  }
0x4df: {  	[tilespmem:$0x1F9B0] =	vst v1;
	v1 =	vor.u32 $0x3B, v7;
	v33 =	vmul.f32 v43, v43;
	v21 =	vadd.f32 v21, v22  }
0x4e0: {  	v35 =	vor.u32 $0x1B, v7;
	[tilespmem:$0x1F9C0] =	vst v1;
	v1 =	vor.u32 $0x3C, v7;
	v0 =	vld [tilespmem:s10+$0xFFFFF500];
	v2 =	vmul.f32 v17, v43  }
0x4e1: {  	v17 =	vmul.f32 v17, v17;
	v22 =	vmul.f32 v14, v43;
	v43 =	vadd.f32 v33, v21  }
0x4e2: {  	v19 =	vor.u32 $0x1A, v7;
	v36 =	vor.u32 $0x1C, v7;
	[tilespmem:$0x1F9D0] =	vst v1;
	v1 =	vor.u32 $0x3D, v7  }
0x4e3: {  	[tilespmem:$0x1F9E0] =	vst v1;
	v1 =	vor.u32 $0x3E, v7;
	v14 =	vmul.f32 v14, v14;
	v17 =	vadd.f32 v17, v43  }
0x4e4: {  	v37 =	vor.u32 $0x1E, v7;
	[tilespmem:$0x1F9F0] =	vst v1;
	v1 =	vor.u32 $0x3F, v7;
	v3 =	vadd.f32 v3, v8  }
0x4e5: {  	v54 =	vor.u32 $0x1F, v7;
	[tilespmem:$0x1FA00] =	vst v1;
	v1 =	vmul.f32 v0, v0;
	v14 =	vadd.f32 v14, v17  }
0x4e6: {  	v50 =	vor.u32 $0x20, v7;
	v52 =	vor.u32 $0x21, v7;
	v3 =	vadd.f32 v4, v3;
	v17 =	vld [tilespmem:s10+$0xFFFFF580]  }
0x4e7: {  	v34 =	vld.idx.msk [tilespmem:v6+s28+$0x0], $0xffff;
	v46 =	vmul.f32 v49, v0;
	v49 =	vmul.f32 v49, v49;
	v1 =	vadd.f32 v1, v14  }
0x4e8: {  	v47 =	vor.u32 $0x22, v7;
	v38 =	vld.idx.msk [tilespmem:v6+s29+$0x0], $0xffff;
	v13 =	vadd.f32 v26, v13;
	v2 =	vadd.f32 v2, v3  }
0x4e9: {  	v56 =	vor.u32 $0x1D, v7;
	v7 =	vld.idx.msk [tilespmem:v19+s29+$0x0], $0xffff;
	v3 =	vmul.f32 v63, v63;
	v1 =	vadd.f32 v49, v1  }
0x4ea: {  	v6 =	vadd.f32 v32, v13;
	v13 =	vld.idx.msk [tilespmem:v19+s28+$0x0], $0xffff;
	v2 =	vadd.f32 v46, v2  }
0x4eb: {  	v30 =	vld [tilespmem:s10+$0xFFFFF600];
	v19 =	vmul.f32 v17, v17;
	v1 =	vadd.f32 v3, v1;
	v3 =	vmul.f32 v62, v17  }
0x4ec: {  	v15 =	vld.idx.msk [tilespmem:v36+s28+$0x0], $0xffff;
	v0 =	vmul.f32 v63, v0;
	v6 =	vadd.f32 v22, v6  }
0x4ed: {  	v23 =	vld.idx.msk [tilespmem:v35+s28+$0x0], $0xffff;
	v2 =	vadd.f32 v3, v2;
	v1 =	vadd.f32 v19, v1;
	v3 =	vmul.f32 v62, v62  }
0x4ee: {  	v32 =	vld.idx.msk [tilespmem:v35+s29+$0x0], $0xffff;
	v0 =	vadd.f32 v0, v6  }
0x4ef: {  	v31 =	vld.idx.msk [tilespmem:v37+s28+$0x0], $0xffff;
	v22 =	vmul.f32 v9, v17;
	v1 =	vadd.f32 v3, v1;
	v3 =	vmul.f32 v9, v9  }
0x4f0: {  	v33 =	vmul.f32 v30, v30;
	v14 =	vld.idx.msk [tilespmem:v36+s29+$0x0], $0xffff  }
0x4f1: {  	v36 =	vld.idx.msk [tilespmem:v37+s29+$0x0], $0xffff;
	v0 =	vadd.f32 v22, v0;
	v1 =	vadd.f32 v3, v1;
	v3 =	vmul.f32 v61, v30  }
0x4f2: {  	v35 =	vmul.f32 v58, v30;
	v37 =	vld [tilespmem:s10+$0xFFFFF680]  }
0x4f3: {  	v46 =	vadd.f32 v3, v0;
	v1 =	vadd.f32 v33, v1;
	v3 =	vmul.f32 v58, v58  }
0x4f4: {  	v60 =	vld.idx.msk [tilespmem:v59+s28+$0x0], $0xffff  }
0x4f5: {  	v0 =	vadd.f32 v35, v2;
	v2 =	vmul.f32 v61, v61;
	v1 =	vadd.f32 v3, v1  }
0x4f6: {  	v59 =	vld.idx.msk [tilespmem:v59+s29+$0x0], $0xffff  }
0x4f7: {  	v49 =	vmul.f32 v37, v37;
	v1 =	vadd.f32 v2, v1  }
0x4f8: {  	v58 =	vld [tilespmem:s10+$0xFFFFF700]  }
0x4f9: {  	v61 =	vmul.f32 v60, v60;
	v1 =	vadd.f32 v49, v1  }
0x4fa: {  	v55 =	vld.idx.msk [tilespmem:v53+s28+$0x0], $0xffff  }
0x4fb: {  	v62 =	vmul.f32 v59, v59;
	v1 =	vadd.f32 v61, v1  }
0x4fc: {  	v53 =	vld.idx.msk [tilespmem:v53+s29+$0x0], $0xffff  }
0x4fd: {  	v17 =	vmul.f32 v58, v58;
	v1 =	vadd.f32 v62, v1  }
0x4fe: {  	v19 =	vld [tilespmem:s10+$0xFFFFF780]  }
0x4ff: {  	v30 =	vmul.f32 v55, v55;
	v1 =	vadd.f32 v17, v1  }
0x500: {  	v48 =	vld.idx.msk [tilespmem:v42+s28+$0x0], $0xffff  }
0x501: {  	v33 =	vmul.f32 v53, v53;
	v1 =	vadd.f32 v30, v1  }
0x502: {  	v35 =	vld.idx.msk [tilespmem:v42+s29+$0x0], $0xffff;
	v2 =	vmul.f32 v59, v37  }
0x503: {  	v42 =	vmul.f32 v19, v19;
	v1 =	vadd.f32 v33, v1  }
0x504: {  	v2 =	vadd.f32 v2, v46;
	v46 =	vld [tilespmem:s10+$0xFFFFF800]  }
0x505: {  	v49 =	vmul.f32 v48, v48;
	v1 =	vadd.f32 v42, v1  }
0x506: {  	v44 =	vld [tilespmem:s10+$0xFFFFFD00]  }
0x507: {  	v26 =	vld.idx.msk [tilespmem:v11+s28+$0x0], $0xffff;
	v9 =	vmul.f32 v35, v35;
	v1 =	vadd.f32 v49, v1  }
0x508: {  	v11 =	vld.idx.msk [tilespmem:v11+s29+$0x0], $0xffff  }
0x509: {  	v12 =	vld.idx.msk [tilespmem:v51+s28+$0x0], $0xffff;
	v63 =	vmul.f32 v53, v58;
	v53 =	vmul.f32 v46, v46;
	v1 =	vadd.f32 v9, v1  }
0x50a: {  	v6 =	vmul.f32 v55, v58;
	v58 =	vld [tilespmem:s10+$0xFFFFF880]  }
0x50b: {  	v28 =	vld.idx.msk [tilespmem:v57+s28+$0x0], $0xffff;
	v59 =	vmul.f32 v45, v45;
	v1 =	vadd.f32 v53, v1  }
0x50c: {  	v29 =	vld.idx.msk [tilespmem:v10+s28+$0x0], $0xffff  }
0x50d: {  	v5 =	vld.idx.msk [tilespmem:v10+s29+$0x0], $0xffff;
	v3 =	vmul.f32 v60, v37;
	v60 =	vmul.f32 v41, v41;
	v1 =	vadd.f32 v59, v1  }
0x50e: {  	v43 =	vld.idx.msk [tilespmem:v56+s29+$0x0], $0xffff  }
0x50f: {  	v56 =	vld.idx.msk [tilespmem:v56+s28+$0x0], $0xffff;
	v62 =	vmul.f32 v58, v58;
	v1 =	vadd.f32 v60, v1  }
0x510: {  	v2 =	vadd.f32 v63, v2;
	v63 =	vld [tilespmem:s10+$0xFFFFF900]  }
0x511: {  	v22 =	vld [tilespmem:s10+$0xC00];
	v0 =	vadd.f32 v3, v0;
	v17 =	vmul.f32 v40, v40;
	v1 =	vadd.f32 v62, v1  }
0x512: {  	v4 =	vmul.f32 v48, v19;
	v3 =	vld [tilespmem:s10+$0x980];
	v10 =	vmul.f32 v35, v19  }
0x513: {  	v19 =	vmul.f32 v39, v39;
	v48 =	vld [tilespmem:s10+$0xE80];
	v0 =	vadd.f32 v6, v0;
	v1 =	vadd.f32 v17, v1  }
0x514: {  	v2 =	vadd.f32 v10, v2;
	v10 =	vmul.f32 v45, v46;
	v55 =	vmul.f32 v41, v46;
	v45 =	vld [tilespmem:s10+$0xFFFFF980]  }
0x515: {  	v0 =	vadd.f32 v4, v0;
	v46 =	vld [tilespmem:s10+$0xF00];
	v35 =	vmul.f32 v63, v63;
	v1 =	vadd.f32 v19, v1  }
0x516: {  	v61 =	vmul.f32 v39, v58;
	v37 =	vmul.f32 v40, v58;
	v41 =	vld [tilespmem:s10+$0xA80];
	v2 =	vadd.f32 v55, v2  }
0x517: {  	v40 =	vmul.f32 v34, v63;
	v34 =	vmul.f32 v34, v34;
	v55 =	vld [tilespmem:s10+$0xD80];
	v1 =	vadd.f32 v35, v1  }
0x518: {  	v0 =	vadd.f32 v10, v0;
	v30 =	vmul.f32 v38, v63;
	v63 =	vld [tilespmem:s10+$0xC80]  }
0x519: {  	v2 =	vadd.f32 v61, v2;
	v61 =	vld [tilespmem:s10+$0xFFFFFA00];
	v49 =	vmul.f32 v38, v38;
	v1 =	vadd.f32 v34, v1  }
0x51a: {  	v0 =	vadd.f32 v37, v0;
	v37 =	vld [tilespmem:s10+$0x680]  }
0x51b: {  	v33 =	vld [tilespmem:s10+$0xB00];
	v59 =	vmul.f32 v45, v45;
	v1 =	vadd.f32 v49, v1  }
0x51c: {  	v42 =	vld [tilespmem:s10+$0xF80]  }
0x51d: {  	[tilespmem:$0x1FA20] =	vst v46;
	v46 =	vld [tilespmem:s10+$0x880];
	v62 =	vmul.f32 v27, v27;
	v1 =	vadd.f32 v59, v1  }
0x51e: {  	v2 =	vadd.f32 v30, v2;
	v30 =	vld [tilespmem:s10+$0xB80]  }
0x51f: {  	[tilespmem:$0x1FBC0] =	vst v55;
	v55 =	vld [tilespmem:s10+$0x800];
	v34 =	vmul.f32 v27, v45;
	v27 =	vmul.f32 v25, v25;
	v1 =	vadd.f32 v62, v1  }
0x520: {  	[tilespmem:$0x1FB90] =	vst v63;
	v63 =	vld [tilespmem:s10+$0x780]  }
0x521: {  	v39 =	vmul.f32 v61, v61;
	[tilespmem:$0x1FA30] =	vst v42;
	v42 =	vld [tilespmem:s10+$0xFFFFFA80];
	v1 =	vadd.f32 v27, v1  }
0x522: {  	[tilespmem:$0x1FAF0] =	vst v3;
	v53 =	vld [tilespmem:s10+$0xE00]  }
0x523: {  	[tilespmem:$0x1FA10] =	vst v48;
	v48 =	vmul.f32 v24, v24;
	v38 =	vld [tilespmem:s10+$0x100];
	v1 =	vadd.f32 v39, v1  }
0x524: {  	[tilespmem:$0x1FB50] =	vst v33;
	v33 =	vld [tilespmem:s10+$0x300]  }
0x525: {  	v3 =	vmul.f32 v20, v20;
	[tilespmem:$0x1FB70] =	vst v30;
	v30 =	vld [tilespmem:s10+$0x580];
	v1 =	vadd.f32 v48, v1  }
0x526: {  	v9 =	vld [tilespmem:s10+$0xFFFFFE80]  }
0x527: {  	v58 =	vmul.f32 v25, v45;
	v60 =	vld [tilespmem:s10+$0xD00];
	[tilespmem:$0x1FBD0] =	vst v53;
	v53 =	vmul.f32 v42, v42;
	v1 =	vadd.f32 v3, v1  }
0x528: {  	[tilespmem:$0x1FB80] =	vst v22;
	v22 =	vmul.f32 v18, v18;
	v59 =	vld [tilespmem:s10+$0xFFFFFB00]  }
0x529: {  	v2 =	vadd.f32 v58, v2;
	v58 =	vmul.f32 v18, v42;
	v18 =	vld [tilespmem:s10+$0x0];
	v1 =	vadd.f32 v53, v1  }
0x52a: {  	v17 =	vld [tilespmem:s10+$0x400]  }
0x52b: {  	v25 =	vmul.f32 v24, v61;
	v24 =	vmul.f32 v16, v16;
	v27 =	vld.idx.msk [tilespmem:v51+s29+$0x0], $0xffff;
	v1 =	vadd.f32 v22, v1  }
0x52c: {  	v0 =	vadd.f32 v40, v0;
	[tilespmem:$0x1FBB0] =	vst v60;
	v60 =	vld [tilespmem:s10+$0x480];
	v35 =	vmul.f32 v20, v61  }
0x52d: {  	[tilespmem:$0x1FB30] =	vst v41;
	v19 =	vld [tilespmem:s10+$0x200];
	v41 =	vmul.f32 v59, v59;
	v1 =	vadd.f32 v24, v1  }
0x52e: {  	v2 =	vadd.f32 v35, v2;
	v45 =	vld [tilespmem:s10+$0xFFFFFB80];
	v0 =	vadd.f32 v34, v0;
	v39 =	vmul.f32 v12, v59  }
0x52f: {  	v35 =	vld [tilespmem:s10+$0x600];
	v12 =	vmul.f32 v12, v12;
	v3 =	vmul.f32 v16, v42;
	v1 =	vadd.f32 v41, v1  }
0x530: {  	[tilespmem:$0x1FAC0] =	vst v55;
	v49 =	vld [tilespmem:s10+$0xA00];
	v0 =	vadd.f32 v25, v0;
	v55 =	vmul.f32 v27, v27  }
0x531: {  	v62 =	vld [tilespmem:s10+$0xFFFFFC00];
	v2 =	vadd.f32 v3, v2;
	v3 =	vmul.f32 v27, v59;
	v1 =	vadd.f32 v12, v1  }
0x532: {  	v61 =	vld [tilespmem:s10+$0x380];
	v0 =	vadd.f32 v58, v0  }
0x533: {  	v2 =	vadd.f32 v3, v2;
	v3 =	vmul.f32 v45, v45;
	v24 =	vld [tilespmem:s10+$0xFFFFFC80];
	v1 =	vadd.f32 v55, v1  }
0x534: {  	v25 =	vld.idx.msk [tilespmem:v57+s29+$0x0], $0xffff;
	v58 =	vmul.f32 v26, v45;
	v0 =	vadd.f32 v39, v0  }
0x535: {  	v57 =	vld [tilespmem:s10+$0x280];
	v59 =	vmul.f32 v11, v45;
	v1 =	vadd.f32 v3, v1;
	v3 =	vmul.f32 v26, v26  }
0x536: {  	[tilespmem:$0x1FB10] =	vst v49;
	v49 =	vld [tilespmem:s10+$0x900];
	v0 =	vadd.f32 v58, v0;
	v26 =	vmul.f32 v28, v62  }
0x537: {  	v22 =	vadd.f32 v59, v2;
	v2 =	vmul.f32 v11, v11;
	v12 =	vld [tilespmem:s10+$0xFFFFFD80];
	v1 =	vadd.f32 v3, v1  }
0x538: {  	v51 =	vld [tilespmem:s10+$0x500];
	v40 =	vmul.f32 v29, v24;
	v0 =	vadd.f32 v26, v0  }
0x539: {  	v27 =	vmul.f32 v62, v62;
	v11 =	vld [tilespmem:s10+$0xFFFFFE00];
	v1 =	vadd.f32 v2, v1  }
0x53a: {  	v21 =	vmul.f32 v13, v44;
	v34 =	vmul.f32 v28, v28;
	v39 =	vld.idx.msk [tilespmem:v52+s28+$0x0], $0xffff;
	v0 =	vadd.f32 v40, v0  }
0x53b: {  	v10 =	vmul.f32 v25, v62;
	v16 =	vld.idx.msk [tilespmem:v54+s28+$0x0], $0xffff;
	v45 =	vmul.f32 v24, v24;
	v1 =	vadd.f32 v27, v1  }
0x53c: {  	v48 =	vmul.f32 v5, v24;
	v24 =	vld [tilespmem:s10+$0xFFFFFF00];
	v53 =	vmul.f32 v23, v12;
	v0 =	vadd.f32 v21, v0  }
0x53d: {  	v41 =	vmul.f32 v25, v25;
	v3 =	vld [tilespmem:$0x1F840];
	v1 =	vadd.f32 v34, v1  }
0x53e: {  	v6 =	vadd.f32 v10, v22;
	v59 =	vmul.f32 v15, v11;
	v40 =	vld.idx.msk [tilespmem:v47+s28+$0x0], $0xffff;
	v10 =	vadd.f32 v53, v0  }
0x53f: {  	v8 =	vmul.f32 v7, v44;
	v0 =	vld [tilespmem:s10+$0xFFFFFF80];
	v1 =	vadd.f32 v41, v1  }
0x540: {  	v22 =	vmul.f32 v56, v9;
	v4 =	vadd.f32 v48, v6;
	v27 =	vld.idx.msk [tilespmem:v50+s28+$0x0], $0xffff;
	v20 =	vadd.f32 v59, v10  }
0x541: {  	v55 =	vmul.f32 v29, v29;
	v58 =	vmul.f32 v32, v12;
	v34 =	vld [tilespmem:s10+$0x80];
	v1 =	vadd.f32 v45, v1  }
0x542: {  	v4 =	vadd.f32 v8, v4;
	v41 =	vld.idx.msk [tilespmem:v47+s29+$0x0], $0xffff;
	v8 =	vadd.f32 v22, v20;
	v45 =	vmul.f32 v31, v24  }
0x543: {  	v5 =	vmul.f32 v5, v5;
	v29 =	vmul.f32 v14, v11;
	v47 =	vld [tilespmem:$0x1F850];
	v1 =	vadd.f32 v55, v1  }
0x544: {  	v4 =	vadd.f32 v58, v4;
	v58 =	vmul.f32 v16, v0;
	v55 =	vld.idx.msk [tilespmem:v54+s29+$0x0], $0xffff;
	v48 =	vadd.f32 v45, v8  }
0x545: {  	v62 =	vmul.f32 v44, v44;
	v45 =	vld.idx.msk [tilespmem:v3+s28+$0x0], $0xffff;
	v1 =	vadd.f32 v5, v1  }
0x546: {  	v44 =	vmul.f32 v43, v9;
	v4 =	vadd.f32 v29, v4;
	v5 =	vadd.f32 v58, v48;
	v48 =	vld.idx.msk [tilespmem:v3+s29+$0x0], $0xffff  }
0x547: {  	v13 =	vmul.f32 v13, v13;
	v6 =	vadd.f32 v62, v1;
	v1 =	vld.idx.msk [tilespmem:v50+s29+$0x0], $0xffff  }
0x548: {  	v4 =	vadd.f32 v44, v4;
	v3 =	vld [tilespmem:$0x1F870];
	v50 =	vmul.f32 v36, v24  }
0x549: {  	v7 =	vmul.f32 v7, v7;
	v53 =	vld.idx.msk [tilespmem:v52+s29+$0x0], $0xffff;
	v6 =	vadd.f32 v13, v6  }
0x54a: {  	v42 =	vld [tilespmem:s10+$0x700];
	v29 =	vmul.f32 v55, v0;
	v4 =	vadd.f32 v50, v4  }
0x54b: {  	v2 =	vld [tilespmem:s10+$0x180];
	v62 =	vmul.f32 v12, v12;
	v6 =	vadd.f32 v7, v6  }
0x54c: {  	v20 =	vld.idx.msk [tilespmem:v47+s28+$0x0], $0xffff;
	v4 =	vadd.f32 v29, v4;
	v54 =	vmul.f32 v1, v18  }
0x54d: {  	v52 =	vmul.f32 v23, v23;
	v28 =	vmul.f32 v27, v18;
	v6 =	vadd.f32 v62, v6;
	v62 =	vld [tilespmem:$0x1F860]  }
0x54e: {  	v10 =	vld.idx.msk [tilespmem:v47+s29+$0x0], $0xffff;
	v29 =	vmul.f32 v53, v34;
	v7 =	vadd.f32 v54, v4  }
0x54f: {  	v59 =	vmovc v36;
	v36 =	vadd.f32 v28, v5;
	v28 =	vmul.f32 v32, v32;
	v50 =	vld [tilespmem:$0x1F880];
	v6 =	vadd.f32 v52, v6  }
0x550: {  	v47 =	vmul.f32 v41, v38;
	v32 =	vld.idx.msk [tilespmem:v3+s28+$0x0], $0xffff;
	v7 =	vadd.f32 v29, v7  }
0x551: {  	v44 =	vmul.f32 v39, v34;
	v13 =	vadd.f32 v28, v6;
	v28 =	vld [tilespmem:$0x1F890]  }
0x552: {  	v22 =	vadd.f32 v47, v7;
	v7 =	vld.idx.msk [tilespmem:v3+s29+$0x0], $0xffff  }
0x553: {  	v58 =	vmul.f32 v40, v38;
	v8 =	vadd.f32 v44, v36;
	v3 =	vld [tilespmem:$0x1F8A0]  }
0x554: {  	v11 =	vmul.f32 v11, v11;
	v5 =	vld [tilespmem:$0x1F8C0]  }
0x555: {  	v44 =	vmul.f32 v45, v2;
	v8 =	vadd.f32 v58, v8;
	v25 =	vld.idx.msk [tilespmem:v62+s28+$0x0], $0xffff  }
0x556: {  	v11 =	vadd.f32 v11, v13;
	v21 =	vld.idx.msk [tilespmem:v62+s29+$0x0], $0xffff;
	v62 =	vmul.f32 v15, v15  }
0x557: {  	v58 =	vmul.f32 v20, v19;
	v8 =	vadd.f32 v44, v8;
	v4 =	vld [tilespmem:$0x1F8B0]  }
0x558: {  	v26 =	vmul.f32 v48, v2;
	v44 =	vmul.f32 v14, v14;
	v36 =	vld.idx.msk [tilespmem:v50+s28+$0x0], $0xffff;
	v11 =	vadd.f32 v62, v11  }
0x559: {  	v8 =	vadd.f32 v58, v8;
	v58 =	vmul.f32 v10, v19;
	v54 =	vld.idx.msk [tilespmem:v28+s28+$0x0], $0xffff  }
0x55a: {  	v15 =	vadd.f32 v26, v22;
	v62 =	vmul.f32 v9, v9;
	v11 =	vadd.f32 v44, v11;
	v9 =	vld.idx.msk [tilespmem:v28+s29+$0x0], $0xffff  }
0x55b: {  	v29 =	vmul.f32 v25, v57;
	v52 =	vld.idx.msk [tilespmem:v3+s28+$0x0], $0xffff  }
0x55c: {  	v15 =	vadd.f32 v58, v15;
	v58 =	vmul.f32 v56, v56;
	v13 =	vadd.f32 v62, v11;
	v11 =	vld.idx.msk [tilespmem:v3+s29+$0x0], $0xffff  }
0x55d: {  	v47 =	vmul.f32 v32, v33;
	v3 =	vld [tilespmem:$0x1F8D0];
	v12 =	vadd.f32 v29, v8;
	v29 =	vmul.f32 v21, v57  }
0x55e: {  	v26 =	vmul.f32 v36, v61;
	v8 =	vld.idx.msk [tilespmem:v50+s29+$0x0], $0xffff;
	v13 =	vadd.f32 v58, v13  }
0x55f: {  	v50 =	vld.idx.msk [tilespmem:v4+s28+$0x0], $0xffff;
	v12 =	vadd.f32 v47, v12;
	v15 =	vadd.f32 v29, v15;
	v29 =	vmul.f32 v43, v43  }
0x560: {  	[tilespmem:$0x1FA40] =	vst v17;
	v28 =	vmul.f32 v7, v33;
	v62 =	vmov v17;
	v47 =	vld.idx.msk [tilespmem:v5+s28+$0x0], $0xffff  }
0x561: {  	v17 =	vmul.f32 v54, v17;
	v12 =	vadd.f32 v26, v12;
	v14 =	vadd.f32 v29, v13;
	v13 =	vld.idx.msk [tilespmem:v5+s29+$0x0], $0xffff  }
0x562: {  	v5 =	vld [tilespmem:$0x1F8F0]  }
0x563: {  	v15 =	vadd.f32 v28, v15;
	v43 =	vmul.f32 v8, v61;
	v17 =	vadd.f32 v17, v12;
	v12 =	vld.idx.msk [tilespmem:v4+s29+$0x0], $0xffff  }
0x564: {  	v24 =	vmul.f32 v24, v24;
	v23 =	vmul.f32 v52, v60;
	v4 =	vld [tilespmem:$0x1F8E0]  }
0x565: {  	v62 =	vmul.f32 v9, v62;
	v44 =	vld.idx.msk [tilespmem:v3+s28+$0x0], $0xffff;
	v15 =	vadd.f32 v43, v15  }
0x566: {  	v28 =	vmul.f32 v50, v51;
	v17 =	vadd.f32 v23, v17;
	v23 =	vadd.f32 v24, v14;
	v14 =	vld.idx.msk [tilespmem:v3+s29+$0x0], $0xffff  }
0x567: {  	v22 =	vmul.f32 v59, v59;
	v43 =	vmul.f32 v31, v31;
	v3 =	vld [tilespmem:$0x1F900]  }
0x568: {  	v15 =	vadd.f32 v62, v15;
	v62 =	vmul.f32 v11, v60;
	v17 =	vadd.f32 v28, v17;
	v28 =	vld [tilespmem:$0x1FB70]  }
0x569: {  	[tilespmem:$0x1FA60] =	vst v51;
	v23 =	vadd.f32 v43, v23;
	v43 =	vmul.f32 v12, v51;
	v51 =	vmul.f32 v0, v0;
	v0 =	vld [tilespmem:$0x1F920]  }
0x56a: {  	v58 =	vld.idx.msk [tilespmem:v5+s28+$0x0], $0xffff  }
0x56b: {  	v26 =	vadd.f32 v62, v15;
	v23 =	vadd.f32 v22, v23;
	v22 =	vld.idx.msk [tilespmem:v5+s29+$0x0], $0xffff  }
0x56c: {  	v56 =	vld.idx.msk [tilespmem:v4+s28+$0x0], $0xffff  }
0x56d: {  	v24 =	vmul.f32 v13, v30;
	v26 =	vadd.f32 v43, v26;
	v15 =	vld.idx.msk [tilespmem:v4+s29+$0x0], $0xffff  }
0x56e: {  	v4 =	vld [tilespmem:$0x1F910]  }
0x56f: {  	v43 =	vmul.f32 v16, v16;
	v23 =	vadd.f32 v51, v23;
	v26 =	vadd.f32 v24, v26;
	v24 =	vld [tilespmem:$0x1FAC0]  }
0x570: {  	v59 =	vld.idx.msk [tilespmem:v3+s28+$0x0], $0xffff  }
0x571: {  	v31 =	vmul.f32 v47, v30;
	v16 =	vld.idx.msk [tilespmem:v3+s29+$0x0], $0xffff;
	v23 =	vadd.f32 v43, v23;
	v43 =	vmul.f32 v55, v55  }
0x572: {  	v29 =	vmul.f32 v44, v35;
	v5 =	vmov v42;
	v3 =	vld [tilespmem:$0x1F930]  }
0x573: {  	v17 =	vadd.f32 v31, v17;
	v23 =	vadd.f32 v43, v23;
	v43 =	vmul.f32 v22, v5;
	v5 =	vld [tilespmem:$0x1FB10]  }
0x574: {  	[tilespmem:$0x1FAA0] =	vst v42;
	v6 =	vmov v35;
	v55 =	vmul.f32 v18, v18;
	v51 =	vmul.f32 v58, v42;
	v62 =	vld.idx.msk [tilespmem:v0+s28+$0x0], $0xffff  }
0x575: {  	v17 =	vadd.f32 v29, v17;
	v42 =	vmul.f32 v14, v6;
	v31 =	vmul.f32 v56, v37;
	v18 =	vld.idx.msk [tilespmem:v0+s29+$0x0], $0xffff  }
0x576: {  	v27 =	vmul.f32 v27, v27;
	v0 =	vld [tilespmem:$0x1F950];
	v23 =	vadd.f32 v55, v23  }
0x577: {  	[tilespmem:$0x1FA50] =	vst v60;
	v26 =	vadd.f32 v42, v26;
	v17 =	vadd.f32 v31, v17;
	v60 =	vld.idx.msk [tilespmem:v4+s28+$0x0], $0xffff  }
0x578: {  	[tilespmem:$0x1FA80] =	vst v35;
	v35 =	vmul.f32 v15, v37;
	v23 =	vadd.f32 v27, v23;
	v27 =	vmul.f32 v1, v1;
	v1 =	vld [tilespmem:$0x1F970]  }
0x579: {  	v51 =	vadd.f32 v51, v17;
	v17 =	vld.idx.msk [tilespmem:v4+s29+$0x0], $0xffff  }
0x57a: {  	[tilespmem:$0x1FA70] =	vst v30;
	v30 =	vmul.f32 v59, v63;
	v26 =	vadd.f32 v35, v26;
	v4 =	vld [tilespmem:$0x1F940]  }
0x57b: {  	[tilespmem:$0x1FAB0] =	vst v63;
	v31 =	vld.idx.msk [tilespmem:v3+s28+$0x0], $0xffff;
	v23 =	vadd.f32 v27, v23;
	v27 =	vmul.f32 v34, v34  }
0x57c: {  	v26 =	vadd.f32 v43, v26;
	v30 =	vadd.f32 v30, v51;
	v51 =	vmul.f32 v16, v63;
	v63 =	vld.idx.msk [tilespmem:v3+s29+$0x0], $0xffff  }
0x57d: {  	v3 =	vld [tilespmem:$0x1F960];
	v23 =	vadd.f32 v27, v23;
	v42 =	vmul.f32 v60, v24  }
0x57e: {  	v27 =	vmul.f32 v39, v39;
	v55 =	vld.idx.msk [tilespmem:v0+s28+$0x0], $0xffff;
	v26 =	vadd.f32 v51, v26;
	v51 =	vmul.f32 v17, v24  }
0x57f: {  	v42 =	vadd.f32 v42, v30;
	v30 =	vld [tilespmem:$0x1FAF0]  }
0x580: {  	v23 =	vadd.f32 v27, v23;
	v27 =	vmul.f32 v53, v53;
	v26 =	vadd.f32 v51, v26;
	v51 =	vld.idx.msk [tilespmem:v0+s29+$0x0], $0xffff  }
0x581: {  	v0 =	vld [tilespmem:$0x1F980]  }
0x582: {  	v23 =	vadd.f32 v27, v23;
	v27 =	vmul.f32 v38, v38;
	v38 =	vld [tilespmem:$0x1FB90]  }
0x583: {  	v6 =	vld.idx.msk [tilespmem:v4+s28+$0x0], $0xffff  }
0x584: {  	[tilespmem:$0x1FA90] =	vst v37;
	v24 =	vld.idx.msk [tilespmem:v4+s29+$0x0], $0xffff  }
0x585: {  	[tilespmem:$0x1FAD0] =	vst v46;
	v37 =	vmul.f32 v62, v46;
	v46 =	vmul.f32 v18, v46;
	v4 =	vld [tilespmem:$0x1FB30]  }
0x586: {  	[tilespmem:$0x1FAE0] =	vst v49;
	v29 =	vld.idx.msk [tilespmem:v3+s28+$0x0], $0xffff  }
0x587: {  	v43 =	vmul.f32 v31, v49;
	v26 =	vadd.f32 v46, v26;
	v46 =	vmul.f32 v63, v49;
	v49 =	vld.idx.msk [tilespmem:v3+s29+$0x0], $0xffff  }
0x588: {  	v3 =	vld [tilespmem:$0x1F990]  }
0x589: {  	v26 =	vadd.f32 v46, v26;
	v46 =	vld.idx.msk [tilespmem:v1+s29+$0x0], $0xffff  }
0x58a: {  	v37 =	vadd.f32 v37, v42;
	[tilespmem:$0x1FB00] =	vst v6;
	v42 =	vmul.f32 v6, v30;
	v6 =	vld.idx.msk [tilespmem:v1+s28+$0x0], $0xffff  }
0x58b: {  	v35 =	vmul.f32 v24, v30;
	v30 =	vld [tilespmem:$0x1FB50]  }
0x58c: {  	v37 =	vadd.f32 v43, v37;
	v1 =	vld [tilespmem:$0x1F9A0]  }
0x58d: {  	v43 =	vmul.f32 v55, v5;
	v39 =	vld.idx.msk [tilespmem:v0+s28+$0x0], $0xffff  }
0x58e: {  	v37 =	vadd.f32 v42, v37;
	v26 =	vadd.f32 v35, v26;
	v35 =	vmul.f32 v51, v5;
	v5 =	vld [tilespmem:$0x1F9B0]  }
0x58f: {  	[tilespmem:$0x1FB40] =	vst v29;
	v53 =	vmul.f32 v29, v4;
	v29 =	vld [tilespmem:$0x1FB80]  }
0x590: {  	v37 =	vadd.f32 v43, v37;
	v43 =	vld.idx.msk [tilespmem:v0+s29+$0x0], $0xffff  }
0x591: {  	v26 =	vadd.f32 v35, v26;
	v35 =	vmul.f32 v49, v4;
	v4 =	vld [tilespmem:$0x1F9C0]  }
0x592: {  	[tilespmem:$0x1FB20] =	vst v55;
	v42 =	vld.idx.msk [tilespmem:v3+s28+$0x0], $0xffff  }
0x593: {  	v27 =	vadd.f32 v27, v23;
	v55 =	vmul.f32 v6, v30;
	v23 =	vld.idx.msk [tilespmem:v3+s29+$0x0], $0xffff;
	v37 =	vadd.f32 v53, v37  }
0x594: {  	v3 =	vld [tilespmem:$0x1F9D0]  }
0x595: {  	[tilespmem:$0x1FB60] =	vst v6;
	v0 =	vmul.f32 v39, v28;
	v6 =	vld.idx.msk [tilespmem:v1+s28+$0x0], $0xffff;
	v37 =	vadd.f32 v55, v37  }
0x596: {  	v53 =	vmul.f32 v40, v40;
	v40 =	vld.idx.msk [tilespmem:v5+s28+$0x0], $0xffff  }
0x597: {  	v30 =	vmul.f32 v46, v30;
	v26 =	vadd.f32 v35, v26;
	v0 =	vadd.f32 v0, v37;
	v37 =	vld.idx.msk [tilespmem:v1+s29+$0x0], $0xffff  }
0x598: {  	v27 =	vadd.f32 v53, v27;
	v53 =	vmul.f32 v41, v41;
	v35 =	vmul.f32 v43, v28;
	v28 =	vld.idx.msk [tilespmem:v5+s29+$0x0], $0xffff  }
0x599: {  	v26 =	vadd.f32 v30, v26;
	v55 =	vmul.f32 v42, v29;
	v5 =	vld [tilespmem:$0x1F9E0]  }
0x59a: {  	v2 =	vmul.f32 v2, v2;
	v27 =	vadd.f32 v53, v27;
	v41 =	vld.idx.msk [tilespmem:v4+s28+$0x0], $0xffff  }
0x59b: {  	v35 =	vadd.f32 v35, v26;
	v55 =	vadd.f32 v55, v0;
	v0 =	vld [tilespmem:$0x1FBB0]  }
0x59c: {  	v26 =	vmul.f32 v23, v29;
	v2 =	vadd.f32 v2, v27;
	v27 =	vmul.f32 v45, v45;
	v29 =	vld.idx.msk [tilespmem:v4+s29+$0x0], $0xffff  }
0x59d: {  	v4 =	vld [tilespmem:$0x1F9F0];
	v1 =	vmul.f32 v6, v38  }
0x59e: {  	v53 =	vld.idx.msk [tilespmem:v3+s28+$0x0], $0xffff;
	v27 =	vadd.f32 v27, v2;
	v2 =	vmul.f32 v48, v48  }
0x59f: {  	v26 =	vadd.f32 v26, v35;
	v55 =	vadd.f32 v1, v55;
	v1 =	vld [tilespmem:$0x1FBC0];
	v35 =	vmul.f32 v37, v38  }
0x5a0: {  	v27 =	vadd.f32 v2, v27;
	v2 =	vld [tilespmem:$0x1FBD0];
	v30 =	vmul.f32 v40, v0  }
0x5a1: {  	v26 =	vadd.f32 v35, v26;
	v35 =	vmul.f32 v28, v0;
	v0 =	vld [tilespmem:$0x1FA10]  }
0x5a2: {  	v55 =	vadd.f32 v30, v55;
	v30 =	vld.idx.msk [tilespmem:v3+s29+$0x0], $0xffff  }
0x5a3: {  	v3 =	vld [tilespmem:$0x1FA00]  }
0x5a4: {  	v19 =	vmul.f32 v19, v19;
	v45 =	vld.idx.msk [tilespmem:v5+s28+$0x0], $0xffff;
	v34 =	vmul.f32 v41, v1  }
0x5a5: {  	v26 =	vadd.f32 v35, v26;
	v35 =	vld [tilespmem:$0x1FA20];
	v38 =	vmul.f32 v53, v2  }
0x5a6: {  	v55 =	vadd.f32 v34, v55;
	v34 =	vld.idx.msk [tilespmem:v5+s29+$0x0], $0xffff;
	v5 =	vadd.f32 v19, v27;
	v27 =	vmul.f32 v20, v20  }
0x5a7: {  	v48 =	vld.idx.msk [tilespmem:v4+s28+$0x0], $0xffff  }
0x5a8: {  	v55 =	vadd.f32 v38, v55;
	v38 =	vld.idx.msk [tilespmem:v4+s29+$0x0], $0xffff;
	v27 =	vadd.f32 v27, v5;
	v4 =	vmul.f32 v10, v10;
	_ =	sdelay $0x1  }
0x5a9: {  	v19 =	vmul.f32 v29, v1;
	v4 =	vadd.f32 v4, v27;
	v27 =	vld [tilespmem:$0x1FA30]  }
0x5aa: {  	[tilespmem:$0x1FBA0] =	vst v6;
	v20 =	vmul.f32 v45, v0;
	v6 =	vld.idx.msk [tilespmem:v3+s28+$0x0], $0xffff  }
0x5ab: {  	v26 =	vadd.f32 v19, v26  }
0x5ac: {  	v1 =	vmul.f32 v30, v2;
	v10 =	vmul.f32 v48, v35;
	v55 =	vadd.f32 v20, v55  }
0x5ad: {  	v2 =	vmul.f32 v57, v57;
	v5 =	vld.idx.msk [tilespmem:v3+s29+$0x0], $0xffff  }
0x5ae: {  	v26 =	vadd.f32 v1, v26;
	v1 =	vmul.f32 v34, v0;
	v3 =	vadd.f32 v10, v55  }
0x5af: {  	v4 =	vadd.f32 v2, v4;
	v55 =	vmul.f32 v25, v25;
	v57 =	vmul.f32 v6, v27  }
0x5b0: {  	v20 =	vmov v0;
	v26 =	vadd.f32 v1, v26;
	v0 =	vmul.f32 v38, v35  }
0x5b1: {  	v4 =	vadd.f32 v55, v4;
	v3 =	vadd.f32 v57, v3;
	v57 =	vmul.f32 v21, v21  }
0x5b2: {  	s11 =	sadd.s32 $0x10, s11;
	v55 =	vmul.f32 v5, v27  }
0x5b3: {  	v21 =	vadd.f32 v0, v26;
	v0 =	vld [tilespmem:$0x1FA40];
	[tilespmem:s11+$0x0] =	vst v3;
	v3 =	vadd.f32 v57, v4;
	v57 =	vmul.f32 v33, v33;
	_ =	sdelay $0x1  }
0x5b4: {  	v10 =	vadd.f32 v55, v21;
	v21 =	vmul.f32 v32, v32;
	v3 =	vadd.f32 v57, v3;
	_ =	sdelay $0x1  }
0x5b5: {  	v25 =	vmul.f32 v7, v7;
	v3 =	vadd.f32 v21, v3  }
0x5b6: {  	v32 =	vmul.f32 v36, v36;
	v36 =	vmul.f32 v0, v0;
	v0 =	vld [tilespmem:$0x1FA50]  }
0x5b7: {  	v26 =	vmul.f32 v61, v61;
	v3 =	vadd.f32 v25, v3;
	_ =	sdelay $0x1  }
0x5b8: {  	v3 =	vadd.f32 v26, v3;
	_ =	sdelay $0x1  }
0x5b9: {  	v33 =	vmul.f32 v8, v8;
	v61 =	vmul.f32 v0, v0;
	v0 =	vld [tilespmem:$0x1FA60];
	v3 =	vadd.f32 v32, v3;
	_ =	sdelay $0x1  }
0x5ba: {  	v3 =	vadd.f32 v33, v3;
	_ =	sdelay $0x1  }
0x5bb: {  	s2 =	sadd.s32 $0x10, s2;
	v55 =	vmul.f32 v54, v54;
	v3 =	vadd.f32 v36, v3  }
0x5bc: {  	[tilespmem:s2+$0x0] =	vst v10;
	v10 =	vmul.f32 v0, v0;
	v0 =	vld [tilespmem:$0x1FA70]  }
0x5bd: {  	v57 =	vmul.f32 v9, v9;
	v3 =	vadd.f32 v55, v3;
	_ =	sdelay $0x1  }
0x5be: {  	v3 =	vadd.f32 v57, v3;
	_ =	sdelay $0x1  }
0x5bf: {  	v8 =	vmul.f32 v52, v52;
	v21 =	vmul.f32 v0, v0;
	v0 =	vld [tilespmem:$0x1FA80];
	v3 =	vadd.f32 v61, v3;
	_ =	sdelay $0x1  }
0x5c0: {  	v9 =	vmul.f32 v11, v11;
	v3 =	vadd.f32 v8, v3;
	_ =	sdelay $0x1  }
0x5c1: {  	v3 =	vadd.f32 v9, v3  }
0x5c2: {  	v32 =	vmul.f32 v0, v0;
	v0 =	vld [tilespmem:$0x1FA90]  }
0x5c3: {  	v11 =	vmul.f32 v50, v50;
	v3 =	vadd.f32 v10, v3;
	_ =	sdelay $0x1  }
0x5c4: {  	v12 =	vmul.f32 v12, v12;
	v3 =	vadd.f32 v11, v3;
	_ =	sdelay $0x1  }
0x5c5: {  	v33 =	vmul.f32 v44, v44;
	v44 =	vmul.f32 v0, v0;
	v0 =	vld [tilespmem:$0x1FAA0];
	v3 =	vadd.f32 v12, v3;
	_ =	sdelay $0x1  }
0x5c6: {  	v25 =	vmul.f32 v47, v47;
	v3 =	vadd.f32 v21, v3;
	_ =	sdelay $0x1  }
0x5c7: {  	v26 =	vmul.f32 v13, v13;
	v3 =	vadd.f32 v25, v3  }
0x5c8: {  	v52 =	vmul.f32 v0, v0;
	v0 =	vld [tilespmem:$0x1FAB0]  }
0x5c9: {  	v3 =	vadd.f32 v26, v3;
	_ =	sdelay $0x1  }
0x5ca: {  	v3 =	vadd.f32 v32, v3  }
0x5cb: {  	v47 =	vmul.f32 v56, v56  }
0x5cc: {  	v36 =	vmul.f32 v14, v14;
	v56 =	vmul.f32 v0, v0;
	v0 =	vld [tilespmem:$0x1FAC0];
	v3 =	vadd.f32 v33, v3;
	_ =	sdelay $0x1  }
0x5cd: {  	v3 =	vadd.f32 v36, v3;
	_ =	sdelay $0x1  }
0x5ce: {  	v3 =	vadd.f32 v44, v3  }
0x5cf: {  	v57 =	vmul.f32 v59, v59;
	v59 =	vmul.f32 v0, v0;
	v0 =	vld [tilespmem:$0x1FAD0]  }
0x5d0: {  	v50 =	vmul.f32 v15, v15;
	v3 =	vadd.f32 v47, v3;
	_ =	sdelay $0x1  }
0x5d1: {  	v3 =	vadd.f32 v50, v3;
	_ =	sdelay $0x1  }
0x5d2: {  	v54 =	vmul.f32 v58, v58;
	v9 =	vmul.f32 v0, v0;
	v0 =	vld [tilespmem:$0x1FAE0];
	v3 =	vadd.f32 v52, v3;
	_ =	sdelay $0x1  }
0x5d3: {  	v55 =	vmul.f32 v22, v22;
	v3 =	vadd.f32 v54, v3;
	_ =	sdelay $0x1  }
0x5d4: {  	v3 =	vadd.f32 v55, v3  }
0x5d5: {  	v12 =	vmul.f32 v0, v0;
	v0 =	vld [tilespmem:$0x1FAF0]  }
0x5d6: {  	v3 =	vadd.f32 v56, v3;
	_ =	sdelay $0x1  }
0x5d7: {  	v58 =	vmul.f32 v16, v16;
	v3 =	vadd.f32 v57, v3;
	_ =	sdelay $0x1  }
0x5d8: {  	v15 =	vmul.f32 v0, v0;
	v0 =	vld [tilespmem:$0x1FB00];
	v3 =	vadd.f32 v58, v3;
	_ =	sdelay $0x1  }
0x5d9: {  	v61 =	vmul.f32 v60, v60;
	v3 =	vadd.f32 v59, v3;
	_ =	sdelay $0x1  }
0x5da: {  	v8 =	vmul.f32 v17, v17;
	v3 =	vadd.f32 v61, v3  }
0x5db: {  	v16 =	vmul.f32 v0, v0;
	v0 =	vld [tilespmem:$0x1FB10]  }
0x5dc: {  	v3 =	vadd.f32 v8, v3;
	_ =	sdelay $0x1  }
0x5dd: {  	v10 =	vmul.f32 v62, v62;
	v3 =	vadd.f32 v9, v3;
	_ =	sdelay $0x1  }
0x5de: {  	v11 =	vmul.f32 v18, v18;
	v18 =	vmul.f32 v0, v0;
	v0 =	vld [tilespmem:$0x1FB20];
	v3 =	vadd.f32 v10, v3;
	_ =	sdelay $0x1  }
0x5df: {  	v3 =	vadd.f32 v11, v3;
	_ =	sdelay $0x1  }
0x5e0: {  	v13 =	vmul.f32 v31, v31;
	v3 =	vadd.f32 v12, v3  }
0x5e1: {  	v21 =	vmul.f32 v0, v0;
	v0 =	vld [tilespmem:$0x1FB30]  }
0x5e2: {  	v14 =	vmul.f32 v63, v63;
	v3 =	vadd.f32 v13, v3;
	_ =	sdelay $0x1  }
0x5e3: {  	v3 =	vadd.f32 v14, v3;
	_ =	sdelay $0x1  }
0x5e4: {  	v17 =	vmul.f32 v24, v24;
	v24 =	vmul.f32 v0, v0;
	v0 =	vld [tilespmem:$0x1FB40];
	v3 =	vadd.f32 v15, v3;
	_ =	sdelay $0x1  }
0x5e5: {  	v3 =	vadd.f32 v16, v3;
	_ =	sdelay $0x1  }
0x5e6: {  	v3 =	vadd.f32 v17, v3  }
0x5e7: {  	v25 =	vmul.f32 v0, v0;
	v0 =	vld [tilespmem:$0x1FB50]  }
0x5e8: {  	v3 =	vadd.f32 v18, v3;
	_ =	sdelay $0x1  }
0x5e9: {  	v22 =	vmul.f32 v51, v51;
	v3 =	vadd.f32 v21, v3;
	_ =	sdelay $0x1  }
0x5ea: {  	v31 =	vmul.f32 v0, v0;
	v0 =	vld [tilespmem:$0x1FB60];
	v3 =	vadd.f32 v22, v3;
	_ =	sdelay $0x1  }
0x5eb: {  	v3 =	vadd.f32 v24, v3;
	_ =	sdelay $0x1  }
0x5ec: {  	v26 =	vmul.f32 v49, v49;
	v3 =	vadd.f32 v25, v3  }
0x5ed: {  	v32 =	vmul.f32 v0, v0;
	v0 =	vld [tilespmem:$0x1FB70]  }
0x5ee: {  	v3 =	vadd.f32 v26, v3;
	_ =	sdelay $0x1  }
0x5ef: {  	v3 =	vadd.f32 v31, v3;
	_ =	sdelay $0x1  }
0x5f0: {  	v33 =	vmul.f32 v46, v46;
	v36 =	vmul.f32 v0, v0;
	v0 =	vld [tilespmem:$0x1FB80];
	v3 =	vadd.f32 v32, v3;
	_ =	sdelay $0x1  }
0x5f1: {  	v3 =	vadd.f32 v33, v3;
	_ =	sdelay $0x1  }
0x5f2: {  	v39 =	vmul.f32 v39, v39;
	v3 =	vadd.f32 v36, v3  }
0x5f3: {  	v44 =	vmul.f32 v0, v0;
	v0 =	vld [tilespmem:$0x1FB90]  }
0x5f4: {  	v43 =	vmul.f32 v43, v43;
	v3 =	vadd.f32 v39, v3;
	_ =	sdelay $0x1  }
0x5f5: {  	v3 =	vadd.f32 v43, v3;
	_ =	sdelay $0x1  }
0x5f6: {  	v46 =	vmul.f32 v42, v42;
	v49 =	vmul.f32 v0, v0;
	v0 =	vld [tilespmem:$0x1FBA0];
	v3 =	vadd.f32 v44, v3;
	_ =	sdelay $0x1  }
0x5f7: {  	v47 =	vmul.f32 v23, v23;
	v3 =	vadd.f32 v46, v3;
	_ =	sdelay $0x1  }
0x5f8: {  	v3 =	vadd.f32 v47, v3  }
0x5f9: {  	v50 =	vmul.f32 v0, v0;
	v0 =	vld [tilespmem:$0x1FBB0]  }
0x5fa: {  	v3 =	vadd.f32 v49, v3;
	_ =	sdelay $0x1  }
0x5fb: {  	v51 =	vmul.f32 v37, v37;
	v3 =	vadd.f32 v50, v3;
	_ =	sdelay $0x1  }
0x5fc: {  	v52 =	vmul.f32 v0, v0;
	v3 =	vadd.f32 v51, v3  }
0x5fd: {  	v0 =	vld [tilespmem:$0x1FBC0]  }
0x5fe: {  	v54 =	vmul.f32 v40, v40;
	v3 =	vadd.f32 v52, v3;
	_ =	sdelay $0x1  }
0x5ff: {  	v55 =	vmul.f32 v28, v28;
	v3 =	vadd.f32 v54, v3;
	_ =	sdelay $0x1  }
0x600: {  	v56 =	vmul.f32 v0, v0;
	v3 =	vadd.f32 v55, v3  }
0x601: {  	v0 =	vld [tilespmem:$0x1FBD0]  }
0x602: {  	v57 =	vmul.f32 v41, v41;
	v3 =	vadd.f32 v56, v3;
	_ =	sdelay $0x1  }
0x603: {  	v58 =	vmul.f32 v29, v29;
	v3 =	vadd.f32 v57, v3;
	_ =	sdelay $0x1  }
0x604: {  	v59 =	vmul.f32 v0, v0;
	v3 =	vadd.f32 v58, v3;
	_ =	sdelay $0x1  }
0x605: {  	v60 =	vmul.f32 v53, v53;
	v3 =	vadd.f32 v59, v3;
	_ =	sdelay $0x1  }
0x606: {  	v61 =	vmul.f32 v30, v30;
	v3 =	vadd.f32 v60, v3;
	_ =	sdelay $0x1  }
0x607: {  	v62 =	vmul.f32 v20, v20;
	v3 =	vadd.f32 v61, v3;
	_ =	sdelay $0x1  }
0x608: {  	v63 =	vmul.f32 v45, v45;
	v3 =	vadd.f32 v62, v3;
	_ =	sdelay $0x1  }
0x609: {  	v1 =	vmul.f32 v34, v34;
	v3 =	vadd.f32 v63, v3;
	_ =	sdelay $0x1  }
0x60a: {  	v1 =	vadd.f32 v1, v3;
	v3 =	vmul.f32 v35, v35;
	_ =	sdelay $0x1  }
0x60b: {  	v1 =	vadd.f32 v3, v1;
	v3 =	vmul.f32 v48, v48;
	_ =	sdelay $0x1  }
0x60c: {  	v0 =	vmul.f32 v38, v38;
	v1 =	vadd.f32 v3, v1  }
0x60d: {  	p0 =	sne.s32 s26, $0x70  }
.Ltmp2:
0x60e: {  	v0 =	vadd.f32 v0, v1;
	v1 =	vmul.f32 v27, v27;
	(pc) =	sbr.rel @p0 .LBB2_7-.Ltmp2, $3  }
0x60f: {  	v19 =	vmov v6  }
0x610: {  	v0 =	vadd.f32 v1, v0;
	v1 =	vmul.f32 v19, v19;
	_ =	sdelay $0x1  }
0x611: {  	s26 =	sadd.s32 $0x10, s26;
	s10 =	sadd.s32 $0x10, s10;
	v0 =	vadd.f32 v1, v0;
	v1 =	vmul.f32 v5, v5  }
0x612: {  	s0 =	rddreg [dreg:$0x14]  }
0x613: {  	s0 =	sadd.s32 $0x1, s0  }
0x614: {  	p0 =	sne.s32 s0, $0x4  }
.Ltmp3:
0x615: {  	_ = 	snop;
	(pc) =	sbr.rel @p0 .LBB2_4-.Ltmp3, $4  }
0x616: {  	v9 =	vld [tilespmem:$0x1FFF0]  }
0x617: {  	v10 =	vld [tilespmem:$0x1FFC0]  }
0x618: {  	s18 =	rddreg [dreg:$0xf];
	s5 =	sadd.s32 $0x80, s5;
	s1 =	sadd.s32 $0x80, s1;
	v11 =	vld [tilespmem:$0x1FFD0]  }
0x619: {  	s3 =	sadd.s32 $0x80, s3;
	s4 =	sadd.s32 $0x80, s4;
	v12 =	vld [tilespmem:$0x1FFE0];
	s18 =	sadd.s32 $0x80, s18;
	v2 =	vadd.f32 v1, v0  }
0x61a: {  	s0 =	simm.s32 $0x2  }
0x61b: {  	_ =	swait.ge [sflag:s0], $0x2000  }
0x61c: {  	[sflag:s0] =	ssyncset.done $0x0  }
0x61d: {  	[sflag:s0] =	ssyncadd.s32 $0xFFFFE000  }
0x61e: {  	_ =	swait.ge [sflag:s14], $0x2000  }
0x61f: {  	[sflag:s14] =	ssyncset.done $0x0  }
0x620: {  	s4 =	simm.s32 $0x4;
	[sflag:s14] =	ssyncadd.s32 $0xFFFFE000  }
0x621: {  	_ =	swait.ge [sflag:s4], $0x2000  }
0x622: {  	[sflag:s4] =	ssyncset.done $0x0  }
0x623: {  	s5 =	simm.s32 $0x5;
	[sflag:s4] =	ssyncadd.s32 $0xFFFFE000  }
0x624: {  	_ =	swait.ge [sflag:s5], $0x2000  }
0x625: {  	[sflag:s5] =	ssyncset.done $0x0  }
0x626: {  	[sflag:s5] =	ssyncadd.s32 $0xFFFFE000  }
0x627: {  	_ =	swait.ge [sflag:s12], $0x2000  }
0x628: {  	[sflag:s12] =	ssyncset.done $0x0  }
0x629: {  	s6 =	simm.s32 $0x7;
	[sflag:s12] =	ssyncadd.s32 $0xFFFFE000  }
0x62a: {  	_ =	swait.ge [sflag:s6], $0x2000  }
0x62b: {  	[sflag:s6] =	ssyncset.done $0x0  }
0x62c: {  	s7 =	simm.s32 $0x8;
	[sflag:s6] =	ssyncadd.s32 $0xFFFFE000  }
0x62d: {  	_ =	swait.ge [sflag:s7], $0x2000  }
0x62e: {  	[sflag:s7] =	ssyncset.done $0x0  }
0x62f: {  	s8 =	simm.s32 $0x9;
	[sflag:s7] =	ssyncadd.s32 $0xFFFFE000  }
0x630: {  	_ =	swait.ge [sflag:s8], $0x2000  }
0x631: {  	[sflag:s8] =	ssyncset.done $0x0  }
0x632: {  	s10 =	simm.s32 $0x0;
	[sflag:s8] =	ssyncadd.s32 $0xFFFFE000  }
0x633: {  	s1 =	simm.s32 $0x1C600;
	s2 =	simm.s32 $0xA;
	s9 =	rddreg [dreg:$0xa];
	[tilespmem:$0x1CA00] =	vst v2  }
0x634: {  	[hbm4b:s9+s10] =	stream.linear.scatter [tilespmem:s1], [sflag:$0xA], $0x200, $0x38;
	[tilespmem:$0x1CA80] =	vst v63  }
0x635: {  	_ =	swait.ge [sflag:s2], $0x200  }
0x636: {  	[sflag:s2] =	ssyncset.done $0x0  }
0x637: {  	s13 =	simm.s32 $0x1C800;
	s11 =	rddreg [dreg:$0xb];
	[sflag:s2] =	ssyncadd.s32 $0xFFFFFE00  }
0x638: {  	[hbm4b:s11+s10] =	stream.linear.scatter [tilespmem:s13], [sflag:$0xA], $0x200, $0x38;
	[tilespmem:$0x1CA80] =	vst v63  }
0x639: {  	_ =	swait.ge [sflag:s2], $0x200  }
0x63a: {  	[sflag:s2] =	ssyncset.done $0x0  }
0x63b: {  	s20 =	simm.s32 $0x1CA00;
	s18 =	rddreg [dreg:$0xc];
	[sflag:s2] =	ssyncadd.s32 $0xFFFFFE00  }
0x63c: {  	[hbm4b:s18+s10] =	stream.linear.scatter [tilespmem:s20], [sflag:$0xA], $0x80, $0x38;
	[tilespmem:$0x1CA80] =	vst v63  }
0x63d: {  	_ =	swait.ge [sflag:s2], $0x80  }
0x63e: {  	s3 =	rddreg [dreg:$0xe]  }
0x63f: {  	s26 =	rddreg [dreg:$0xd];
	s3 =	sadd.s32 $0x1, s3  }
0x640: {  	p0 =	sne.s32 s3, s26  }
.Ltmp4:
0x641: {  	_ = 	snop;
	(pc) =	sbr.rel @p0 .LBB2_1-.Ltmp4, $4  }
0x642: {  	s6 =	simm.s32 $0x2600  }
0x643: {  	s7 =	simm.s32 $0x4600;
	s8 =	simm.s32 $0x6600;
	s9 =	simm.s32 $0x8600  }
0x644: {  	s1 =	simm.s32 $0x10600;
	s11 =	simm.s32 $0xA600;
	[sflag:s2] =	ssyncset.done $0x0  }
0x645: {  	s13 =	simm.s32 $0xC600;
	s18 =	simm.s32 $0xE600;
	[sflag:s2] =	ssyncadd.s32 $0xFFFFFF80  }
0x646: {  	_ =	sfence.sel $0x180000  }
0x647: {  	[bflag:$0x0] =	sbarrier.arrive $0xFFFF  }
0x648: {  	_ =	strace $0x90000047  }
0x649: {  	s0 =	stileid.u32;
	[bflag:$0x2] =	sbarrier.arrive $0xFFFF  }
0x64a: {  	p0 =	sne.s32 s0, $0x0;
	s0 =	rddreg [dreg:$0x4]  }
0x64b: {  	s0 =	sadd.s32 @!p0 $0x100000, s0  }
0x64c: {  	[sflag:s0] =	ssyncadd.tile.s32 @!p0 $0x1;
	_ =	shalt  }
.Lfunc_end2:
_tile_overlayer_lowered:
.L_overlay_start_2:
0x64d: {  	(tag) =	ssettag $0x2  }
0x64e: {  	s0 =	rddreg [dreg:$0x0];
	s2 =	stileid.u32  }
0x64f: {  	s1 =	rddreg [dreg:$0x1];
	p0 =	sne.s32 s2, $0x0  }
0x650: {  	s3 =	rddreg [dreg:$0x2];
	[bflag:$0x3] =	sbarrier.arrive $0xFFFF;
	s2 =	simm.s32 @!p0 $0x1C0A  }
0x651: {  	[timem:s3], [sflag:s2] =	dma.local @!p0 [hbm:s0], s1  }
0x652: {  	s0 =	simm.s32 @!p0 $0xA  }
0x653: {  	_ =	swait.ge @!p0 [sflag:s0], s1  }
0x654: {  	s1 =	ssub.s32 @!p0 $0x0, s1;
	[sflag:s0] =	ssyncset.done @!p0 $0x0  }
0x655: {  	[sflag:s0] =	ssyncadd.s32 @!p0 s1  }
0x656: {  	[bflag:$0x3] =	sbarrier.arrive $0xFFFF  }
0x657: {  	_ =	shalt  }

</sc_bundles>
